<compile_context>
chip_gen: v7x
topology: tpu7x:2x2x1
jax: 0.10.2.dev20260603
libtpu: 0.0.44.dev20260713+nightly
codegen_flags: <defaults>
</compile_context>

<pallas_src>
import jax
import jax.numpy as jnp
from jax import lax
from jax.experimental import pallas as pl
from jax.experimental.pallas import tpu as pltpu
from jax.experimental.pallas import tpu_sc as plsc

N = 10000
E = 320000
NREL = 3
D = 128
NG = 64
EPS = 1e-5

NC = 2
NS = 16
LANES = 16
HALF = N // NC
DUMMY = NREL * HALF
SPAD = 15104
RPT = SPAD // NS
CHUNK = 32
ET = 353280
PADE = ET - E - NREL * N
ETR = ET // 128
EPT = ET // NS
EPW = ET // (NC * NS)

_SC_PARAMS = dict(
    compiler_params=pltpu.CompilerParams(needs_layout_passes=False),
)


def _sc_mesh():
    return plsc.VectorSubcoreMesh(core_axis_name="c", subcore_axis_name="s")



def _deg_body(dst_hbm, et_hbm, es_hbm, part_hbm, dstb, etb, esb, accb):
    c = lax.axis_index("c")
    s = lax.axis_index("s")
    wid = c * NS + s
    base = wid * EPW
    pltpu.sync_copy(dst_hbm.at[pl.ds(base, EPW)], dstb)
    pltpu.sync_copy(et_hbm.at[pl.ds(base, EPW)], etb)
    pltpu.sync_copy(es_hbm.at[pl.ds(base, EPW)], esb)
    zv = jnp.zeros((LANES,), jnp.float32)

    def _zero(i, carry):
        accb[pl.ds(i * LANES, LANES)] = zv
        return carry

    lax.fori_loop(0, NREL * N // LANES, _zero, 0)

    def _edge(i, carry):
        t = etb[pl.ds(i * LANES, LANES)]
        d = dstb[pl.ds(i * LANES, LANES)]
        w = esb[pl.ds(i * LANES, LANES)]
        plsc.addupdate_scatter(accb, [t * N + d], w)
        return carry

    lax.fori_loop(0, EPW // LANES, _edge, 0)
    pltpu.sync_copy(accb, part_hbm.at[wid])


def _deg_call(dst_x, et_x, es_x):
    return pl.kernel(
        _deg_body,
        out_type=jax.ShapeDtypeStruct((NC * NS, NREL * N), jnp.float32),
        mesh=_sc_mesh(),
        scratch_types=[
            pltpu.VMEM((EPW,), jnp.int32),
            pltpu.VMEM((EPW,), jnp.int32),
            pltpu.VMEM((EPW,), jnp.float32),
            pltpu.VMEM((NREL * N,), jnp.float32),
        ],
        **_SC_PARAMS,
    )(dst_x, et_x, es_x)


PBLK = 5520


def _prep_body(dinv_hbm, gs_hbm, gd_hbm, es_hbm, row_hbm, pidx_hbm, w_hbm,
               cnt_hbm, dinvb, gsb, gdb, esb, rwb, pout, wout, cntb):
    c = lax.axis_index("c")
    s = lax.axis_index("s")
    wbase = s * EPT
    pltpu.sync_copy(dinv_hbm, dinvb)

    def _block(bi, o):
        bbase = wbase + bi * PBLK
        pltpu.sync_copy(gs_hbm.at[pl.ds(bbase, PBLK)], gsb)
        pltpu.sync_copy(gd_hbm.at[pl.ds(bbase, PBLK)], gdb)
        pltpu.sync_copy(es_hbm.at[pl.ds(bbase, PBLK)], esb)
        pltpu.sync_copy(row_hbm.at[pl.ds(c * ET + bbase, PBLK)], rwb)

        def _vec(i, o2):
            q = i * LANES
            gsv = gsb[pl.ds(q, LANES)]
            gdv = gdb[pl.ds(q, LANES)]
            esv = esb[pl.ds(q, LANES)]
            rwv = rwb[pl.ds(q, LANES)]
            w = (esv * plsc.load_gather(dinvb, [gsv])
                 * plsc.load_gather(dinvb, [gdv]))
            packed = jnp.bitwise_or(jnp.left_shift(gsv, 14), rwv)
            mask = rwv != DUMMY
            plsc.store_compressed(pout.at[pl.ds(o2, LANES)], packed, mask=mask)
            plsc.store_compressed(wout.at[pl.ds(o2, LANES)], w, mask=mask)
            cntv = plsc.all_reduce_population_count(mask)
            return o2 + cntv[0]

        return lax.fori_loop(0, PBLK // LANES, _vec, o)

    n = lax.fori_loop(0, EPT // PBLK, _block, jnp.int32(0))

    padv = jnp.full((LANES,), DUMMY, jnp.int32)
    zv = jnp.zeros((LANES,), jnp.float32)
    npad = (CHUNK - 1) - ((n + CHUNK - 1) % CHUNK)

    def _pad(i, carry):
        @pl.when(i * LANES < npad)
        def _():
            pout[pl.ds(n + i * LANES, LANES)] = padv
            wout[pl.ds(n + i * LANES, LANES)] = zv
        return carry

    lax.fori_loop(0, CHUNK // LANES, _pad, 0)

    cntb[pl.ds(0, LANES)] = jnp.full((LANES,), n, jnp.int32)
    base = (c * NS + s)
    pltpu.sync_copy(pout.at[pl.ds(0, EPT)], pidx_hbm.at[pl.ds(c * ET + wbase, EPT)])
    pltpu.sync_copy(wout.at[pl.ds(0, EPT)], w_hbm.at[pl.ds(c * ET + wbase, EPT)])
    pltpu.sync_copy(cntb, cnt_hbm.at[pl.ds(base * LANES, LANES)])


def _prep_call(dinv_flat, gs_x, gd_x, es_x, row_flat):
    return pl.kernel(
        _prep_body,
        out_type=[jax.ShapeDtypeStruct((NC * ET,), jnp.int32),
                  jax.ShapeDtypeStruct((NC * ET,), jnp.float32),
                  jax.ShapeDtypeStruct((NC * NS * LANES,), jnp.int32)],
        mesh=_sc_mesh(),
        scratch_types=[
            pltpu.VMEM((NREL * N,), jnp.float32),
            pltpu.VMEM((PBLK,), jnp.int32),
            pltpu.VMEM((PBLK,), jnp.int32),
            pltpu.VMEM((PBLK,), jnp.float32),
            pltpu.VMEM((PBLK,), jnp.int32),
            pltpu.VMEM((EPT + CHUNK,), jnp.int32),
            pltpu.VMEM((EPT + CHUNK,), jnp.float32),
            pltpu.VMEM((LANES,), jnp.int32),
        ],
        **_SC_PARAMS,
    )(dinv_flat, gs_x, gd_x, es_x, row_flat)


def _msg_body(tab_hbm, pidx_hbm, w_hbm, cnt_hbm, s_hbm,
              pb, gb2, rb2, sb2, cb16, rows, acc, sem, ssem, csem):
    c = lax.axis_index("c")
    s = lax.axis_index("s")
    zv = jnp.zeros((LANES,), jnp.float32)

    def _zrow(j, carry):
        for q in range(D // LANES):
            rows[0, j, pl.ds(q * LANES, LANES)] = zv
        return carry

    lax.fori_loop(0, CHUNK, _zrow, 0)

    def _zstripe(i, carry):
        pltpu.sync_copy(rows.at[0], acc.at[pl.ds(s * RPT + i * CHUNK, CHUNK)])
        return carry

    lax.fori_loop(0, RPT // CHUNK, _zstripe, 0)
    if RPT % CHUNK:
        pltpu.sync_copy(
            rows.at[0, pl.ds(0, RPT % CHUNK)],
            acc.at[pl.ds(s * RPT + (RPT // CHUNK) * CHUNK, RPT % CHUNK)])
    plsc.subcore_barrier()

    pltpu.sync_copy(cnt_hbm.at[pl.ds((c * NS + s) * LANES, LANES)], cb16)
    n = cb16[pl.ds(0, LANES)][0]
    nch = (n + (CHUNK - 1)) // CHUNK
    base = c * ET + s * EPT

    def _ctrl_start(ci, b):
        off = base + ci * CHUNK
        pltpu.async_copy(pidx_hbm.at[pl.ds(off, CHUNK)], pb, csem)
        pltpu.async_copy(w_hbm.at[pl.ds(off, CHUNK)], sb2.at[b], csem)

    def _ctrl_wait(ci, b):
        off = base + ci * CHUNK
        pltpu.make_async_copy(pidx_hbm.at[pl.ds(off, CHUNK)], pb, csem).wait()
        pltpu.make_async_copy(w_hbm.at[pl.ds(off, CHUNK)], sb2.at[b],
                              csem).wait()

    def _unpack_gather(ci, b):
        def _unpack(j, carry):
            q = j * LANES
            pv = pb[pl.ds(q, LANES)]
            gb2[b, pl.ds(q, LANES)] = jnp.right_shift(pv, 14)
            rb2[b, pl.ds(q, LANES)] = jnp.bitwise_and(pv, 16383)
            return carry

        lax.fori_loop(0, CHUNK // LANES, _unpack, 0)
        pltpu.async_copy(tab_hbm.at[gb2.at[b]], rows.at[b], sem.at[b])

    @pl.when(nch > 0)
    def _():
        _ctrl_start(jnp.int32(0), jnp.int32(0))
        _ctrl_wait(jnp.int32(0), jnp.int32(0))
        _unpack_gather(jnp.int32(0), jnp.int32(0))

    def _chunk(ci, carry):
        b = lax.rem(ci, 2)

        @pl.when(ci + 1 < nch)
        def _():
            _ctrl_start(ci + 1, 1 - b)

        pltpu.make_async_copy(tab_hbm.at[gb2.at[b]], rows.at[b],
                              sem.at[b]).wait()

        def _scale(j, carry2):
            w = plsc.load_gather(
                sb2, [jnp.full((LANES,), b, jnp.int32),
                      jnp.full((LANES,), j, jnp.int32)])
            for q in range(D // LANES):
                rows[b, j, pl.ds(q * LANES, LANES)] = (
                    rows[b, j, pl.ds(q * LANES, LANES)] * w)
            return carry2

        lax.fori_loop(0, CHUNK, _scale, 0)
        pltpu.async_copy(rows.at[b], acc.at[rb2.at[b]], ssem.at[b], add=True)

        @pl.when(ci + 1 < nch)
        def _():
            _ctrl_wait(ci + 1, 1 - b)
            @pl.when(ci >= 1)
            def _():
                pltpu.make_async_copy(rows.at[1 - b], acc.at[rb2.at[1 - b]],
                                      ssem.at[1 - b]).wait()
            _unpack_gather(ci + 1, 1 - b)
        return carry

    lax.fori_loop(0, nch, _chunk, 0)

    def _drain(k, carry):
        @pl.when(nch > k)
        def _():
            b = lax.rem(nch - 1 - k, 2)
            pltpu.make_async_copy(rows.at[b], acc.at[rb2.at[b]],
                                  ssem.at[b]).wait()
        return carry

    lax.fori_loop(0, 2, _drain, 0)
    plsc.subcore_barrier()
    pltpu.sync_copy(acc.at[pl.ds(s * RPT, RPT)], s_hbm.at[c, pl.ds(s * RPT, RPT)])


def _msg_call(tab_flat, pidx, w_c, cnt):
    return pl.kernel(
        _msg_body,
        out_type=jax.ShapeDtypeStruct((NC, SPAD, D), jnp.float32),
        mesh=_sc_mesh(),
        scratch_types=[
            pltpu.VMEM((CHUNK,), jnp.int32),
            pltpu.VMEM((2, CHUNK), jnp.int32),
            pltpu.VMEM((2, CHUNK), jnp.int32),
            pltpu.VMEM((2, CHUNK), jnp.float32),
            pltpu.VMEM((LANES,), jnp.int32),
            pltpu.VMEM((2, CHUNK, D), jnp.float32),
            pltpu.VMEM_SHARED((SPAD, D), jnp.float32),
            pltpu.SemaphoreType.DMA((2,)),
            pltpu.SemaphoreType.DMA((2,)),
            pltpu.SemaphoreType.DMA,
        ],
        **_SC_PARAMS,
    )(tab_flat, pidx, w_c, cnt)



def _tc1_body(x_ref, pw_ref, pb_ref, bg_ref, bb_ref, parts_ref,
              src_ref, dst_ref, et_ref, cw_ref,
              h_ref, dinv_ref, gs_ref, gd_ref, row_ref, tab_ref):
    z = jnp.dot(x_ref[...], pw_ref[...],
                preferred_element_type=jnp.float32) + pb_ref[0][None, :]
    mu = jnp.mean(z, axis=0, keepdims=True)
    zc = z - mu
    var = jnp.mean(zc * zc, axis=0, keepdims=True)
    h = bg_ref[0][None, :] * zc / jnp.sqrt(var + EPS) + bb_ref[0][None, :]
    h = jnp.maximum(h, 0.0)
    h_ref[...] = h
    for r in range(NREL):
        tab_ref[r] = jnp.dot(h, cw_ref[r], preferred_element_type=jnp.float32)
    deg = jnp.sum(parts_ref[...], axis=0, keepdims=True)
    dinv_ref[...] = lax.rsqrt(deg)
    sv = src_ref[...]
    dv = dst_ref[...]
    tn = et_ref[...] * N
    gs_ref[...] = tn + sv
    gd_ref[...] = tn + dv
    th = et_ref[...] * HALF
    row_ref[0] = jnp.where(dv < HALF, th + dv, DUMMY)
    row_ref[1] = jnp.where(dv >= HALF, th + (dv - HALF), DUMMY)


def _comb_body(h_ref, s3_ref, skw_ref, skb_ref, cb_ref, o_ref):
    out = jnp.dot(h_ref[...], skw_ref[...],
                  preferred_element_type=jnp.float32) + skb_ref[0][None, :]
    for r in range(NREL):
        out = out + s3_ref[r] + cb_ref[r][None, :]
    o_ref[...] = out


def _bn_relu_body(z_ref, bg_ref, bb_ref, o_ref):
    z = z_ref[...]
    mu = jnp.mean(z, axis=0, keepdims=True)
    zc = z - mu
    var = jnp.mean(zc * zc, axis=0, keepdims=True)
    o = bg_ref[0][None, :] * zc / jnp.sqrt(var + EPS) + bb_ref[0][None, :]
    o_ref[...] = jnp.maximum(o, 0.0)


def _bn_relu_tab_body(z_ref, bg_ref, bb_ref, cw_ref, o_ref, tab_ref):
    z = z_ref[...]
    mu = jnp.mean(z, axis=0, keepdims=True)
    zc = z - mu
    var = jnp.mean(zc * zc, axis=0, keepdims=True)
    o = bg_ref[0][None, :] * zc / jnp.sqrt(var + EPS) + bb_ref[0][None, :]
    o = jnp.maximum(o, 0.0)
    o_ref[...] = o
    for r in range(NREL):
        tab_ref[r] = jnp.dot(o, cw_ref[r], preferred_element_type=jnp.float32)


def _layer_call(h, s_acc, skw, skb, cb, bng, bnb, cw_next):
    s3 = jnp.stack(
        [jnp.concatenate([s_acc[0, r * HALF:(r + 1) * HALF, :],
                          s_acc[1, r * HALF:(r + 1) * HALF, :]], axis=0)
         for r in range(NREL)])
    z = pl.pallas_call(
        _comb_body,
        out_shape=jax.ShapeDtypeStruct((N, D), jnp.float32),
    )(h, s3, skw, skb, cb)
    if cw_next is None:
        h2 = pl.pallas_call(
            _bn_relu_body,
            out_shape=jax.ShapeDtypeStruct((N, D), jnp.float32),
        )(z, bng, bnb)
        return h2, None
    h2, tab = pl.pallas_call(
        _bn_relu_tab_body,
        out_shape=[jax.ShapeDtypeStruct((N, D), jnp.float32),
                   jax.ShapeDtypeStruct((NREL, N, D), jnp.float32)],
    )(z, bng, bnb, cw_next)
    return h2, tab


def _tc3_body(h_ref, b_ref, w1_ref, b1_ref, g1_ref, c1_ref,
              w2_ref, b2_ref, g2_ref, c2_ref, w3_ref, b3_ref, o_ref):
    gi = lax.broadcasted_iota(jnp.int32, (N, NG), 1)
    onehot = (b_ref[...] == gi).astype(jnp.float32)
    pooled = lax.dot_general(onehot, h_ref[...], (((0,), (0,)), ((), ())),
                             preferred_element_type=jnp.float32, precision=lax.Precision.HIGHEST)

    def bn(t, g_ref, c_ref):
        mu = jnp.mean(t, axis=0, keepdims=True)
        tc = t - mu
        var = jnp.mean(tc * tc, axis=0, keepdims=True)
        return g_ref[0][None, :] * tc / jnp.sqrt(var + EPS) + c_ref[0][None, :]

    z1 = jnp.dot(pooled, w1_ref[...],
                 preferred_element_type=jnp.float32) + b1_ref[0][None, :]
    z1 = jnp.maximum(bn(z1, g1_ref, c1_ref), 0.0)
    z2 = jnp.dot(z1, w2_ref[...],
                 preferred_element_type=jnp.float32) + b2_ref[0][None, :]
    z2 = jnp.maximum(bn(z2, g2_ref, c2_ref), 0.0)
    o_ref[...] = jnp.dot(z2, w3_ref[...],
                         preferred_element_type=jnp.float32) + b3_ref[0][None, :]



def kernel(x, edge_index, edge_type, edge_score, batch,
           pre_W, pre_b, pre_bn_g, pre_bn_b,
           conv_W, conv_b, skip_W, skip_b, layer_bn_g, layer_bn_b,
           post_W1, post_b1, post_bn1_g, post_bn1_b,
           post_W2, post_b2, post_bn2_g, post_bn2_b,
           post_W3, post_b3):
    i32 = jnp.int32
    f32 = jnp.float32
    src = edge_index[0].astype(i32)
    dst = edge_index[1].astype(i32)
    et = edge_type.astype(i32)
    es = edge_score.astype(f32)

    loop = jnp.arange(N, dtype=i32)
    padi = jnp.zeros((PADE,), i32)
    src_x = jnp.concatenate([src, loop, loop, loop, padi])
    dst_x = jnp.concatenate([dst, loop, loop, loop, padi])
    et_x = jnp.concatenate([et, jnp.zeros((N,), i32), jnp.ones((N,), i32),
                            jnp.full((N,), 2, i32), padi])
    es_x = jnp.concatenate([es, jnp.ones((NREL * N,), f32),
                            jnp.zeros((PADE,), f32)])

    parts = _deg_call(dst_x, et_x, es_x)

    h, dinv, gs, gd, rowcat, tab = pl.pallas_call(
        _tc1_body,
        out_shape=[jax.ShapeDtypeStruct((N, D), f32),
                   jax.ShapeDtypeStruct((1, NREL * N), f32),
                   jax.ShapeDtypeStruct((ETR, 128), i32),
                   jax.ShapeDtypeStruct((ETR, 128), i32),
                   jax.ShapeDtypeStruct((2, ETR, 128), i32),
                   jax.ShapeDtypeStruct((NREL, N, D), f32)],
    )(x, pre_W, pre_b.reshape(1, D), pre_bn_g.reshape(1, D),
      pre_bn_b.reshape(1, D), parts,
      src_x.reshape(ETR, 128), dst_x.reshape(ETR, 128), et_x.reshape(ETR, 128),
      conv_W[0])

    gs_flat = gs.reshape(ET)
    row_flat = rowcat.reshape(2 * ET)
    pidx, w_c, cnt = _prep_call(dinv.reshape(NREL * N), gs_flat,
                                gd.reshape(ET), es_x, row_flat)

    for l in range(2):
        s_acc = _msg_call(tab.reshape(NREL * N, D), pidx, w_c, cnt)
        cw_next = conv_W[1] if l == 0 else None
        h, tab = _layer_call(h, s_acc, skip_W[l], skip_b[l].reshape(1, D),
                             conv_b[l],
                             layer_bn_g[l].reshape(1, D),
                             layer_bn_b[l].reshape(1, D), cw_next)

    out = pl.pallas_call(
        _tc3_body,
        out_shape=jax.ShapeDtypeStruct((NG, 16), f32),
    )(h, batch.astype(i32).reshape(N, 1),
      post_W1, post_b1.reshape(1, D), post_bn1_g.reshape(1, D),
      post_bn1_b.reshape(1, D),
      post_W2, post_b2.reshape(1, 32), post_bn2_g.reshape(1, 32),
      post_bn2_b.reshape(1, 32),
      post_W3, post_b3.reshape(1, 16))
    return out

# --- scband reference (transcript-rebuilt; emitter-appended) ---
"""Pipeline reference for scband-mgcn-17532056502542 (READ-ONLY COPY).

The authoritative reference and input builder live on the scoring server;
editing this copy changes nothing except your own understanding.
"""

import jax, jax.numpy as jnp
import numpy as np

N_NODES = 10000
N_EDGES = 320000
NUM_RELATION = 3
N_LAYERS = 2
D_IN = 128
D_H = 128
D_OUT = 16
N_GRAPHS = 64
EPS = 1e-5


def _lin_init(k, fi, fo):
    bound = 1.0 / np.sqrt(fi)
    kw, kb = jax.random.split(k)
    W = jax.random.uniform(kw, (fi, fo), jnp.float32, -bound, bound)
    b = jax.random.uniform(kb, (fo,), jnp.float32, -bound, bound)
    return W, b


def setup_inputs(seed: int = 0):
    key = jax.random.key(seed)
    ks = jax.random.split(key, 16)
    x = jax.random.normal(ks[0], (N_NODES, D_IN), jnp.float32)
    edge_index = jax.random.randint(ks[1], (2, N_EDGES), 0, N_NODES)
    edge_type = jax.random.randint(ks[2], (N_EDGES,), 0, NUM_RELATION)
    edge_score = jax.random.uniform(ks[3], (N_EDGES,), jnp.float32)
    batch = jnp.sort(jax.random.randint(ks[4], (N_NODES,), 0, N_GRAPHS))
    pre_W, pre_b = _lin_init(ks[5], D_IN, D_H)
    bw = 1.0 / np.sqrt(D_H)
    conv_W = jax.random.uniform(ks[6], (N_LAYERS, NUM_RELATION, D_H, D_H), jnp.float32, -bw, bw)
    conv_b = jnp.zeros((N_LAYERS, NUM_RELATION, D_H), jnp.float32)
    sk = [_lin_init(jax.random.fold_in(ks[7], l), D_H, D_H) for l in range(N_LAYERS)]
    skip_W = jnp.stack([w for w, _ in sk])
    skip_b = jnp.stack([b for _, b in sk])
    post_W1, post_b1 = _lin_init(ks[8], D_H, D_H)
    post_W2, post_b2 = _lin_init(ks[9], D_H, 32)
    post_W3, post_b3 = _lin_init(ks[10], 32, D_OUT)
    return {
        'x': x, 'edge_index': edge_index, 'edge_type': edge_type,
        'edge_score': edge_score, 'batch': batch,
        'pre_W': pre_W, 'pre_b': pre_b,
        'pre_bn_g': jnp.ones((D_H,), jnp.float32), 'pre_bn_b': jnp.zeros((D_H,), jnp.float32),
        'conv_W': conv_W, 'conv_b': conv_b,
        'skip_W': skip_W, 'skip_b': skip_b,
        'layer_bn_g': jnp.ones((N_LAYERS, D_H), jnp.float32), 'layer_bn_b': jnp.zeros((N_LAYERS, D_H), jnp.float32),
        'post_W1': post_W1, 'post_b1': post_b1,
        'post_bn1_g': jnp.ones((D_H,), jnp.float32), 'post_bn1_b': jnp.zeros((D_H,), jnp.float32),
        'post_W2': post_W2, 'post_b2': post_b2,
        'post_bn2_g': jnp.ones((32,), jnp.float32), 'post_bn2_b': jnp.zeros((32,), jnp.float32),
        'post_W3': post_W3, 'post_b3': post_b3,
    }


def _bn(h, g, b):
    mu = h.mean(axis=0)
    var = h.var(axis=0)
    return g * (h - mu) / jnp.sqrt(var + EPS) + b


def reference(x, edge_index, edge_type, edge_score, batch,
              pre_W, pre_b, pre_bn_g, pre_bn_b,
              conv_W, conv_b, skip_W, skip_b, layer_bn_g, layer_bn_b,
              post_W1, post_b1, post_bn1_g, post_bn1_b,
              post_W2, post_b2, post_bn2_g, post_bn2_b,
              post_W3, post_b3):
    # pre_mp: Linear -> BN(train-mode batch stats) -> ReLU
    h = jax.nn.relu(_bn(x @ pre_W + pre_b, pre_bn_g, pre_bn_b))
    src = edge_index[0]
    dst = edge_index[1]
    loop = jnp.arange(N_NODES, dtype=src.dtype)
    src_full = jnp.concatenate([src, loop])
    dst_full = jnp.concatenate([dst, loop])
    ones_loop = jnp.ones((N_NODES,), jnp.float32)
    for l in range(N_LAYERS):
        out = h @ skip_W[l] + skip_b[l]  # skip connection
        for r in range(NUM_RELATION):
            # relation masking via zeroed edge weights (equivalent to edge_index[:, mask])
            ew = jnp.where(edge_type == r, edge_score, 0.0)
            ew_full = jnp.concatenate([ew, ones_loop])  # self-loops weight 1
            deg = jnp.zeros((N_NODES,), jnp.float32).at[dst_full].add(ew_full)
            dinv = jax.lax.rsqrt(jnp.where(deg > 0, deg, 1.0))
            dinv = jnp.where(deg > 0, dinv, 0.0)
            norm = dinv[src_full] * ew_full * dinv[dst_full]
            hw = h @ conv_W[l, r]
            msg = hw[src_full] * norm[:, None]
            out = out + jnp.zeros_like(hw).at[dst_full].add(msg) + conv_b[l, r]
        h = jax.nn.relu(_bn(out, layer_bn_g[l], layer_bn_b[l]))
        # F.dropout identity (eval / p-effective 0)
    pooled = jax.ops.segment_sum(h, batch, num_segments=N_GRAPHS)
    g1 = jax.nn.relu(_bn(pooled @ post_W1 + post_b1, post_bn1_g, post_bn1_b))
    g2 = jax.nn.relu(_bn(g1 @ post_W2 + post_b2, post_bn2_g, post_bn2_b))
    return g2 @ post_W3 + post_b3

if __name__ == "__main__":
    import jax
    _d = setup_inputs()
    print(jax.jit(kernel)(*tuple(_d.values())))

</pallas_src>

<mosaic_0001>
#map = affine_map<(d0, d1) -> (0)>
module attributes {stable_mosaic.version = 14 : i64} {
  func.func @_prep_body(%arg0: i32, %arg1: i32, %arg2: memref<30000xf32, #tpu.memory_space<hbm>>, %arg3: memref<353280xi32, #tpu.memory_space<hbm>>, %arg4: memref<353280xi32, #tpu.memory_space<hbm>>, %arg5: memref<353280xf32, #tpu.memory_space<hbm>>, %arg6: memref<706560xi32, #tpu.memory_space<hbm>>, %arg7: memref<706560xi32, #tpu.memory_space<hbm>>, %arg8: memref<706560xf32, #tpu.memory_space<hbm>>, %arg9: memref<512xi32, #tpu.memory_space<hbm>>, %arg10: memref<30000xf32, #tpu.memory_space<vmem>>, %arg11: memref<5520xi32, #tpu.memory_space<vmem>>, %arg12: memref<5520xi32, #tpu.memory_space<vmem>>, %arg13: memref<5520xf32, #tpu.memory_space<vmem>>, %arg14: memref<5520xi32, #tpu.memory_space<vmem>>, %arg15: memref<22112xi32, #tpu.memory_space<vmem>>, %arg16: memref<22112xf32, #tpu.memory_space<vmem>>, %arg17: memref<16xi32, #tpu.memory_space<vmem>>) attributes {dimension_semantics = [#tpu.dimension_semantics<core_parallel>, #tpu.dimension_semantics<subcore_parallel>], iteration_bounds = array<i64: 2, 16>, scalar_prefetch = 0 : i64, scratch_operands = 8 : i64, tpu.core_type = #tpu.core_type<sc_vector_subcore>, window_params = [{transform_indices = #map}, {transform_indices = #map}, {transform_indices = #map}, {transform_indices = #map}, {transform_indices = #map}, {transform_indices = #map}, {transform_indices = #map}, {transform_indices = #map}]} {
    %mul3A = arith.constant 22080 : i32
    %mul3A_0 = arith.muli %arg1, %mul3A : i32
    "tpu.region"() ({
      %run_scoped3A = tpu.sem_alloc : memref<!tpu.dma_semaphore, #tpu.memory_space<semaphore_mem>>
      tpu.enqueue_dma source(%arg2 : memref<30000xf32, #tpu.memory_space<hbm>>) target(%arg10 : memref<30000xf32, #tpu.memory_space<vmem>>) target_semaphore(%run_scoped3A : memref<!tpu.dma_semaphore, #tpu.memory_space<semaphore_mem>>)
      tpu.wait_dma2 semaphore(%run_scoped3A : memref<!tpu.dma_semaphore, #tpu.memory_space<semaphore_mem>>) src(%arg2 : memref<30000xf32, #tpu.memory_space<hbm>>) dst(%arg10 : memref<30000xf32, #tpu.memory_space<vmem>>)
      tpu.yield
    }) : () -> ()
    %scan3A = arith.constant 0 : i32
    %scan3A_1 = arith.constant 0 : i32
    %scan3A_2 = arith.constant 4 : i32
    %scan3A_3 = arith.addi %scan3A_1, %scan3A_2 : i32
    %scan3A_4 = arith.constant 1 : i32
    %scan3A_5 = scf.for %scan3A_42 = %scan3A_1 to %scan3A_3 step %scan3A_4 iter_args(%scan3A_43 = %scan3A) -> (i32)  : i32 {
      %mul3A_44 = arith.constant 5520 : i32
      %mul3A_45 = arith.muli %scan3A_42, %mul3A_44 : i32
      %add3A_46 = arith.addi %mul3A_0, %mul3A_45 : i32
      "tpu.region"() ({
        %run_scoped3A = tpu.sem_alloc : memref<!tpu.dma_semaphore, #tpu.memory_space<semaphore_mem>>
        %dma_start3A = tpu.memref_slice %arg3[%add3A_46] : memref<353280xi32, #tpu.memory_space<hbm>> -> memref<5520xi32, #tpu.memory_space<hbm>>
        %dma_start3A_56 = tpu.memref_slice %arg3[%add3A_46] : memref<353280xi32, #tpu.memory_space<hbm>> -> memref<5520xi32, #tpu.memory_space<hbm>>
        tpu.enqueue_dma source(%dma_start3A_56 : memref<5520xi32, #tpu.memory_space<hbm>>) target(%arg11 : memref<5520xi32, #tpu.memory_space<vmem>>) target_semaphore(%run_scoped3A : memref<!tpu.dma_semaphore, #tpu.memory_space<semaphore_mem>>)
        %dma_wait3A = tpu.memref_slice %arg3[%add3A_46] : memref<353280xi32, #tpu.memory_space<hbm>> -> memref<5520xi32, #tpu.memory_space<hbm>>
        %dma_wait3A_57 = tpu.memref_slice %arg3[%add3A_46] : memref<353280xi32, #tpu.memory_space<hbm>> -> memref<5520xi32, #tpu.memory_space<hbm>>
        tpu.wait_dma2 semaphore(%run_scoped3A : memref<!tpu.dma_semaphore, #tpu.memory_space<semaphore_mem>>) src(%dma_wait3A_57 : memref<5520xi32, #tpu.memory_space<hbm>>) dst(%arg11 : memref<5520xi32, #tpu.memory_space<vmem>>)
        tpu.yield
      }) : () -> ()
      "tpu.region"() ({
        %run_scoped3A = tpu.sem_alloc : memref<!tpu.dma_semaphore, #tpu.memory_space<semaphore_mem>>
        %dma_start3A = tpu.memref_slice %arg4[%add3A_46] : memref<353280xi32, #tpu.memory_space<hbm>> -> memref<5520xi32, #tpu.memory_space<hbm>>
        %dma_start3A_56 = tpu.memref_slice %arg4[%add3A_46] : memref<353280xi32, #tpu.memory_space<hbm>> -> memref<5520xi32, #tpu.memory_space<hbm>>
        tpu.enqueue_dma source(%dma_start3A_56 : memref<5520xi32, #tpu.memory_space<hbm>>) target(%arg12 : memref<5520xi32, #tpu.memory_space<vmem>>) target_semaphore(%run_scoped3A : memref<!tpu.dma_semaphore, #tpu.memory_space<semaphore_mem>>)
        %dma_wait3A = tpu.memref_slice %arg4[%add3A_46] : memref<353280xi32, #tpu.memory_space<hbm>> -> memref<5520xi32, #tpu.memory_space<hbm>>
        %dma_wait3A_57 = tpu.memref_slice %arg4[%add3A_46] : memref<353280xi32, #tpu.memory_space<hbm>> -> memref<5520xi32, #tpu.memory_space<hbm>>
        tpu.wait_dma2 semaphore(%run_scoped3A : memref<!tpu.dma_semaphore, #tpu.memory_space<semaphore_mem>>) src(%dma_wait3A_57 : memref<5520xi32, #tpu.memory_space<hbm>>) dst(%arg12 : memref<5520xi32, #tpu.memory_space<vmem>>)
        tpu.yield
      }) : () -> ()
      "tpu.region"() ({
        %run_scoped3A = tpu.sem_alloc : memref<!tpu.dma_semaphore, #tpu.memory_space<semaphore_mem>>
        %dma_start3A = tpu.memref_slice %arg5[%add3A_46] : memref<353280xf32, #tpu.memory_space<hbm>> -> memref<5520xf32, #tpu.memory_space<hbm>>
        %dma_start3A_56 = tpu.memref_slice %arg5[%add3A_46] : memref<353280xf32, #tpu.memory_space<hbm>> -> memref<5520xf32, #tpu.memory_space<hbm>>
        tpu.enqueue_dma source(%dma_start3A_56 : memref<5520xf32, #tpu.memory_space<hbm>>) target(%arg13 : memref<5520xf32, #tpu.memory_space<vmem>>) target_semaphore(%run_scoped3A : memref<!tpu.dma_semaphore, #tpu.memory_space<semaphore_mem>>)
        %dma_wait3A = tpu.memref_slice %arg5[%add3A_46] : memref<353280xf32, #tpu.memory_space<hbm>> -> memref<5520xf32, #tpu.memory_space<hbm>>
        %dma_wait3A_57 = tpu.memref_slice %arg5[%add3A_46] : memref<353280xf32, #tpu.memory_space<hbm>> -> memref<5520xf32, #tpu.memory_space<hbm>>
        tpu.wait_dma2 semaphore(%run_scoped3A : memref<!tpu.dma_semaphore, #tpu.memory_space<semaphore_mem>>) src(%dma_wait3A_57 : memref<5520xf32, #tpu.memory_space<hbm>>) dst(%arg13 : memref<5520xf32, #tpu.memory_space<vmem>>)
        tpu.yield
      }) : () -> ()
      %mul3A_47 = arith.constant 353280 : i32
      %mul3A_48 = arith.muli %arg0, %mul3A_47 : i32
      %add3A_49 = arith.addi %mul3A_48, %add3A_46 : i32
      "tpu.region"() ({
        %run_scoped3A = tpu.sem_alloc : memref<!tpu.dma_semaphore, #tpu.memory_space<semaphore_mem>>
        %dma_start3A = tpu.memref_slice %arg6[%add3A_49] : memref<706560xi32, #tpu.memory_space<hbm>> -> memref<5520xi32, #tpu.memory_space<hbm>>
        %dma_start3A_56 = tpu.memref_slice %arg6[%add3A_49] : memref<706560xi32, #tpu.memory_space<hbm>> -> memref<5520xi32, #tpu.memory_space<hbm>>
        tpu.enqueue_dma source(%dma_start3A_56 : memref<5520xi32, #tpu.memory_space<hbm>>) target(%arg14 : memref<5520xi32, #tpu.memory_space<vmem>>) target_semaphore(%run_scoped3A : memref<!tpu.dma_semaphore, #tpu.memory_space<semaphore_mem>>)
        %dma_wait3A = tpu.memref_slice %arg6[%add3A_49] : memref<706560xi32, #tpu.memory_space<hbm>> -> memref<5520xi32, #tpu.memory_space<hbm>>
        %dma_wait3A_57 = tpu.memref_slice %arg6[%add3A_49] : memref<706560xi32, #tpu.memory_space<hbm>> -> memref<5520xi32, #tpu.memory_space<hbm>>
        tpu.wait_dma2 semaphore(%run_scoped3A : memref<!tpu.dma_semaphore, #tpu.memory_space<semaphore_mem>>) src(%dma_wait3A_57 : memref<5520xi32, #tpu.memory_space<hbm>>) dst(%arg14 : memref<5520xi32, #tpu.memory_space<vmem>>)
        tpu.yield
      }) : () -> ()
      %scan3A_50 = arith.constant 0 : i32
      %scan3A_51 = arith.constant 345 : i32
      %scan3A_52 = arith.addi %scan3A_50, %scan3A_51 : i32
      %scan3A_53 = arith.constant 1 : i32
      %scan3A_54 = scf.for %scan3A_56 = %scan3A_50 to %scan3A_52 step %scan3A_53 iter_args(%scan3A_57 = %scan3A_43) -> (i32)  : i32 {
        %mul3A_58 = arith.constant 16 : i32
        %mul3A_59 = arith.muli %scan3A_56, %mul3A_58 : i32
        %get3A = arith.index_cast %mul3A_59 : i32 to index
        %get3A_60 = tpu.vector_load %arg11[%get3A] {strides = array<i32>} : memref<5520xi32, #tpu.memory_space<vmem>>, vector<16xi32>,
        %get3A_61 = arith.index_cast %mul3A_59 : i32 to index
        %get3A_62 = tpu.vector_load %arg12[%get3A_61] {strides = array<i32>} : memref<5520xi32, #tpu.memory_space<vmem>>, vector<16xi32>,
        %get3A_63 = arith.index_cast %mul3A_59 : i32 to index
        %get3A_64 = tpu.vector_load %arg13[%get3A_63] {strides = array<i32>} : memref<5520xf32, #tpu.memory_space<vmem>>, vector<16xf32>,
        %get3A_65 = arith.index_cast %mul3A_59 : i32 to index
        %get3A_66 = tpu.vector_load %arg14[%get3A_65] {strides = array<i32>} : memref<5520xi32, #tpu.memory_space<vmem>>, vector<16xi32>,
        %gather3A = tpu.vector_load_idx %arg10[%get3A_60] : memref<30000xf32, #tpu.memory_space<vmem>>[vector<16xi32>], vector<16xf32>,
        %mul3A_67 = arith.mulf %get3A_64, %gather3A : vector<16xf32>
        %gather3A_68 = tpu.vector_load_idx %arg10[%get3A_62] : memref<30000xf32, #tpu.memory_space<vmem>>[vector<16xi32>], vector<16xf32>,
        %mul3A_69 = arith.mulf %mul3A_67, %gather3A_68 : vector<16xf32>
        %shift_left3A = arith.constant 14 : i32
        %shift_left3A_70 = vector.broadcast %shift_left3A : i32 to vector<16xi32>
        %shift_left3A_71 = arith.shli %get3A_60, %shift_left3A_70 : vector<16xi32>
        %or3A = arith.ori %shift_left3A_71, %get3A_66 : vector<16xi32>
        %ne3A_72 = arith.constant 15000 : i32
        %ne3A_73 = vector.broadcast %ne3A_72 : i32 to vector<16xi32>
        %ne3A_74 = arith.cmpi ne, %get3A_66, %ne3A_73 : vector<16xi32>
        %swap3A_75 = arith.index_cast %scan3A_57 : i32 to index
        %swap3A_76 = tpu.vector_load %arg15[%swap3A_75] masked %ne3A_74 {strides = array<i32>} : memref<22112xi32, #tpu.memory_space<vmem>>, vector<16xi32>, vector<16xi1>
        tpu.vector_store %arg15[%swap3A_75], %or3A masked %ne3A_74 {strides = array<i32>} : memref<22112xi32, #tpu.memory_space<vmem>>, vector<16xi32>, vector<16xi1>
        %swap3A_77 = arith.index_cast %scan3A_57 : i32 to index
        %swap3A_78 = tpu.vector_load %arg16[%swap3A_77] masked %ne3A_74 {strides = array<i32>} : memref<22112xf32, #tpu.memory_space<vmem>>, vector<16xf32>, vector<16xi1>
        tpu.vector_store %arg16[%swap3A_77], %mul3A_69 masked %ne3A_74 {strides = array<i32>} : memref<22112xf32, #tpu.memory_space<vmem>>, vector<16xf32>, vector<16xi1>
        %all_reduce_population_count3A = tpu.all_reduce %ne3A_74 {dim = 0 : i64, kind = #tpu.reduction_kind<sum>} : vector<16xi1> -> vector<16xi32>
        %slice3A = vector.extract_strided_slice %all_reduce_population_count3A {offsets = [0], sizes = [1], strides = [1]} : vector<16xi32> to vector<1xi32>
        %squeeze3A = vector.extract %slice3A[0] : i32 from vector<1xi32>
        %add3A_79 = arith.addi %scan3A_57, %squeeze3A : i32
        scf.yield %add3A_79 : i32
      }
      %scan3A_55 = arith.constant 345 : i32
      scf.yield %scan3A_54 : i32
    }
    %scan3A_6 = arith.constant 4 : i32
    %broadcast_in_dim3A = arith.constant 15000 : i32
    %broadcast_in_dim3A_7 = vector.broadcast %broadcast_in_dim3A : i32 to vector<16xi32>
    %broadcast_in_dim3A_8 = arith.constant 0.000000e+00 : f32
    %broadcast_in_dim3A_9 = vector.broadcast %broadcast_in_dim3A_8 : f32 to vector<16xf32>
    %add3A = arith.constant 32 : i32
    %add3A_10 = arith.addi %scan3A_5, %add3A : i32
    %sub3A = arith.constant 1 : i32
    %sub3A_11 = arith.subi %add3A_10, %sub3A : i32
    %jit3A = arith.constant 32 : i32
    %eq3A = arith.constant 0 : i32
    %eq3A_12 = arith.cmpi eq, %jit3A, %eq3A : i32
    %jit3A_13 = arith.constant 1 : i32
    %select_n3A = arith.select %eq3A_12, %jit3A_13, %jit3A : i32
    %rem3A = arith.remsi %sub3A_11, %select_n3A : i32
    %ne3A = arith.constant 0 : i32
    %ne3A_14 = arith.cmpi ne, %rem3A, %ne3A : i32
    %lt3A = arith.constant 0 : i32
    %lt3A_15 = arith.cmpi slt, %rem3A, %lt3A : i32
    %lt3A_16 = arith.constant 0 : i32
    %lt3A_17 = arith.cmpi slt, %select_n3A, %lt3A_16 : i32
    %ne3A_18 = arith.xori %lt3A_15, %lt3A_17 : i1
    %and3A = arith.andi %ne3A_18, %ne3A_14 : i1
    %add3A_19 = arith.addi %rem3A, %select_n3A : i32
    %select_n3A_20 = arith.select %and3A, %add3A_19, %rem3A : i32
    %sub3A_21 = arith.constant 31 : i32
    %sub3A_22 = arith.subi %sub3A_21, %select_n3A_20 : i32
    %scan3A_23 = arith.constant 0 : i32
    %scan3A_24 = arith.constant 0 : i32
    %scan3A_25 = arith.constant 2 : i32
    %scan3A_26 = arith.addi %scan3A_24, %scan3A_25 : i32
    %scan3A_27 = arith.constant 1 : i32
    scf.for %scan3A_42 = %scan3A_24 to %scan3A_26 step %scan3A_27  : i32 {
      %mul3A_43 = arith.constant 16 : i32
      %mul3A_44 = arith.muli %scan3A_42, %mul3A_43 : i32
      %lt3A_45 = arith.cmpi slt, %mul3A_44, %sub3A_22 : i32
      %convert_element_type3A = arith.extui %lt3A_45 : i1 to i32
      %cond3A = arith.constant 0 : i32
      %cond3A_46 = arith.cmpi ne, %convert_element_type3A, %cond3A : i32
      scf.if %cond3A_46 {
        %mul3A_47 = arith.constant 16 : i32
        %mul3A_48 = arith.muli %scan3A_42, %mul3A_47 : i32
        %add3A_49 = arith.addi %scan3A_5, %mul3A_48 : i32
        %swap3A_50 = arith.index_cast %add3A_49 : i32 to index
        %swap3A_51 = tpu.vector_load %arg15[%swap3A_50] {strides = array<i32>} : memref<22112xi32, #tpu.memory_space<vmem>>, vector<16xi32>,
        tpu.vector_store %arg15[%swap3A_50], %broadcast_in_dim3A_7 {strides = array<i32>} : memref<22112xi32, #tpu.memory_space<vmem>>, vector<16xi32>,
        %mul3A_52 = arith.constant 16 : i32
        %mul3A_53 = arith.muli %scan3A_42, %mul3A_52 : i32
        %add3A_54 = arith.addi %scan3A_5, %mul3A_53 : i32
        %swap3A_55 = arith.index_cast %add3A_54 : i32 to index
        %swap3A_56 = tpu.vector_load %arg16[%swap3A_55] {strides = array<i32>} : memref<22112xf32, #tpu.memory_space<vmem>>, vector<16xf32>,
        tpu.vector_store %arg16[%swap3A_55], %broadcast_in_dim3A_9 {strides = array<i32>} : memref<22112xf32, #tpu.memory_space<vmem>>, vector<16xf32>,
      } else {
      }
    }
    %scan3A_28 = arith.constant 2 : i32
    %broadcast_in_dim3A_29 = vector.broadcast %scan3A_5 : i32 to vector<16xi32>
    %swap3A = arith.constant 0 : index
    %swap3A_30 = tpu.vector_load %arg17[%swap3A] {strides = array<i32>} : memref<16xi32, #tpu.memory_space<vmem>>, vector<16xi32>,
    tpu.vector_store %arg17[%swap3A], %broadcast_in_dim3A_29 {strides = array<i32>} : memref<16xi32, #tpu.memory_space<vmem>>, vector<16xi32>,
    %mul3A_31 = arith.constant 16 : i32
    %mul3A_32 = arith.muli %arg0, %mul3A_31 : i32
    %add3A_33 = arith.addi %mul3A_32, %arg1 : i32
    %mul3A_34 = arith.constant 353280 : i32
    %mul3A_35 = arith.muli %arg0, %mul3A_34 : i32
    %add3A_36 = arith.addi %mul3A_35, %mul3A_0 : i32
    "tpu.region"() ({
      %run_scoped3A = tpu.sem_alloc : memref<!tpu.dma_semaphore, #tpu.memory_space<semaphore_mem>>
      %dma_start3A = arith.constant 0 : i32
      %dma_start3A_42 = tpu.memref_slice %arg15[%dma_start3A] : memref<22112xi32, #tpu.memory_space<vmem>> -> memref<22080xi32, #tpu.memory_space<vmem>>
      %dma_start3A_43 = tpu.memref_slice %arg7[%add3A_36] : memref<706560xi32, #tpu.memory_space<hbm>> -> memref<22080xi32, #tpu.memory_space<hbm>>
      %dma_start3A_44 = tpu.memref_slice %arg7[%add3A_36] : memref<706560xi32, #tpu.memory_space<hbm>> -> memref<22080xi32, #tpu.memory_space<hbm>>
      %dma_start3A_45 = arith.constant 0 : i32
      %dma_start3A_46 = tpu.memref_slice %arg15[%dma_start3A_45] : memref<22112xi32, #tpu.memory_space<vmem>> -> memref<22080xi32, #tpu.memory_space<vmem>>
      tpu.enqueue_dma source(%dma_start3A_46 : memref<22080xi32, #tpu.memory_space<vmem>>) target(%dma_start3A_44 : memref<22080xi32, #tpu.memory_space<hbm>>) target_semaphore(%run_scoped3A : memref<!tpu.dma_semaphore, #tpu.memory_space<semaphore_mem>>)
      %dma_wait3A = arith.constant 0 : i32
      %dma_wait3A_47 = tpu.memref_slice %arg15[%dma_wait3A] : memref<22112xi32, #tpu.memory_space<vmem>> -> memref<22080xi32, #tpu.memory_space<vmem>>
      %dma_wait3A_48 = tpu.memref_slice %arg7[%add3A_36] : memref<706560xi32, #tpu.memory_space<hbm>> -> memref<22080xi32, #tpu.memory_space<hbm>>
      %dma_wait3A_49 = tpu.memref_slice %arg7[%add3A_36] : memref<706560xi32, #tpu.memory_space<hbm>> -> memref<22080xi32, #tpu.memory_space<hbm>>
      %dma_wait3A_50 = arith.constant 0 : i32
      %dma_wait3A_51 = tpu.memref_slice %arg15[%dma_wait3A_50] : memref<22112xi32, #tpu.memory_space<vmem>> -> memref<22080xi32, #tpu.memory_space<vmem>>
      tpu.wait_dma2 semaphore(%run_scoped3A : memref<!tpu.dma_semaphore, #tpu.memory_space<semaphore_mem>>) src(%dma_wait3A_51 : memref<22080xi32, #tpu.memory_space<vmem>>) dst(%dma_wait3A_49 : memref<22080xi32, #tpu.memory_space<hbm>>)
      tpu.yield
    }) : () -> ()
    %mul3A_37 = arith.constant 353280 : i32
    %mul3A_38 = arith.muli %arg0, %mul3A_37 : i32
    %add3A_39 = arith.addi %mul3A_38, %mul3A_0 : i32
    "tpu.region"() ({
      %run_scoped3A = tpu.sem_alloc : memref<!tpu.dma_semaphore, #tpu.memory_space<semaphore_mem>>
      %dma_start3A = arith.constant 0 : i32
      %dma_start3A_42 = tpu.memref_slice %arg16[%dma_start3A] : memref<22112xf32, #tpu.memory_space<vmem>> -> memref<22080xf32, #tpu.memory_space<vmem>>
      %dma_start3A_43 = tpu.memref_slice %arg8[%add3A_39] : memref<706560xf32, #tpu.memory_space<hbm>> -> memref<22080xf32, #tpu.memory_space<hbm>>
      %dma_start3A_44 = tpu.memref_slice %arg8[%add3A_39] : memref<706560xf32, #tpu.memory_space<hbm>> -> memref<22080xf32, #tpu.memory_space<hbm>>
      %dma_start3A_45 = arith.constant 0 : i32
      %dma_start3A_46 = tpu.memref_slice %arg16[%dma_start3A_45] : memref<22112xf32, #tpu.memory_space<vmem>> -> memref<22080xf32, #tpu.memory_space<vmem>>
      tpu.enqueue_dma source(%dma_start3A_46 : memref<22080xf32, #tpu.memory_space<vmem>>) target(%dma_start3A_44 : memref<22080xf32, #tpu.memory_space<hbm>>) target_semaphore(%run_scoped3A : memref<!tpu.dma_semaphore, #tpu.memory_space<semaphore_mem>>)
      %dma_wait3A = arith.constant 0 : i32
      %dma_wait3A_47 = tpu.memref_slice %arg16[%dma_wait3A] : memref<22112xf32, #tpu.memory_space<vmem>> -> memref<22080xf32, #tpu.memory_space<vmem>>
      %dma_wait3A_48 = tpu.memref_slice %arg8[%add3A_39] : memref<706560xf32, #tpu.memory_space<hbm>> -> memref<22080xf32, #tpu.memory_space<hbm>>
      %dma_wait3A_49 = tpu.memref_slice %arg8[%add3A_39] : memref<706560xf32, #tpu.memory_space<hbm>> -> memref<22080xf32, #tpu.memory_space<hbm>>
      %dma_wait3A_50 = arith.constant 0 : i32
      %dma_wait3A_51 = tpu.memref_slice %arg16[%dma_wait3A_50] : memref<22112xf32, #tpu.memory_space<vmem>> -> memref<22080xf32, #tpu.memory_space<vmem>>
      tpu.wait_dma2 semaphore(%run_scoped3A : memref<!tpu.dma_semaphore, #tpu.memory_space<semaphore_mem>>) src(%dma_wait3A_51 : memref<22080xf32, #tpu.memory_space<vmem>>) dst(%dma_wait3A_49 : memref<22080xf32, #tpu.memory_space<hbm>>)
      tpu.yield
    }) : () -> ()
    %mul3A_40 = arith.constant 16 : i32
    %mul3A_41 = arith.muli %add3A_33, %mul3A_40 : i32
    "tpu.region"() ({
      %run_scoped3A = tpu.sem_alloc : memref<!tpu.dma_semaphore, #tpu.memory_space<semaphore_mem>>
      %dma_start3A = tpu.memref_slice %arg9[%mul3A_41] : memref<512xi32, #tpu.memory_space<hbm>> -> memref<16xi32, #tpu.memory_space<hbm>>
      %dma_start3A_42 = tpu.memref_slice %arg9[%mul3A_41] : memref<512xi32, #tpu.memory_space<hbm>> -> memref<16xi32, #tpu.memory_space<hbm>>
      tpu.enqueue_dma source(%arg17 : memref<16xi32, #tpu.memory_space<vmem>>) target(%dma_start3A_42 : memref<16xi32, #tpu.memory_space<hbm>>) target_semaphore(%run_scoped3A : memref<!tpu.dma_semaphore, #tpu.memory_space<semaphore_mem>>)
      %dma_wait3A = tpu.memref_slice %arg9[%mul3A_41] : memref<512xi32, #tpu.memory_space<hbm>> -> memref<16xi32, #tpu.memory_space<hbm>>
      %dma_wait3A_43 = tpu.memref_slice %arg9[%mul3A_41] : memref<512xi32, #tpu.memory_space<hbm>> -> memref<16xi32, #tpu.memory_space<hbm>>
      tpu.wait_dma2 semaphore(%run_scoped3A : memref<!tpu.dma_semaphore, #tpu.memory_space<semaphore_mem>>) src(%arg17 : memref<16xi32, #tpu.memory_space<vmem>>) dst(%dma_wait3A_43 : memref<16xi32, #tpu.memory_space<hbm>>)
      tpu.yield
    }) : () -> ()
    return
  }
}

#map = affine_map<(d0, d1) -> (0)>
#map1 = affine_map<(d0, d1) -> (0, 0)>
module attributes {stable_mosaic.version = 14 : i64} {
  func.func @_deg_body(%arg0: i32, %arg1: i32, %arg2: memref<353280xi32, #tpu.memory_space<hbm>>, %arg3: memref<353280xi32, #tpu.memory_space<hbm>>, %arg4: memref<353280xf32, #tpu.memory_space<hbm>>, %arg5: memref<32x30000xf32, #tpu.memory_space<hbm>>, %arg6: memref<11040xi32, #tpu.memory_space<vmem>>, %arg7: memref<11040xi32, #tpu.memory_space<vmem>>, %arg8: memref<11040xf32, #tpu.memory_space<vmem>>, %arg9: memref<30000xf32, #tpu.memory_space<vmem>>) attributes {dimension_semantics = [#tpu.dimension_semantics<core_parallel>, #tpu.dimension_semantics<subcore_parallel>], iteration_bounds = array<i64: 2, 16>, scalar_prefetch = 0 : i64, scratch_operands = 4 : i64, tpu.core_type = #tpu.core_type<sc_vector_subcore>, window_params = [{transform_indices = #map}, {transform_indices = #map}, {transform_indices = #map}, {transform_indices = #map1}]} {
    %mul3A = arith.constant 16 : i32
    %mul3A_0 = arith.muli %arg0, %mul3A : i32
    %add3A = arith.addi %mul3A_0, %arg1 : i32
    %mul3A_1 = arith.constant 11040 : i32
    %mul3A_2 = arith.muli %add3A, %mul3A_1 : i32
    "tpu.region"() ({
      %run_scoped3A = tpu.sem_alloc : memref<!tpu.dma_semaphore, #tpu.memory_space<semaphore_mem>>
      %dma_start3A = tpu.memref_slice %arg2[%mul3A_2] : memref<353280xi32, #tpu.memory_space<hbm>> -> memref<11040xi32, #tpu.memory_space<hbm>>
      %dma_start3A_15 = tpu.memref_slice %arg2[%mul3A_2] : memref<353280xi32, #tpu.memory_space<hbm>> -> memref<11040xi32, #tpu.memory_space<hbm>>
      tpu.enqueue_dma source(%dma_start3A_15 : memref<11040xi32, #tpu.memory_space<hbm>>) target(%arg6 : memref<11040xi32, #tpu.memory_space<vmem>>) target_semaphore(%run_scoped3A : memref<!tpu.dma_semaphore, #tpu.memory_space<semaphore_mem>>)
      %dma_wait3A = tpu.memref_slice %arg2[%mul3A_2] : memref<353280xi32, #tpu.memory_space<hbm>> -> memref<11040xi32, #tpu.memory_space<hbm>>
      %dma_wait3A_16 = tpu.memref_slice %arg2[%mul3A_2] : memref<353280xi32, #tpu.memory_space<hbm>> -> memref<11040xi32, #tpu.memory_space<hbm>>
      tpu.wait_dma2 semaphore(%run_scoped3A : memref<!tpu.dma_semaphore, #tpu.memory_space<semaphore_mem>>) src(%dma_wait3A_16 : memref<11040xi32, #tpu.memory_space<hbm>>) dst(%arg6 : memref<11040xi32, #tpu.memory_space<vmem>>)
      tpu.yield
    }) : () -> ()
    "tpu.region"() ({
      %run_scoped3A = tpu.sem_alloc : memref<!tpu.dma_semaphore, #tpu.memory_space<semaphore_mem>>
      %dma_start3A = tpu.memref_slice %arg3[%mul3A_2] : memref<353280xi32, #tpu.memory_space<hbm>> -> memref<11040xi32, #tpu.memory_space<hbm>>
      %dma_start3A_15 = tpu.memref_slice %arg3[%mul3A_2] : memref<353280xi32, #tpu.memory_space<hbm>> -> memref<11040xi32, #tpu.memory_space<hbm>>
      tpu.enqueue_dma source(%dma_start3A_15 : memref<11040xi32, #tpu.memory_space<hbm>>) target(%arg7 : memref<11040xi32, #tpu.memory_space<vmem>>) target_semaphore(%run_scoped3A : memref<!tpu.dma_semaphore, #tpu.memory_space<semaphore_mem>>)
      %dma_wait3A = tpu.memref_slice %arg3[%mul3A_2] : memref<353280xi32, #tpu.memory_space<hbm>> -> memref<11040xi32, #tpu.memory_space<hbm>>
      %dma_wait3A_16 = tpu.memref_slice %arg3[%mul3A_2] : memref<353280xi32, #tpu.memory_space<hbm>> -> memref<11040xi32, #tpu.memory_space<hbm>>
      tpu.wait_dma2 semaphore(%run_scoped3A : memref<!tpu.dma_semaphore, #tpu.memory_space<semaphore_mem>>) src(%dma_wait3A_16 : memref<11040xi32, #tpu.memory_space<hbm>>) dst(%arg7 : memref<11040xi32, #tpu.memory_space<vmem>>)
      tpu.yield
    }) : () -> ()
    "tpu.region"() ({
      %run_scoped3A = tpu.sem_alloc : memref<!tpu.dma_semaphore, #tpu.memory_space<semaphore_mem>>
      %dma_start3A = tpu.memref_slice %arg4[%mul3A_2] : memref<353280xf32, #tpu.memory_space<hbm>> -> memref<11040xf32, #tpu.memory_space<hbm>>
      %dma_start3A_15 = tpu.memref_slice %arg4[%mul3A_2] : memref<353280xf32, #tpu.memory_space<hbm>> -> memref<11040xf32, #tpu.memory_space<hbm>>
      tpu.enqueue_dma source(%dma_start3A_15 : memref<11040xf32, #tpu.memory_space<hbm>>) target(%arg8 : memref<11040xf32, #tpu.memory_space<vmem>>) target_semaphore(%run_scoped3A : memref<!tpu.dma_semaphore, #tpu.memory_space<semaphore_mem>>)
      %dma_wait3A = tpu.memref_slice %arg4[%mul3A_2] : memref<353280xf32, #tpu.memory_space<hbm>> -> memref<11040xf32, #tpu.memory_space<hbm>>
      %dma_wait3A_16 = tpu.memref_slice %arg4[%mul3A_2] : memref<353280xf32, #tpu.memory_space<hbm>> -> memref<11040xf32, #tpu.memory_space<hbm>>
      tpu.wait_dma2 semaphore(%run_scoped3A : memref<!tpu.dma_semaphore, #tpu.memory_space<semaphore_mem>>) src(%dma_wait3A_16 : memref<11040xf32, #tpu.memory_space<hbm>>) dst(%arg8 : memref<11040xf32, #tpu.memory_space<vmem>>)
      tpu.yield
    }) : () -> ()
    %broadcast_in_dim3A = arith.constant 0.000000e+00 : f32
    %broadcast_in_dim3A_3 = vector.broadcast %broadcast_in_dim3A : f32 to vector<16xf32>
    %scan3A = arith.constant 0 : i32
    %scan3A_4 = arith.constant 0 : i32
    %scan3A_5 = arith.constant 1875 : i32
    %scan3A_6 = arith.addi %scan3A_4, %scan3A_5 : i32
    %scan3A_7 = arith.constant 1 : i32
    scf.for %scan3A_15 = %scan3A_4 to %scan3A_6 step %scan3A_7  : i32 {
      %mul3A_16 = arith.constant 16 : i32
      %mul3A_17 = arith.muli %scan3A_15, %mul3A_16 : i32
      %swap3A = arith.index_cast %mul3A_17 : i32 to index
      %swap3A_18 = tpu.vector_load %arg9[%swap3A] {strides = array<i32>} : memref<30000xf32, #tpu.memory_space<vmem>>, vector<16xf32>,
      tpu.vector_store %arg9[%swap3A], %broadcast_in_dim3A_3 {strides = array<i32>} : memref<30000xf32, #tpu.memory_space<vmem>>, vector<16xf32>,
    }
    %scan3A_8 = arith.constant 1875 : i32
    %scan3A_9 = arith.constant 0 : i32
    %scan3A_10 = arith.constant 0 : i32
    %scan3A_11 = arith.constant 690 : i32
    %scan3A_12 = arith.addi %scan3A_10, %scan3A_11 : i32
    %scan3A_13 = arith.constant 1 : i32
    scf.for %scan3A_15 = %scan3A_10 to %scan3A_12 step %scan3A_13  : i32 {
      %mul3A_16 = arith.constant 16 : i32
      %mul3A_17 = arith.muli %scan3A_15, %mul3A_16 : i32
      %get3A = arith.index_cast %mul3A_17 : i32 to index
      %get3A_18 = tpu.vector_load %arg7[%get3A] {strides = array<i32>} : memref<11040xi32, #tpu.memory_space<vmem>>, vector<16xi32>,
      %mul3A_19 = arith.constant 16 : i32
      %mul3A_20 = arith.muli %scan3A_15, %mul3A_19 : i32
      %get3A_21 = arith.index_cast %mul3A_20 : i32 to index
      %get3A_22 = tpu.vector_load %arg6[%get3A_21] {strides = array<i32>} : memref<11040xi32, #tpu.memory_space<vmem>>, vector<16xi32>,
      %mul3A_23 = arith.constant 16 : i32
      %mul3A_24 = arith.muli %scan3A_15, %mul3A_23 : i32
      %get3A_25 = arith.index_cast %mul3A_24 : i32 to index
      %get3A_26 = tpu.vector_load %arg8[%get3A_25] {strides = array<i32>} : memref<11040xf32, #tpu.memory_space<vmem>>, vector<16xf32>,
      %mul3A_27 = arith.constant 10000 : i32
      %mul3A_28 = vector.broadcast %mul3A_27 : i32 to vector<16xi32>
      %mul3A_29 = arith.muli %get3A_18, %mul3A_28 : vector<16xi32>
      %add3A_30 = arith.addi %mul3A_29, %get3A_22 : vector<16xi32>
      tpu.vector_store_idx %arg9[%add3A_30], %get3A_26 {add = true} : memref<30000xf32, #tpu.memory_space<vmem>>[vector<16xi32>], vector<16xf32>,
    }
    %scan3A_14 = arith.constant 690 : i32
    "tpu.region"() ({
      %run_scoped3A = tpu.sem_alloc : memref<!tpu.dma_semaphore, #tpu.memory_space<semaphore_mem>>
      %dma_start3A = arith.constant 0 : i32
      %dma_start3A_15 = tpu.memref_slice %arg5[%add3A, %dma_start3A] : memref<32x30000xf32, #tpu.memory_space<hbm>> -> memref<1x30000xf32, #tpu.memory_space<hbm>>
      %dma_start3A_16 = tpu.memref_squeeze %dma_start3A_15 : memref<1x30000xf32, #tpu.memory_space<hbm>> -> memref<30000xf32, #tpu.memory_space<hbm>>
      %dma_start3A_17 = arith.constant 0 : i32
      %dma_start3A_18 = tpu.memref_slice %arg5[%add3A, %dma_start3A_17] : memref<32x30000xf32, #tpu.memory_space<hbm>> -> memref<1x30000xf32, #tpu.memory_space<hbm>>
      %dma_start3A_19 = tpu.memref_squeeze %dma_start3A_18 : memref<1x30000xf32, #tpu.memory_space<hbm>> -> memref<30000xf32, #tpu.memory_space<hbm>>
      tpu.enqueue_dma source(%arg9 : memref<30000xf32, #tpu.memory_space<vmem>>) target(%dma_start3A_19 : memref<30000xf32, #tpu.memory_space<hbm>>) target_semaphore(%run_scoped3A : memref<!tpu.dma_semaphore, #tpu.memory_space<semaphore_mem>>)
      %dma_wait3A = arith.constant 0 : i32
      %dma_wait3A_20 = tpu.memref_slice %arg5[%add3A, %dma_wait3A] : memref<32x30000xf32, #tpu.memory_space<hbm>> -> memref<1x30000xf32, #tpu.memory_space<hbm>>
      %dma_wait3A_21 = tpu.memref_squeeze %dma_wait3A_20 : memref<1x30000xf32, #tpu.memory_space<hbm>> -> memref<30000xf32, #tpu.memory_space<hbm>>
      %dma_wait3A_22 = arith.constant 0 : i32
      %dma_wait3A_23 = tpu.memref_slice %arg5[%add3A, %dma_wait3A_22] : memref<32x30000xf32, #tpu.memory_space<hbm>> -> memref<1x30000xf32, #tpu.memory_space<hbm>>
      %dma_wait3A_24 = tpu.memref_squeeze %dma_wait3A_23 : memref<1x30000xf32, #tpu.memory_space<hbm>> -> memref<30000xf32, #tpu.memory_space<hbm>>
      tpu.wait_dma2 semaphore(%run_scoped3A : memref<!tpu.dma_semaphore, #tpu.memory_space<semaphore_mem>>) src(%arg9 : memref<30000xf32, #tpu.memory_space<vmem>>) dst(%dma_wait3A_24 : memref<30000xf32, #tpu.memory_space<hbm>>)
      tpu.yield
    }) : () -> ()
    return
  }
}

#map = affine_map<(d0, d1) -> (0, 0)>
#map1 = affine_map<(d0, d1) -> (0)>
#map2 = affine_map<(d0, d1) -> (0, 0, 0)>
module attributes {stable_mosaic.version = 14 : i64} {
  func.func @_msg_body(%arg0: i32, %arg1: i32, %arg2: memref<30000x128xf32, #tpu.memory_space<hbm>>, %arg3: memref<706560xi32, #tpu.memory_space<hbm>>, %arg4: memref<706560xf32, #tpu.memory_space<hbm>>, %arg5: memref<512xi32, #tpu.memory_space<hbm>>, %arg6: memref<2x15104x128xf32, #tpu.memory_space<hbm>>, %arg7: memref<32xi32, #tpu.memory_space<vmem>>, %arg8: memref<2x32xi32, #tpu.memory_space<vmem>>, %arg9: memref<2x32xi32, #tpu.memory_space<vmem>>, %arg10: memref<2x32xf32, #tpu.memory_space<vmem>>, %arg11: memref<16xi32, #tpu.memory_space<vmem>>, %arg12: memref<2x32x128xf32, #tpu.memory_space<vmem>>, %arg13: memref<15104x128xf32, #tpu.memory_space<vmem_shared>>, %arg14: memref<2x!tpu.dma_semaphore, #tpu.memory_space<semaphore_mem>>, %arg15: memref<2x!tpu.dma_semaphore, #tpu.memory_space<semaphore_mem>>, %arg16: memref<!tpu.dma_semaphore, #tpu.memory_space<semaphore_mem>>) attributes {dimension_semantics = [#tpu.dimension_semantics<core_parallel>, #tpu.dimension_semantics<subcore_parallel>], iteration_bounds = array<i64: 2, 16>, scalar_prefetch = 0 : i64, scratch_operands = 10 : i64, tpu.core_type = #tpu.core_type<sc_vector_subcore>, window_params = [{transform_indices = #map}, {transform_indices = #map1}, {transform_indices = #map1}, {transform_indices = #map1}, {transform_indices = #map2}]} {
    %broadcast_in_dim3A = arith.constant 0.000000e+00 : f32
    %broadcast_in_dim3A_0 = vector.broadcast %broadcast_in_dim3A : f32 to vector<16xf32>
    %scan3A = arith.constant 0 : i32
    %scan3A_1 = arith.constant 0 : i32
    %scan3A_2 = arith.constant 32 : i32
    %scan3A_3 = arith.addi %scan3A_1, %scan3A_2 : i32
    %scan3A_4 = arith.constant 1 : i32
    scf.for %scan3A_65 = %scan3A_1 to %scan3A_3 step %scan3A_4  : i32 {
      %swap3A = arith.constant 0 : i32
      %swap3A_66 = arith.index_cast %swap3A : i32 to index
      %swap3A_67 = arith.index_cast %scan3A_65 : i32 to index
      %swap3A_68 = arith.constant 0 : index
      %swap3A_69 = tpu.vector_load %arg12[%swap3A_66, %swap3A_67, %swap3A_68] {strides = array<i32>} : memref<2x32x128xf32, #tpu.memory_space<vmem>>, vector<16xf32>,
      tpu.vector_store %arg12[%swap3A_66, %swap3A_67, %swap3A_68], %broadcast_in_dim3A_0 {strides = array<i32>} : memref<2x32x128xf32, #tpu.memory_space<vmem>>, vector<16xf32>,
      %swap3A_70 = arith.constant 0 : i32
      %swap3A_71 = arith.index_cast %swap3A_70 : i32 to index
      %swap3A_72 = arith.index_cast %scan3A_65 : i32 to index
      %swap3A_73 = arith.constant 16 : index
      %swap3A_74 = tpu.vector_load %arg12[%swap3A_71, %swap3A_72, %swap3A_73] {strides = array<i32>} : memref<2x32x128xf32, #tpu.memory_space<vmem>>, vector<16xf32>,
      tpu.vector_store %arg12[%swap3A_71, %swap3A_72, %swap3A_73], %broadcast_in_dim3A_0 {strides = array<i32>} : memref<2x32x128xf32, #tpu.memory_space<vmem>>, vector<16xf32>,
      %swap3A_75 = arith.constant 0 : i32
      %swap3A_76 = arith.index_cast %swap3A_75 : i32 to index
      %swap3A_77 = arith.index_cast %scan3A_65 : i32 to index
      %swap3A_78 = arith.constant 32 : index
      %swap3A_79 = tpu.vector_load %arg12[%swap3A_76, %swap3A_77, %swap3A_78] {strides = array<i32>} : memref<2x32x128xf32, #tpu.memory_space<vmem>>, vector<16xf32>,
      tpu.vector_store %arg12[%swap3A_76, %swap3A_77, %swap3A_78], %broadcast_in_dim3A_0 {strides = array<i32>} : memref<2x32x128xf32, #tpu.memory_space<vmem>>, vector<16xf32>,
      %swap3A_80 = arith.constant 0 : i32
      %swap3A_81 = arith.index_cast %swap3A_80 : i32 to index
      %swap3A_82 = arith.index_cast %scan3A_65 : i32 to index
      %swap3A_83 = arith.constant 48 : index
      %swap3A_84 = tpu.vector_load %arg12[%swap3A_81, %swap3A_82, %swap3A_83] {strides = array<i32>} : memref<2x32x128xf32, #tpu.memory_space<vmem>>, vector<16xf32>,
      tpu.vector_store %arg12[%swap3A_81, %swap3A_82, %swap3A_83], %broadcast_in_dim3A_0 {strides = array<i32>} : memref<2x32x128xf32, #tpu.memory_space<vmem>>, vector<16xf32>,
      %swap3A_85 = arith.constant 0 : i32
      %swap3A_86 = arith.index_cast %swap3A_85 : i32 to index
      %swap3A_87 = arith.index_cast %scan3A_65 : i32 to index
      %swap3A_88 = arith.constant 64 : index
      %swap3A_89 = tpu.vector_load %arg12[%swap3A_86, %swap3A_87, %swap3A_88] {strides = array<i32>} : memref<2x32x128xf32, #tpu.memory_space<vmem>>, vector<16xf32>,
      tpu.vector_store %arg12[%swap3A_86, %swap3A_87, %swap3A_88], %broadcast_in_dim3A_0 {strides = array<i32>} : memref<2x32x128xf32, #tpu.memory_space<vmem>>, vector<16xf32>,
      %swap3A_90 = arith.constant 0 : i32
      %swap3A_91 = arith.index_cast %swap3A_90 : i32 to index
      %swap3A_92 = arith.index_cast %scan3A_65 : i32 to index
      %swap3A_93 = arith.constant 80 : index
      %swap3A_94 = tpu.vector_load %arg12[%swap3A_91, %swap3A_92, %swap3A_93] {strides = array<i32>} : memref<2x32x128xf32, #tpu.memory_space<vmem>>, vector<16xf32>,
      tpu.vector_store %arg12[%swap3A_91, %swap3A_92, %swap3A_93], %broadcast_in_dim3A_0 {strides = array<i32>} : memref<2x32x128xf32, #tpu.memory_space<vmem>>, vector<16xf32>,
      %swap3A_95 = arith.constant 0 : i32
      %swap3A_96 = arith.index_cast %swap3A_95 : i32 to index
      %swap3A_97 = arith.index_cast %scan3A_65 : i32 to index
      %swap3A_98 = arith.constant 96 : index
      %swap3A_99 = tpu.vector_load %arg12[%swap3A_96, %swap3A_97, %swap3A_98] {strides = array<i32>} : memref<2x32x128xf32, #tpu.memory_space<vmem>>, vector<16xf32>,
      tpu.vector_store %arg12[%swap3A_96, %swap3A_97, %swap3A_98], %broadcast_in_dim3A_0 {strides = array<i32>} : memref<2x32x128xf32, #tpu.memory_space<vmem>>, vector<16xf32>,
      %swap3A_100 = arith.constant 0 : i32
      %swap3A_101 = arith.index_cast %swap3A_100 : i32 to index
      %swap3A_102 = arith.index_cast %scan3A_65 : i32 to index
      %swap3A_103 = arith.constant 112 : index
      %swap3A_104 = tpu.vector_load %arg12[%swap3A_101, %swap3A_102, %swap3A_103] {strides = array<i32>} : memref<2x32x128xf32, #tpu.memory_space<vmem>>, vector<16xf32>,
      tpu.vector_store %arg12[%swap3A_101, %swap3A_102, %swap3A_103], %broadcast_in_dim3A_0 {strides = array<i32>} : memref<2x32x128xf32, #tpu.memory_space<vmem>>, vector<16xf32>,
    }
    %scan3A_5 = arith.constant 32 : i32
    %scan3A_6 = arith.constant 0 : i32
    %scan3A_7 = arith.constant 0 : i32
    %scan3A_8 = arith.constant 29 : i32
    %scan3A_9 = arith.addi %scan3A_7, %scan3A_8 : i32
    %scan3A_10 = arith.constant 1 : i32
    scf.for %scan3A_65 = %scan3A_7 to %scan3A_9 step %scan3A_10  : i32 {
      %mul3A_66 = arith.constant 944 : i32
      %mul3A_67 = arith.muli %arg1, %mul3A_66 : i32
      %mul3A_68 = arith.constant 32 : i32
      %mul3A_69 = arith.muli %scan3A_65, %mul3A_68 : i32
      %add3A_70 = arith.addi %mul3A_67, %mul3A_69 : i32
      %run_scoped3A_71 = arith.constant 0 : i32
      "tpu.region"() ({
        %run_scoped3A_72 = tpu.sem_alloc : memref<!tpu.dma_semaphore, #tpu.memory_space<semaphore_mem>>
        %dma_start3A = arith.constant 0 : i32
        %dma_start3A_73 = arith.constant 0 : i32
        %dma_start3A_74 = tpu.memref_slice %arg12[%run_scoped3A_71, %dma_start3A, %dma_start3A_73] : memref<2x32x128xf32, #tpu.memory_space<vmem>> -> memref<1x32x128xf32, #tpu.memory_space<vmem>>
        %dma_start3A_75 = tpu.memref_squeeze %dma_start3A_74 : memref<1x32x128xf32, #tpu.memory_space<vmem>> -> memref<32x128xf32, #tpu.memory_space<vmem>>
        %dma_start3A_76 = arith.constant 0 : i32
        %dma_start3A_77 = tpu.memref_slice %arg13[%add3A_70, %dma_start3A_76] : memref<15104x128xf32, #tpu.memory_space<vmem_shared>> -> memref<32x128xf32, #tpu.memory_space<vmem_shared>>
        %dma_start3A_78 = arith.constant 0 : i32
        %dma_start3A_79 = tpu.memref_slice %arg13[%add3A_70, %dma_start3A_78] : memref<15104x128xf32, #tpu.memory_space<vmem_shared>> -> memref<32x128xf32, #tpu.memory_space<vmem_shared>>
        %dma_start3A_80 = arith.constant 0 : i32
        %dma_start3A_81 = arith.constant 0 : i32
        %dma_start3A_82 = tpu.memref_slice %arg12[%run_scoped3A_71, %dma_start3A_80, %dma_start3A_81] : memref<2x32x128xf32, #tpu.memory_space<vmem>> -> memref<1x32x128xf32, #tpu.memory_space<vmem>>
        %dma_start3A_83 = tpu.memref_squeeze %dma_start3A_82 : memref<1x32x128xf32, #tpu.memory_space<vmem>> -> memref<32x128xf32, #tpu.memory_space<vmem>>
        tpu.enqueue_dma source(%dma_start3A_83 : memref<32x128xf32, #tpu.memory_space<vmem>>) target(%dma_start3A_79 : memref<32x128xf32, #tpu.memory_space<vmem_shared>>) target_semaphore(%run_scoped3A_72 : memref<!tpu.dma_semaphore, #tpu.memory_space<semaphore_mem>>)
        %dma_wait3A = arith.constant 0 : i32
        %dma_wait3A_84 = arith.constant 0 : i32
        %dma_wait3A_85 = tpu.memref_slice %arg12[%run_scoped3A_71, %dma_wait3A, %dma_wait3A_84] : memref<2x32x128xf32, #tpu.memory_space<vmem>> -> memref<1x32x128xf32, #tpu.memory_space<vmem>>
        %dma_wait3A_86 = tpu.memref_squeeze %dma_wait3A_85 : memref<1x32x128xf32, #tpu.memory_space<vmem>> -> memref<32x128xf32, #tpu.memory_space<vmem>>
        %dma_wait3A_87 = arith.constant 0 : i32
        %dma_wait3A_88 = tpu.memref_slice %arg13[%add3A_70, %dma_wait3A_87] : memref<15104x128xf32, #tpu.memory_space<vmem_shared>> -> memref<32x128xf32, #tpu.memory_space<vmem_shared>>
        %dma_wait3A_89 = arith.constant 0 : i32
        %dma_wait3A_90 = tpu.memref_slice %arg13[%add3A_70, %dma_wait3A_89] : memref<15104x128xf32, #tpu.memory_space<vmem_shared>> -> memref<32x128xf32, #tpu.memory_space<vmem_shared>>
        %dma_wait3A_91 = arith.constant 0 : i32
        %dma_wait3A_92 = arith.constant 0 : i32
        %dma_wait3A_93 = tpu.memref_slice %arg12[%run_scoped3A_71, %dma_wait3A_91, %dma_wait3A_92] : memref<2x32x128xf32, #tpu.memory_space<vmem>> -> memref<1x32x128xf32, #tpu.memory_space<vmem>>
        %dma_wait3A_94 = tpu.memref_squeeze %dma_wait3A_93 : memref<1x32x128xf32, #tpu.memory_space<vmem>> -> memref<32x128xf32, #tpu.memory_space<vmem>>
        tpu.wait_dma2 semaphore(%run_scoped3A_72 : memref<!tpu.dma_semaphore, #tpu.memory_space<semaphore_mem>>) src(%dma_wait3A_94 : memref<32x128xf32, #tpu.memory_space<vmem>>) dst(%dma_wait3A_90 : memref<32x128xf32, #tpu.memory_space<vmem_shared>>)
        tpu.yield
      }) : () -> ()
    }
    %scan3A_11 = arith.constant 29 : i32
    %mul3A = arith.constant 944 : i32
    %mul3A_12 = arith.muli %arg1, %mul3A : i32
    %add3A = arith.constant 928 : i32
    %add3A_13 = arith.addi %mul3A_12, %add3A : i32
    %run_scoped3A = arith.constant 0 : i32
    "tpu.region"() ({
      %run_scoped3A_65 = tpu.sem_alloc : memref<!tpu.dma_semaphore, #tpu.memory_space<semaphore_mem>>
      %dma_start3A = arith.constant 0 : i32
      %dma_start3A_66 = arith.constant 0 : i32
      %dma_start3A_67 = tpu.memref_slice %arg12[%run_scoped3A, %dma_start3A, %dma_start3A_66] : memref<2x32x128xf32, #tpu.memory_space<vmem>> -> memref<1x16x128xf32, #tpu.memory_space<vmem>>
      %dma_start3A_68 = tpu.memref_squeeze %dma_start3A_67 : memref<1x16x128xf32, #tpu.memory_space<vmem>> -> memref<16x128xf32, #tpu.memory_space<vmem>>
      %dma_start3A_69 = arith.constant 0 : i32
      %dma_start3A_70 = tpu.memref_slice %arg13[%add3A_13, %dma_start3A_69] : memref<15104x128xf32, #tpu.memory_space<vmem_shared>> -> memref<16x128xf32, #tpu.memory_space<vmem_shared>>
      %dma_start3A_71 = arith.constant 0 : i32
      %dma_start3A_72 = tpu.memref_slice %arg13[%add3A_13, %dma_start3A_71] : memref<15104x128xf32, #tpu.memory_space<vmem_shared>> -> memref<16x128xf32, #tpu.memory_space<vmem_shared>>
      %dma_start3A_73 = arith.constant 0 : i32
      %dma_start3A_74 = arith.constant 0 : i32
      %dma_start3A_75 = tpu.memref_slice %arg12[%run_scoped3A, %dma_start3A_73, %dma_start3A_74] : memref<2x32x128xf32, #tpu.memory_space<vmem>> -> memref<1x16x128xf32, #tpu.memory_space<vmem>>
      %dma_start3A_76 = tpu.memref_squeeze %dma_start3A_75 : memref<1x16x128xf32, #tpu.memory_space<vmem>> -> memref<16x128xf32, #tpu.memory_space<vmem>>
      tpu.enqueue_dma source(%dma_start3A_76 : memref<16x128xf32, #tpu.memory_space<vmem>>) target(%dma_start3A_72 : memref<16x128xf32, #tpu.memory_space<vmem_shared>>) target_semaphore(%run_scoped3A_65 : memref<!tpu.dma_semaphore, #tpu.memory_space<semaphore_mem>>)
      %dma_wait3A = arith.constant 0 : i32
      %dma_wait3A_77 = arith.constant 0 : i32
      %dma_wait3A_78 = tpu.memref_slice %arg12[%run_scoped3A, %dma_wait3A, %dma_wait3A_77] : memref<2x32x128xf32, #tpu.memory_space<vmem>> -> memref<1x16x128xf32, #tpu.memory_space<vmem>>
      %dma_wait3A_79 = tpu.memref_squeeze %dma_wait3A_78 : memref<1x16x128xf32, #tpu.memory_space<vmem>> -> memref<16x128xf32, #tpu.memory_space<vmem>>
      %dma_wait3A_80 = arith.constant 0 : i32
      %dma_wait3A_81 = tpu.memref_slice %arg13[%add3A_13, %dma_wait3A_80] : memref<15104x128xf32, #tpu.memory_space<vmem_shared>> -> memref<16x128xf32, #tpu.memory_space<vmem_shared>>
      %dma_wait3A_82 = arith.constant 0 : i32
      %dma_wait3A_83 = tpu.memref_slice %arg13[%add3A_13, %dma_wait3A_82] : memref<15104x128xf32, #tpu.memory_space<vmem_shared>> -> memref<16x128xf32, #tpu.memory_space<vmem_shared>>
      %dma_wait3A_84 = arith.constant 0 : i32
      %dma_wait3A_85 = arith.constant 0 : i32
      %dma_wait3A_86 = tpu.memref_slice %arg12[%run_scoped3A, %dma_wait3A_84, %dma_wait3A_85] : memref<2x32x128xf32, #tpu.memory_space<vmem>> -> memref<1x16x128xf32, #tpu.memory_space<vmem>>
      %dma_wait3A_87 = tpu.memref_squeeze %dma_wait3A_86 : memref<1x16x128xf32, #tpu.memory_space<vmem>> -> memref<16x128xf32, #tpu.memory_space<vmem>>
      tpu.wait_dma2 semaphore(%run_scoped3A_65 : memref<!tpu.dma_semaphore, #tpu.memory_space<semaphore_mem>>) src(%dma_wait3A_87 : memref<16x128xf32, #tpu.memory_space<vmem>>) dst(%dma_wait3A_83 : memref<16x128xf32, #tpu.memory_space<vmem_shared>>)
      tpu.yield
    }) : () -> ()
    %barrier3A = arith.constant 0 : index
    tpu.barrier barrier_id(%barrier3A)
    %mul3A_14 = arith.constant 16 : i32
    %mul3A_15 = arith.muli %arg0, %mul3A_14 : i32
    %add3A_16 = arith.addi %mul3A_15, %arg1 : i32
    %mul3A_17 = arith.constant 16 : i32
    %mul3A_18 = arith.muli %add3A_16, %mul3A_17 : i32
    "tpu.region"() ({
      %run_scoped3A_65 = tpu.sem_alloc : memref<!tpu.dma_semaphore, #tpu.memory_space<semaphore_mem>>
      %dma_start3A = tpu.memref_slice %arg5[%mul3A_18] : memref<512xi32, #tpu.memory_space<hbm>> -> memref<16xi32, #tpu.memory_space<hbm>>
      %dma_start3A_66 = tpu.memref_slice %arg5[%mul3A_18] : memref<512xi32, #tpu.memory_space<hbm>> -> memref<16xi32, #tpu.memory_space<hbm>>
      tpu.enqueue_dma source(%dma_start3A_66 : memref<16xi32, #tpu.memory_space<hbm>>) target(%arg11 : memref<16xi32, #tpu.memory_space<vmem>>) target_semaphore(%run_scoped3A_65 : memref<!tpu.dma_semaphore, #tpu.memory_space<semaphore_mem>>)
      %dma_wait3A = tpu.memref_slice %arg5[%mul3A_18] : memref<512xi32, #tpu.memory_space<hbm>> -> memref<16xi32, #tpu.memory_space<hbm>>
      %dma_wait3A_67 = tpu.memref_slice %arg5[%mul3A_18] : memref<512xi32, #tpu.memory_space<hbm>> -> memref<16xi32, #tpu.memory_space<hbm>>
      tpu.wait_dma2 semaphore(%run_scoped3A_65 : memref<!tpu.dma_semaphore, #tpu.memory_space<semaphore_mem>>) src(%dma_wait3A_67 : memref<16xi32, #tpu.memory_space<hbm>>) dst(%arg11 : memref<16xi32, #tpu.memory_space<vmem>>)
      tpu.yield
    }) : () -> ()
    %get3A = arith.constant 0 : index
    %get3A_19 = tpu.vector_load %arg11[%get3A] {strides = array<i32>} : memref<16xi32, #tpu.memory_space<vmem>>, vector<16xi32>,
    %slice3A = vector.extract_strided_slice %get3A_19 {offsets = [0], sizes = [1], strides = [1]} : vector<16xi32> to vector<1xi32>
    %squeeze3A = vector.extract %slice3A[0] : i32 from vector<1xi32>
    %add3A_20 = arith.constant 31 : i32
    %add3A_21 = arith.addi %squeeze3A, %add3A_20 : i32
    %jit3A = arith.constant 32 : i32
    %div3A = arith.divsi %add3A_21, %jit3A : i32
    %sign3A = arith.constant 0 : i32
    %sign3A_22 = arith.cmpi sgt, %add3A_21, %sign3A : i32
    %sign3A_23 = arith.extui %sign3A_22 : i1 to i32
    %sign3A_24 = arith.constant 0 : i32
    %sign3A_25 = arith.cmpi slt, %add3A_21, %sign3A_24 : i32
    %sign3A_26 = arith.extui %sign3A_25 : i1 to i32
    %sign3A_27 = arith.subi %sign3A_23, %sign3A_26 : i32
    %sign3A_28 = arith.constant 0 : i32
    %sign3A_29 = arith.cmpi sgt, %jit3A, %sign3A_28 : i32
    %sign3A_30 = arith.extui %sign3A_29 : i1 to i32
    %sign3A_31 = arith.constant 0 : i32
    %sign3A_32 = arith.cmpi slt, %jit3A, %sign3A_31 : i32
    %sign3A_33 = arith.extui %sign3A_32 : i1 to i32
    %sign3A_34 = arith.subi %sign3A_30, %sign3A_33 : i32
    %ne3A = arith.cmpi ne, %sign3A_27, %sign3A_34 : i32
    %rem3A = arith.remsi %add3A_21, %jit3A : i32
    %ne3A_35 = arith.constant 0 : i32
    %ne3A_36 = arith.cmpi ne, %rem3A, %ne3A_35 : i32
    %and3A = arith.andi %ne3A, %ne3A_36 : i1
    %sub3A = arith.constant 1 : i32
    %sub3A_37 = arith.subi %div3A, %sub3A : i32
    %select_n3A = arith.select %and3A, %sub3A_37, %div3A : i32
    %mul3A_38 = arith.constant 353280 : i32
    %mul3A_39 = arith.muli %arg0, %mul3A_38 : i32
    %mul3A_40 = arith.constant 22080 : i32
    %mul3A_41 = arith.muli %arg1, %mul3A_40 : i32
    %add3A_42 = arith.addi %mul3A_39, %mul3A_41 : i32
    %gt3A = arith.constant 0 : i32
    %gt3A_43 = arith.cmpi sgt, %select_n3A, %gt3A : i32
    %convert_element_type3A = arith.extui %gt3A_43 : i1 to i32
    %cond3A = arith.constant 0 : i32
    %cond3A_44 = arith.cmpi ne, %convert_element_type3A, %cond3A : i32
    scf.if %cond3A_44 {
      %mul3A_65 = arith.constant 0 : i32
      %mul3A_66 = arith.constant 32 : i32
      %mul3A_67 = arith.muli %mul3A_65, %mul3A_66 : i32
      %add3A_68 = arith.addi %add3A_42, %mul3A_67 : i32
      %dma_start3A = tpu.memref_slice %arg3[%add3A_68] : memref<706560xi32, #tpu.memory_space<hbm>> -> memref<32xi32, #tpu.memory_space<hbm>>
      %dma_start3A_69 = tpu.memref_slice %arg3[%add3A_68] : memref<706560xi32, #tpu.memory_space<hbm>> -> memref<32xi32, #tpu.memory_space<hbm>>
      tpu.enqueue_dma source(%dma_start3A_69 : memref<32xi32, #tpu.memory_space<hbm>>) target(%arg7 : memref<32xi32, #tpu.memory_space<vmem>>) target_semaphore(%arg16 : memref<!tpu.dma_semaphore, #tpu.memory_space<semaphore_mem>>)
      %dma_start3A_70 = arith.constant 0 : i32
      %dma_start3A_71 = arith.constant 0 : i32
      %dma_start3A_72 = tpu.memref_slice %arg10[%dma_start3A_70, %dma_start3A_71] : memref<2x32xf32, #tpu.memory_space<vmem>> -> memref<1x32xf32, #tpu.memory_space<vmem>>
      %dma_start3A_73 = tpu.memref_squeeze %dma_start3A_72 : memref<1x32xf32, #tpu.memory_space<vmem>> -> memref<32xf32, #tpu.memory_space<vmem>>
      %dma_start3A_74 = tpu.memref_slice %arg4[%add3A_68] : memref<706560xf32, #tpu.memory_space<hbm>> -> memref<32xf32, #tpu.memory_space<hbm>>
      %dma_start3A_75 = arith.constant 0 : i32
      %dma_start3A_76 = tpu.memref_slice %arg10[%dma_start3A_70, %dma_start3A_75] : memref<2x32xf32, #tpu.memory_space<vmem>> -> memref<1x32xf32, #tpu.memory_space<vmem>>
      %dma_start3A_77 = tpu.memref_squeeze %dma_start3A_76 : memref<1x32xf32, #tpu.memory_space<vmem>> -> memref<32xf32, #tpu.memory_space<vmem>>
      %dma_start3A_78 = tpu.memref_slice %arg4[%add3A_68] : memref<706560xf32, #tpu.memory_space<hbm>> -> memref<32xf32, #tpu.memory_space<hbm>>
      tpu.enqueue_dma source(%dma_start3A_78 : memref<32xf32, #tpu.memory_space<hbm>>) target(%dma_start3A_77 : memref<32xf32, #tpu.memory_space<vmem>>) target_semaphore(%arg16 : memref<!tpu.dma_semaphore, #tpu.memory_space<semaphore_mem>>)
      %mul3A_79 = arith.constant 0 : i32
      %mul3A_80 = arith.constant 32 : i32
      %mul3A_81 = arith.muli %mul3A_79, %mul3A_80 : i32
      %add3A_82 = arith.addi %add3A_42, %mul3A_81 : i32
      %dma_wait3A = tpu.memref_slice %arg3[%add3A_82] : memref<706560xi32, #tpu.memory_space<hbm>> -> memref<32xi32, #tpu.memory_space<hbm>>
      %dma_wait3A_83 = tpu.memref_slice %arg3[%add3A_82] : memref<706560xi32, #tpu.memory_space<hbm>> -> memref<32xi32, #tpu.memory_space<hbm>>
      tpu.wait_dma2 semaphore(%arg16 : memref<!tpu.dma_semaphore, #tpu.memory_space<semaphore_mem>>) src(%dma_wait3A_83 : memref<32xi32, #tpu.memory_space<hbm>>) dst(%arg7 : memref<32xi32, #tpu.memory_space<vmem>>)
      %dma_wait3A_84 = arith.constant 0 : i32
      %dma_wait3A_85 = arith.constant 0 : i32
      %dma_wait3A_86 = tpu.memref_slice %arg10[%dma_wait3A_84, %dma_wait3A_85] : memref<2x32xf32, #tpu.memory_space<vmem>> -> memref<1x32xf32, #tpu.memory_space<vmem>>
      %dma_wait3A_87 = tpu.memref_squeeze %dma_wait3A_86 : memref<1x32xf32, #tpu.memory_space<vmem>> -> memref<32xf32, #tpu.memory_space<vmem>>
      %dma_wait3A_88 = tpu.memref_slice %arg4[%add3A_82] : memref<706560xf32, #tpu.memory_space<hbm>> -> memref<32xf32, #tpu.memory_space<hbm>>
      %dma_wait3A_89 = arith.constant 0 : i32
      %dma_wait3A_90 = tpu.memref_slice %arg10[%dma_wait3A_84, %dma_wait3A_89] : memref<2x32xf32, #tpu.memory_space<vmem>> -> memref<1x32xf32, #tpu.memory_space<vmem>>
      %dma_wait3A_91 = tpu.memref_squeeze %dma_wait3A_90 : memref<1x32xf32, #tpu.memory_space<vmem>> -> memref<32xf32, #tpu.memory_space<vmem>>
      %dma_wait3A_92 = tpu.memref_slice %arg4[%add3A_82] : memref<706560xf32, #tpu.memory_space<hbm>> -> memref<32xf32, #tpu.memory_space<hbm>>
      tpu.wait_dma2 semaphore(%arg16 : memref<!tpu.dma_semaphore, #tpu.memory_space<semaphore_mem>>) src(%dma_wait3A_92 : memref<32xf32, #tpu.memory_space<hbm>>) dst(%dma_wait3A_91 : memref<32xf32, #tpu.memory_space<vmem>>)
      %scan3A_93 = arith.constant 0 : i32
      %scan3A_94 = arith.constant 0 : i32
      %scan3A_95 = arith.constant 0 : i32
      %scan3A_96 = arith.constant 2 : i32
      %scan3A_97 = arith.addi %scan3A_95, %scan3A_96 : i32
      %scan3A_98 = arith.constant 1 : i32
      scf.for %scan3A_115 = %scan3A_95 to %scan3A_97 step %scan3A_98  : i32 {
        %mul3A_116 = arith.constant 16 : i32
        %mul3A_117 = arith.muli %scan3A_115, %mul3A_116 : i32
        %get3A_118 = arith.index_cast %mul3A_117 : i32 to index
        %get3A_119 = tpu.vector_load %arg7[%get3A_118] {strides = array<i32>} : memref<32xi32, #tpu.memory_space<vmem>>, vector<16xi32>,
        %shift_right_arithmetic3A = arith.constant 14 : i32
        %shift_right_arithmetic3A_120 = vector.broadcast %shift_right_arithmetic3A : i32 to vector<16xi32>
        %shift_right_arithmetic3A_121 = arith.shrsi %get3A_119, %shift_right_arithmetic3A_120 : vector<16xi32>
        %swap3A = arith.index_cast %scan3A_94 : i32 to index
        %swap3A_122 = arith.index_cast %mul3A_117 : i32 to index
        %swap3A_123 = tpu.vector_load %arg8[%swap3A, %swap3A_122] {strides = array<i32>} : memref<2x32xi32, #tpu.memory_space<vmem>>, vector<16xi32>,
        tpu.vector_store %arg8[%swap3A, %swap3A_122], %shift_right_arithmetic3A_121 {strides = array<i32>} : memref<2x32xi32, #tpu.memory_space<vmem>>, vector<16xi32>,
        %and3A_124 = arith.constant 16383 : i32
        %and3A_125 = vector.broadcast %and3A_124 : i32 to vector<16xi32>
        %and3A_126 = arith.andi %get3A_119, %and3A_125 : vector<16xi32>
        %swap3A_127 = arith.index_cast %scan3A_94 : i32 to index
        %swap3A_128 = arith.index_cast %mul3A_117 : i32 to index
        %swap3A_129 = tpu.vector_load %arg9[%swap3A_127, %swap3A_128] {strides = array<i32>} : memref<2x32xi32, #tpu.memory_space<vmem>>, vector<16xi32>,
        tpu.vector_store %arg9[%swap3A_127, %swap3A_128], %and3A_126 {strides = array<i32>} : memref<2x32xi32, #tpu.memory_space<vmem>>, vector<16xi32>,
      }
      %scan3A_99 = arith.constant 2 : i32
      %dma_start3A_100 = arith.constant 0 : i32
      %dma_start3A_101 = arith.constant 0 : i32
      %dma_start3A_102 = arith.constant 0 : i32
      %dma_start3A_103 = arith.constant 0 : i32
      %dma_start3A_104 = arith.constant 0 : i32
      %dma_start3A_105 = tpu.memref_slice %arg12[%dma_start3A_101, %dma_start3A_103, %dma_start3A_104] : memref<2x32x128xf32, #tpu.memory_space<vmem>> -> memref<1x32x128xf32, #tpu.memory_space<vmem>>
      %dma_start3A_106 = tpu.memref_squeeze %dma_start3A_105 : memref<1x32x128xf32, #tpu.memory_space<vmem>> -> memref<32x128xf32, #tpu.memory_space<vmem>>
      %dma_start3A_107 = arith.constant 0 : i32
      %dma_start3A_108 = tpu.memref_slice %arg8[%dma_start3A_100, %dma_start3A_107] : memref<2x32xi32, #tpu.memory_space<vmem>> -> memref<1x32xi32, #tpu.memory_space<vmem>>
      %dma_start3A_109 = tpu.memref_squeeze %dma_start3A_108 : memref<1x32xi32, #tpu.memory_space<vmem>> -> memref<32xi32, #tpu.memory_space<vmem>>
      %dma_start3A_110 = arith.constant 0 : i32
      %dma_start3A_111 = arith.constant 0 : i32
      %dma_start3A_112 = tpu.memref_slice %arg2[%dma_start3A_110, %dma_start3A_111] : memref<30000x128xf32, #tpu.memory_space<hbm>> -> memref<30000x128xf32, #tpu.memory_space<hbm>>
      %dma_start3A_113 = tpu.memref_slice %arg14[%dma_start3A_102] : memref<2x!tpu.dma_semaphore, #tpu.memory_space<semaphore_mem>> -> memref<1x!tpu.dma_semaphore, #tpu.memory_space<semaphore_mem>>
      %dma_start3A_114 = tpu.memref_squeeze %dma_start3A_113 : memref<1x!tpu.dma_semaphore, #tpu.memory_space<semaphore_mem>> -> memref<!tpu.dma_semaphore, #tpu.memory_space<semaphore_mem>>
      tpu.enqueue_indirect_dma source(%dma_start3A_112 : memref<30000x128xf32, #tpu.memory_space<hbm>>) target(%dma_start3A_106 : memref<32x128xf32, #tpu.memory_space<vmem>>) offsets(%dma_start3A_109 : memref<32xi32, #tpu.memory_space<vmem>>) semaphore(%dma_start3A_114 : memref<!tpu.dma_semaphore, #tpu.memory_space<semaphore_mem>>)
    } else {
    }
    %while3A = arith.constant 0 : i32
    %while3A_45 = arith.constant 0 : i32
    %while3A_46 = arith.subi %select_n3A, %while3A_45 : i32
    %while3A_47 = arith.addi %while3A_45, %while3A_46 : i32
    %while3A_48 = arith.constant 1 : i32
    %while3A_49 = arith.divsi %while3A_46, %while3A_48 : i32
    %while3A_50 = arith.muli %while3A_49, %while3A_48 : i32
    %while3A_51 = arith.addi %while3A_45, %while3A_50 : i32
    %while3A_52 = arith.constant 1 : i32
    scf.for %while3A_65 = %while3A_45 to %while3A_51 step %while3A_52  : i32 {
      %rem3A_66 = arith.constant 2 : i32
      %rem3A_67 = arith.remsi %while3A_65, %rem3A_66 : i32
      %add3A_68 = arith.constant 1 : i32
      %add3A_69 = arith.addi %while3A_65, %add3A_68 : i32
      %lt3A = arith.cmpi slt, %add3A_69, %select_n3A : i32
      %convert_element_type3A_70 = arith.extui %lt3A : i1 to i32
      %cond3A_71 = arith.constant 0 : i32
      %cond3A_72 = arith.cmpi ne, %convert_element_type3A_70, %cond3A_71 : i32
      scf.if %cond3A_72 {
        %add3A_107 = arith.constant 1 : i32
        %add3A_108 = arith.addi %while3A_65, %add3A_107 : i32
        %sub3A_109 = arith.constant 1 : i32
        %sub3A_110 = arith.subi %sub3A_109, %rem3A_67 : i32
        %mul3A_111 = arith.constant 32 : i32
        %mul3A_112 = arith.muli %add3A_108, %mul3A_111 : i32
        %add3A_113 = arith.addi %add3A_42, %mul3A_112 : i32
        %dma_start3A_114 = tpu.memref_slice %arg3[%add3A_113] : memref<706560xi32, #tpu.memory_space<hbm>> -> memref<32xi32, #tpu.memory_space<hbm>>
        %dma_start3A_115 = tpu.memref_slice %arg3[%add3A_113] : memref<706560xi32, #tpu.memory_space<hbm>> -> memref<32xi32, #tpu.memory_space<hbm>>
        tpu.enqueue_dma source(%dma_start3A_115 : memref<32xi32, #tpu.memory_space<hbm>>) target(%arg7 : memref<32xi32, #tpu.memory_space<vmem>>) target_semaphore(%arg16 : memref<!tpu.dma_semaphore, #tpu.memory_space<semaphore_mem>>)
        %dma_start3A_116 = arith.constant 0 : i32
        %dma_start3A_117 = tpu.memref_slice %arg10[%sub3A_110, %dma_start3A_116] : memref<2x32xf32, #tpu.memory_space<vmem>> -> memref<1x32xf32, #tpu.memory_space<vmem>>
        %dma_start3A_118 = tpu.memref_squeeze %dma_start3A_117 : memref<1x32xf32, #tpu.memory_space<vmem>> -> memref<32xf32, #tpu.memory_space<vmem>>
        %dma_start3A_119 = tpu.memref_slice %arg4[%add3A_113] : memref<706560xf32, #tpu.memory_space<hbm>> -> memref<32xf32, #tpu.memory_space<hbm>>
        %dma_start3A_120 = arith.constant 0 : i32
        %dma_start3A_121 = tpu.memref_slice %arg10[%sub3A_110, %dma_start3A_120] : memref<2x32xf32, #tpu.memory_space<vmem>> -> memref<1x32xf32, #tpu.memory_space<vmem>>
        %dma_start3A_122 = tpu.memref_squeeze %dma_start3A_121 : memref<1x32xf32, #tpu.memory_space<vmem>> -> memref<32xf32, #tpu.memory_space<vmem>>
        %dma_start3A_123 = tpu.memref_slice %arg4[%add3A_113] : memref<706560xf32, #tpu.memory_space<hbm>> -> memref<32xf32, #tpu.memory_space<hbm>>
        tpu.enqueue_dma source(%dma_start3A_123 : memref<32xf32, #tpu.memory_space<hbm>>) target(%dma_start3A_122 : memref<32xf32, #tpu.memory_space<vmem>>) target_semaphore(%arg16 : memref<!tpu.dma_semaphore, #tpu.memory_space<semaphore_mem>>)
      } else {
      }
      %dma_wait3A = arith.constant 0 : i32
      %dma_wait3A_73 = arith.constant 0 : i32
      %dma_wait3A_74 = tpu.memref_slice %arg12[%rem3A_67, %dma_wait3A, %dma_wait3A_73] : memref<2x32x128xf32, #tpu.memory_space<vmem>> -> memref<1x32x128xf32, #tpu.memory_space<vmem>>
      %dma_wait3A_75 = tpu.memref_squeeze %dma_wait3A_74 : memref<1x32x128xf32, #tpu.memory_space<vmem>> -> memref<32x128xf32, #tpu.memory_space<vmem>>
      %dma_wait3A_76 = arith.constant 0 : i32
      %dma_wait3A_77 = tpu.memref_slice %arg8[%rem3A_67, %dma_wait3A_76] : memref<2x32xi32, #tpu.memory_space<vmem>> -> memref<1x32xi32, #tpu.memory_space<vmem>>
      %dma_wait3A_78 = tpu.memref_squeeze %dma_wait3A_77 : memref<1x32xi32, #tpu.memory_space<vmem>> -> memref<32xi32, #tpu.memory_space<vmem>>
      %dma_wait3A_79 = arith.constant 0 : i32
      %dma_wait3A_80 = arith.constant 0 : i32
      %dma_wait3A_81 = tpu.memref_slice %arg2[%dma_wait3A_79, %dma_wait3A_80] : memref<30000x128xf32, #tpu.memory_space<hbm>> -> memref<30000x128xf32, #tpu.memory_space<hbm>>
      %dma_wait3A_82 = tpu.memref_slice %arg14[%rem3A_67] : memref<2x!tpu.dma_semaphore, #tpu.memory_space<semaphore_mem>> -> memref<1x!tpu.dma_semaphore, #tpu.memory_space<semaphore_mem>>
      %dma_wait3A_83 = tpu.memref_squeeze %dma_wait3A_82 : memref<1x!tpu.dma_semaphore, #tpu.memory_space<semaphore_mem>> -> memref<!tpu.dma_semaphore, #tpu.memory_space<semaphore_mem>>
      tpu.wait_indirect_dma semaphore(%dma_wait3A_83 : memref<!tpu.dma_semaphore, #tpu.memory_space<semaphore_mem>>) src(%dma_wait3A_81 : memref<30000x128xf32, #tpu.memory_space<hbm>>) dst(%dma_wait3A_75 : memref<32x128xf32, #tpu.memory_space<vmem>>)
      %scan3A_84 = arith.constant 0 : i32
      %scan3A_85 = arith.constant 0 : i32
      %scan3A_86 = arith.constant 32 : i32
      %scan3A_87 = arith.addi %scan3A_85, %scan3A_86 : i32
      %scan3A_88 = arith.constant 1 : i32
      scf.for %scan3A_107 = %scan3A_85 to %scan3A_87 step %scan3A_88  : i32 {
        %broadcast_in_dim3A_108 = vector.broadcast %rem3A_67 : i32 to vector<16xi32>
        %broadcast_in_dim3A_109 = vector.broadcast %scan3A_107 : i32 to vector<16xi32>
        %gather3A = tpu.vector_load_idx %arg10[%broadcast_in_dim3A_108, %broadcast_in_dim3A_109] : memref<2x32xf32, #tpu.memory_space<vmem>>[vector<16xi32>, vector<16xi32>], vector<16xf32>,
        %get3A_110 = arith.index_cast %rem3A_67 : i32 to index
        %get3A_111 = arith.index_cast %scan3A_107 : i32 to index
        %get3A_112 = arith.constant 0 : index
        %get3A_113 = tpu.vector_load %arg12[%get3A_110, %get3A_111, %get3A_112] {strides = array<i32>} : memref<2x32x128xf32, #tpu.memory_space<vmem>>, vector<16xf32>,
        %mul3A_114 = arith.mulf %get3A_113, %gather3A : vector<16xf32>
        %swap3A = arith.index_cast %rem3A_67 : i32 to index
        %swap3A_115 = arith.index_cast %scan3A_107 : i32 to index
        %swap3A_116 = arith.constant 0 : index
        %swap3A_117 = tpu.vector_load %arg12[%swap3A, %swap3A_115, %swap3A_116] {strides = array<i32>} : memref<2x32x128xf32, #tpu.memory_space<vmem>>, vector<16xf32>,
        tpu.vector_store %arg12[%swap3A, %swap3A_115, %swap3A_116], %mul3A_114 {strides = array<i32>} : memref<2x32x128xf32, #tpu.memory_space<vmem>>, vector<16xf32>,
        %get3A_118 = arith.index_cast %rem3A_67 : i32 to index
        %get3A_119 = arith.index_cast %scan3A_107 : i32 to index
        %get3A_120 = arith.constant 16 : index
        %get3A_121 = tpu.vector_load %arg12[%get3A_118, %get3A_119, %get3A_120] {strides = array<i32>} : memref<2x32x128xf32, #tpu.memory_space<vmem>>, vector<16xf32>,
        %mul3A_122 = arith.mulf %get3A_121, %gather3A : vector<16xf32>
        %swap3A_123 = arith.index_cast %rem3A_67 : i32 to index
        %swap3A_124 = arith.index_cast %scan3A_107 : i32 to index
        %swap3A_125 = arith.constant 16 : index
        %swap3A_126 = tpu.vector_load %arg12[%swap3A_123, %swap3A_124, %swap3A_125] {strides = array<i32>} : memref<2x32x128xf32, #tpu.memory_space<vmem>>, vector<16xf32>,
        tpu.vector_store %arg12[%swap3A_123, %swap3A_124, %swap3A_125], %mul3A_122 {strides = array<i32>} : memref<2x32x128xf32, #tpu.memory_space<vmem>>, vector<16xf32>,
        %get3A_127 = arith.index_cast %rem3A_67 : i32 to index
        %get3A_128 = arith.index_cast %scan3A_107 : i32 to index
        %get3A_129 = arith.constant 32 : index
        %get3A_130 = tpu.vector_load %arg12[%get3A_127, %get3A_128, %get3A_129] {strides = array<i32>} : memref<2x32x128xf32, #tpu.memory_space<vmem>>, vector<16xf32>,
        %mul3A_131 = arith.mulf %get3A_130, %gather3A : vector<16xf32>
        %swap3A_132 = arith.index_cast %rem3A_67 : i32 to index
        %swap3A_133 = arith.index_cast %scan3A_107 : i32 to index
        %swap3A_134 = arith.constant 32 : index
        %swap3A_135 = tpu.vector_load %arg12[%swap3A_132, %swap3A_133, %swap3A_134] {strides = array<i32>} : memref<2x32x128xf32, #tpu.memory_space<vmem>>, vector<16xf32>,
        tpu.vector_store %arg12[%swap3A_132, %swap3A_133, %swap3A_134], %mul3A_131 {strides = array<i32>} : memref<2x32x128xf32, #tpu.memory_space<vmem>>, vector<16xf32>,
        %get3A_136 = arith.index_cast %rem3A_67 : i32 to index
        %get3A_137 = arith.index_cast %scan3A_107 : i32 to index
        %get3A_138 = arith.constant 48 : index
        %get3A_139 = tpu.vector_load %arg12[%get3A_136, %get3A_137, %get3A_138] {strides = array<i32>} : memref<2x32x128xf32, #tpu.memory_space<vmem>>, vector<16xf32>,
        %mul3A_140 = arith.mulf %get3A_139, %gather3A : vector<16xf32>
        %swap3A_141 = arith.index_cast %rem3A_67 : i32 to index
        %swap3A_142 = arith.index_cast %scan3A_107 : i32 to index
        %swap3A_143 = arith.constant 48 : index
        %swap3A_144 = tpu.vector_load %arg12[%swap3A_141, %swap3A_142, %swap3A_143] {strides = array<i32>} : memref<2x32x128xf32, #tpu.memory_space<vmem>>, vector<16xf32>,
        tpu.vector_store %arg12[%swap3A_141, %swap3A_142, %swap3A_143], %mul3A_140 {strides = array<i32>} : memref<2x32x128xf32, #tpu.memory_space<vmem>>, vector<16xf32>,
        %get3A_145 = arith.index_cast %rem3A_67 : i32 to index
        %get3A_146 = arith.index_cast %scan3A_107 : i32 to index
        %get3A_147 = arith.constant 64 : index
        %get3A_148 = tpu.vector_load %arg12[%get3A_145, %get3A_146, %get3A_147] {strides = array<i32>} : memref<2x32x128xf32, #tpu.memory_space<vmem>>, vector<16xf32>,
        %mul3A_149 = arith.mulf %get3A_148, %gather3A : vector<16xf32>
        %swap3A_150 = arith.index_cast %rem3A_67 : i32 to index
        %swap3A_151 = arith.index_cast %scan3A_107 : i32 to index
        %swap3A_152 = arith.constant 64 : index
        %swap3A_153 = tpu.vector_load %arg12[%swap3A_150, %swap3A_151, %swap3A_152] {strides = array<i32>} : memref<2x32x128xf32, #tpu.memory_space<vmem>>, vector<16xf32>,
        tpu.vector_store %arg12[%swap3A_150, %swap3A_151, %swap3A_152], %mul3A_149 {strides = array<i32>} : memref<2x32x128xf32, #tpu.memory_space<vmem>>, vector<16xf32>,
        %get3A_154 = arith.index_cast %rem3A_67 : i32 to index
        %get3A_155 = arith.index_cast %scan3A_107 : i32 to index
        %get3A_156 = arith.constant 80 : index
        %get3A_157 = tpu.vector_load %arg12[%get3A_154, %get3A_155, %get3A_156] {strides = array<i32>} : memref<2x32x128xf32, #tpu.memory_space<vmem>>, vector<16xf32>,
        %mul3A_158 = arith.mulf %get3A_157, %gather3A : vector<16xf32>
        %swap3A_159 = arith.index_cast %rem3A_67 : i32 to index
        %swap3A_160 = arith.index_cast %scan3A_107 : i32 to index
        %swap3A_161 = arith.constant 80 : index
        %swap3A_162 = tpu.vector_load %arg12[%swap3A_159, %swap3A_160, %swap3A_161] {strides = array<i32>} : memref<2x32x128xf32, #tpu.memory_space<vmem>>, vector<16xf32>,
        tpu.vector_store %arg12[%swap3A_159, %swap3A_160, %swap3A_161], %mul3A_158 {strides = array<i32>} : memref<2x32x128xf32, #tpu.memory_space<vmem>>, vector<16xf32>,
        %get3A_163 = arith.index_cast %rem3A_67 : i32 to index
        %get3A_164 = arith.index_cast %scan3A_107 : i32 to index
        %get3A_165 = arith.constant 96 : index
        %get3A_166 = tpu.vector_load %arg12[%get3A_163, %get3A_164, %get3A_165] {strides = array<i32>} : memref<2x32x128xf32, #tpu.memory_space<vmem>>, vector<16xf32>,
        %mul3A_167 = arith.mulf %get3A_166, %gather3A : vector<16xf32>
        %swap3A_168 = arith.index_cast %rem3A_67 : i32 to index
        %swap3A_169 = arith.index_cast %scan3A_107 : i32 to index
        %swap3A_170 = arith.constant 96 : index
        %swap3A_171 = tpu.vector_load %arg12[%swap3A_168, %swap3A_169, %swap3A_170] {strides = array<i32>} : memref<2x32x128xf32, #tpu.memory_space<vmem>>, vector<16xf32>,
        tpu.vector_store %arg12[%swap3A_168, %swap3A_169, %swap3A_170], %mul3A_167 {strides = array<i32>} : memref<2x32x128xf32, #tpu.memory_space<vmem>>, vector<16xf32>,
        %get3A_172 = arith.index_cast %rem3A_67 : i32 to index
        %get3A_173 = arith.index_cast %scan3A_107 : i32 to index
        %get3A_174 = arith.constant 112 : index
        %get3A_175 = tpu.vector_load %arg12[%get3A_172, %get3A_173, %get3A_174] {strides = array<i32>} : memref<2x32x128xf32, #tpu.memory_space<vmem>>, vector<16xf32>,
        %mul3A_176 = arith.mulf %get3A_175, %gather3A : vector<16xf32>
        %swap3A_177 = arith.index_cast %rem3A_67 : i32 to index
        %swap3A_178 = arith.index_cast %scan3A_107 : i32 to index
        %swap3A_179 = arith.constant 112 : index
        %swap3A_180 = tpu.vector_load %arg12[%swap3A_177, %swap3A_178, %swap3A_179] {strides = array<i32>} : memref<2x32x128xf32, #tpu.memory_space<vmem>>, vector<16xf32>,
        tpu.vector_store %arg12[%swap3A_177, %swap3A_178, %swap3A_179], %mul3A_176 {strides = array<i32>} : memref<2x32x128xf32, #tpu.memory_space<vmem>>, vector<16xf32>,
      }
      %scan3A_89 = arith.constant 32 : i32
      %dma_start3A = arith.constant 0 : i32
      %dma_start3A_90 = arith.constant 0 : i32
      %dma_start3A_91 = tpu.memref_slice %arg12[%rem3A_67, %dma_start3A, %dma_start3A_90] : memref<2x32x128xf32, #tpu.memory_space<vmem>> -> memref<1x32x128xf32, #tpu.memory_space<vmem>>
      %dma_start3A_92 = tpu.memref_squeeze %dma_start3A_91 : memref<1x32x128xf32, #tpu.memory_space<vmem>> -> memref<32x128xf32, #tpu.memory_space<vmem>>
      %dma_start3A_93 = arith.constant 0 : i32
      %dma_start3A_94 = tpu.memref_slice %arg9[%rem3A_67, %dma_start3A_93] : memref<2x32xi32, #tpu.memory_space<vmem>> -> memref<1x32xi32, #tpu.memory_space<vmem>>
      %dma_start3A_95 = tpu.memref_squeeze %dma_start3A_94 : memref<1x32xi32, #tpu.memory_space<vmem>> -> memref<32xi32, #tpu.memory_space<vmem>>
      %dma_start3A_96 = arith.constant 0 : i32
      %dma_start3A_97 = arith.constant 0 : i32
      %dma_start3A_98 = tpu.memref_slice %arg13[%dma_start3A_96, %dma_start3A_97] : memref<15104x128xf32, #tpu.memory_space<vmem_shared>> -> memref<15104x128xf32, #tpu.memory_space<vmem_shared>>
      %dma_start3A_99 = tpu.memref_slice %arg15[%rem3A_67] : memref<2x!tpu.dma_semaphore, #tpu.memory_space<semaphore_mem>> -> memref<1x!tpu.dma_semaphore, #tpu.memory_space<semaphore_mem>>
      %dma_start3A_100 = tpu.memref_squeeze %dma_start3A_99 : memref<1x!tpu.dma_semaphore, #tpu.memory_space<semaphore_mem>> -> memref<!tpu.dma_semaphore, #tpu.memory_space<semaphore_mem>>
      tpu.enqueue_indirect_dma source(%dma_start3A_92 : memref<32x128xf32, #tpu.memory_space<vmem>>) target(%dma_start3A_98 : memref<15104x128xf32, #tpu.memory_space<vmem_shared>>) offsets(%dma_start3A_95 : memref<32xi32, #tpu.memory_space<vmem>>) semaphore(%dma_start3A_100 : memref<!tpu.dma_semaphore, #tpu.memory_space<semaphore_mem>>) {add = true}
      %add3A_101 = arith.constant 1 : i32
      %add3A_102 = arith.addi %while3A_65, %add3A_101 : i32
      %lt3A_103 = arith.cmpi slt, %add3A_102, %select_n3A : i32
      %convert_element_type3A_104 = arith.extui %lt3A_103 : i1 to i32
      %cond3A_105 = arith.constant 0 : i32
      %cond3A_106 = arith.cmpi ne, %convert_element_type3A_104, %cond3A_105 : i32
      scf.if %cond3A_106 {
        %add3A_107 = arith.constant 1 : i32
        %add3A_108 = arith.addi %while3A_65, %add3A_107 : i32
        %sub3A_109 = arith.constant 1 : i32
        %sub3A_110 = arith.subi %sub3A_109, %rem3A_67 : i32
        %mul3A_111 = arith.constant 32 : i32
        %mul3A_112 = arith.muli %add3A_108, %mul3A_111 : i32
        %add3A_113 = arith.addi %add3A_42, %mul3A_112 : i32
        %dma_wait3A_114 = tpu.memref_slice %arg3[%add3A_113] : memref<706560xi32, #tpu.memory_space<hbm>> -> memref<32xi32, #tpu.memory_space<hbm>>
        %dma_wait3A_115 = tpu.memref_slice %arg3[%add3A_113] : memref<706560xi32, #tpu.memory_space<hbm>> -> memref<32xi32, #tpu.memory_space<hbm>>
        tpu.wait_dma2 semaphore(%arg16 : memref<!tpu.dma_semaphore, #tpu.memory_space<semaphore_mem>>) src(%dma_wait3A_115 : memref<32xi32, #tpu.memory_space<hbm>>) dst(%arg7 : memref<32xi32, #tpu.memory_space<vmem>>)
        %dma_wait3A_116 = arith.constant 0 : i32
        %dma_wait3A_117 = tpu.memref_slice %arg10[%sub3A_110, %dma_wait3A_116] : memref<2x32xf32, #tpu.memory_space<vmem>> -> memref<1x32xf32, #tpu.memory_space<vmem>>
        %dma_wait3A_118 = tpu.memref_squeeze %dma_wait3A_117 : memref<1x32xf32, #tpu.memory_space<vmem>> -> memref<32xf32, #tpu.memory_space<vmem>>
        %dma_wait3A_119 = tpu.memref_slice %arg4[%add3A_113] : memref<706560xf32, #tpu.memory_space<hbm>> -> memref<32xf32, #tpu.memory_space<hbm>>
        %dma_wait3A_120 = arith.constant 0 : i32
        %dma_wait3A_121 = tpu.memref_slice %arg10[%sub3A_110, %dma_wait3A_120] : memref<2x32xf32, #tpu.memory_space<vmem>> -> memref<1x32xf32, #tpu.memory_space<vmem>>
        %dma_wait3A_122 = tpu.memref_squeeze %dma_wait3A_121 : memref<1x32xf32, #tpu.memory_space<vmem>> -> memref<32xf32, #tpu.memory_space<vmem>>
        %dma_wait3A_123 = tpu.memref_slice %arg4[%add3A_113] : memref<706560xf32, #tpu.memory_space<hbm>> -> memref<32xf32, #tpu.memory_space<hbm>>
        tpu.wait_dma2 semaphore(%arg16 : memref<!tpu.dma_semaphore, #tpu.memory_space<semaphore_mem>>) src(%dma_wait3A_123 : memref<32xf32, #tpu.memory_space<hbm>>) dst(%dma_wait3A_122 : memref<32xf32, #tpu.memory_space<vmem>>)
        %ge3A = arith.constant 1 : i32
        %ge3A_124 = arith.cmpi sge, %while3A_65, %ge3A : i32
        %convert_element_type3A_125 = arith.extui %ge3A_124 : i1 to i32
        %cond3A_126 = arith.constant 0 : i32
        %cond3A_127 = arith.cmpi ne, %convert_element_type3A_125, %cond3A_126 : i32
        scf.if %cond3A_127 {
          %sub3A_150 = arith.constant 1 : i32
          %sub3A_151 = arith.subi %sub3A_150, %rem3A_67 : i32
          %sub3A_152 = arith.constant 1 : i32
          %sub3A_153 = arith.subi %sub3A_152, %rem3A_67 : i32
          %sub3A_154 = arith.constant 1 : i32
          %sub3A_155 = arith.subi %sub3A_154, %rem3A_67 : i32
          %dma_wait3A_156 = arith.constant 0 : i32
          %dma_wait3A_157 = arith.constant 0 : i32
          %dma_wait3A_158 = tpu.memref_slice %arg12[%sub3A_151, %dma_wait3A_156, %dma_wait3A_157] : memref<2x32x128xf32, #tpu.memory_space<vmem>> -> memref<1x32x128xf32, #tpu.memory_space<vmem>>
          %dma_wait3A_159 = tpu.memref_squeeze %dma_wait3A_158 : memref<1x32x128xf32, #tpu.memory_space<vmem>> -> memref<32x128xf32, #tpu.memory_space<vmem>>
          %dma_wait3A_160 = arith.constant 0 : i32
          %dma_wait3A_161 = tpu.memref_slice %arg9[%sub3A_153, %dma_wait3A_160] : memref<2x32xi32, #tpu.memory_space<vmem>> -> memref<1x32xi32, #tpu.memory_space<vmem>>
          %dma_wait3A_162 = tpu.memref_squeeze %dma_wait3A_161 : memref<1x32xi32, #tpu.memory_space<vmem>> -> memref<32xi32, #tpu.memory_space<vmem>>
          %dma_wait3A_163 = arith.constant 0 : i32
          %dma_wait3A_164 = arith.constant 0 : i32
          %dma_wait3A_165 = tpu.memref_slice %arg13[%dma_wait3A_163, %dma_wait3A_164] : memref<15104x128xf32, #tpu.memory_space<vmem_shared>> -> memref<15104x128xf32, #tpu.memory_space<vmem_shared>>
          %dma_wait3A_166 = tpu.memref_slice %arg15[%sub3A_155] : memref<2x!tpu.dma_semaphore, #tpu.memory_space<semaphore_mem>> -> memref<1x!tpu.dma_semaphore, #tpu.memory_space<semaphore_mem>>
          %dma_wait3A_167 = tpu.memref_squeeze %dma_wait3A_166 : memref<1x!tpu.dma_semaphore, #tpu.memory_space<semaphore_mem>> -> memref<!tpu.dma_semaphore, #tpu.memory_space<semaphore_mem>>
          tpu.wait_indirect_dma semaphore(%dma_wait3A_167 : memref<!tpu.dma_semaphore, #tpu.memory_space<semaphore_mem>>) src(%dma_wait3A_159 : memref<32x128xf32, #tpu.memory_space<vmem>>) dst(%dma_wait3A_165 : memref<15104x128xf32, #tpu.memory_space<vmem_shared>>)
        } else {
        }
        %add3A_128 = arith.constant 1 : i32
        %add3A_129 = arith.addi %while3A_65, %add3A_128 : i32
        %sub3A_130 = arith.constant 1 : i32
        %sub3A_131 = arith.subi %sub3A_130, %rem3A_67 : i32
        %scan3A_132 = arith.constant 0 : i32
        %scan3A_133 = arith.constant 0 : i32
        %scan3A_134 = arith.constant 2 : i32
        %scan3A_135 = arith.addi %scan3A_133, %scan3A_134 : i32
        %scan3A_136 = arith.constant 1 : i32
        scf.for %scan3A_150 = %scan3A_133 to %scan3A_135 step %scan3A_136  : i32 {
          %mul3A_151 = arith.constant 16 : i32
          %mul3A_152 = arith.muli %scan3A_150, %mul3A_151 : i32
          %get3A_153 = arith.index_cast %mul3A_152 : i32 to index
          %get3A_154 = tpu.vector_load %arg7[%get3A_153] {strides = array<i32>} : memref<32xi32, #tpu.memory_space<vmem>>, vector<16xi32>,
          %shift_right_arithmetic3A = arith.constant 14 : i32
          %shift_right_arithmetic3A_155 = vector.broadcast %shift_right_arithmetic3A : i32 to vector<16xi32>
          %shift_right_arithmetic3A_156 = arith.shrsi %get3A_154, %shift_right_arithmetic3A_155 : vector<16xi32>
          %swap3A = arith.index_cast %sub3A_131 : i32 to index
          %swap3A_157 = arith.index_cast %mul3A_152 : i32 to index
          %swap3A_158 = tpu.vector_load %arg8[%swap3A, %swap3A_157] {strides = array<i32>} : memref<2x32xi32, #tpu.memory_space<vmem>>, vector<16xi32>,
          tpu.vector_store %arg8[%swap3A, %swap3A_157], %shift_right_arithmetic3A_156 {strides = array<i32>} : memref<2x32xi32, #tpu.memory_space<vmem>>, vector<16xi32>,
          %and3A_159 = arith.constant 16383 : i32
          %and3A_160 = vector.broadcast %and3A_159 : i32 to vector<16xi32>
          %and3A_161 = arith.andi %get3A_154, %and3A_160 : vector<16xi32>
          %swap3A_162 = arith.index_cast %sub3A_131 : i32 to index
          %swap3A_163 = arith.index_cast %mul3A_152 : i32 to index
          %swap3A_164 = tpu.vector_load %arg9[%swap3A_162, %swap3A_163] {strides = array<i32>} : memref<2x32xi32, #tpu.memory_space<vmem>>, vector<16xi32>,
          tpu.vector_store %arg9[%swap3A_162, %swap3A_163], %and3A_161 {strides = array<i32>} : memref<2x32xi32, #tpu.memory_space<vmem>>, vector<16xi32>,
        }
        %scan3A_137 = arith.constant 2 : i32
        %dma_start3A_138 = arith.constant 0 : i32
        %dma_start3A_139 = arith.constant 0 : i32
        %dma_start3A_140 = tpu.memref_slice %arg12[%sub3A_131, %dma_start3A_138, %dma_start3A_139] : memref<2x32x128xf32, #tpu.memory_space<vmem>> -> memref<1x32x128xf32, #tpu.memory_space<vmem>>
        %dma_start3A_141 = tpu.memref_squeeze %dma_start3A_140 : memref<1x32x128xf32, #tpu.memory_space<vmem>> -> memref<32x128xf32, #tpu.memory_space<vmem>>
        %dma_start3A_142 = arith.constant 0 : i32
        %dma_start3A_143 = tpu.memref_slice %arg8[%sub3A_131, %dma_start3A_142] : memref<2x32xi32, #tpu.memory_space<vmem>> -> memref<1x32xi32, #tpu.memory_space<vmem>>
        %dma_start3A_144 = tpu.memref_squeeze %dma_start3A_143 : memref<1x32xi32, #tpu.memory_space<vmem>> -> memref<32xi32, #tpu.memory_space<vmem>>
        %dma_start3A_145 = arith.constant 0 : i32
        %dma_start3A_146 = arith.constant 0 : i32
        %dma_start3A_147 = tpu.memref_slice %arg2[%dma_start3A_145, %dma_start3A_146] : memref<30000x128xf32, #tpu.memory_space<hbm>> -> memref<30000x128xf32, #tpu.memory_space<hbm>>
        %dma_start3A_148 = tpu.memref_slice %arg14[%sub3A_131] : memref<2x!tpu.dma_semaphore, #tpu.memory_space<semaphore_mem>> -> memref<1x!tpu.dma_semaphore, #tpu.memory_space<semaphore_mem>>
        %dma_start3A_149 = tpu.memref_squeeze %dma_start3A_148 : memref<1x!tpu.dma_semaphore, #tpu.memory_space<semaphore_mem>> -> memref<!tpu.dma_semaphore, #tpu.memory_space<semaphore_mem>>
        tpu.enqueue_indirect_dma source(%dma_start3A_147 : memref<30000x128xf32, #tpu.memory_space<hbm>>) target(%dma_start3A_141 : memref<32x128xf32, #tpu.memory_space<vmem>>) offsets(%dma_start3A_144 : memref<32xi32, #tpu.memory_space<vmem>>) semaphore(%dma_start3A_149 : memref<!tpu.dma_semaphore, #tpu.memory_space<semaphore_mem>>)
      } else {
      }
    }
    %while3A_53 = arith.constant 1 : i32
    scf.for %while3A_65 = %while3A_51 to %while3A_47 step %while3A_53  : i32 {
      %rem3A_66 = arith.constant 2 : i32
      %rem3A_67 = arith.remsi %while3A_65, %rem3A_66 : i32
      %add3A_68 = arith.constant 1 : i32
      %add3A_69 = arith.addi %while3A_65, %add3A_68 : i32
      %lt3A = arith.cmpi slt, %add3A_69, %select_n3A : i32
      %convert_element_type3A_70 = arith.extui %lt3A : i1 to i32
      %cond3A_71 = arith.constant 0 : i32
      %cond3A_72 = arith.cmpi ne, %convert_element_type3A_70, %cond3A_71 : i32
      scf.if %cond3A_72 {
        %add3A_107 = arith.constant 1 : i32
        %add3A_108 = arith.addi %while3A_65, %add3A_107 : i32
        %sub3A_109 = arith.constant 1 : i32
        %sub3A_110 = arith.subi %sub3A_109, %rem3A_67 : i32
        %mul3A_111 = arith.constant 32 : i32
        %mul3A_112 = arith.muli %add3A_108, %mul3A_111 : i32
        %add3A_113 = arith.addi %add3A_42, %mul3A_112 : i32
        %dma_start3A_114 = tpu.memref_slice %arg3[%add3A_113] : memref<706560xi32, #tpu.memory_space<hbm>> -> memref<32xi32, #tpu.memory_space<hbm>>
        %dma_start3A_115 = tpu.memref_slice %arg3[%add3A_113] : memref<706560xi32, #tpu.memory_space<hbm>> -> memref<32xi32, #tpu.memory_space<hbm>>
        tpu.enqueue_dma source(%dma_start3A_115 : memref<32xi32, #tpu.memory_space<hbm>>) target(%arg7 : memref<32xi32, #tpu.memory_space<vmem>>) target_semaphore(%arg16 : memref<!tpu.dma_semaphore, #tpu.memory_space<semaphore_mem>>)
        %dma_start3A_116 = arith.constant 0 : i32
        %dma_start3A_117 = tpu.memref_slice %arg10[%sub3A_110, %dma_start3A_116] : memref<2x32xf32, #tpu.memory_space<vmem>> -> memref<1x32xf32, #tpu.memory_space<vmem>>
        %dma_start3A_118 = tpu.memref_squeeze %dma_start3A_117 : memref<1x32xf32, #tpu.memory_space<vmem>> -> memref<32xf32, #tpu.memory_space<vmem>>
        %dma_start3A_119 = tpu.memref_slice %arg4[%add3A_113] : memref<706560xf32, #tpu.memory_space<hbm>> -> memref<32xf32, #tpu.memory_space<hbm>>
        %dma_start3A_120 = arith.constant 0 : i32
        %dma_start3A_121 = tpu.memref_slice %arg10[%sub3A_110, %dma_start3A_120] : memref<2x32xf32, #tpu.memory_space<vmem>> -> memref<1x32xf32, #tpu.memory_space<vmem>>
        %dma_start3A_122 = tpu.memref_squeeze %dma_start3A_121 : memref<1x32xf32, #tpu.memory_space<vmem>> -> memref<32xf32, #tpu.memory_space<vmem>>
        %dma_start3A_123 = tpu.memref_slice %arg4[%add3A_113] : memref<706560xf32, #tpu.memory_space<hbm>> -> memref<32xf32, #tpu.memory_space<hbm>>
        tpu.enqueue_dma source(%dma_start3A_123 : memref<32xf32, #tpu.memory_space<hbm>>) target(%dma_start3A_122 : memref<32xf32, #tpu.memory_space<vmem>>) target_semaphore(%arg16 : memref<!tpu.dma_semaphore, #tpu.memory_space<semaphore_mem>>)
      } else {
      }
      %dma_wait3A = arith.constant 0 : i32
      %dma_wait3A_73 = arith.constant 0 : i32
      %dma_wait3A_74 = tpu.memref_slice %arg12[%rem3A_67, %dma_wait3A, %dma_wait3A_73] : memref<2x32x128xf32, #tpu.memory_space<vmem>> -> memref<1x32x128xf32, #tpu.memory_space<vmem>>
      %dma_wait3A_75 = tpu.memref_squeeze %dma_wait3A_74 : memref<1x32x128xf32, #tpu.memory_space<vmem>> -> memref<32x128xf32, #tpu.memory_space<vmem>>
      %dma_wait3A_76 = arith.constant 0 : i32
      %dma_wait3A_77 = tpu.memref_slice %arg8[%rem3A_67, %dma_wait3A_76] : memref<2x32xi32, #tpu.memory_space<vmem>> -> memref<1x32xi32, #tpu.memory_space<vmem>>
      %dma_wait3A_78 = tpu.memref_squeeze %dma_wait3A_77 : memref<1x32xi32, #tpu.memory_space<vmem>> -> memref<32xi32, #tpu.memory_space<vmem>>
      %dma_wait3A_79 = arith.constant 0 : i32
      %dma_wait3A_80 = arith.constant 0 : i32
      %dma_wait3A_81 = tpu.memref_slice %arg2[%dma_wait3A_79, %dma_wait3A_80] : memref<30000x128xf32, #tpu.memory_space<hbm>> -> memref<30000x128xf32, #tpu.memory_space<hbm>>
      %dma_wait3A_82 = tpu.memref_slice %arg14[%rem3A_67] : memref<2x!tpu.dma_semaphore, #tpu.memory_space<semaphore_mem>> -> memref<1x!tpu.dma_semaphore, #tpu.memory_space<semaphore_mem>>
      %dma_wait3A_83 = tpu.memref_squeeze %dma_wait3A_82 : memref<1x!tpu.dma_semaphore, #tpu.memory_space<semaphore_mem>> -> memref<!tpu.dma_semaphore, #tpu.memory_space<semaphore_mem>>
      tpu.wait_indirect_dma semaphore(%dma_wait3A_83 : memref<!tpu.dma_semaphore, #tpu.memory_space<semaphore_mem>>) src(%dma_wait3A_81 : memref<30000x128xf32, #tpu.memory_space<hbm>>) dst(%dma_wait3A_75 : memref<32x128xf32, #tpu.memory_space<vmem>>)
      %scan3A_84 = arith.constant 0 : i32
      %scan3A_85 = arith.constant 0 : i32
      %scan3A_86 = arith.constant 32 : i32
      %scan3A_87 = arith.addi %scan3A_85, %scan3A_86 : i32
      %scan3A_88 = arith.constant 1 : i32
      scf.for %scan3A_107 = %scan3A_85 to %scan3A_87 step %scan3A_88  : i32 {
        %broadcast_in_dim3A_108 = vector.broadcast %rem3A_67 : i32 to vector<16xi32>
        %broadcast_in_dim3A_109 = vector.broadcast %scan3A_107 : i32 to vector<16xi32>
        %gather3A = tpu.vector_load_idx %arg10[%broadcast_in_dim3A_108, %broadcast_in_dim3A_109] : memref<2x32xf32, #tpu.memory_space<vmem>>[vector<16xi32>, vector<16xi32>], vector<16xf32>,
        %get3A_110 = arith.index_cast %rem3A_67 : i32 to index
        %get3A_111 = arith.index_cast %scan3A_107 : i32 to index
        %get3A_112 = arith.constant 0 : index
        %get3A_113 = tpu.vector_load %arg12[%get3A_110, %get3A_111, %get3A_112] {strides = array<i32>} : memref<2x32x128xf32, #tpu.memory_space<vmem>>, vector<16xf32>,
        %mul3A_114 = arith.mulf %get3A_113, %gather3A : vector<16xf32>
        %swap3A = arith.index_cast %rem3A_67 : i32 to index
        %swap3A_115 = arith.index_cast %scan3A_107 : i32 to index
        %swap3A_116 = arith.constant 0 : index
        %swap3A_117 = tpu.vector_load %arg12[%swap3A, %swap3A_115, %swap3A_116] {strides = array<i32>} : memref<2x32x128xf32, #tpu.memory_space<vmem>>, vector<16xf32>,
        tpu.vector_store %arg12[%swap3A, %swap3A_115, %swap3A_116], %mul3A_114 {strides = array<i32>} : memref<2x32x128xf32, #tpu.memory_space<vmem>>, vector<16xf32>,
        %get3A_118 = arith.index_cast %rem3A_67 : i32 to index
        %get3A_119 = arith.index_cast %scan3A_107 : i32 to index
        %get3A_120 = arith.constant 16 : index
        %get3A_121 = tpu.vector_load %arg12[%get3A_118, %get3A_119, %get3A_120] {strides = array<i32>} : memref<2x32x128xf32, #tpu.memory_space<vmem>>, vector<16xf32>,
        %mul3A_122 = arith.mulf %get3A_121, %gather3A : vector<16xf32>
        %swap3A_123 = arith.index_cast %rem3A_67 : i32 to index
        %swap3A_124 = arith.index_cast %scan3A_107 : i32 to index
        %swap3A_125 = arith.constant 16 : index
        %swap3A_126 = tpu.vector_load %arg12[%swap3A_123, %swap3A_124, %swap3A_125] {strides = array<i32>} : memref<2x32x128xf32, #tpu.memory_space<vmem>>, vector<16xf32>,
        tpu.vector_store %arg12[%swap3A_123, %swap3A_124, %swap3A_125], %mul3A_122 {strides = array<i32>} : memref<2x32x128xf32, #tpu.memory_space<vmem>>, vector<16xf32>,
        %get3A_127 = arith.index_cast %rem3A_67 : i32 to index
        %get3A_128 = arith.index_cast %scan3A_107 : i32 to index
        %get3A_129 = arith.constant 32 : index
        %get3A_130 = tpu.vector_load %arg12[%get3A_127, %get3A_128, %get3A_129] {strides = array<i32>} : memref<2x32x128xf32, #tpu.memory_space<vmem>>, vector<16xf32>,
        %mul3A_131 = arith.mulf %get3A_130, %gather3A : vector<16xf32>
        %swap3A_132 = arith.index_cast %rem3A_67 : i32 to index
        %swap3A_133 = arith.index_cast %scan3A_107 : i32 to index
        %swap3A_134 = arith.constant 32 : index
        %swap3A_135 = tpu.vector_load %arg12[%swap3A_132, %swap3A_133, %swap3A_134] {strides = array<i32>} : memref<2x32x128xf32, #tpu.memory_space<vmem>>, vector<16xf32>,
        tpu.vector_store %arg12[%swap3A_132, %swap3A_133, %swap3A_134], %mul3A_131 {strides = array<i32>} : memref<2x32x128xf32, #tpu.memory_space<vmem>>, vector<16xf32>,
        %get3A_136 = arith.index_cast %rem3A_67 : i32 to index
        %get3A_137 = arith.index_cast %scan3A_107 : i32 to index
        %get3A_138 = arith.constant 48 : index
        %get3A_139 = tpu.vector_load %arg12[%get3A_136, %get3A_137, %get3A_138] {strides = array<i32>} : memref<2x32x128xf32, #tpu.memory_space<vmem>>, vector<16xf32>,
        %mul3A_140 = arith.mulf %get3A_139, %gather3A : vector<16xf32>
        %swap3A_141 = arith.index_cast %rem3A_67 : i32 to index
        %swap3A_142 = arith.index_cast %scan3A_107 : i32 to index
        %swap3A_143 = arith.constant 48 : index
        %swap3A_144 = tpu.vector_load %arg12[%swap3A_141, %swap3A_142, %swap3A_143] {strides = array<i32>} : memref<2x32x128xf32, #tpu.memory_space<vmem>>, vector<16xf32>,
        tpu.vector_store %arg12[%swap3A_141, %swap3A_142, %swap3A_143], %mul3A_140 {strides = array<i32>} : memref<2x32x128xf32, #tpu.memory_space<vmem>>, vector<16xf32>,
        %get3A_145 = arith.index_cast %rem3A_67 : i32 to index
        %get3A_146 = arith.index_cast %scan3A_107 : i32 to index
        %get3A_147 = arith.constant 64 : index
        %get3A_148 = tpu.vector_load %arg12[%get3A_145, %get3A_146, %get3A_147] {strides = array<i32>} : memref<2x32x128xf32, #tpu.memory_space<vmem>>, vector<16xf32>,
        %mul3A_149 = arith.mulf %get3A_148, %gather3A : vector<16xf32>
        %swap3A_150 = arith.index_cast %rem3A_67 : i32 to index
        %swap3A_151 = arith.index_cast %scan3A_107 : i32 to index
        %swap3A_152 = arith.constant 64 : index
        %swap3A_153 = tpu.vector_load %arg12[%swap3A_150, %swap3A_151, %swap3A_152] {strides = array<i32>} : memref<2x32x128xf32, #tpu.memory_space<vmem>>, vector<16xf32>,
        tpu.vector_store %arg12[%swap3A_150, %swap3A_151, %swap3A_152], %mul3A_149 {strides = array<i32>} : memref<2x32x128xf32, #tpu.memory_space<vmem>>, vector<16xf32>,
        %get3A_154 = arith.index_cast %rem3A_67 : i32 to index
        %get3A_155 = arith.index_cast %scan3A_107 : i32 to index
        %get3A_156 = arith.constant 80 : index
        %get3A_157 = tpu.vector_load %arg12[%get3A_154, %get3A_155, %get3A_156] {strides = array<i32>} : memref<2x32x128xf32, #tpu.memory_space<vmem>>, vector<16xf32>,
        %mul3A_158 = arith.mulf %get3A_157, %gather3A : vector<16xf32>
        %swap3A_159 = arith.index_cast %rem3A_67 : i32 to index
        %swap3A_160 = arith.index_cast %scan3A_107 : i32 to index
        %swap3A_161 = arith.constant 80 : index
        %swap3A_162 = tpu.vector_load %arg12[%swap3A_159, %swap3A_160, %swap3A_161] {strides = array<i32>} : memref<2x32x128xf32, #tpu.memory_space<vmem>>, vector<16xf32>,
        tpu.vector_store %arg12[%swap3A_159, %swap3A_160, %swap3A_161], %mul3A_158 {strides = array<i32>} : memref<2x32x128xf32, #tpu.memory_space<vmem>>, vector<16xf32>,
        %get3A_163 = arith.index_cast %rem3A_67 : i32 to index
        %get3A_164 = arith.index_cast %scan3A_107 : i32 to index
        %get3A_165 = arith.constant 96 : index
        %get3A_166 = tpu.vector_load %arg12[%get3A_163, %get3A_164, %get3A_165] {strides = array<i32>} : memref<2x32x128xf32, #tpu.memory_space<vmem>>, vector<16xf32>,
        %mul3A_167 = arith.mulf %get3A_166, %gather3A : vector<16xf32>
        %swap3A_168 = arith.index_cast %rem3A_67 : i32 to index
        %swap3A_169 = arith.index_cast %scan3A_107 : i32 to index
        %swap3A_170 = arith.constant 96 : index
        %swap3A_171 = tpu.vector_load %arg12[%swap3A_168, %swap3A_169, %swap3A_170] {strides = array<i32>} : memref<2x32x128xf32, #tpu.memory_space<vmem>>, vector<16xf32>,
        tpu.vector_store %arg12[%swap3A_168, %swap3A_169, %swap3A_170], %mul3A_167 {strides = array<i32>} : memref<2x32x128xf32, #tpu.memory_space<vmem>>, vector<16xf32>,
        %get3A_172 = arith.index_cast %rem3A_67 : i32 to index
        %get3A_173 = arith.index_cast %scan3A_107 : i32 to index
        %get3A_174 = arith.constant 112 : index
        %get3A_175 = tpu.vector_load %arg12[%get3A_172, %get3A_173, %get3A_174] {strides = array<i32>} : memref<2x32x128xf32, #tpu.memory_space<vmem>>, vector<16xf32>,
        %mul3A_176 = arith.mulf %get3A_175, %gather3A : vector<16xf32>
        %swap3A_177 = arith.index_cast %rem3A_67 : i32 to index
        %swap3A_178 = arith.index_cast %scan3A_107 : i32 to index
        %swap3A_179 = arith.constant 112 : index
        %swap3A_180 = tpu.vector_load %arg12[%swap3A_177, %swap3A_178, %swap3A_179] {strides = array<i32>} : memref<2x32x128xf32, #tpu.memory_space<vmem>>, vector<16xf32>,
        tpu.vector_store %arg12[%swap3A_177, %swap3A_178, %swap3A_179], %mul3A_176 {strides = array<i32>} : memref<2x32x128xf32, #tpu.memory_space<vmem>>, vector<16xf32>,
      }
      %scan3A_89 = arith.constant 32 : i32
      %dma_start3A = arith.constant 0 : i32
      %dma_start3A_90 = arith.constant 0 : i32
      %dma_start3A_91 = tpu.memref_slice %arg12[%rem3A_67, %dma_start3A, %dma_start3A_90] : memref<2x32x128xf32, #tpu.memory_space<vmem>> -> memref<1x32x128xf32, #tpu.memory_space<vmem>>
      %dma_start3A_92 = tpu.memref_squeeze %dma_start3A_91 : memref<1x32x128xf32, #tpu.memory_space<vmem>> -> memref<32x128xf32, #tpu.memory_space<vmem>>
      %dma_start3A_93 = arith.constant 0 : i32
      %dma_start3A_94 = tpu.memref_slice %arg9[%rem3A_67, %dma_start3A_93] : memref<2x32xi32, #tpu.memory_space<vmem>> -> memref<1x32xi32, #tpu.memory_space<vmem>>
      %dma_start3A_95 = tpu.memref_squeeze %dma_start3A_94 : memref<1x32xi32, #tpu.memory_space<vmem>> -> memref<32xi32, #tpu.memory_space<vmem>>
      %dma_start3A_96 = arith.constant 0 : i32
      %dma_start3A_97 = arith.constant 0 : i32
      %dma_start3A_98 = tpu.memref_slice %arg13[%dma_start3A_96, %dma_start3A_97] : memref<15104x128xf32, #tpu.memory_space<vmem_shared>> -> memref<15104x128xf32, #tpu.memory_space<vmem_shared>>
      %dma_start3A_99 = tpu.memref_slice %arg15[%rem3A_67] : memref<2x!tpu.dma_semaphore, #tpu.memory_space<semaphore_mem>> -> memref<1x!tpu.dma_semaphore, #tpu.memory_space<semaphore_mem>>
      %dma_start3A_100 = tpu.memref_squeeze %dma_start3A_99 : memref<1x!tpu.dma_semaphore, #tpu.memory_space<semaphore_mem>> -> memref<!tpu.dma_semaphore, #tpu.memory_space<semaphore_mem>>
      tpu.enqueue_indirect_dma source(%dma_start3A_92 : memref<32x128xf32, #tpu.memory_space<vmem>>) target(%dma_start3A_98 : memref<15104x128xf32, #tpu.memory_space<vmem_shared>>) offsets(%dma_start3A_95 : memref<32xi32, #tpu.memory_space<vmem>>) semaphore(%dma_start3A_100 : memref<!tpu.dma_semaphore, #tpu.memory_space<semaphore_mem>>) {add = true}
      %add3A_101 = arith.constant 1 : i32
      %add3A_102 = arith.addi %while3A_65, %add3A_101 : i32
      %lt3A_103 = arith.cmpi slt, %add3A_102, %select_n3A : i32
      %convert_element_type3A_104 = arith.extui %lt3A_103 : i1 to i32
      %cond3A_105 = arith.constant 0 : i32
      %cond3A_106 = arith.cmpi ne, %convert_element_type3A_104, %cond3A_105 : i32
      scf.if %cond3A_106 {
        %add3A_107 = arith.constant 1 : i32
        %add3A_108 = arith.addi %while3A_65, %add3A_107 : i32
        %sub3A_109 = arith.constant 1 : i32
        %sub3A_110 = arith.subi %sub3A_109, %rem3A_67 : i32
        %mul3A_111 = arith.constant 32 : i32
        %mul3A_112 = arith.muli %add3A_108, %mul3A_111 : i32
        %add3A_113 = arith.addi %add3A_42, %mul3A_112 : i32
        %dma_wait3A_114 = tpu.memref_slice %arg3[%add3A_113] : memref<706560xi32, #tpu.memory_space<hbm>> -> memref<32xi32, #tpu.memory_space<hbm>>
        %dma_wait3A_115 = tpu.memref_slice %arg3[%add3A_113] : memref<706560xi32, #tpu.memory_space<hbm>> -> memref<32xi32, #tpu.memory_space<hbm>>
        tpu.wait_dma2 semaphore(%arg16 : memref<!tpu.dma_semaphore, #tpu.memory_space<semaphore_mem>>) src(%dma_wait3A_115 : memref<32xi32, #tpu.memory_space<hbm>>) dst(%arg7 : memref<32xi32, #tpu.memory_space<vmem>>)
        %dma_wait3A_116 = arith.constant 0 : i32
        %dma_wait3A_117 = tpu.memref_slice %arg10[%sub3A_110, %dma_wait3A_116] : memref<2x32xf32, #tpu.memory_space<vmem>> -> memref<1x32xf32, #tpu.memory_space<vmem>>
        %dma_wait3A_118 = tpu.memref_squeeze %dma_wait3A_117 : memref<1x32xf32, #tpu.memory_space<vmem>> -> memref<32xf32, #tpu.memory_space<vmem>>
        %dma_wait3A_119 = tpu.memref_slice %arg4[%add3A_113] : memref<706560xf32, #tpu.memory_space<hbm>> -> memref<32xf32, #tpu.memory_space<hbm>>
        %dma_wait3A_120 = arith.constant 0 : i32
        %dma_wait3A_121 = tpu.memref_slice %arg10[%sub3A_110, %dma_wait3A_120] : memref<2x32xf32, #tpu.memory_space<vmem>> -> memref<1x32xf32, #tpu.memory_space<vmem>>
        %dma_wait3A_122 = tpu.memref_squeeze %dma_wait3A_121 : memref<1x32xf32, #tpu.memory_space<vmem>> -> memref<32xf32, #tpu.memory_space<vmem>>
        %dma_wait3A_123 = tpu.memref_slice %arg4[%add3A_113] : memref<706560xf32, #tpu.memory_space<hbm>> -> memref<32xf32, #tpu.memory_space<hbm>>
        tpu.wait_dma2 semaphore(%arg16 : memref<!tpu.dma_semaphore, #tpu.memory_space<semaphore_mem>>) src(%dma_wait3A_123 : memref<32xf32, #tpu.memory_space<hbm>>) dst(%dma_wait3A_122 : memref<32xf32, #tpu.memory_space<vmem>>)
        %ge3A = arith.constant 1 : i32
        %ge3A_124 = arith.cmpi sge, %while3A_65, %ge3A : i32
        %convert_element_type3A_125 = arith.extui %ge3A_124 : i1 to i32
        %cond3A_126 = arith.constant 0 : i32
        %cond3A_127 = arith.cmpi ne, %convert_element_type3A_125, %cond3A_126 : i32
        scf.if %cond3A_127 {
          %sub3A_150 = arith.constant 1 : i32
          %sub3A_151 = arith.subi %sub3A_150, %rem3A_67 : i32
          %sub3A_152 = arith.constant 1 : i32
          %sub3A_153 = arith.subi %sub3A_152, %rem3A_67 : i32
          %sub3A_154 = arith.constant 1 : i32
          %sub3A_155 = arith.subi %sub3A_154, %rem3A_67 : i32
          %dma_wait3A_156 = arith.constant 0 : i32
          %dma_wait3A_157 = arith.constant 0 : i32
          %dma_wait3A_158 = tpu.memref_slice %arg12[%sub3A_151, %dma_wait3A_156, %dma_wait3A_157] : memref<2x32x128xf32, #tpu.memory_space<vmem>> -> memref<1x32x128xf32, #tpu.memory_space<vmem>>
          %dma_wait3A_159 = tpu.memref_squeeze %dma_wait3A_158 : memref<1x32x128xf32, #tpu.memory_space<vmem>> -> memref<32x128xf32, #tpu.memory_space<vmem>>
          %dma_wait3A_160 = arith.constant 0 : i32
          %dma_wait3A_161 = tpu.memref_slice %arg9[%sub3A_153, %dma_wait3A_160] : memref<2x32xi32, #tpu.memory_space<vmem>> -> memref<1x32xi32, #tpu.memory_space<vmem>>
          %dma_wait3A_162 = tpu.memref_squeeze %dma_wait3A_161 : memref<1x32xi32, #tpu.memory_space<vmem>> -> memref<32xi32, #tpu.memory_space<vmem>>
          %dma_wait3A_163 = arith.constant 0 : i32
          %dma_wait3A_164 = arith.constant 0 : i32
          %dma_wait3A_165 = tpu.memref_slice %arg13[%dma_wait3A_163, %dma_wait3A_164] : memref<15104x128xf32, #tpu.memory_space<vmem_shared>> -> memref<15104x128xf32, #tpu.memory_space<vmem_shared>>
          %dma_wait3A_166 = tpu.memref_slice %arg15[%sub3A_155] : memref<2x!tpu.dma_semaphore, #tpu.memory_space<semaphore_mem>> -> memref<1x!tpu.dma_semaphore, #tpu.memory_space<semaphore_mem>>
          %dma_wait3A_167 = tpu.memref_squeeze %dma_wait3A_166 : memref<1x!tpu.dma_semaphore, #tpu.memory_space<semaphore_mem>> -> memref<!tpu.dma_semaphore, #tpu.memory_space<semaphore_mem>>
          tpu.wait_indirect_dma semaphore(%dma_wait3A_167 : memref<!tpu.dma_semaphore, #tpu.memory_space<semaphore_mem>>) src(%dma_wait3A_159 : memref<32x128xf32, #tpu.memory_space<vmem>>) dst(%dma_wait3A_165 : memref<15104x128xf32, #tpu.memory_space<vmem_shared>>)
        } else {
        }
        %add3A_128 = arith.constant 1 : i32
        %add3A_129 = arith.addi %while3A_65, %add3A_128 : i32
        %sub3A_130 = arith.constant 1 : i32
        %sub3A_131 = arith.subi %sub3A_130, %rem3A_67 : i32
        %scan3A_132 = arith.constant 0 : i32
        %scan3A_133 = arith.constant 0 : i32
        %scan3A_134 = arith.constant 2 : i32
        %scan3A_135 = arith.addi %scan3A_133, %scan3A_134 : i32
        %scan3A_136 = arith.constant 1 : i32
        scf.for %scan3A_150 = %scan3A_133 to %scan3A_135 step %scan3A_136  : i32 {
          %mul3A_151 = arith.constant 16 : i32
          %mul3A_152 = arith.muli %scan3A_150, %mul3A_151 : i32
          %get3A_153 = arith.index_cast %mul3A_152 : i32 to index
          %get3A_154 = tpu.vector_load %arg7[%get3A_153] {strides = array<i32>} : memref<32xi32, #tpu.memory_space<vmem>>, vector<16xi32>,
          %shift_right_arithmetic3A = arith.constant 14 : i32
          %shift_right_arithmetic3A_155 = vector.broadcast %shift_right_arithmetic3A : i32 to vector<16xi32>
          %shift_right_arithmetic3A_156 = arith.shrsi %get3A_154, %shift_right_arithmetic3A_155 : vector<16xi32>
          %swap3A = arith.index_cast %sub3A_131 : i32 to index
          %swap3A_157 = arith.index_cast %mul3A_152 : i32 to index
          %swap3A_158 = tpu.vector_load %arg8[%swap3A, %swap3A_157] {strides = array<i32>} : memref<2x32xi32, #tpu.memory_space<vmem>>, vector<16xi32>,
          tpu.vector_store %arg8[%swap3A, %swap3A_157], %shift_right_arithmetic3A_156 {strides = array<i32>} : memref<2x32xi32, #tpu.memory_space<vmem>>, vector<16xi32>,
          %and3A_159 = arith.constant 16383 : i32
          %and3A_160 = vector.broadcast %and3A_159 : i32 to vector<16xi32>
          %and3A_161 = arith.andi %get3A_154, %and3A_160 : vector<16xi32>
          %swap3A_162 = arith.index_cast %sub3A_131 : i32 to index
          %swap3A_163 = arith.index_cast %mul3A_152 : i32 to index
          %swap3A_164 = tpu.vector_load %arg9[%swap3A_162, %swap3A_163] {strides = array<i32>} : memref<2x32xi32, #tpu.memory_space<vmem>>, vector<16xi32>,
          tpu.vector_store %arg9[%swap3A_162, %swap3A_163], %and3A_161 {strides = array<i32>} : memref<2x32xi32, #tpu.memory_space<vmem>>, vector<16xi32>,
        }
        %scan3A_137 = arith.constant 2 : i32
        %dma_start3A_138 = arith.constant 0 : i32
        %dma_start3A_139 = arith.constant 0 : i32
        %dma_start3A_140 = tpu.memref_slice %arg12[%sub3A_131, %dma_start3A_138, %dma_start3A_139] : memref<2x32x128xf32, #tpu.memory_space<vmem>> -> memref<1x32x128xf32, #tpu.memory_space<vmem>>
        %dma_start3A_141 = tpu.memref_squeeze %dma_start3A_140 : memref<1x32x128xf32, #tpu.memory_space<vmem>> -> memref<32x128xf32, #tpu.memory_space<vmem>>
        %dma_start3A_142 = arith.constant 0 : i32
        %dma_start3A_143 = tpu.memref_slice %arg8[%sub3A_131, %dma_start3A_142] : memref<2x32xi32, #tpu.memory_space<vmem>> -> memref<1x32xi32, #tpu.memory_space<vmem>>
        %dma_start3A_144 = tpu.memref_squeeze %dma_start3A_143 : memref<1x32xi32, #tpu.memory_space<vmem>> -> memref<32xi32, #tpu.memory_space<vmem>>
        %dma_start3A_145 = arith.constant 0 : i32
        %dma_start3A_146 = arith.constant 0 : i32
        %dma_start3A_147 = tpu.memref_slice %arg2[%dma_start3A_145, %dma_start3A_146] : memref<30000x128xf32, #tpu.memory_space<hbm>> -> memref<30000x128xf32, #tpu.memory_space<hbm>>
        %dma_start3A_148 = tpu.memref_slice %arg14[%sub3A_131] : memref<2x!tpu.dma_semaphore, #tpu.memory_space<semaphore_mem>> -> memref<1x!tpu.dma_semaphore, #tpu.memory_space<semaphore_mem>>
        %dma_start3A_149 = tpu.memref_squeeze %dma_start3A_148 : memref<1x!tpu.dma_semaphore, #tpu.memory_space<semaphore_mem>> -> memref<!tpu.dma_semaphore, #tpu.memory_space<semaphore_mem>>
        tpu.enqueue_indirect_dma source(%dma_start3A_147 : memref<30000x128xf32, #tpu.memory_space<hbm>>) target(%dma_start3A_141 : memref<32x128xf32, #tpu.memory_space<vmem>>) offsets(%dma_start3A_144 : memref<32xi32, #tpu.memory_space<vmem>>) semaphore(%dma_start3A_149 : memref<!tpu.dma_semaphore, #tpu.memory_space<semaphore_mem>>)
      } else {
      }
    }
    %scan3A_54 = arith.constant 0 : i32
    %scan3A_55 = arith.constant 0 : i32
    %scan3A_56 = arith.constant 2 : i32
    %scan3A_57 = arith.addi %scan3A_55, %scan3A_56 : i32
    %scan3A_58 = arith.constant 1 : i32
    scf.for %scan3A_65 = %scan3A_55 to %scan3A_57 step %scan3A_58  : i32 {
      %gt3A_66 = arith.cmpi sgt, %select_n3A, %scan3A_65 : i32
      %convert_element_type3A_67 = arith.extui %gt3A_66 : i1 to i32
      %cond3A_68 = arith.constant 0 : i32
      %cond3A_69 = arith.cmpi ne, %convert_element_type3A_67, %cond3A_68 : i32
      scf.if %cond3A_69 {
        %sub3A_70 = arith.constant 1 : i32
        %sub3A_71 = arith.subi %select_n3A, %sub3A_70 : i32
        %sub3A_72 = arith.subi %sub3A_71, %scan3A_65 : i32
        %rem3A_73 = arith.constant 2 : i32
        %rem3A_74 = arith.remsi %sub3A_72, %rem3A_73 : i32
        %dma_wait3A = arith.constant 0 : i32
        %dma_wait3A_75 = arith.constant 0 : i32
        %dma_wait3A_76 = tpu.memref_slice %arg12[%rem3A_74, %dma_wait3A, %dma_wait3A_75] : memref<2x32x128xf32, #tpu.memory_space<vmem>> -> memref<1x32x128xf32, #tpu.memory_space<vmem>>
        %dma_wait3A_77 = tpu.memref_squeeze %dma_wait3A_76 : memref<1x32x128xf32, #tpu.memory_space<vmem>> -> memref<32x128xf32, #tpu.memory_space<vmem>>
        %dma_wait3A_78 = arith.constant 0 : i32
        %dma_wait3A_79 = tpu.memref_slice %arg9[%rem3A_74, %dma_wait3A_78] : memref<2x32xi32, #tpu.memory_space<vmem>> -> memref<1x32xi32, #tpu.memory_space<vmem>>
        %dma_wait3A_80 = tpu.memref_squeeze %dma_wait3A_79 : memref<1x32xi32, #tpu.memory_space<vmem>> -> memref<32xi32, #tpu.memory_space<vmem>>
        %dma_wait3A_81 = arith.constant 0 : i32
        %dma_wait3A_82 = arith.constant 0 : i32
        %dma_wait3A_83 = tpu.memref_slice %arg13[%dma_wait3A_81, %dma_wait3A_82] : memref<15104x128xf32, #tpu.memory_space<vmem_shared>> -> memref<15104x128xf32, #tpu.memory_space<vmem_shared>>
        %dma_wait3A_84 = tpu.memref_slice %arg15[%rem3A_74] : memref<2x!tpu.dma_semaphore, #tpu.memory_space<semaphore_mem>> -> memref<1x!tpu.dma_semaphore, #tpu.memory_space<semaphore_mem>>
        %dma_wait3A_85 = tpu.memref_squeeze %dma_wait3A_84 : memref<1x!tpu.dma_semaphore, #tpu.memory_space<semaphore_mem>> -> memref<!tpu.dma_semaphore, #tpu.memory_space<semaphore_mem>>
        tpu.wait_indirect_dma semaphore(%dma_wait3A_85 : memref<!tpu.dma_semaphore, #tpu.memory_space<semaphore_mem>>) src(%dma_wait3A_77 : memref<32x128xf32, #tpu.memory_space<vmem>>) dst(%dma_wait3A_83 : memref<15104x128xf32, #tpu.memory_space<vmem_shared>>)
      } else {
      }
    }
    %scan3A_59 = arith.constant 2 : i32
    %barrier3A_60 = arith.constant 0 : index
    tpu.barrier barrier_id(%barrier3A_60)
    %mul3A_61 = arith.constant 944 : i32
    %mul3A_62 = arith.muli %arg1, %mul3A_61 : i32
    %mul3A_63 = arith.constant 944 : i32
    %mul3A_64 = arith.muli %arg1, %mul3A_63 : i32
    "tpu.region"() ({
      %run_scoped3A_65 = tpu.sem_alloc : memref<!tpu.dma_semaphore, #tpu.memory_space<semaphore_mem>>
      %dma_start3A = arith.constant 0 : i32
      %dma_start3A_66 = tpu.memref_slice %arg6[%arg0, %mul3A_64, %dma_start3A] : memref<2x15104x128xf32, #tpu.memory_space<hbm>> -> memref<1x944x128xf32, #tpu.memory_space<hbm>>
      %dma_start3A_67 = tpu.memref_squeeze %dma_start3A_66 : memref<1x944x128xf32, #tpu.memory_space<hbm>> -> memref<944x128xf32, #tpu.memory_space<hbm>>
      %dma_start3A_68 = arith.constant 0 : i32
      %dma_start3A_69 = tpu.memref_slice %arg13[%mul3A_62, %dma_start3A_68] : memref<15104x128xf32, #tpu.memory_space<vmem_shared>> -> memref<944x128xf32, #tpu.memory_space<vmem_shared>>
      tpu.enqueue_dma source(%dma_start3A_69 : memref<944x128xf32, #tpu.memory_space<vmem_shared>>) target(%dma_start3A_67 : memref<944x128xf32, #tpu.memory_space<hbm>>) target_semaphore(%run_scoped3A_65 : memref<!tpu.dma_semaphore, #tpu.memory_space<semaphore_mem>>)
      %dma_wait3A = arith.constant 0 : i32
      %dma_wait3A_70 = tpu.memref_slice %arg6[%arg0, %mul3A_64, %dma_wait3A] : memref<2x15104x128xf32, #tpu.memory_space<hbm>> -> memref<1x944x128xf32, #tpu.memory_space<hbm>>
      %dma_wait3A_71 = tpu.memref_squeeze %dma_wait3A_70 : memref<1x944x128xf32, #tpu.memory_space<hbm>> -> memref<944x128xf32, #tpu.memory_space<hbm>>
      %dma_wait3A_72 = arith.constant 0 : i32
      %dma_wait3A_73 = tpu.memref_slice %arg13[%mul3A_62, %dma_wait3A_72] : memref<15104x128xf32, #tpu.memory_space<vmem_shared>> -> memref<944x128xf32, #tpu.memory_space<vmem_shared>>
      tpu.wait_dma2 semaphore(%run_scoped3A_65 : memref<!tpu.dma_semaphore, #tpu.memory_space<semaphore_mem>>) src(%dma_wait3A_73 : memref<944x128xf32, #tpu.memory_space<vmem_shared>>) dst(%dma_wait3A_71 : memref<944x128xf32, #tpu.memory_space<hbm>>)
      tpu.yield
    }) : () -> ()
    return
  }
}

#map = affine_map<(d0, d1) -> (0, 0)>
#map1 = affine_map<(d0, d1) -> (0)>
#map2 = affine_map<(d0, d1) -> (0, 0, 0)>
module attributes {stable_mosaic.version = 14 : i64} {
  func.func @_msg_body(%arg0: i32, %arg1: i32, %arg2: memref<30000x128xf32, #tpu.memory_space<hbm>>, %arg3: memref<706560xi32, #tpu.memory_space<hbm>>, %arg4: memref<706560xf32, #tpu.memory_space<hbm>>, %arg5: memref<512xi32, #tpu.memory_space<hbm>>, %arg6: memref<2x15104x128xf32, #tpu.memory_space<hbm>>, %arg7: memref<32xi32, #tpu.memory_space<vmem>>, %arg8: memref<2x32xi32, #tpu.memory_space<vmem>>, %arg9: memref<2x32xi32, #tpu.memory_space<vmem>>, %arg10: memref<2x32xf32, #tpu.memory_space<vmem>>, %arg11: memref<16xi32, #tpu.memory_space<vmem>>, %arg12: memref<2x32x128xf32, #tpu.memory_space<vmem>>, %arg13: memref<15104x128xf32, #tpu.memory_space<vmem_shared>>, %arg14: memref<2x!tpu.dma_semaphore, #tpu.memory_space<semaphore_mem>>, %arg15: memref<2x!tpu.dma_semaphore, #tpu.memory_space<semaphore_mem>>, %arg16: memref<!tpu.dma_semaphore, #tpu.memory_space<semaphore_mem>>) attributes {dimension_semantics = [#tpu.dimension_semantics<core_parallel>, #tpu.dimension_semantics<subcore_parallel>], iteration_bounds = array<i64: 2, 16>, scalar_prefetch = 0 : i64, scratch_operands = 10 : i64, tpu.core_type = #tpu.core_type<sc_vector_subcore>, window_params = [{transform_indices = #map}, {transform_indices = #map1}, {transform_indices = #map1}, {transform_indices = #map1}, {transform_indices = #map2}]} {
    %broadcast_in_dim3A = arith.constant 0.000000e+00 : f32
    %broadcast_in_dim3A_0 = vector.broadcast %broadcast_in_dim3A : f32 to vector<16xf32>
    %scan3A = arith.constant 0 : i32
    %scan3A_1 = arith.constant 0 : i32
    %scan3A_2 = arith.constant 32 : i32
    %scan3A_3 = arith.addi %scan3A_1, %scan3A_2 : i32
    %scan3A_4 = arith.constant 1 : i32
    scf.for %scan3A_65 = %scan3A_1 to %scan3A_3 step %scan3A_4  : i32 {
      %swap3A = arith.constant 0 : i32
      %swap3A_66 = arith.index_cast %swap3A : i32 to index
      %swap3A_67 = arith.index_cast %scan3A_65 : i32 to index
      %swap3A_68 = arith.constant 0 : index
      %swap3A_69 = tpu.vector_load %arg12[%swap3A_66, %swap3A_67, %swap3A_68] {strides = array<i32>} : memref<2x32x128xf32, #tpu.memory_space<vmem>>, vector<16xf32>,
      tpu.vector_store %arg12[%swap3A_66, %swap3A_67, %swap3A_68], %broadcast_in_dim3A_0 {strides = array<i32>} : memref<2x32x128xf32, #tpu.memory_space<vmem>>, vector<16xf32>,
      %swap3A_70 = arith.constant 0 : i32
      %swap3A_71 = arith.index_cast %swap3A_70 : i32 to index
      %swap3A_72 = arith.index_cast %scan3A_65 : i32 to index
      %swap3A_73 = arith.constant 16 : index
      %swap3A_74 = tpu.vector_load %arg12[%swap3A_71, %swap3A_72, %swap3A_73] {strides = array<i32>} : memref<2x32x128xf32, #tpu.memory_space<vmem>>, vector<16xf32>,
      tpu.vector_store %arg12[%swap3A_71, %swap3A_72, %swap3A_73], %broadcast_in_dim3A_0 {strides = array<i32>} : memref<2x32x128xf32, #tpu.memory_space<vmem>>, vector<16xf32>,
      %swap3A_75 = arith.constant 0 : i32
      %swap3A_76 = arith.index_cast %swap3A_75 : i32 to index
      %swap3A_77 = arith.index_cast %scan3A_65 : i32 to index
      %swap3A_78 = arith.constant 32 : index
      %swap3A_79 = tpu.vector_load %arg12[%swap3A_76, %swap3A_77, %swap3A_78] {strides = array<i32>} : memref<2x32x128xf32, #tpu.memory_space<vmem>>, vector<16xf32>,
      tpu.vector_store %arg12[%swap3A_76, %swap3A_77, %swap3A_78], %broadcast_in_dim3A_0 {strides = array<i32>} : memref<2x32x128xf32, #tpu.memory_space<vmem>>, vector<16xf32>,
      %swap3A_80 = arith.constant 0 : i32
      %swap3A_81 = arith.index_cast %swap3A_80 : i32 to index
      %swap3A_82 = arith.index_cast %scan3A_65 : i32 to index
      %swap3A_83 = arith.constant 48 : index
      %swap3A_84 = tpu.vector_load %arg12[%swap3A_81, %swap3A_82, %swap3A_83] {strides = array<i32>} : memref<2x32x128xf32, #tpu.memory_space<vmem>>, vector<16xf32>,
      tpu.vector_store %arg12[%swap3A_81, %swap3A_82, %swap3A_83], %broadcast_in_dim3A_0 {strides = array<i32>} : memref<2x32x128xf32, #tpu.memory_space<vmem>>, vector<16xf32>,
      %swap3A_85 = arith.constant 0 : i32
      %swap3A_86 = arith.index_cast %swap3A_85 : i32 to index
      %swap3A_87 = arith.index_cast %scan3A_65 : i32 to index
      %swap3A_88 = arith.constant 64 : index
      %swap3A_89 = tpu.vector_load %arg12[%swap3A_86, %swap3A_87, %swap3A_88] {strides = array<i32>} : memref<2x32x128xf32, #tpu.memory_space<vmem>>, vector<16xf32>,
      tpu.vector_store %arg12[%swap3A_86, %swap3A_87, %swap3A_88], %broadcast_in_dim3A_0 {strides = array<i32>} : memref<2x32x128xf32, #tpu.memory_space<vmem>>, vector<16xf32>,
      %swap3A_90 = arith.constant 0 : i32
      %swap3A_91 = arith.index_cast %swap3A_90 : i32 to index
      %swap3A_92 = arith.index_cast %scan3A_65 : i32 to index
      %swap3A_93 = arith.constant 80 : index
      %swap3A_94 = tpu.vector_load %arg12[%swap3A_91, %swap3A_92, %swap3A_93] {strides = array<i32>} : memref<2x32x128xf32, #tpu.memory_space<vmem>>, vector<16xf32>,
      tpu.vector_store %arg12[%swap3A_91, %swap3A_92, %swap3A_93], %broadcast_in_dim3A_0 {strides = array<i32>} : memref<2x32x128xf32, #tpu.memory_space<vmem>>, vector<16xf32>,
      %swap3A_95 = arith.constant 0 : i32
      %swap3A_96 = arith.index_cast %swap3A_95 : i32 to index
      %swap3A_97 = arith.index_cast %scan3A_65 : i32 to index
      %swap3A_98 = arith.constant 96 : index
      %swap3A_99 = tpu.vector_load %arg12[%swap3A_96, %swap3A_97, %swap3A_98] {strides = array<i32>} : memref<2x32x128xf32, #tpu.memory_space<vmem>>, vector<16xf32>,
      tpu.vector_store %arg12[%swap3A_96, %swap3A_97, %swap3A_98], %broadcast_in_dim3A_0 {strides = array<i32>} : memref<2x32x128xf32, #tpu.memory_space<vmem>>, vector<16xf32>,
      %swap3A_100 = arith.constant 0 : i32
      %swap3A_101 = arith.index_cast %swap3A_100 : i32 to index
      %swap3A_102 = arith.index_cast %scan3A_65 : i32 to index
      %swap3A_103 = arith.constant 112 : index
      %swap3A_104 = tpu.vector_load %arg12[%swap3A_101, %swap3A_102, %swap3A_103] {strides = array<i32>} : memref<2x32x128xf32, #tpu.memory_space<vmem>>, vector<16xf32>,
      tpu.vector_store %arg12[%swap3A_101, %swap3A_102, %swap3A_103], %broadcast_in_dim3A_0 {strides = array<i32>} : memref<2x32x128xf32, #tpu.memory_space<vmem>>, vector<16xf32>,
    }
    %scan3A_5 = arith.constant 32 : i32
    %scan3A_6 = arith.constant 0 : i32
    %scan3A_7 = arith.constant 0 : i32
    %scan3A_8 = arith.constant 29 : i32
    %scan3A_9 = arith.addi %scan3A_7, %scan3A_8 : i32
    %scan3A_10 = arith.constant 1 : i32
    scf.for %scan3A_65 = %scan3A_7 to %scan3A_9 step %scan3A_10  : i32 {
      %mul3A_66 = arith.constant 944 : i32
      %mul3A_67 = arith.muli %arg1, %mul3A_66 : i32
      %mul3A_68 = arith.constant 32 : i32
      %mul3A_69 = arith.muli %scan3A_65, %mul3A_68 : i32
      %add3A_70 = arith.addi %mul3A_67, %mul3A_69 : i32
      %run_scoped3A_71 = arith.constant 0 : i32
      "tpu.region"() ({
        %run_scoped3A_72 = tpu.sem_alloc : memref<!tpu.dma_semaphore, #tpu.memory_space<semaphore_mem>>
        %dma_start3A = arith.constant 0 : i32
        %dma_start3A_73 = arith.constant 0 : i32
        %dma_start3A_74 = tpu.memref_slice %arg12[%run_scoped3A_71, %dma_start3A, %dma_start3A_73] : memref<2x32x128xf32, #tpu.memory_space<vmem>> -> memref<1x32x128xf32, #tpu.memory_space<vmem>>
        %dma_start3A_75 = tpu.memref_squeeze %dma_start3A_74 : memref<1x32x128xf32, #tpu.memory_space<vmem>> -> memref<32x128xf32, #tpu.memory_space<vmem>>
        %dma_start3A_76 = arith.constant 0 : i32
        %dma_start3A_77 = tpu.memref_slice %arg13[%add3A_70, %dma_start3A_76] : memref<15104x128xf32, #tpu.memory_space<vmem_shared>> -> memref<32x128xf32, #tpu.memory_space<vmem_shared>>
        %dma_start3A_78 = arith.constant 0 : i32
        %dma_start3A_79 = tpu.memref_slice %arg13[%add3A_70, %dma_start3A_78] : memref<15104x128xf32, #tpu.memory_space<vmem_shared>> -> memref<32x128xf32, #tpu.memory_space<vmem_shared>>
        %dma_start3A_80 = arith.constant 0 : i32
        %dma_start3A_81 = arith.constant 0 : i32
        %dma_start3A_82 = tpu.memref_slice %arg12[%run_scoped3A_71, %dma_start3A_80, %dma_start3A_81] : memref<2x32x128xf32, #tpu.memory_space<vmem>> -> memref<1x32x128xf32, #tpu.memory_space<vmem>>
        %dma_start3A_83 = tpu.memref_squeeze %dma_start3A_82 : memref<1x32x128xf32, #tpu.memory_space<vmem>> -> memref<32x128xf32, #tpu.memory_space<vmem>>
        tpu.enqueue_dma source(%dma_start3A_83 : memref<32x128xf32, #tpu.memory_space<vmem>>) target(%dma_start3A_79 : memref<32x128xf32, #tpu.memory_space<vmem_shared>>) target_semaphore(%run_scoped3A_72 : memref<!tpu.dma_semaphore, #tpu.memory_space<semaphore_mem>>)
        %dma_wait3A = arith.constant 0 : i32
        %dma_wait3A_84 = arith.constant 0 : i32
        %dma_wait3A_85 = tpu.memref_slice %arg12[%run_scoped3A_71, %dma_wait3A, %dma_wait3A_84] : memref<2x32x128xf32, #tpu.memory_space<vmem>> -> memref<1x32x128xf32, #tpu.memory_space<vmem>>
        %dma_wait3A_86 = tpu.memref_squeeze %dma_wait3A_85 : memref<1x32x128xf32, #tpu.memory_space<vmem>> -> memref<32x128xf32, #tpu.memory_space<vmem>>
        %dma_wait3A_87 = arith.constant 0 : i32
        %dma_wait3A_88 = tpu.memref_slice %arg13[%add3A_70, %dma_wait3A_87] : memref<15104x128xf32, #tpu.memory_space<vmem_shared>> -> memref<32x128xf32, #tpu.memory_space<vmem_shared>>
        %dma_wait3A_89 = arith.constant 0 : i32
        %dma_wait3A_90 = tpu.memref_slice %arg13[%add3A_70, %dma_wait3A_89] : memref<15104x128xf32, #tpu.memory_space<vmem_shared>> -> memref<32x128xf32, #tpu.memory_space<vmem_shared>>
        %dma_wait3A_91 = arith.constant 0 : i32
        %dma_wait3A_92 = arith.constant 0 : i32
        %dma_wait3A_93 = tpu.memref_slice %arg12[%run_scoped3A_71, %dma_wait3A_91, %dma_wait3A_92] : memref<2x32x128xf32, #tpu.memory_space<vmem>> -> memref<1x32x128xf32, #tpu.memory_space<vmem>>
        %dma_wait3A_94 = tpu.memref_squeeze %dma_wait3A_93 : memref<1x32x128xf32, #tpu.memory_space<vmem>> -> memref<32x128xf32, #tpu.memory_space<vmem>>
        tpu.wait_dma2 semaphore(%run_scoped3A_72 : memref<!tpu.dma_semaphore, #tpu.memory_space<semaphore_mem>>) src(%dma_wait3A_94 : memref<32x128xf32, #tpu.memory_space<vmem>>) dst(%dma_wait3A_90 : memref<32x128xf32, #tpu.memory_space<vmem_shared>>)
        tpu.yield
      }) : () -> ()
    }
    %scan3A_11 = arith.constant 29 : i32
    %mul3A = arith.constant 944 : i32
    %mul3A_12 = arith.muli %arg1, %mul3A : i32
    %add3A = arith.constant 928 : i32
    %add3A_13 = arith.addi %mul3A_12, %add3A : i32
    %run_scoped3A = arith.constant 0 : i32
    "tpu.region"() ({
      %run_scoped3A_65 = tpu.sem_alloc : memref<!tpu.dma_semaphore, #tpu.memory_space<semaphore_mem>>
      %dma_start3A = arith.constant 0 : i32
      %dma_start3A_66 = arith.constant 0 : i32
      %dma_start3A_67 = tpu.memref_slice %arg12[%run_scoped3A, %dma_start3A, %dma_start3A_66] : memref<2x32x128xf32, #tpu.memory_space<vmem>> -> memref<1x16x128xf32, #tpu.memory_space<vmem>>
      %dma_start3A_68 = tpu.memref_squeeze %dma_start3A_67 : memref<1x16x128xf32, #tpu.memory_space<vmem>> -> memref<16x128xf32, #tpu.memory_space<vmem>>
      %dma_start3A_69 = arith.constant 0 : i32
      %dma_start3A_70 = tpu.memref_slice %arg13[%add3A_13, %dma_start3A_69] : memref<15104x128xf32, #tpu.memory_space<vmem_shared>> -> memref<16x128xf32, #tpu.memory_space<vmem_shared>>
      %dma_start3A_71 = arith.constant 0 : i32
      %dma_start3A_72 = tpu.memref_slice %arg13[%add3A_13, %dma_start3A_71] : memref<15104x128xf32, #tpu.memory_space<vmem_shared>> -> memref<16x128xf32, #tpu.memory_space<vmem_shared>>
      %dma_start3A_73 = arith.constant 0 : i32
      %dma_start3A_74 = arith.constant 0 : i32
      %dma_start3A_75 = tpu.memref_slice %arg12[%run_scoped3A, %dma_start3A_73, %dma_start3A_74] : memref<2x32x128xf32, #tpu.memory_space<vmem>> -> memref<1x16x128xf32, #tpu.memory_space<vmem>>
      %dma_start3A_76 = tpu.memref_squeeze %dma_start3A_75 : memref<1x16x128xf32, #tpu.memory_space<vmem>> -> memref<16x128xf32, #tpu.memory_space<vmem>>
      tpu.enqueue_dma source(%dma_start3A_76 : memref<16x128xf32, #tpu.memory_space<vmem>>) target(%dma_start3A_72 : memref<16x128xf32, #tpu.memory_space<vmem_shared>>) target_semaphore(%run_scoped3A_65 : memref<!tpu.dma_semaphore, #tpu.memory_space<semaphore_mem>>)
      %dma_wait3A = arith.constant 0 : i32
      %dma_wait3A_77 = arith.constant 0 : i32
      %dma_wait3A_78 = tpu.memref_slice %arg12[%run_scoped3A, %dma_wait3A, %dma_wait3A_77] : memref<2x32x128xf32, #tpu.memory_space<vmem>> -> memref<1x16x128xf32, #tpu.memory_space<vmem>>
      %dma_wait3A_79 = tpu.memref_squeeze %dma_wait3A_78 : memref<1x16x128xf32, #tpu.memory_space<vmem>> -> memref<16x128xf32, #tpu.memory_space<vmem>>
      %dma_wait3A_80 = arith.constant 0 : i32
      %dma_wait3A_81 = tpu.memref_slice %arg13[%add3A_13, %dma_wait3A_80] : memref<15104x128xf32, #tpu.memory_space<vmem_shared>> -> memref<16x128xf32, #tpu.memory_space<vmem_shared>>
      %dma_wait3A_82 = arith.constant 0 : i32
      %dma_wait3A_83 = tpu.memref_slice %arg13[%add3A_13, %dma_wait3A_82] : memref<15104x128xf32, #tpu.memory_space<vmem_shared>> -> memref<16x128xf32, #tpu.memory_space<vmem_shared>>
      %dma_wait3A_84 = arith.constant 0 : i32
      %dma_wait3A_85 = arith.constant 0 : i32
      %dma_wait3A_86 = tpu.memref_slice %arg12[%run_scoped3A, %dma_wait3A_84, %dma_wait3A_85] : memref<2x32x128xf32, #tpu.memory_space<vmem>> -> memref<1x16x128xf32, #tpu.memory_space<vmem>>
      %dma_wait3A_87 = tpu.memref_squeeze %dma_wait3A_86 : memref<1x16x128xf32, #tpu.memory_space<vmem>> -> memref<16x128xf32, #tpu.memory_space<vmem>>
      tpu.wait_dma2 semaphore(%run_scoped3A_65 : memref<!tpu.dma_semaphore, #tpu.memory_space<semaphore_mem>>) src(%dma_wait3A_87 : memref<16x128xf32, #tpu.memory_space<vmem>>) dst(%dma_wait3A_83 : memref<16x128xf32, #tpu.memory_space<vmem_shared>>)
      tpu.yield
    }) : () -> ()
    %barrier3A = arith.constant 0 : index
    tpu.barrier barrier_id(%barrier3A)
    %mul3A_14 = arith.constant 16 : i32
    %mul3A_15 = arith.muli %arg0, %mul3A_14 : i32
    %add3A_16 = arith.addi %mul3A_15, %arg1 : i32
    %mul3A_17 = arith.constant 16 : i32
    %mul3A_18 = arith.muli %add3A_16, %mul3A_17 : i32
    "tpu.region"() ({
      %run_scoped3A_65 = tpu.sem_alloc : memref<!tpu.dma_semaphore, #tpu.memory_space<semaphore_mem>>
      %dma_start3A = tpu.memref_slice %arg5[%mul3A_18] : memref<512xi32, #tpu.memory_space<hbm>> -> memref<16xi32, #tpu.memory_space<hbm>>
      %dma_start3A_66 = tpu.memref_slice %arg5[%mul3A_18] : memref<512xi32, #tpu.memory_space<hbm>> -> memref<16xi32, #tpu.memory_space<hbm>>
      tpu.enqueue_dma source(%dma_start3A_66 : memref<16xi32, #tpu.memory_space<hbm>>) target(%arg11 : memref<16xi32, #tpu.memory_space<vmem>>) target_semaphore(%run_scoped3A_65 : memref<!tpu.dma_semaphore, #tpu.memory_space<semaphore_mem>>)
      %dma_wait3A = tpu.memref_slice %arg5[%mul3A_18] : memref<512xi32, #tpu.memory_space<hbm>> -> memref<16xi32, #tpu.memory_space<hbm>>
      %dma_wait3A_67 = tpu.memref_slice %arg5[%mul3A_18] : memref<512xi32, #tpu.memory_space<hbm>> -> memref<16xi32, #tpu.memory_space<hbm>>
      tpu.wait_dma2 semaphore(%run_scoped3A_65 : memref<!tpu.dma_semaphore, #tpu.memory_space<semaphore_mem>>) src(%dma_wait3A_67 : memref<16xi32, #tpu.memory_space<hbm>>) dst(%arg11 : memref<16xi32, #tpu.memory_space<vmem>>)
      tpu.yield
    }) : () -> ()
    %get3A = arith.constant 0 : index
    %get3A_19 = tpu.vector_load %arg11[%get3A] {strides = array<i32>} : memref<16xi32, #tpu.memory_space<vmem>>, vector<16xi32>,
    %slice3A = vector.extract_strided_slice %get3A_19 {offsets = [0], sizes = [1], strides = [1]} : vector<16xi32> to vector<1xi32>
    %squeeze3A = vector.extract %slice3A[0] : i32 from vector<1xi32>
    %add3A_20 = arith.constant 31 : i32
    %add3A_21 = arith.addi %squeeze3A, %add3A_20 : i32
    %jit3A = arith.constant 32 : i32
    %div3A = arith.divsi %add3A_21, %jit3A : i32
    %sign3A = arith.constant 0 : i32
    %sign3A_22 = arith.cmpi sgt, %add3A_21, %sign3A : i32
    %sign3A_23 = arith.extui %sign3A_22 : i1 to i32
    %sign3A_24 = arith.constant 0 : i32
    %sign3A_25 = arith.cmpi slt, %add3A_21, %sign3A_24 : i32
    %sign3A_26 = arith.extui %sign3A_25 : i1 to i32
    %sign3A_27 = arith.subi %sign3A_23, %sign3A_26 : i32
    %sign3A_28 = arith.constant 0 : i32
    %sign3A_29 = arith.cmpi sgt, %jit3A, %sign3A_28 : i32
    %sign3A_30 = arith.extui %sign3A_29 : i1 to i32
    %sign3A_31 = arith.constant 0 : i32
    %sign3A_32 = arith.cmpi slt, %jit3A, %sign3A_31 : i32
    %sign3A_33 = arith.extui %sign3A_32 : i1 to i32
    %sign3A_34 = arith.subi %sign3A_30, %sign3A_33 : i32
    %ne3A = arith.cmpi ne, %sign3A_27, %sign3A_34 : i32
    %rem3A = arith.remsi %add3A_21, %jit3A : i32
    %ne3A_35 = arith.constant 0 : i32
    %ne3A_36 = arith.cmpi ne, %rem3A, %ne3A_35 : i32
    %and3A = arith.andi %ne3A, %ne3A_36 : i1
    %sub3A = arith.constant 1 : i32
    %sub3A_37 = arith.subi %div3A, %sub3A : i32
    %select_n3A = arith.select %and3A, %sub3A_37, %div3A : i32
    %mul3A_38 = arith.constant 353280 : i32
    %mul3A_39 = arith.muli %arg0, %mul3A_38 : i32
    %mul3A_40 = arith.constant 22080 : i32
    %mul3A_41 = arith.muli %arg1, %mul3A_40 : i32
    %add3A_42 = arith.addi %mul3A_39, %mul3A_41 : i32
    %gt3A = arith.constant 0 : i32
    %gt3A_43 = arith.cmpi sgt, %select_n3A, %gt3A : i32
    %convert_element_type3A = arith.extui %gt3A_43 : i1 to i32
    %cond3A = arith.constant 0 : i32
    %cond3A_44 = arith.cmpi ne, %convert_element_type3A, %cond3A : i32
    scf.if %cond3A_44 {
      %mul3A_65 = arith.constant 0 : i32
      %mul3A_66 = arith.constant 32 : i32
      %mul3A_67 = arith.muli %mul3A_65, %mul3A_66 : i32
      %add3A_68 = arith.addi %add3A_42, %mul3A_67 : i32
      %dma_start3A = tpu.memref_slice %arg3[%add3A_68] : memref<706560xi32, #tpu.memory_space<hbm>> -> memref<32xi32, #tpu.memory_space<hbm>>
      %dma_start3A_69 = tpu.memref_slice %arg3[%add3A_68] : memref<706560xi32, #tpu.memory_space<hbm>> -> memref<32xi32, #tpu.memory_space<hbm>>
      tpu.enqueue_dma source(%dma_start3A_69 : memref<32xi32, #tpu.memory_space<hbm>>) target(%arg7 : memref<32xi32, #tpu.memory_space<vmem>>) target_semaphore(%arg16 : memref<!tpu.dma_semaphore, #tpu.memory_space<semaphore_mem>>)
      %dma_start3A_70 = arith.constant 0 : i32
      %dma_start3A_71 = arith.constant 0 : i32
      %dma_start3A_72 = tpu.memref_slice %arg10[%dma_start3A_70, %dma_start3A_71] : memref<2x32xf32, #tpu.memory_space<vmem>> -> memref<1x32xf32, #tpu.memory_space<vmem>>
      %dma_start3A_73 = tpu.memref_squeeze %dma_start3A_72 : memref<1x32xf32, #tpu.memory_space<vmem>> -> memref<32xf32, #tpu.memory_space<vmem>>
      %dma_start3A_74 = tpu.memref_slice %arg4[%add3A_68] : memref<706560xf32, #tpu.memory_space<hbm>> -> memref<32xf32, #tpu.memory_space<hbm>>
      %dma_start3A_75 = arith.constant 0 : i32
      %dma_start3A_76 = tpu.memref_slice %arg10[%dma_start3A_70, %dma_start3A_75] : memref<2x32xf32, #tpu.memory_space<vmem>> -> memref<1x32xf32, #tpu.memory_space<vmem>>
      %dma_start3A_77 = tpu.memref_squeeze %dma_start3A_76 : memref<1x32xf32, #tpu.memory_space<vmem>> -> memref<32xf32, #tpu.memory_space<vmem>>
      %dma_start3A_78 = tpu.memref_slice %arg4[%add3A_68] : memref<706560xf32, #tpu.memory_space<hbm>> -> memref<32xf32, #tpu.memory_space<hbm>>
      tpu.enqueue_dma source(%dma_start3A_78 : memref<32xf32, #tpu.memory_space<hbm>>) target(%dma_start3A_77 : memref<32xf32, #tpu.memory_space<vmem>>) target_semaphore(%arg16 : memref<!tpu.dma_semaphore, #tpu.memory_space<semaphore_mem>>)
      %mul3A_79 = arith.constant 0 : i32
      %mul3A_80 = arith.constant 32 : i32
      %mul3A_81 = arith.muli %mul3A_79, %mul3A_80 : i32
      %add3A_82 = arith.addi %add3A_42, %mul3A_81 : i32
      %dma_wait3A = tpu.memref_slice %arg3[%add3A_82] : memref<706560xi32, #tpu.memory_space<hbm>> -> memref<32xi32, #tpu.memory_space<hbm>>
      %dma_wait3A_83 = tpu.memref_slice %arg3[%add3A_82] : memref<706560xi32, #tpu.memory_space<hbm>> -> memref<32xi32, #tpu.memory_space<hbm>>
      tpu.wait_dma2 semaphore(%arg16 : memref<!tpu.dma_semaphore, #tpu.memory_space<semaphore_mem>>) src(%dma_wait3A_83 : memref<32xi32, #tpu.memory_space<hbm>>) dst(%arg7 : memref<32xi32, #tpu.memory_space<vmem>>)
      %dma_wait3A_84 = arith.constant 0 : i32
      %dma_wait3A_85 = arith.constant 0 : i32
      %dma_wait3A_86 = tpu.memref_slice %arg10[%dma_wait3A_84, %dma_wait3A_85] : memref<2x32xf32, #tpu.memory_space<vmem>> -> memref<1x32xf32, #tpu.memory_space<vmem>>
      %dma_wait3A_87 = tpu.memref_squeeze %dma_wait3A_86 : memref<1x32xf32, #tpu.memory_space<vmem>> -> memref<32xf32, #tpu.memory_space<vmem>>
      %dma_wait3A_88 = tpu.memref_slice %arg4[%add3A_82] : memref<706560xf32, #tpu.memory_space<hbm>> -> memref<32xf32, #tpu.memory_space<hbm>>
      %dma_wait3A_89 = arith.constant 0 : i32
      %dma_wait3A_90 = tpu.memref_slice %arg10[%dma_wait3A_84, %dma_wait3A_89] : memref<2x32xf32, #tpu.memory_space<vmem>> -> memref<1x32xf32, #tpu.memory_space<vmem>>
      %dma_wait3A_91 = tpu.memref_squeeze %dma_wait3A_90 : memref<1x32xf32, #tpu.memory_space<vmem>> -> memref<32xf32, #tpu.memory_space<vmem>>
      %dma_wait3A_92 = tpu.memref_slice %arg4[%add3A_82] : memref<706560xf32, #tpu.memory_space<hbm>> -> memref<32xf32, #tpu.memory_space<hbm>>
      tpu.wait_dma2 semaphore(%arg16 : memref<!tpu.dma_semaphore, #tpu.memory_space<semaphore_mem>>) src(%dma_wait3A_92 : memref<32xf32, #tpu.memory_space<hbm>>) dst(%dma_wait3A_91 : memref<32xf32, #tpu.memory_space<vmem>>)
      %scan3A_93 = arith.constant 0 : i32
      %scan3A_94 = arith.constant 0 : i32
      %scan3A_95 = arith.constant 0 : i32
      %scan3A_96 = arith.constant 2 : i32
      %scan3A_97 = arith.addi %scan3A_95, %scan3A_96 : i32
      %scan3A_98 = arith.constant 1 : i32
      scf.for %scan3A_115 = %scan3A_95 to %scan3A_97 step %scan3A_98  : i32 {
        %mul3A_116 = arith.constant 16 : i32
        %mul3A_117 = arith.muli %scan3A_115, %mul3A_116 : i32
        %get3A_118 = arith.index_cast %mul3A_117 : i32 to index
        %get3A_119 = tpu.vector_load %arg7[%get3A_118] {strides = array<i32>} : memref<32xi32, #tpu.memory_space<vmem>>, vector<16xi32>,
        %shift_right_arithmetic3A = arith.constant 14 : i32
        %shift_right_arithmetic3A_120 = vector.broadcast %shift_right_arithmetic3A : i32 to vector<16xi32>
        %shift_right_arithmetic3A_121 = arith.shrsi %get3A_119, %shift_right_arithmetic3A_120 : vector<16xi32>
        %swap3A = arith.index_cast %scan3A_94 : i32 to index
        %swap3A_122 = arith.index_cast %mul3A_117 : i32 to index
        %swap3A_123 = tpu.vector_load %arg8[%swap3A, %swap3A_122] {strides = array<i32>} : memref<2x32xi32, #tpu.memory_space<vmem>>, vector<16xi32>,
        tpu.vector_store %arg8[%swap3A, %swap3A_122], %shift_right_arithmetic3A_121 {strides = array<i32>} : memref<2x32xi32, #tpu.memory_space<vmem>>, vector<16xi32>,
        %and3A_124 = arith.constant 16383 : i32
        %and3A_125 = vector.broadcast %and3A_124 : i32 to vector<16xi32>
        %and3A_126 = arith.andi %get3A_119, %and3A_125 : vector<16xi32>
        %swap3A_127 = arith.index_cast %scan3A_94 : i32 to index
        %swap3A_128 = arith.index_cast %mul3A_117 : i32 to index
        %swap3A_129 = tpu.vector_load %arg9[%swap3A_127, %swap3A_128] {strides = array<i32>} : memref<2x32xi32, #tpu.memory_space<vmem>>, vector<16xi32>,
        tpu.vector_store %arg9[%swap3A_127, %swap3A_128], %and3A_126 {strides = array<i32>} : memref<2x32xi32, #tpu.memory_space<vmem>>, vector<16xi32>,
      }
      %scan3A_99 = arith.constant 2 : i32
      %dma_start3A_100 = arith.constant 0 : i32
      %dma_start3A_101 = arith.constant 0 : i32
      %dma_start3A_102 = arith.constant 0 : i32
      %dma_start3A_103 = arith.constant 0 : i32
      %dma_start3A_104 = arith.constant 0 : i32
      %dma_start3A_105 = tpu.memref_slice %arg12[%dma_start3A_101, %dma_start3A_103, %dma_start3A_104] : memref<2x32x128xf32, #tpu.memory_space<vmem>> -> memref<1x32x128xf32, #tpu.memory_space<vmem>>
      %dma_start3A_106 = tpu.memref_squeeze %dma_start3A_105 : memref<1x32x128xf32, #tpu.memory_space<vmem>> -> memref<32x128xf32, #tpu.memory_space<vmem>>
      %dma_start3A_107 = arith.constant 0 : i32
      %dma_start3A_108 = tpu.memref_slice %arg8[%dma_start3A_100, %dma_start3A_107] : memref<2x32xi32, #tpu.memory_space<vmem>> -> memref<1x32xi32, #tpu.memory_space<vmem>>
      %dma_start3A_109 = tpu.memref_squeeze %dma_start3A_108 : memref<1x32xi32, #tpu.memory_space<vmem>> -> memref<32xi32, #tpu.memory_space<vmem>>
      %dma_start3A_110 = arith.constant 0 : i32
      %dma_start3A_111 = arith.constant 0 : i32
      %dma_start3A_112 = tpu.memref_slice %arg2[%dma_start3A_110, %dma_start3A_111] : memref<30000x128xf32, #tpu.memory_space<hbm>> -> memref<30000x128xf32, #tpu.memory_space<hbm>>
      %dma_start3A_113 = tpu.memref_slice %arg14[%dma_start3A_102] : memref<2x!tpu.dma_semaphore, #tpu.memory_space<semaphore_mem>> -> memref<1x!tpu.dma_semaphore, #tpu.memory_space<semaphore_mem>>
      %dma_start3A_114 = tpu.memref_squeeze %dma_start3A_113 : memref<1x!tpu.dma_semaphore, #tpu.memory_space<semaphore_mem>> -> memref<!tpu.dma_semaphore, #tpu.memory_space<semaphore_mem>>
      tpu.enqueue_indirect_dma source(%dma_start3A_112 : memref<30000x128xf32, #tpu.memory_space<hbm>>) target(%dma_start3A_106 : memref<32x128xf32, #tpu.memory_space<vmem>>) offsets(%dma_start3A_109 : memref<32xi32, #tpu.memory_space<vmem>>) semaphore(%dma_start3A_114 : memref<!tpu.dma_semaphore, #tpu.memory_space<semaphore_mem>>)
    } else {
    }
    %while3A = arith.constant 0 : i32
    %while3A_45 = arith.constant 0 : i32
    %while3A_46 = arith.subi %select_n3A, %while3A_45 : i32
    %while3A_47 = arith.addi %while3A_45, %while3A_46 : i32
    %while3A_48 = arith.constant 1 : i32
    %while3A_49 = arith.divsi %while3A_46, %while3A_48 : i32
    %while3A_50 = arith.muli %while3A_49, %while3A_48 : i32
    %while3A_51 = arith.addi %while3A_45, %while3A_50 : i32
    %while3A_52 = arith.constant 1 : i32
    scf.for %while3A_65 = %while3A_45 to %while3A_51 step %while3A_52  : i32 {
      %rem3A_66 = arith.constant 2 : i32
      %rem3A_67 = arith.remsi %while3A_65, %rem3A_66 : i32
      %add3A_68 = arith.constant 1 : i32
      %add3A_69 = arith.addi %while3A_65, %add3A_68 : i32
      %lt3A = arith.cmpi slt, %add3A_69, %select_n3A : i32
      %convert_element_type3A_70 = arith.extui %lt3A : i1 to i32
      %cond3A_71 = arith.constant 0 : i32
      %cond3A_72 = arith.cmpi ne, %convert_element_type3A_70, %cond3A_71 : i32
      scf.if %cond3A_72 {
        %add3A_107 = arith.constant 1 : i32
        %add3A_108 = arith.addi %while3A_65, %add3A_107 : i32
        %sub3A_109 = arith.constant 1 : i32
        %sub3A_110 = arith.subi %sub3A_109, %rem3A_67 : i32
        %mul3A_111 = arith.constant 32 : i32
        %mul3A_112 = arith.muli %add3A_108, %mul3A_111 : i32
        %add3A_113 = arith.addi %add3A_42, %mul3A_112 : i32
        %dma_start3A_114 = tpu.memref_slice %arg3[%add3A_113] : memref<706560xi32, #tpu.memory_space<hbm>> -> memref<32xi32, #tpu.memory_space<hbm>>
        %dma_start3A_115 = tpu.memref_slice %arg3[%add3A_113] : memref<706560xi32, #tpu.memory_space<hbm>> -> memref<32xi32, #tpu.memory_space<hbm>>
        tpu.enqueue_dma source(%dma_start3A_115 : memref<32xi32, #tpu.memory_space<hbm>>) target(%arg7 : memref<32xi32, #tpu.memory_space<vmem>>) target_semaphore(%arg16 : memref<!tpu.dma_semaphore, #tpu.memory_space<semaphore_mem>>)
        %dma_start3A_116 = arith.constant 0 : i32
        %dma_start3A_117 = tpu.memref_slice %arg10[%sub3A_110, %dma_start3A_116] : memref<2x32xf32, #tpu.memory_space<vmem>> -> memref<1x32xf32, #tpu.memory_space<vmem>>
        %dma_start3A_118 = tpu.memref_squeeze %dma_start3A_117 : memref<1x32xf32, #tpu.memory_space<vmem>> -> memref<32xf32, #tpu.memory_space<vmem>>
        %dma_start3A_119 = tpu.memref_slice %arg4[%add3A_113] : memref<706560xf32, #tpu.memory_space<hbm>> -> memref<32xf32, #tpu.memory_space<hbm>>
        %dma_start3A_120 = arith.constant 0 : i32
        %dma_start3A_121 = tpu.memref_slice %arg10[%sub3A_110, %dma_start3A_120] : memref<2x32xf32, #tpu.memory_space<vmem>> -> memref<1x32xf32, #tpu.memory_space<vmem>>
        %dma_start3A_122 = tpu.memref_squeeze %dma_start3A_121 : memref<1x32xf32, #tpu.memory_space<vmem>> -> memref<32xf32, #tpu.memory_space<vmem>>
        %dma_start3A_123 = tpu.memref_slice %arg4[%add3A_113] : memref<706560xf32, #tpu.memory_space<hbm>> -> memref<32xf32, #tpu.memory_space<hbm>>
        tpu.enqueue_dma source(%dma_start3A_123 : memref<32xf32, #tpu.memory_space<hbm>>) target(%dma_start3A_122 : memref<32xf32, #tpu.memory_space<vmem>>) target_semaphore(%arg16 : memref<!tpu.dma_semaphore, #tpu.memory_space<semaphore_mem>>)
      } else {
      }
      %dma_wait3A = arith.constant 0 : i32
      %dma_wait3A_73 = arith.constant 0 : i32
      %dma_wait3A_74 = tpu.memref_slice %arg12[%rem3A_67, %dma_wait3A, %dma_wait3A_73] : memref<2x32x128xf32, #tpu.memory_space<vmem>> -> memref<1x32x128xf32, #tpu.memory_space<vmem>>
      %dma_wait3A_75 = tpu.memref_squeeze %dma_wait3A_74 : memref<1x32x128xf32, #tpu.memory_space<vmem>> -> memref<32x128xf32, #tpu.memory_space<vmem>>
      %dma_wait3A_76 = arith.constant 0 : i32
      %dma_wait3A_77 = tpu.memref_slice %arg8[%rem3A_67, %dma_wait3A_76] : memref<2x32xi32, #tpu.memory_space<vmem>> -> memref<1x32xi32, #tpu.memory_space<vmem>>
      %dma_wait3A_78 = tpu.memref_squeeze %dma_wait3A_77 : memref<1x32xi32, #tpu.memory_space<vmem>> -> memref<32xi32, #tpu.memory_space<vmem>>
      %dma_wait3A_79 = arith.constant 0 : i32
      %dma_wait3A_80 = arith.constant 0 : i32
      %dma_wait3A_81 = tpu.memref_slice %arg2[%dma_wait3A_79, %dma_wait3A_80] : memref<30000x128xf32, #tpu.memory_space<hbm>> -> memref<30000x128xf32, #tpu.memory_space<hbm>>
      %dma_wait3A_82 = tpu.memref_slice %arg14[%rem3A_67] : memref<2x!tpu.dma_semaphore, #tpu.memory_space<semaphore_mem>> -> memref<1x!tpu.dma_semaphore, #tpu.memory_space<semaphore_mem>>
      %dma_wait3A_83 = tpu.memref_squeeze %dma_wait3A_82 : memref<1x!tpu.dma_semaphore, #tpu.memory_space<semaphore_mem>> -> memref<!tpu.dma_semaphore, #tpu.memory_space<semaphore_mem>>
      tpu.wait_indirect_dma semaphore(%dma_wait3A_83 : memref<!tpu.dma_semaphore, #tpu.memory_space<semaphore_mem>>) src(%dma_wait3A_81 : memref<30000x128xf32, #tpu.memory_space<hbm>>) dst(%dma_wait3A_75 : memref<32x128xf32, #tpu.memory_space<vmem>>)
      %scan3A_84 = arith.constant 0 : i32
      %scan3A_85 = arith.constant 0 : i32
      %scan3A_86 = arith.constant 32 : i32
      %scan3A_87 = arith.addi %scan3A_85, %scan3A_86 : i32
      %scan3A_88 = arith.constant 1 : i32
      scf.for %scan3A_107 = %scan3A_85 to %scan3A_87 step %scan3A_88  : i32 {
        %broadcast_in_dim3A_108 = vector.broadcast %rem3A_67 : i32 to vector<16xi32>
        %broadcast_in_dim3A_109 = vector.broadcast %scan3A_107 : i32 to vector<16xi32>
        %gather3A = tpu.vector_load_idx %arg10[%broadcast_in_dim3A_108, %broadcast_in_dim3A_109] : memref<2x32xf32, #tpu.memory_space<vmem>>[vector<16xi32>, vector<16xi32>], vector<16xf32>,
        %get3A_110 = arith.index_cast %rem3A_67 : i32 to index
        %get3A_111 = arith.index_cast %scan3A_107 : i32 to index
        %get3A_112 = arith.constant 0 : index
        %get3A_113 = tpu.vector_load %arg12[%get3A_110, %get3A_111, %get3A_112] {strides = array<i32>} : memref<2x32x128xf32, #tpu.memory_space<vmem>>, vector<16xf32>,
        %mul3A_114 = arith.mulf %get3A_113, %gather3A : vector<16xf32>
        %swap3A = arith.index_cast %rem3A_67 : i32 to index
        %swap3A_115 = arith.index_cast %scan3A_107 : i32 to index
        %swap3A_116 = arith.constant 0 : index
        %swap3A_117 = tpu.vector_load %arg12[%swap3A, %swap3A_115, %swap3A_116] {strides = array<i32>} : memref<2x32x128xf32, #tpu.memory_space<vmem>>, vector<16xf32>,
        tpu.vector_store %arg12[%swap3A, %swap3A_115, %swap3A_116], %mul3A_114 {strides = array<i32>} : memref<2x32x128xf32, #tpu.memory_space<vmem>>, vector<16xf32>,
        %get3A_118 = arith.index_cast %rem3A_67 : i32 to index
        %get3A_119 = arith.index_cast %scan3A_107 : i32 to index
        %get3A_120 = arith.constant 16 : index
        %get3A_121 = tpu.vector_load %arg12[%get3A_118, %get3A_119, %get3A_120] {strides = array<i32>} : memref<2x32x128xf32, #tpu.memory_space<vmem>>, vector<16xf32>,
        %mul3A_122 = arith.mulf %get3A_121, %gather3A : vector<16xf32>
        %swap3A_123 = arith.index_cast %rem3A_67 : i32 to index
        %swap3A_124 = arith.index_cast %scan3A_107 : i32 to index
        %swap3A_125 = arith.constant 16 : index
        %swap3A_126 = tpu.vector_load %arg12[%swap3A_123, %swap3A_124, %swap3A_125] {strides = array<i32>} : memref<2x32x128xf32, #tpu.memory_space<vmem>>, vector<16xf32>,
        tpu.vector_store %arg12[%swap3A_123, %swap3A_124, %swap3A_125], %mul3A_122 {strides = array<i32>} : memref<2x32x128xf32, #tpu.memory_space<vmem>>, vector<16xf32>,
        %get3A_127 = arith.index_cast %rem3A_67 : i32 to index
        %get3A_128 = arith.index_cast %scan3A_107 : i32 to index
        %get3A_129 = arith.constant 32 : index
        %get3A_130 = tpu.vector_load %arg12[%get3A_127, %get3A_128, %get3A_129] {strides = array<i32>} : memref<2x32x128xf32, #tpu.memory_space<vmem>>, vector<16xf32>,
        %mul3A_131 = arith.mulf %get3A_130, %gather3A : vector<16xf32>
        %swap3A_132 = arith.index_cast %rem3A_67 : i32 to index
        %swap3A_133 = arith.index_cast %scan3A_107 : i32 to index
        %swap3A_134 = arith.constant 32 : index
        %swap3A_135 = tpu.vector_load %arg12[%swap3A_132, %swap3A_133, %swap3A_134] {strides = array<i32>} : memref<2x32x128xf32, #tpu.memory_space<vmem>>, vector<16xf32>,
        tpu.vector_store %arg12[%swap3A_132, %swap3A_133, %swap3A_134], %mul3A_131 {strides = array<i32>} : memref<2x32x128xf32, #tpu.memory_space<vmem>>, vector<16xf32>,
        %get3A_136 = arith.index_cast %rem3A_67 : i32 to index
        %get3A_137 = arith.index_cast %scan3A_107 : i32 to index
        %get3A_138 = arith.constant 48 : index
        %get3A_139 = tpu.vector_load %arg12[%get3A_136, %get3A_137, %get3A_138] {strides = array<i32>} : memref<2x32x128xf32, #tpu.memory_space<vmem>>, vector<16xf32>,
        %mul3A_140 = arith.mulf %get3A_139, %gather3A : vector<16xf32>
        %swap3A_141 = arith.index_cast %rem3A_67 : i32 to index
        %swap3A_142 = arith.index_cast %scan3A_107 : i32 to index
        %swap3A_143 = arith.constant 48 : index
        %swap3A_144 = tpu.vector_load %arg12[%swap3A_141, %swap3A_142, %swap3A_143] {strides = array<i32>} : memref<2x32x128xf32, #tpu.memory_space<vmem>>, vector<16xf32>,
        tpu.vector_store %arg12[%swap3A_141, %swap3A_142, %swap3A_143], %mul3A_140 {strides = array<i32>} : memref<2x32x128xf32, #tpu.memory_space<vmem>>, vector<16xf32>,
        %get3A_145 = arith.index_cast %rem3A_67 : i32 to index
        %get3A_146 = arith.index_cast %scan3A_107 : i32 to index
        %get3A_147 = arith.constant 64 : index
        %get3A_148 = tpu.vector_load %arg12[%get3A_145, %get3A_146, %get3A_147] {strides = array<i32>} : memref<2x32x128xf32, #tpu.memory_space<vmem>>, vector<16xf32>,
        %mul3A_149 = arith.mulf %get3A_148, %gather3A : vector<16xf32>
        %swap3A_150 = arith.index_cast %rem3A_67 : i32 to index
        %swap3A_151 = arith.index_cast %scan3A_107 : i32 to index
        %swap3A_152 = arith.constant 64 : index
        %swap3A_153 = tpu.vector_load %arg12[%swap3A_150, %swap3A_151, %swap3A_152] {strides = array<i32>} : memref<2x32x128xf32, #tpu.memory_space<vmem>>, vector<16xf32>,
        tpu.vector_store %arg12[%swap3A_150, %swap3A_151, %swap3A_152], %mul3A_149 {strides = array<i32>} : memref<2x32x128xf32, #tpu.memory_space<vmem>>, vector<16xf32>,
        %get3A_154 = arith.index_cast %rem3A_67 : i32 to index
        %get3A_155 = arith.index_cast %scan3A_107 : i32 to index
        %get3A_156 = arith.constant 80 : index
        %get3A_157 = tpu.vector_load %arg12[%get3A_154, %get3A_155, %get3A_156] {strides = array<i32>} : memref<2x32x128xf32, #tpu.memory_space<vmem>>, vector<16xf32>,
        %mul3A_158 = arith.mulf %get3A_157, %gather3A : vector<16xf32>
        %swap3A_159 = arith.index_cast %rem3A_67 : i32 to index
        %swap3A_160 = arith.index_cast %scan3A_107 : i32 to index
        %swap3A_161 = arith.constant 80 : index
        %swap3A_162 = tpu.vector_load %arg12[%swap3A_159, %swap3A_160, %swap3A_161] {strides = array<i32>} : memref<2x32x128xf32, #tpu.memory_space<vmem>>, vector<16xf32>,
        tpu.vector_store %arg12[%swap3A_159, %swap3A_160, %swap3A_161], %mul3A_158 {strides = array<i32>} : memref<2x32x128xf32, #tpu.memory_space<vmem>>, vector<16xf32>,
        %get3A_163 = arith.index_cast %rem3A_67 : i32 to index
        %get3A_164 = arith.index_cast %scan3A_107 : i32 to index
        %get3A_165 = arith.constant 96 : index
        %get3A_166 = tpu.vector_load %arg12[%get3A_163, %get3A_164, %get3A_165] {strides = array<i32>} : memref<2x32x128xf32, #tpu.memory_space<vmem>>, vector<16xf32>,
        %mul3A_167 = arith.mulf %get3A_166, %gather3A : vector<16xf32>
        %swap3A_168 = arith.index_cast %rem3A_67 : i32 to index
        %swap3A_169 = arith.index_cast %scan3A_107 : i32 to index
        %swap3A_170 = arith.constant 96 : index
        %swap3A_171 = tpu.vector_load %arg12[%swap3A_168, %swap3A_169, %swap3A_170] {strides = array<i32>} : memref<2x32x128xf32, #tpu.memory_space<vmem>>, vector<16xf32>,
        tpu.vector_store %arg12[%swap3A_168, %swap3A_169, %swap3A_170], %mul3A_167 {strides = array<i32>} : memref<2x32x128xf32, #tpu.memory_space<vmem>>, vector<16xf32>,
        %get3A_172 = arith.index_cast %rem3A_67 : i32 to index
        %get3A_173 = arith.index_cast %scan3A_107 : i32 to index
        %get3A_174 = arith.constant 112 : index
        %get3A_175 = tpu.vector_load %arg12[%get3A_172, %get3A_173, %get3A_174] {strides = array<i32>} : memref<2x32x128xf32, #tpu.memory_space<vmem>>, vector<16xf32>,
        %mul3A_176 = arith.mulf %get3A_175, %gather3A : vector<16xf32>
        %swap3A_177 = arith.index_cast %rem3A_67 : i32 to index
        %swap3A_178 = arith.index_cast %scan3A_107 : i32 to index
        %swap3A_179 = arith.constant 112 : index
        %swap3A_180 = tpu.vector_load %arg12[%swap3A_177, %swap3A_178, %swap3A_179] {strides = array<i32>} : memref<2x32x128xf32, #tpu.memory_space<vmem>>, vector<16xf32>,
        tpu.vector_store %arg12[%swap3A_177, %swap3A_178, %swap3A_179], %mul3A_176 {strides = array<i32>} : memref<2x32x128xf32, #tpu.memory_space<vmem>>, vector<16xf32>,
      }
      %scan3A_89 = arith.constant 32 : i32
      %dma_start3A = arith.constant 0 : i32
      %dma_start3A_90 = arith.constant 0 : i32
      %dma_start3A_91 = tpu.memref_slice %arg12[%rem3A_67, %dma_start3A, %dma_start3A_90] : memref<2x32x128xf32, #tpu.memory_space<vmem>> -> memref<1x32x128xf32, #tpu.memory_space<vmem>>
      %dma_start3A_92 = tpu.memref_squeeze %dma_start3A_91 : memref<1x32x128xf32, #tpu.memory_space<vmem>> -> memref<32x128xf32, #tpu.memory_space<vmem>>
      %dma_start3A_93 = arith.constant 0 : i32
      %dma_start3A_94 = tpu.memref_slice %arg9[%rem3A_67, %dma_start3A_93] : memref<2x32xi32, #tpu.memory_space<vmem>> -> memref<1x32xi32, #tpu.memory_space<vmem>>
      %dma_start3A_95 = tpu.memref_squeeze %dma_start3A_94 : memref<1x32xi32, #tpu.memory_space<vmem>> -> memref<32xi32, #tpu.memory_space<vmem>>
      %dma_start3A_96 = arith.constant 0 : i32
      %dma_start3A_97 = arith.constant 0 : i32
      %dma_start3A_98 = tpu.memref_slice %arg13[%dma_start3A_96, %dma_start3A_97] : memref<15104x128xf32, #tpu.memory_space<vmem_shared>> -> memref<15104x128xf32, #tpu.memory_space<vmem_shared>>
      %dma_start3A_99 = tpu.memref_slice %arg15[%rem3A_67] : memref<2x!tpu.dma_semaphore, #tpu.memory_space<semaphore_mem>> -> memref<1x!tpu.dma_semaphore, #tpu.memory_space<semaphore_mem>>
      %dma_start3A_100 = tpu.memref_squeeze %dma_start3A_99 : memref<1x!tpu.dma_semaphore, #tpu.memory_space<semaphore_mem>> -> memref<!tpu.dma_semaphore, #tpu.memory_space<semaphore_mem>>
      tpu.enqueue_indirect_dma source(%dma_start3A_92 : memref<32x128xf32, #tpu.memory_space<vmem>>) target(%dma_start3A_98 : memref<15104x128xf32, #tpu.memory_space<vmem_shared>>) offsets(%dma_start3A_95 : memref<32xi32, #tpu.memory_space<vmem>>) semaphore(%dma_start3A_100 : memref<!tpu.dma_semaphore, #tpu.memory_space<semaphore_mem>>) {add = true}
      %add3A_101 = arith.constant 1 : i32
      %add3A_102 = arith.addi %while3A_65, %add3A_101 : i32
      %lt3A_103 = arith.cmpi slt, %add3A_102, %select_n3A : i32
      %convert_element_type3A_104 = arith.extui %lt3A_103 : i1 to i32
      %cond3A_105 = arith.constant 0 : i32
      %cond3A_106 = arith.cmpi ne, %convert_element_type3A_104, %cond3A_105 : i32
      scf.if %cond3A_106 {
        %add3A_107 = arith.constant 1 : i32
        %add3A_108 = arith.addi %while3A_65, %add3A_107 : i32
        %sub3A_109 = arith.constant 1 : i32
        %sub3A_110 = arith.subi %sub3A_109, %rem3A_67 : i32
        %mul3A_111 = arith.constant 32 : i32
        %mul3A_112 = arith.muli %add3A_108, %mul3A_111 : i32
        %add3A_113 = arith.addi %add3A_42, %mul3A_112 : i32
        %dma_wait3A_114 = tpu.memref_slice %arg3[%add3A_113] : memref<706560xi32, #tpu.memory_space<hbm>> -> memref<32xi32, #tpu.memory_space<hbm>>
        %dma_wait3A_115 = tpu.memref_slice %arg3[%add3A_113] : memref<706560xi32, #tpu.memory_space<hbm>> -> memref<32xi32, #tpu.memory_space<hbm>>
        tpu.wait_dma2 semaphore(%arg16 : memref<!tpu.dma_semaphore, #tpu.memory_space<semaphore_mem>>) src(%dma_wait3A_115 : memref<32xi32, #tpu.memory_space<hbm>>) dst(%arg7 : memref<32xi32, #tpu.memory_space<vmem>>)
        %dma_wait3A_116 = arith.constant 0 : i32
        %dma_wait3A_117 = tpu.memref_slice %arg10[%sub3A_110, %dma_wait3A_116] : memref<2x32xf32, #tpu.memory_space<vmem>> -> memref<1x32xf32, #tpu.memory_space<vmem>>
        %dma_wait3A_118 = tpu.memref_squeeze %dma_wait3A_117 : memref<1x32xf32, #tpu.memory_space<vmem>> -> memref<32xf32, #tpu.memory_space<vmem>>
        %dma_wait3A_119 = tpu.memref_slice %arg4[%add3A_113] : memref<706560xf32, #tpu.memory_space<hbm>> -> memref<32xf32, #tpu.memory_space<hbm>>
        %dma_wait3A_120 = arith.constant 0 : i32
        %dma_wait3A_121 = tpu.memref_slice %arg10[%sub3A_110, %dma_wait3A_120] : memref<2x32xf32, #tpu.memory_space<vmem>> -> memref<1x32xf32, #tpu.memory_space<vmem>>
        %dma_wait3A_122 = tpu.memref_squeeze %dma_wait3A_121 : memref<1x32xf32, #tpu.memory_space<vmem>> -> memref<32xf32, #tpu.memory_space<vmem>>
        %dma_wait3A_123 = tpu.memref_slice %arg4[%add3A_113] : memref<706560xf32, #tpu.memory_space<hbm>> -> memref<32xf32, #tpu.memory_space<hbm>>
        tpu.wait_dma2 semaphore(%arg16 : memref<!tpu.dma_semaphore, #tpu.memory_space<semaphore_mem>>) src(%dma_wait3A_123 : memref<32xf32, #tpu.memory_space<hbm>>) dst(%dma_wait3A_122 : memref<32xf32, #tpu.memory_space<vmem>>)
        %ge3A = arith.constant 1 : i32
        %ge3A_124 = arith.cmpi sge, %while3A_65, %ge3A : i32
        %convert_element_type3A_125 = arith.extui %ge3A_124 : i1 to i32
        %cond3A_126 = arith.constant 0 : i32
        %cond3A_127 = arith.cmpi ne, %convert_element_type3A_125, %cond3A_126 : i32
        scf.if %cond3A_127 {
          %sub3A_150 = arith.constant 1 : i32
          %sub3A_151 = arith.subi %sub3A_150, %rem3A_67 : i32
          %sub3A_152 = arith.constant 1 : i32
          %sub3A_153 = arith.subi %sub3A_152, %rem3A_67 : i32
          %sub3A_154 = arith.constant 1 : i32
          %sub3A_155 = arith.subi %sub3A_154, %rem3A_67 : i32
          %dma_wait3A_156 = arith.constant 0 : i32
          %dma_wait3A_157 = arith.constant 0 : i32
          %dma_wait3A_158 = tpu.memref_slice %arg12[%sub3A_151, %dma_wait3A_156, %dma_wait3A_157] : memref<2x32x128xf32, #tpu.memory_space<vmem>> -> memref<1x32x128xf32, #tpu.memory_space<vmem>>
          %dma_wait3A_159 = tpu.memref_squeeze %dma_wait3A_158 : memref<1x32x128xf32, #tpu.memory_space<vmem>> -> memref<32x128xf32, #tpu.memory_space<vmem>>
          %dma_wait3A_160 = arith.constant 0 : i32
          %dma_wait3A_161 = tpu.memref_slice %arg9[%sub3A_153, %dma_wait3A_160] : memref<2x32xi32, #tpu.memory_space<vmem>> -> memref<1x32xi32, #tpu.memory_space<vmem>>
          %dma_wait3A_162 = tpu.memref_squeeze %dma_wait3A_161 : memref<1x32xi32, #tpu.memory_space<vmem>> -> memref<32xi32, #tpu.memory_space<vmem>>
          %dma_wait3A_163 = arith.constant 0 : i32
          %dma_wait3A_164 = arith.constant 0 : i32
          %dma_wait3A_165 = tpu.memref_slice %arg13[%dma_wait3A_163, %dma_wait3A_164] : memref<15104x128xf32, #tpu.memory_space<vmem_shared>> -> memref<15104x128xf32, #tpu.memory_space<vmem_shared>>
          %dma_wait3A_166 = tpu.memref_slice %arg15[%sub3A_155] : memref<2x!tpu.dma_semaphore, #tpu.memory_space<semaphore_mem>> -> memref<1x!tpu.dma_semaphore, #tpu.memory_space<semaphore_mem>>
          %dma_wait3A_167 = tpu.memref_squeeze %dma_wait3A_166 : memref<1x!tpu.dma_semaphore, #tpu.memory_space<semaphore_mem>> -> memref<!tpu.dma_semaphore, #tpu.memory_space<semaphore_mem>>
          tpu.wait_indirect_dma semaphore(%dma_wait3A_167 : memref<!tpu.dma_semaphore, #tpu.memory_space<semaphore_mem>>) src(%dma_wait3A_159 : memref<32x128xf32, #tpu.memory_space<vmem>>) dst(%dma_wait3A_165 : memref<15104x128xf32, #tpu.memory_space<vmem_shared>>)
        } else {
        }
        %add3A_128 = arith.constant 1 : i32
        %add3A_129 = arith.addi %while3A_65, %add3A_128 : i32
        %sub3A_130 = arith.constant 1 : i32
        %sub3A_131 = arith.subi %sub3A_130, %rem3A_67 : i32
        %scan3A_132 = arith.constant 0 : i32
        %scan3A_133 = arith.constant 0 : i32
        %scan3A_134 = arith.constant 2 : i32
        %scan3A_135 = arith.addi %scan3A_133, %scan3A_134 : i32
        %scan3A_136 = arith.constant 1 : i32
        scf.for %scan3A_150 = %scan3A_133 to %scan3A_135 step %scan3A_136  : i32 {
          %mul3A_151 = arith.constant 16 : i32
          %mul3A_152 = arith.muli %scan3A_150, %mul3A_151 : i32
          %get3A_153 = arith.index_cast %mul3A_152 : i32 to index
          %get3A_154 = tpu.vector_load %arg7[%get3A_153] {strides = array<i32>} : memref<32xi32, #tpu.memory_space<vmem>>, vector<16xi32>,
          %shift_right_arithmetic3A = arith.constant 14 : i32
          %shift_right_arithmetic3A_155 = vector.broadcast %shift_right_arithmetic3A : i32 to vector<16xi32>
          %shift_right_arithmetic3A_156 = arith.shrsi %get3A_154, %shift_right_arithmetic3A_155 : vector<16xi32>
          %swap3A = arith.index_cast %sub3A_131 : i32 to index
          %swap3A_157 = arith.index_cast %mul3A_152 : i32 to index
          %swap3A_158 = tpu.vector_load %arg8[%swap3A, %swap3A_157] {strides = array<i32>} : memref<2x32xi32, #tpu.memory_space<vmem>>, vector<16xi32>,
          tpu.vector_store %arg8[%swap3A, %swap3A_157], %shift_right_arithmetic3A_156 {strides = array<i32>} : memref<2x32xi32, #tpu.memory_space<vmem>>, vector<16xi32>,
          %and3A_159 = arith.constant 16383 : i32
          %and3A_160 = vector.broadcast %and3A_159 : i32 to vector<16xi32>
          %and3A_161 = arith.andi %get3A_154, %and3A_160 : vector<16xi32>
          %swap3A_162 = arith.index_cast %sub3A_131 : i32 to index
          %swap3A_163 = arith.index_cast %mul3A_152 : i32 to index
          %swap3A_164 = tpu.vector_load %arg9[%swap3A_162, %swap3A_163] {strides = array<i32>} : memref<2x32xi32, #tpu.memory_space<vmem>>, vector<16xi32>,
          tpu.vector_store %arg9[%swap3A_162, %swap3A_163], %and3A_161 {strides = array<i32>} : memref<2x32xi32, #tpu.memory_space<vmem>>, vector<16xi32>,
        }
        %scan3A_137 = arith.constant 2 : i32
        %dma_start3A_138 = arith.constant 0 : i32
        %dma_start3A_139 = arith.constant 0 : i32
        %dma_start3A_140 = tpu.memref_slice %arg12[%sub3A_131, %dma_start3A_138, %dma_start3A_139] : memref<2x32x128xf32, #tpu.memory_space<vmem>> -> memref<1x32x128xf32, #tpu.memory_space<vmem>>
        %dma_start3A_141 = tpu.memref_squeeze %dma_start3A_140 : memref<1x32x128xf32, #tpu.memory_space<vmem>> -> memref<32x128xf32, #tpu.memory_space<vmem>>
        %dma_start3A_142 = arith.constant 0 : i32
        %dma_start3A_143 = tpu.memref_slice %arg8[%sub3A_131, %dma_start3A_142] : memref<2x32xi32, #tpu.memory_space<vmem>> -> memref<1x32xi32, #tpu.memory_space<vmem>>
        %dma_start3A_144 = tpu.memref_squeeze %dma_start3A_143 : memref<1x32xi32, #tpu.memory_space<vmem>> -> memref<32xi32, #tpu.memory_space<vmem>>
        %dma_start3A_145 = arith.constant 0 : i32
        %dma_start3A_146 = arith.constant 0 : i32
        %dma_start3A_147 = tpu.memref_slice %arg2[%dma_start3A_145, %dma_start3A_146] : memref<30000x128xf32, #tpu.memory_space<hbm>> -> memref<30000x128xf32, #tpu.memory_space<hbm>>
        %dma_start3A_148 = tpu.memref_slice %arg14[%sub3A_131] : memref<2x!tpu.dma_semaphore, #tpu.memory_space<semaphore_mem>> -> memref<1x!tpu.dma_semaphore, #tpu.memory_space<semaphore_mem>>
        %dma_start3A_149 = tpu.memref_squeeze %dma_start3A_148 : memref<1x!tpu.dma_semaphore, #tpu.memory_space<semaphore_mem>> -> memref<!tpu.dma_semaphore, #tpu.memory_space<semaphore_mem>>
        tpu.enqueue_indirect_dma source(%dma_start3A_147 : memref<30000x128xf32, #tpu.memory_space<hbm>>) target(%dma_start3A_141 : memref<32x128xf32, #tpu.memory_space<vmem>>) offsets(%dma_start3A_144 : memref<32xi32, #tpu.memory_space<vmem>>) semaphore(%dma_start3A_149 : memref<!tpu.dma_semaphore, #tpu.memory_space<semaphore_mem>>)
      } else {
      }
    }
    %while3A_53 = arith.constant 1 : i32
    scf.for %while3A_65 = %while3A_51 to %while3A_47 step %while3A_53  : i32 {
      %rem3A_66 = arith.constant 2 : i32
      %rem3A_67 = arith.remsi %while3A_65, %rem3A_66 : i32
      %add3A_68 = arith.constant 1 : i32
      %add3A_69 = arith.addi %while3A_65, %add3A_68 : i32
      %lt3A = arith.cmpi slt, %add3A_69, %select_n3A : i32
      %convert_element_type3A_70 = arith.extui %lt3A : i1 to i32
      %cond3A_71 = arith.constant 0 : i32
      %cond3A_72 = arith.cmpi ne, %convert_element_type3A_70, %cond3A_71 : i32
      scf.if %cond3A_72 {
        %add3A_107 = arith.constant 1 : i32
        %add3A_108 = arith.addi %while3A_65, %add3A_107 : i32
        %sub3A_109 = arith.constant 1 : i32
        %sub3A_110 = arith.subi %sub3A_109, %rem3A_67 : i32
        %mul3A_111 = arith.constant 32 : i32
        %mul3A_112 = arith.muli %add3A_108, %mul3A_111 : i32
        %add3A_113 = arith.addi %add3A_42, %mul3A_112 : i32
        %dma_start3A_114 = tpu.memref_slice %arg3[%add3A_113] : memref<706560xi32, #tpu.memory_space<hbm>> -> memref<32xi32, #tpu.memory_space<hbm>>
        %dma_start3A_115 = tpu.memref_slice %arg3[%add3A_113] : memref<706560xi32, #tpu.memory_space<hbm>> -> memref<32xi32, #tpu.memory_space<hbm>>
        tpu.enqueue_dma source(%dma_start3A_115 : memref<32xi32, #tpu.memory_space<hbm>>) target(%arg7 : memref<32xi32, #tpu.memory_space<vmem>>) target_semaphore(%arg16 : memref<!tpu.dma_semaphore, #tpu.memory_space<semaphore_mem>>)
        %dma_start3A_116 = arith.constant 0 : i32
        %dma_start3A_117 = tpu.memref_slice %arg10[%sub3A_110, %dma_start3A_116] : memref<2x32xf32, #tpu.memory_space<vmem>> -> memref<1x32xf32, #tpu.memory_space<vmem>>
        %dma_start3A_118 = tpu.memref_squeeze %dma_start3A_117 : memref<1x32xf32, #tpu.memory_space<vmem>> -> memref<32xf32, #tpu.memory_space<vmem>>
        %dma_start3A_119 = tpu.memref_slice %arg4[%add3A_113] : memref<706560xf32, #tpu.memory_space<hbm>> -> memref<32xf32, #tpu.memory_space<hbm>>
        %dma_start3A_120 = arith.constant 0 : i32
        %dma_start3A_121 = tpu.memref_slice %arg10[%sub3A_110, %dma_start3A_120] : memref<2x32xf32, #tpu.memory_space<vmem>> -> memref<1x32xf32, #tpu.memory_space<vmem>>
        %dma_start3A_122 = tpu.memref_squeeze %dma_start3A_121 : memref<1x32xf32, #tpu.memory_space<vmem>> -> memref<32xf32, #tpu.memory_space<vmem>>
        %dma_start3A_123 = tpu.memref_slice %arg4[%add3A_113] : memref<706560xf32, #tpu.memory_space<hbm>> -> memref<32xf32, #tpu.memory_space<hbm>>
        tpu.enqueue_dma source(%dma_start3A_123 : memref<32xf32, #tpu.memory_space<hbm>>) target(%dma_start3A_122 : memref<32xf32, #tpu.memory_space<vmem>>) target_semaphore(%arg16 : memref<!tpu.dma_semaphore, #tpu.memory_space<semaphore_mem>>)
      } else {
      }
      %dma_wait3A = arith.constant 0 : i32
      %dma_wait3A_73 = arith.constant 0 : i32
      %dma_wait3A_74 = tpu.memref_slice %arg12[%rem3A_67, %dma_wait3A, %dma_wait3A_73] : memref<2x32x128xf32, #tpu.memory_space<vmem>> -> memref<1x32x128xf32, #tpu.memory_space<vmem>>
      %dma_wait3A_75 = tpu.memref_squeeze %dma_wait3A_74 : memref<1x32x128xf32, #tpu.memory_space<vmem>> -> memref<32x128xf32, #tpu.memory_space<vmem>>
      %dma_wait3A_76 = arith.constant 0 : i32
      %dma_wait3A_77 = tpu.memref_slice %arg8[%rem3A_67, %dma_wait3A_76] : memref<2x32xi32, #tpu.memory_space<vmem>> -> memref<1x32xi32, #tpu.memory_space<vmem>>
      %dma_wait3A_78 = tpu.memref_squeeze %dma_wait3A_77 : memref<1x32xi32, #tpu.memory_space<vmem>> -> memref<32xi32, #tpu.memory_space<vmem>>
      %dma_wait3A_79 = arith.constant 0 : i32
      %dma_wait3A_80 = arith.constant 0 : i32
      %dma_wait3A_81 = tpu.memref_slice %arg2[%dma_wait3A_79, %dma_wait3A_80] : memref<30000x128xf32, #tpu.memory_space<hbm>> -> memref<30000x128xf32, #tpu.memory_space<hbm>>
      %dma_wait3A_82 = tpu.memref_slice %arg14[%rem3A_67] : memref<2x!tpu.dma_semaphore, #tpu.memory_space<semaphore_mem>> -> memref<1x!tpu.dma_semaphore, #tpu.memory_space<semaphore_mem>>
      %dma_wait3A_83 = tpu.memref_squeeze %dma_wait3A_82 : memref<1x!tpu.dma_semaphore, #tpu.memory_space<semaphore_mem>> -> memref<!tpu.dma_semaphore, #tpu.memory_space<semaphore_mem>>
      tpu.wait_indirect_dma semaphore(%dma_wait3A_83 : memref<!tpu.dma_semaphore, #tpu.memory_space<semaphore_mem>>) src(%dma_wait3A_81 : memref<30000x128xf32, #tpu.memory_space<hbm>>) dst(%dma_wait3A_75 : memref<32x128xf32, #tpu.memory_space<vmem>>)
      %scan3A_84 = arith.constant 0 : i32
      %scan3A_85 = arith.constant 0 : i32
      %scan3A_86 = arith.constant 32 : i32
      %scan3A_87 = arith.addi %scan3A_85, %scan3A_86 : i32
      %scan3A_88 = arith.constant 1 : i32
      scf.for %scan3A_107 = %scan3A_85 to %scan3A_87 step %scan3A_88  : i32 {
        %broadcast_in_dim3A_108 = vector.broadcast %rem3A_67 : i32 to vector<16xi32>
        %broadcast_in_dim3A_109 = vector.broadcast %scan3A_107 : i32 to vector<16xi32>
        %gather3A = tpu.vector_load_idx %arg10[%broadcast_in_dim3A_108, %broadcast_in_dim3A_109] : memref<2x32xf32, #tpu.memory_space<vmem>>[vector<16xi32>, vector<16xi32>], vector<16xf32>,
        %get3A_110 = arith.index_cast %rem3A_67 : i32 to index
        %get3A_111 = arith.index_cast %scan3A_107 : i32 to index
        %get3A_112 = arith.constant 0 : index
        %get3A_113 = tpu.vector_load %arg12[%get3A_110, %get3A_111, %get3A_112] {strides = array<i32>} : memref<2x32x128xf32, #tpu.memory_space<vmem>>, vector<16xf32>,
        %mul3A_114 = arith.mulf %get3A_113, %gather3A : vector<16xf32>
        %swap3A = arith.index_cast %rem3A_67 : i32 to index
        %swap3A_115 = arith.index_cast %scan3A_107 : i32 to index
        %swap3A_116 = arith.constant 0 : index
        %swap3A_117 = tpu.vector_load %arg12[%swap3A, %swap3A_115, %swap3A_116] {strides = array<i32>} : memref<2x32x128xf32, #tpu.memory_space<vmem>>, vector<16xf32>,
        tpu.vector_store %arg12[%swap3A, %swap3A_115, %swap3A_116], %mul3A_114 {strides = array<i32>} : memref<2x32x128xf32, #tpu.memory_space<vmem>>, vector<16xf32>,
        %get3A_118 = arith.index_cast %rem3A_67 : i32 to index
        %get3A_119 = arith.index_cast %scan3A_107 : i32 to index
        %get3A_120 = arith.constant 16 : index
        %get3A_121 = tpu.vector_load %arg12[%get3A_118, %get3A_119, %get3A_120] {strides = array<i32>} : memref<2x32x128xf32, #tpu.memory_space<vmem>>, vector<16xf32>,
        %mul3A_122 = arith.mulf %get3A_121, %gather3A : vector<16xf32>
        %swap3A_123 = arith.index_cast %rem3A_67 : i32 to index
        %swap3A_124 = arith.index_cast %scan3A_107 : i32 to index
        %swap3A_125 = arith.constant 16 : index
        %swap3A_126 = tpu.vector_load %arg12[%swap3A_123, %swap3A_124, %swap3A_125] {strides = array<i32>} : memref<2x32x128xf32, #tpu.memory_space<vmem>>, vector<16xf32>,
        tpu.vector_store %arg12[%swap3A_123, %swap3A_124, %swap3A_125], %mul3A_122 {strides = array<i32>} : memref<2x32x128xf32, #tpu.memory_space<vmem>>, vector<16xf32>,
        %get3A_127 = arith.index_cast %rem3A_67 : i32 to index
        %get3A_128 = arith.index_cast %scan3A_107 : i32 to index
        %get3A_129 = arith.constant 32 : index
        %get3A_130 = tpu.vector_load %arg12[%get3A_127, %get3A_128, %get3A_129] {strides = array<i32>} : memref<2x32x128xf32, #tpu.memory_space<vmem>>, vector<16xf32>,
        %mul3A_131 = arith.mulf %get3A_130, %gather3A : vector<16xf32>
        %swap3A_132 = arith.index_cast %rem3A_67 : i32 to index
        %swap3A_133 = arith.index_cast %scan3A_107 : i32 to index
        %swap3A_134 = arith.constant 32 : index
        %swap3A_135 = tpu.vector_load %arg12[%swap3A_132, %swap3A_133, %swap3A_134] {strides = array<i32>} : memref<2x32x128xf32, #tpu.memory_space<vmem>>, vector<16xf32>,
        tpu.vector_store %arg12[%swap3A_132, %swap3A_133, %swap3A_134], %mul3A_131 {strides = array<i32>} : memref<2x32x128xf32, #tpu.memory_space<vmem>>, vector<16xf32>,
        %get3A_136 = arith.index_cast %rem3A_67 : i32 to index
        %get3A_137 = arith.index_cast %scan3A_107 : i32 to index
        %get3A_138 = arith.constant 48 : index
        %get3A_139 = tpu.vector_load %arg12[%get3A_136, %get3A_137, %get3A_138] {strides = array<i32>} : memref<2x32x128xf32, #tpu.memory_space<vmem>>, vector<16xf32>,
        %mul3A_140 = arith.mulf %get3A_139, %gather3A : vector<16xf32>
        %swap3A_141 = arith.index_cast %rem3A_67 : i32 to index
        %swap3A_142 = arith.index_cast %scan3A_107 : i32 to index
        %swap3A_143 = arith.constant 48 : index
        %swap3A_144 = tpu.vector_load %arg12[%swap3A_141, %swap3A_142, %swap3A_143] {strides = array<i32>} : memref<2x32x128xf32, #tpu.memory_space<vmem>>, vector<16xf32>,
        tpu.vector_store %arg12[%swap3A_141, %swap3A_142, %swap3A_143], %mul3A_140 {strides = array<i32>} : memref<2x32x128xf32, #tpu.memory_space<vmem>>, vector<16xf32>,
        %get3A_145 = arith.index_cast %rem3A_67 : i32 to index
        %get3A_146 = arith.index_cast %scan3A_107 : i32 to index
        %get3A_147 = arith.constant 64 : index
        %get3A_148 = tpu.vector_load %arg12[%get3A_145, %get3A_146, %get3A_147] {strides = array<i32>} : memref<2x32x128xf32, #tpu.memory_space<vmem>>, vector<16xf32>,
        %mul3A_149 = arith.mulf %get3A_148, %gather3A : vector<16xf32>
        %swap3A_150 = arith.index_cast %rem3A_67 : i32 to index
        %swap3A_151 = arith.index_cast %scan3A_107 : i32 to index
        %swap3A_152 = arith.constant 64 : index
        %swap3A_153 = tpu.vector_load %arg12[%swap3A_150, %swap3A_151, %swap3A_152] {strides = array<i32>} : memref<2x32x128xf32, #tpu.memory_space<vmem>>, vector<16xf32>,
        tpu.vector_store %arg12[%swap3A_150, %swap3A_151, %swap3A_152], %mul3A_149 {strides = array<i32>} : memref<2x32x128xf32, #tpu.memory_space<vmem>>, vector<16xf32>,
        %get3A_154 = arith.index_cast %rem3A_67 : i32 to index
        %get3A_155 = arith.index_cast %scan3A_107 : i32 to index
        %get3A_156 = arith.constant 80 : index
        %get3A_157 = tpu.vector_load %arg12[%get3A_154, %get3A_155, %get3A_156] {strides = array<i32>} : memref<2x32x128xf32, #tpu.memory_space<vmem>>, vector<16xf32>,
        %mul3A_158 = arith.mulf %get3A_157, %gather3A : vector<16xf32>
        %swap3A_159 = arith.index_cast %rem3A_67 : i32 to index
        %swap3A_160 = arith.index_cast %scan3A_107 : i32 to index
        %swap3A_161 = arith.constant 80 : index
        %swap3A_162 = tpu.vector_load %arg12[%swap3A_159, %swap3A_160, %swap3A_161] {strides = array<i32>} : memref<2x32x128xf32, #tpu.memory_space<vmem>>, vector<16xf32>,
        tpu.vector_store %arg12[%swap3A_159, %swap3A_160, %swap3A_161], %mul3A_158 {strides = array<i32>} : memref<2x32x128xf32, #tpu.memory_space<vmem>>, vector<16xf32>,
        %get3A_163 = arith.index_cast %rem3A_67 : i32 to index
        %get3A_164 = arith.index_cast %scan3A_107 : i32 to index
        %get3A_165 = arith.constant 96 : index
        %get3A_166 = tpu.vector_load %arg12[%get3A_163, %get3A_164, %get3A_165] {strides = array<i32>} : memref<2x32x128xf32, #tpu.memory_space<vmem>>, vector<16xf32>,
        %mul3A_167 = arith.mulf %get3A_166, %gather3A : vector<16xf32>
        %swap3A_168 = arith.index_cast %rem3A_67 : i32 to index
        %swap3A_169 = arith.index_cast %scan3A_107 : i32 to index
        %swap3A_170 = arith.constant 96 : index
        %swap3A_171 = tpu.vector_load %arg12[%swap3A_168, %swap3A_169, %swap3A_170] {strides = array<i32>} : memref<2x32x128xf32, #tpu.memory_space<vmem>>, vector<16xf32>,
        tpu.vector_store %arg12[%swap3A_168, %swap3A_169, %swap3A_170], %mul3A_167 {strides = array<i32>} : memref<2x32x128xf32, #tpu.memory_space<vmem>>, vector<16xf32>,
        %get3A_172 = arith.index_cast %rem3A_67 : i32 to index
        %get3A_173 = arith.index_cast %scan3A_107 : i32 to index
        %get3A_174 = arith.constant 112 : index
        %get3A_175 = tpu.vector_load %arg12[%get3A_172, %get3A_173, %get3A_174] {strides = array<i32>} : memref<2x32x128xf32, #tpu.memory_space<vmem>>, vector<16xf32>,
        %mul3A_176 = arith.mulf %get3A_175, %gather3A : vector<16xf32>
        %swap3A_177 = arith.index_cast %rem3A_67 : i32 to index
        %swap3A_178 = arith.index_cast %scan3A_107 : i32 to index
        %swap3A_179 = arith.constant 112 : index
        %swap3A_180 = tpu.vector_load %arg12[%swap3A_177, %swap3A_178, %swap3A_179] {strides = array<i32>} : memref<2x32x128xf32, #tpu.memory_space<vmem>>, vector<16xf32>,
        tpu.vector_store %arg12[%swap3A_177, %swap3A_178, %swap3A_179], %mul3A_176 {strides = array<i32>} : memref<2x32x128xf32, #tpu.memory_space<vmem>>, vector<16xf32>,
      }
      %scan3A_89 = arith.constant 32 : i32
      %dma_start3A = arith.constant 0 : i32
      %dma_start3A_90 = arith.constant 0 : i32
      %dma_start3A_91 = tpu.memref_slice %arg12[%rem3A_67, %dma_start3A, %dma_start3A_90] : memref<2x32x128xf32, #tpu.memory_space<vmem>> -> memref<1x32x128xf32, #tpu.memory_space<vmem>>
      %dma_start3A_92 = tpu.memref_squeeze %dma_start3A_91 : memref<1x32x128xf32, #tpu.memory_space<vmem>> -> memref<32x128xf32, #tpu.memory_space<vmem>>
      %dma_start3A_93 = arith.constant 0 : i32
      %dma_start3A_94 = tpu.memref_slice %arg9[%rem3A_67, %dma_start3A_93] : memref<2x32xi32, #tpu.memory_space<vmem>> -> memref<1x32xi32, #tpu.memory_space<vmem>>
      %dma_start3A_95 = tpu.memref_squeeze %dma_start3A_94 : memref<1x32xi32, #tpu.memory_space<vmem>> -> memref<32xi32, #tpu.memory_space<vmem>>
      %dma_start3A_96 = arith.constant 0 : i32
      %dma_start3A_97 = arith.constant 0 : i32
      %dma_start3A_98 = tpu.memref_slice %arg13[%dma_start3A_96, %dma_start3A_97] : memref<15104x128xf32, #tpu.memory_space<vmem_shared>> -> memref<15104x128xf32, #tpu.memory_space<vmem_shared>>
      %dma_start3A_99 = tpu.memref_slice %arg15[%rem3A_67] : memref<2x!tpu.dma_semaphore, #tpu.memory_space<semaphore_mem>> -> memref<1x!tpu.dma_semaphore, #tpu.memory_space<semaphore_mem>>
      %dma_start3A_100 = tpu.memref_squeeze %dma_start3A_99 : memref<1x!tpu.dma_semaphore, #tpu.memory_space<semaphore_mem>> -> memref<!tpu.dma_semaphore, #tpu.memory_space<semaphore_mem>>
      tpu.enqueue_indirect_dma source(%dma_start3A_92 : memref<32x128xf32, #tpu.memory_space<vmem>>) target(%dma_start3A_98 : memref<15104x128xf32, #tpu.memory_space<vmem_shared>>) offsets(%dma_start3A_95 : memref<32xi32, #tpu.memory_space<vmem>>) semaphore(%dma_start3A_100 : memref<!tpu.dma_semaphore, #tpu.memory_space<semaphore_mem>>) {add = true}
      %add3A_101 = arith.constant 1 : i32
      %add3A_102 = arith.addi %while3A_65, %add3A_101 : i32
      %lt3A_103 = arith.cmpi slt, %add3A_102, %select_n3A : i32
      %convert_element_type3A_104 = arith.extui %lt3A_103 : i1 to i32
      %cond3A_105 = arith.constant 0 : i32
      %cond3A_106 = arith.cmpi ne, %convert_element_type3A_104, %cond3A_105 : i32
      scf.if %cond3A_106 {
        %add3A_107 = arith.constant 1 : i32
        %add3A_108 = arith.addi %while3A_65, %add3A_107 : i32
        %sub3A_109 = arith.constant 1 : i32
        %sub3A_110 = arith.subi %sub3A_109, %rem3A_67 : i32
        %mul3A_111 = arith.constant 32 : i32
        %mul3A_112 = arith.muli %add3A_108, %mul3A_111 : i32
        %add3A_113 = arith.addi %add3A_42, %mul3A_112 : i32
        %dma_wait3A_114 = tpu.memref_slice %arg3[%add3A_113] : memref<706560xi32, #tpu.memory_space<hbm>> -> memref<32xi32, #tpu.memory_space<hbm>>
        %dma_wait3A_115 = tpu.memref_slice %arg3[%add3A_113] : memref<706560xi32, #tpu.memory_space<hbm>> -> memref<32xi32, #tpu.memory_space<hbm>>
        tpu.wait_dma2 semaphore(%arg16 : memref<!tpu.dma_semaphore, #tpu.memory_space<semaphore_mem>>) src(%dma_wait3A_115 : memref<32xi32, #tpu.memory_space<hbm>>) dst(%arg7 : memref<32xi32, #tpu.memory_space<vmem>>)
        %dma_wait3A_116 = arith.constant 0 : i32
        %dma_wait3A_117 = tpu.memref_slice %arg10[%sub3A_110, %dma_wait3A_116] : memref<2x32xf32, #tpu.memory_space<vmem>> -> memref<1x32xf32, #tpu.memory_space<vmem>>
        %dma_wait3A_118 = tpu.memref_squeeze %dma_wait3A_117 : memref<1x32xf32, #tpu.memory_space<vmem>> -> memref<32xf32, #tpu.memory_space<vmem>>
        %dma_wait3A_119 = tpu.memref_slice %arg4[%add3A_113] : memref<706560xf32, #tpu.memory_space<hbm>> -> memref<32xf32, #tpu.memory_space<hbm>>
        %dma_wait3A_120 = arith.constant 0 : i32
        %dma_wait3A_121 = tpu.memref_slice %arg10[%sub3A_110, %dma_wait3A_120] : memref<2x32xf32, #tpu.memory_space<vmem>> -> memref<1x32xf32, #tpu.memory_space<vmem>>
        %dma_wait3A_122 = tpu.memref_squeeze %dma_wait3A_121 : memref<1x32xf32, #tpu.memory_space<vmem>> -> memref<32xf32, #tpu.memory_space<vmem>>
        %dma_wait3A_123 = tpu.memref_slice %arg4[%add3A_113] : memref<706560xf32, #tpu.memory_space<hbm>> -> memref<32xf32, #tpu.memory_space<hbm>>
        tpu.wait_dma2 semaphore(%arg16 : memref<!tpu.dma_semaphore, #tpu.memory_space<semaphore_mem>>) src(%dma_wait3A_123 : memref<32xf32, #tpu.memory_space<hbm>>) dst(%dma_wait3A_122 : memref<32xf32, #tpu.memory_space<vmem>>)
        %ge3A = arith.constant 1 : i32
        %ge3A_124 = arith.cmpi sge, %while3A_65, %ge3A : i32
        %convert_element_type3A_125 = arith.extui %ge3A_124 : i1 to i32
        %cond3A_126 = arith.constant 0 : i32
        %cond3A_127 = arith.cmpi ne, %convert_element_type3A_125, %cond3A_126 : i32
        scf.if %cond3A_127 {
          %sub3A_150 = arith.constant 1 : i32
          %sub3A_151 = arith.subi %sub3A_150, %rem3A_67 : i32
          %sub3A_152 = arith.constant 1 : i32
          %sub3A_153 = arith.subi %sub3A_152, %rem3A_67 : i32
          %sub3A_154 = arith.constant 1 : i32
          %sub3A_155 = arith.subi %sub3A_154, %rem3A_67 : i32
          %dma_wait3A_156 = arith.constant 0 : i32
          %dma_wait3A_157 = arith.constant 0 : i32
          %dma_wait3A_158 = tpu.memref_slice %arg12[%sub3A_151, %dma_wait3A_156, %dma_wait3A_157] : memref<2x32x128xf32, #tpu.memory_space<vmem>> -> memref<1x32x128xf32, #tpu.memory_space<vmem>>
          %dma_wait3A_159 = tpu.memref_squeeze %dma_wait3A_158 : memref<1x32x128xf32, #tpu.memory_space<vmem>> -> memref<32x128xf32, #tpu.memory_space<vmem>>
          %dma_wait3A_160 = arith.constant 0 : i32
          %dma_wait3A_161 = tpu.memref_slice %arg9[%sub3A_153, %dma_wait3A_160] : memref<2x32xi32, #tpu.memory_space<vmem>> -> memref<1x32xi32, #tpu.memory_space<vmem>>
          %dma_wait3A_162 = tpu.memref_squeeze %dma_wait3A_161 : memref<1x32xi32, #tpu.memory_space<vmem>> -> memref<32xi32, #tpu.memory_space<vmem>>
          %dma_wait3A_163 = arith.constant 0 : i32
          %dma_wait3A_164 = arith.constant 0 : i32
          %dma_wait3A_165 = tpu.memref_slice %arg13[%dma_wait3A_163, %dma_wait3A_164] : memref<15104x128xf32, #tpu.memory_space<vmem_shared>> -> memref<15104x128xf32, #tpu.memory_space<vmem_shared>>
          %dma_wait3A_166 = tpu.memref_slice %arg15[%sub3A_155] : memref<2x!tpu.dma_semaphore, #tpu.memory_space<semaphore_mem>> -> memref<1x!tpu.dma_semaphore, #tpu.memory_space<semaphore_mem>>
          %dma_wait3A_167 = tpu.memref_squeeze %dma_wait3A_166 : memref<1x!tpu.dma_semaphore, #tpu.memory_space<semaphore_mem>> -> memref<!tpu.dma_semaphore, #tpu.memory_space<semaphore_mem>>
          tpu.wait_indirect_dma semaphore(%dma_wait3A_167 : memref<!tpu.dma_semaphore, #tpu.memory_space<semaphore_mem>>) src(%dma_wait3A_159 : memref<32x128xf32, #tpu.memory_space<vmem>>) dst(%dma_wait3A_165 : memref<15104x128xf32, #tpu.memory_space<vmem_shared>>)
        } else {
        }
        %add3A_128 = arith.constant 1 : i32
        %add3A_129 = arith.addi %while3A_65, %add3A_128 : i32
        %sub3A_130 = arith.constant 1 : i32
        %sub3A_131 = arith.subi %sub3A_130, %rem3A_67 : i32
        %scan3A_132 = arith.constant 0 : i32
        %scan3A_133 = arith.constant 0 : i32
        %scan3A_134 = arith.constant 2 : i32
        %scan3A_135 = arith.addi %scan3A_133, %scan3A_134 : i32
        %scan3A_136 = arith.constant 1 : i32
        scf.for %scan3A_150 = %scan3A_133 to %scan3A_135 step %scan3A_136  : i32 {
          %mul3A_151 = arith.constant 16 : i32
          %mul3A_152 = arith.muli %scan3A_150, %mul3A_151 : i32
          %get3A_153 = arith.index_cast %mul3A_152 : i32 to index
          %get3A_154 = tpu.vector_load %arg7[%get3A_153] {strides = array<i32>} : memref<32xi32, #tpu.memory_space<vmem>>, vector<16xi32>,
          %shift_right_arithmetic3A = arith.constant 14 : i32
          %shift_right_arithmetic3A_155 = vector.broadcast %shift_right_arithmetic3A : i32 to vector<16xi32>
          %shift_right_arithmetic3A_156 = arith.shrsi %get3A_154, %shift_right_arithmetic3A_155 : vector<16xi32>
          %swap3A = arith.index_cast %sub3A_131 : i32 to index
          %swap3A_157 = arith.index_cast %mul3A_152 : i32 to index
          %swap3A_158 = tpu.vector_load %arg8[%swap3A, %swap3A_157] {strides = array<i32>} : memref<2x32xi32, #tpu.memory_space<vmem>>, vector<16xi32>,
          tpu.vector_store %arg8[%swap3A, %swap3A_157], %shift_right_arithmetic3A_156 {strides = array<i32>} : memref<2x32xi32, #tpu.memory_space<vmem>>, vector<16xi32>,
          %and3A_159 = arith.constant 16383 : i32
          %and3A_160 = vector.broadcast %and3A_159 : i32 to vector<16xi32>
          %and3A_161 = arith.andi %get3A_154, %and3A_160 : vector<16xi32>
          %swap3A_162 = arith.index_cast %sub3A_131 : i32 to index
          %swap3A_163 = arith.index_cast %mul3A_152 : i32 to index
          %swap3A_164 = tpu.vector_load %arg9[%swap3A_162, %swap3A_163] {strides = array<i32>} : memref<2x32xi32, #tpu.memory_space<vmem>>, vector<16xi32>,
          tpu.vector_store %arg9[%swap3A_162, %swap3A_163], %and3A_161 {strides = array<i32>} : memref<2x32xi32, #tpu.memory_space<vmem>>, vector<16xi32>,
        }
        %scan3A_137 = arith.constant 2 : i32
        %dma_start3A_138 = arith.constant 0 : i32
        %dma_start3A_139 = arith.constant 0 : i32
        %dma_start3A_140 = tpu.memref_slice %arg12[%sub3A_131, %dma_start3A_138, %dma_start3A_139] : memref<2x32x128xf32, #tpu.memory_space<vmem>> -> memref<1x32x128xf32, #tpu.memory_space<vmem>>
        %dma_start3A_141 = tpu.memref_squeeze %dma_start3A_140 : memref<1x32x128xf32, #tpu.memory_space<vmem>> -> memref<32x128xf32, #tpu.memory_space<vmem>>
        %dma_start3A_142 = arith.constant 0 : i32
        %dma_start3A_143 = tpu.memref_slice %arg8[%sub3A_131, %dma_start3A_142] : memref<2x32xi32, #tpu.memory_space<vmem>> -> memref<1x32xi32, #tpu.memory_space<vmem>>
        %dma_start3A_144 = tpu.memref_squeeze %dma_start3A_143 : memref<1x32xi32, #tpu.memory_space<vmem>> -> memref<32xi32, #tpu.memory_space<vmem>>
        %dma_start3A_145 = arith.constant 0 : i32
        %dma_start3A_146 = arith.constant 0 : i32
        %dma_start3A_147 = tpu.memref_slice %arg2[%dma_start3A_145, %dma_start3A_146] : memref<30000x128xf32, #tpu.memory_space<hbm>> -> memref<30000x128xf32, #tpu.memory_space<hbm>>
        %dma_start3A_148 = tpu.memref_slice %arg14[%sub3A_131] : memref<2x!tpu.dma_semaphore, #tpu.memory_space<semaphore_mem>> -> memref<1x!tpu.dma_semaphore, #tpu.memory_space<semaphore_mem>>
        %dma_start3A_149 = tpu.memref_squeeze %dma_start3A_148 : memref<1x!tpu.dma_semaphore, #tpu.memory_space<semaphore_mem>> -> memref<!tpu.dma_semaphore, #tpu.memory_space<semaphore_mem>>
        tpu.enqueue_indirect_dma source(%dma_start3A_147 : memref<30000x128xf32, #tpu.memory_space<hbm>>) target(%dma_start3A_141 : memref<32x128xf32, #tpu.memory_space<vmem>>) offsets(%dma_start3A_144 : memref<32xi32, #tpu.memory_space<vmem>>) semaphore(%dma_start3A_149 : memref<!tpu.dma_semaphore, #tpu.memory_space<semaphore_mem>>)
      } else {
      }
    }
    %scan3A_54 = arith.constant 0 : i32
    %scan3A_55 = arith.constant 0 : i32
    %scan3A_56 = arith.constant 2 : i32
    %scan3A_57 = arith.addi %scan3A_55, %scan3A_56 : i32
    %scan3A_58 = arith.constant 1 : i32
    scf.for %scan3A_65 = %scan3A_55 to %scan3A_57 step %scan3A_58  : i32 {
      %gt3A_66 = arith.cmpi sgt, %select_n3A, %scan3A_65 : i32
      %convert_element_type3A_67 = arith.extui %gt3A_66 : i1 to i32
      %cond3A_68 = arith.constant 0 : i32
      %cond3A_69 = arith.cmpi ne, %convert_element_type3A_67, %cond3A_68 : i32
      scf.if %cond3A_69 {
        %sub3A_70 = arith.constant 1 : i32
        %sub3A_71 = arith.subi %select_n3A, %sub3A_70 : i32
        %sub3A_72 = arith.subi %sub3A_71, %scan3A_65 : i32
        %rem3A_73 = arith.constant 2 : i32
        %rem3A_74 = arith.remsi %sub3A_72, %rem3A_73 : i32
        %dma_wait3A = arith.constant 0 : i32
        %dma_wait3A_75 = arith.constant 0 : i32
        %dma_wait3A_76 = tpu.memref_slice %arg12[%rem3A_74, %dma_wait3A, %dma_wait3A_75] : memref<2x32x128xf32, #tpu.memory_space<vmem>> -> memref<1x32x128xf32, #tpu.memory_space<vmem>>
        %dma_wait3A_77 = tpu.memref_squeeze %dma_wait3A_76 : memref<1x32x128xf32, #tpu.memory_space<vmem>> -> memref<32x128xf32, #tpu.memory_space<vmem>>
        %dma_wait3A_78 = arith.constant 0 : i32
        %dma_wait3A_79 = tpu.memref_slice %arg9[%rem3A_74, %dma_wait3A_78] : memref<2x32xi32, #tpu.memory_space<vmem>> -> memref<1x32xi32, #tpu.memory_space<vmem>>
        %dma_wait3A_80 = tpu.memref_squeeze %dma_wait3A_79 : memref<1x32xi32, #tpu.memory_space<vmem>> -> memref<32xi32, #tpu.memory_space<vmem>>
        %dma_wait3A_81 = arith.constant 0 : i32
        %dma_wait3A_82 = arith.constant 0 : i32
        %dma_wait3A_83 = tpu.memref_slice %arg13[%dma_wait3A_81, %dma_wait3A_82] : memref<15104x128xf32, #tpu.memory_space<vmem_shared>> -> memref<15104x128xf32, #tpu.memory_space<vmem_shared>>
        %dma_wait3A_84 = tpu.memref_slice %arg15[%rem3A_74] : memref<2x!tpu.dma_semaphore, #tpu.memory_space<semaphore_mem>> -> memref<1x!tpu.dma_semaphore, #tpu.memory_space<semaphore_mem>>
        %dma_wait3A_85 = tpu.memref_squeeze %dma_wait3A_84 : memref<1x!tpu.dma_semaphore, #tpu.memory_space<semaphore_mem>> -> memref<!tpu.dma_semaphore, #tpu.memory_space<semaphore_mem>>
        tpu.wait_indirect_dma semaphore(%dma_wait3A_85 : memref<!tpu.dma_semaphore, #tpu.memory_space<semaphore_mem>>) src(%dma_wait3A_77 : memref<32x128xf32, #tpu.memory_space<vmem>>) dst(%dma_wait3A_83 : memref<15104x128xf32, #tpu.memory_space<vmem_shared>>)
      } else {
      }
    }
    %scan3A_59 = arith.constant 2 : i32
    %barrier3A_60 = arith.constant 0 : index
    tpu.barrier barrier_id(%barrier3A_60)
    %mul3A_61 = arith.constant 944 : i32
    %mul3A_62 = arith.muli %arg1, %mul3A_61 : i32
    %mul3A_63 = arith.constant 944 : i32
    %mul3A_64 = arith.muli %arg1, %mul3A_63 : i32
    "tpu.region"() ({
      %run_scoped3A_65 = tpu.sem_alloc : memref<!tpu.dma_semaphore, #tpu.memory_space<semaphore_mem>>
      %dma_start3A = arith.constant 0 : i32
      %dma_start3A_66 = tpu.memref_slice %arg6[%arg0, %mul3A_64, %dma_start3A] : memref<2x15104x128xf32, #tpu.memory_space<hbm>> -> memref<1x944x128xf32, #tpu.memory_space<hbm>>
      %dma_start3A_67 = tpu.memref_squeeze %dma_start3A_66 : memref<1x944x128xf32, #tpu.memory_space<hbm>> -> memref<944x128xf32, #tpu.memory_space<hbm>>
      %dma_start3A_68 = arith.constant 0 : i32
      %dma_start3A_69 = tpu.memref_slice %arg13[%mul3A_62, %dma_start3A_68] : memref<15104x128xf32, #tpu.memory_space<vmem_shared>> -> memref<944x128xf32, #tpu.memory_space<vmem_shared>>
      tpu.enqueue_dma source(%dma_start3A_69 : memref<944x128xf32, #tpu.memory_space<vmem_shared>>) target(%dma_start3A_67 : memref<944x128xf32, #tpu.memory_space<hbm>>) target_semaphore(%run_scoped3A_65 : memref<!tpu.dma_semaphore, #tpu.memory_space<semaphore_mem>>)
      %dma_wait3A = arith.constant 0 : i32
      %dma_wait3A_70 = tpu.memref_slice %arg6[%arg0, %mul3A_64, %dma_wait3A] : memref<2x15104x128xf32, #tpu.memory_space<hbm>> -> memref<1x944x128xf32, #tpu.memory_space<hbm>>
      %dma_wait3A_71 = tpu.memref_squeeze %dma_wait3A_70 : memref<1x944x128xf32, #tpu.memory_space<hbm>> -> memref<944x128xf32, #tpu.memory_space<hbm>>
      %dma_wait3A_72 = arith.constant 0 : i32
      %dma_wait3A_73 = tpu.memref_slice %arg13[%mul3A_62, %dma_wait3A_72] : memref<15104x128xf32, #tpu.memory_space<vmem_shared>> -> memref<944x128xf32, #tpu.memory_space<vmem_shared>>
      tpu.wait_dma2 semaphore(%run_scoped3A_65 : memref<!tpu.dma_semaphore, #tpu.memory_space<semaphore_mem>>) src(%dma_wait3A_73 : memref<944x128xf32, #tpu.memory_space<vmem_shared>>) dst(%dma_wait3A_71 : memref<944x128xf32, #tpu.memory_space<hbm>>)
      tpu.yield
    }) : () -> ()
    return
  }
}

module attributes {stable_mosaic.version = 14 : i64} {
  func.func @_tc1_body(%arg0: memref<10000x128xf32, #tpu.memory_space<vmem>>, %arg1: memref<128x128xf32, #tpu.memory_space<vmem>>, %arg2: memref<1x128xf32, #tpu.memory_space<vmem>>, %arg3: memref<1x128xf32, #tpu.memory_space<vmem>>, %arg4: memref<1x128xf32, #tpu.memory_space<vmem>>, %arg5: memref<32x30000xf32, #tpu.memory_space<vmem>>, %arg6: memref<2760x128xi32, #tpu.memory_space<vmem>>, %arg7: memref<2760x128xi32, #tpu.memory_space<vmem>>, %arg8: memref<2760x128xi32, #tpu.memory_space<vmem>>, %arg9: memref<3x128x128xf32, #tpu.memory_space<vmem>>, %arg10: memref<10000x128xf32, #tpu.memory_space<vmem>>, %arg11: memref<1x30000xf32, #tpu.memory_space<vmem>>, %arg12: memref<2760x128xi32, #tpu.memory_space<vmem>>, %arg13: memref<2760x128xi32, #tpu.memory_space<vmem>>, %arg14: memref<2x2760x128xi32, #tpu.memory_space<vmem>>, %arg15: memref<3x10000x128xf32, #tpu.memory_space<vmem>>) attributes {dimension_semantics = [], scalar_prefetch = 0 : i64, scratch_operands = 0 : i64, tpu.core_type = #tpu.core_type<tc>} {
    %get3A = arith.constant 0 : index
    %get3A_0 = arith.constant 0 : index
    %get3A_1 = vector.load %arg0[%get3A, %get3A_0] : memref<10000x128xf32, #tpu.memory_space<vmem>>, vector<10000x128xf32>
    %get3A_2 = arith.constant 0 : index
    %get3A_3 = arith.constant 0 : index
    %get3A_4 = vector.load %arg1[%get3A_2, %get3A_3] : memref<128x128xf32, #tpu.memory_space<vmem>>, vector<128x128xf32>
    %dot_general3A = arith.constant dense<0.000000e+00> : vector<10000x128xf32>
    %dot_general3A_5 = tpu.matmul %get3A_1, %get3A_4, %dot_general3A {dimension_numbers = #tpu.dot_dimension_numbers<[1], [0], [0], [1], [0, 0, 1, 1], [], []>, transpose_lhs_hint = false} : vector<10000x128xf32>, vector<128x128xf32>, vector<10000x128xf32> -> vector<10000x128xf32>
    %get3A_6 = arith.constant 0 : index
    %get3A_7 = arith.constant 0 : index
    %get3A_8 = vector.load %arg2[%get3A_6, %get3A_7] : memref<1x128xf32, #tpu.memory_space<vmem>>, vector<1x128xf32>
    %get3A_9 = vector.shape_cast %get3A_8 : vector<1x128xf32> to vector<128xf32>
    %broadcast_in_dim3A = vector.shape_cast %get3A_9 : vector<128xf32> to vector<1x128xf32>
    %add3A = vector.broadcast %broadcast_in_dim3A : vector<1x128xf32> to vector<10000x128xf32>
    %add3A_10 = arith.addf %dot_general3A_5, %add3A : vector<10000x128xf32>
    %reduce_sum3A = arith.constant dense<0.000000e+00> : vector<128xf32>
    %reduce_sum3A_11 = vector.multi_reduction <add>, %add3A_10, %reduce_sum3A [0] : vector<10000x128xf32> to vector<128xf32>
    %broadcast_in_dim3A_12 = vector.shape_cast %reduce_sum3A_11 : vector<128xf32> to vector<1x128xf32>
    %div3A = arith.constant 1.000000e+04 : f32
    %div3A_13 = vector.broadcast %div3A : f32 to vector<1x128xf32>
    %div3A_14 = arith.divf %broadcast_in_dim3A_12, %div3A_13 : vector<1x128xf32>
    %sub3A = vector.broadcast %div3A_14 : vector<1x128xf32> to vector<10000x128xf32>
    %sub3A_15 = arith.subf %add3A_10, %sub3A : vector<10000x128xf32>
    %mul3A = arith.mulf %sub3A_15, %sub3A_15 : vector<10000x128xf32>
    %reduce_sum3A_16 = arith.constant dense<0.000000e+00> : vector<128xf32>
    %reduce_sum3A_17 = vector.multi_reduction <add>, %mul3A, %reduce_sum3A_16 [0] : vector<10000x128xf32> to vector<128xf32>
    %broadcast_in_dim3A_18 = vector.shape_cast %reduce_sum3A_17 : vector<128xf32> to vector<1x128xf32>
    %div3A_19 = arith.constant 1.000000e+04 : f32
    %div3A_20 = vector.broadcast %div3A_19 : f32 to vector<1x128xf32>
    %div3A_21 = arith.divf %broadcast_in_dim3A_18, %div3A_20 : vector<1x128xf32>
    %get3A_22 = arith.constant 0 : index
    %get3A_23 = arith.constant 0 : index
    %get3A_24 = vector.load %arg3[%get3A_22, %get3A_23] : memref<1x128xf32, #tpu.memory_space<vmem>>, vector<1x128xf32>
    %get3A_25 = vector.shape_cast %get3A_24 : vector<1x128xf32> to vector<128xf32>
    %broadcast_in_dim3A_26 = vector.shape_cast %get3A_25 : vector<128xf32> to vector<1x128xf32>
    %mul3A_27 = vector.broadcast %broadcast_in_dim3A_26 : vector<1x128xf32> to vector<10000x128xf32>
    %mul3A_28 = arith.mulf %mul3A_27, %sub3A_15 : vector<10000x128xf32>
    %add3A_29 = arith.constant 9.99999974E-6 : f32
    %add3A_30 = vector.broadcast %add3A_29 : f32 to vector<1x128xf32>
    %add3A_31 = arith.addf %div3A_21, %add3A_30 : vector<1x128xf32>
    %sqrt3A = math.sqrt %add3A_31 : vector<1x128xf32>
    %div3A_32 = vector.broadcast %sqrt3A : vector<1x128xf32> to vector<10000x128xf32>
    %div3A_33 = arith.divf %mul3A_28, %div3A_32 : vector<10000x128xf32>
    %get3A_34 = arith.constant 0 : index
    %get3A_35 = arith.constant 0 : index
    %get3A_36 = vector.load %arg4[%get3A_34, %get3A_35] : memref<1x128xf32, #tpu.memory_space<vmem>>, vector<1x128xf32>
    %get3A_37 = vector.shape_cast %get3A_36 : vector<1x128xf32> to vector<128xf32>
    %broadcast_in_dim3A_38 = vector.shape_cast %get3A_37 : vector<128xf32> to vector<1x128xf32>
    %add3A_39 = vector.broadcast %broadcast_in_dim3A_38 : vector<1x128xf32> to vector<10000x128xf32>
    %add3A_40 = arith.addf %div3A_33, %add3A_39 : vector<10000x128xf32>
    %max3A = arith.constant 0.000000e+00 : f32
    %max3A_41 = vector.broadcast %max3A : f32 to vector<10000x128xf32>
    %max3A_42 = arith.maximumf %add3A_40, %max3A_41 : vector<10000x128xf32>
    %swap3A = arith.constant 0 : index
    %swap3A_43 = arith.constant 0 : index
    %swap3A_44 = vector.load %arg10[%swap3A, %swap3A_43] : memref<10000x128xf32, #tpu.memory_space<vmem>>, vector<10000x128xf32>
    tpu.vector_store %arg10[%swap3A, %swap3A_43], %max3A_42 {strides = array<i32>} : memref<10000x128xf32, #tpu.memory_space<vmem>>, vector<10000x128xf32>,
    %get3A_45 = arith.constant 0 : index
    %get3A_46 = arith.constant 0 : index
    %get3A_47 = arith.constant 0 : index
    %get3A_48 = vector.load %arg9[%get3A_45, %get3A_46, %get3A_47] : memref<3x128x128xf32, #tpu.memory_space<vmem>>, vector<1x128x128xf32>
    %get3A_49 = vector.shape_cast %get3A_48 : vector<1x128x128xf32> to vector<128x128xf32>
    %dot_general3A_50 = arith.constant dense<0.000000e+00> : vector<10000x128xf32>
    %dot_general3A_51 = tpu.matmul %max3A_42, %get3A_49, %dot_general3A_50 {dimension_numbers = #tpu.dot_dimension_numbers<[1], [0], [0], [1], [0, 0, 1, 1], [], []>, transpose_lhs_hint = false} : vector<10000x128xf32>, vector<128x128xf32>, vector<10000x128xf32> -> vector<10000x128xf32>
    %swap3A_52 = arith.constant 0 : index
    %swap3A_53 = arith.constant 0 : index
    %swap3A_54 = arith.constant 0 : index
    %swap3A_55 = vector.load %arg15[%swap3A_52, %swap3A_53, %swap3A_54] : memref<3x10000x128xf32, #tpu.memory_space<vmem>>, vector<1x10000x128xf32>
    %swap3A_56 = vector.shape_cast %swap3A_55 : vector<1x10000x128xf32> to vector<10000x128xf32>
    %swap3A_57 = vector.shape_cast %dot_general3A_51 : vector<10000x128xf32> to vector<1x10000x128xf32>
    tpu.vector_store %arg15[%swap3A_52, %swap3A_53, %swap3A_54], %swap3A_57 {strides = array<i32>} : memref<3x10000x128xf32, #tpu.memory_space<vmem>>, vector<1x10000x128xf32>,
    %get3A_58 = arith.constant 1 : index
    %get3A_59 = arith.constant 0 : index
    %get3A_60 = arith.constant 0 : index
    %get3A_61 = vector.load %arg9[%get3A_58, %get3A_59, %get3A_60] : memref<3x128x128xf32, #tpu.memory_space<vmem>>, vector<1x128x128xf32>
    %get3A_62 = vector.shape_cast %get3A_61 : vector<1x128x128xf32> to vector<128x128xf32>
    %dot_general3A_63 = arith.constant dense<0.000000e+00> : vector<10000x128xf32>
    %dot_general3A_64 = tpu.matmul %max3A_42, %get3A_62, %dot_general3A_63 {dimension_numbers = #tpu.dot_dimension_numbers<[1], [0], [0], [1], [0, 0, 1, 1], [], []>, transpose_lhs_hint = false} : vector<10000x128xf32>, vector<128x128xf32>, vector<10000x128xf32> -> vector<10000x128xf32>
    %swap3A_65 = arith.constant 1 : index
    %swap3A_66 = arith.constant 0 : index
    %swap3A_67 = arith.constant 0 : index
    %swap3A_68 = vector.load %arg15[%swap3A_65, %swap3A_66, %swap3A_67] : memref<3x10000x128xf32, #tpu.memory_space<vmem>>, vector<1x10000x128xf32>
    %swap3A_69 = vector.shape_cast %swap3A_68 : vector<1x10000x128xf32> to vector<10000x128xf32>
    %swap3A_70 = vector.shape_cast %dot_general3A_64 : vector<10000x128xf32> to vector<1x10000x128xf32>
    tpu.vector_store %arg15[%swap3A_65, %swap3A_66, %swap3A_67], %swap3A_70 {strides = array<i32>} : memref<3x10000x128xf32, #tpu.memory_space<vmem>>, vector<1x10000x128xf32>,
    %get3A_71 = arith.constant 2 : index
    %get3A_72 = arith.constant 0 : index
    %get3A_73 = arith.constant 0 : index
    %get3A_74 = vector.load %arg9[%get3A_71, %get3A_72, %get3A_73] : memref<3x128x128xf32, #tpu.memory_space<vmem>>, vector<1x128x128xf32>
    %get3A_75 = vector.shape_cast %get3A_74 : vector<1x128x128xf32> to vector<128x128xf32>
    %dot_general3A_76 = arith.constant dense<0.000000e+00> : vector<10000x128xf32>
    %dot_general3A_77 = tpu.matmul %max3A_42, %get3A_75, %dot_general3A_76 {dimension_numbers = #tpu.dot_dimension_numbers<[1], [0], [0], [1], [0, 0, 1, 1], [], []>, transpose_lhs_hint = false} : vector<10000x128xf32>, vector<128x128xf32>, vector<10000x128xf32> -> vector<10000x128xf32>
    %swap3A_78 = arith.constant 2 : index
    %swap3A_79 = arith.constant 0 : index
    %swap3A_80 = arith.constant 0 : index
    %swap3A_81 = vector.load %arg15[%swap3A_78, %swap3A_79, %swap3A_80] : memref<3x10000x128xf32, #tpu.memory_space<vmem>>, vector<1x10000x128xf32>
    %swap3A_82 = vector.shape_cast %swap3A_81 : vector<1x10000x128xf32> to vector<10000x128xf32>
    %swap3A_83 = vector.shape_cast %dot_general3A_77 : vector<10000x128xf32> to vector<1x10000x128xf32>
    tpu.vector_store %arg15[%swap3A_78, %swap3A_79, %swap3A_80], %swap3A_83 {strides = array<i32>} : memref<3x10000x128xf32, #tpu.memory_space<vmem>>, vector<1x10000x128xf32>,
    %get3A_84 = arith.constant 0 : index
    %get3A_85 = arith.constant 0 : index
    %get3A_86 = vector.load %arg5[%get3A_84, %get3A_85] : memref<32x30000xf32, #tpu.memory_space<vmem>>, vector<32x30000xf32>
    %reduce_sum3A_87 = arith.constant dense<0.000000e+00> : vector<30000xf32>
    %reduce_sum3A_88 = vector.multi_reduction <add>, %get3A_86, %reduce_sum3A_87 [0] : vector<32x30000xf32> to vector<30000xf32>
    %broadcast_in_dim3A_89 = vector.shape_cast %reduce_sum3A_88 : vector<30000xf32> to vector<1x30000xf32>
    %rsqrt3A = math.rsqrt %broadcast_in_dim3A_89 : vector<1x30000xf32>
    %swap3A_90 = arith.constant 0 : index
    %swap3A_91 = arith.constant 0 : index
    %swap3A_92 = vector.load %arg11[%swap3A_90, %swap3A_91] : memref<1x30000xf32, #tpu.memory_space<vmem>>, vector<1x30000xf32>
    tpu.vector_store %arg11[%swap3A_90, %swap3A_91], %rsqrt3A {strides = array<i32>} : memref<1x30000xf32, #tpu.memory_space<vmem>>, vector<1x30000xf32>,
    %get3A_93 = arith.constant 0 : index
    %get3A_94 = arith.constant 0 : index
    %get3A_95 = vector.load %arg6[%get3A_93, %get3A_94] : memref<2760x128xi32, #tpu.memory_space<vmem>>, vector<2760x128xi32>
    %get3A_96 = arith.constant 0 : index
    %get3A_97 = arith.constant 0 : index
    %get3A_98 = vector.load %arg7[%get3A_96, %get3A_97] : memref<2760x128xi32, #tpu.memory_space<vmem>>, vector<2760x128xi32>
    %get3A_99 = arith.constant 0 : index
    %get3A_100 = arith.constant 0 : index
    %get3A_101 = vector.load %arg8[%get3A_99, %get3A_100] : memref<2760x128xi32, #tpu.memory_space<vmem>>, vector<2760x128xi32>
    %mul3A_102 = arith.constant 10000 : i32
    %mul3A_103 = vector.broadcast %mul3A_102 : i32 to vector<2760x128xi32>
    %mul3A_104 = arith.muli %get3A_101, %mul3A_103 : vector<2760x128xi32>
    %add3A_105 = arith.addi %mul3A_104, %get3A_95 : vector<2760x128xi32>
    %swap3A_106 = arith.constant 0 : index
    %swap3A_107 = arith.constant 0 : index
    %swap3A_108 = vector.load %arg12[%swap3A_106, %swap3A_107] : memref<2760x128xi32, #tpu.memory_space<vmem>>, vector<2760x128xi32>
    tpu.vector_store %arg12[%swap3A_106, %swap3A_107], %add3A_105 {strides = array<i32>} : memref<2760x128xi32, #tpu.memory_space<vmem>>, vector<2760x128xi32>,
    %add3A_109 = arith.addi %mul3A_104, %get3A_98 : vector<2760x128xi32>
    %swap3A_110 = arith.constant 0 : index
    %swap3A_111 = arith.constant 0 : index
    %swap3A_112 = vector.load %arg13[%swap3A_110, %swap3A_111] : memref<2760x128xi32, #tpu.memory_space<vmem>>, vector<2760x128xi32>
    tpu.vector_store %arg13[%swap3A_110, %swap3A_111], %add3A_109 {strides = array<i32>} : memref<2760x128xi32, #tpu.memory_space<vmem>>, vector<2760x128xi32>,
    %get3A_113 = arith.constant 0 : index
    %get3A_114 = arith.constant 0 : index
    %get3A_115 = vector.load %arg8[%get3A_113, %get3A_114] : memref<2760x128xi32, #tpu.memory_space<vmem>>, vector<2760x128xi32>
    %mul3A_116 = arith.constant 5000 : i32
    %mul3A_117 = vector.broadcast %mul3A_116 : i32 to vector<2760x128xi32>
    %mul3A_118 = arith.muli %get3A_115, %mul3A_117 : vector<2760x128xi32>
    %lt3A = arith.constant 5000 : i32
    %lt3A_119 = vector.broadcast %lt3A : i32 to vector<2760x128xi32>
    %lt3A_120 = arith.cmpi slt, %get3A_98, %lt3A_119 : vector<2760x128xi32>
    %add3A_121 = arith.addi %mul3A_118, %get3A_98 : vector<2760x128xi32>
    %jit3A = arith.constant 15000 : i32
    %broadcast_in_dim3A_122 = vector.broadcast %jit3A : i32 to vector<2760x128xi32>
    %select_n3A = arith.select %lt3A_120, %add3A_121, %broadcast_in_dim3A_122 : vector<2760x128xi1>, vector<2760x128xi32>
    %swap3A_123 = arith.constant 0 : index
    %swap3A_124 = arith.constant 0 : index
    %swap3A_125 = arith.constant 0 : index
    %swap3A_126 = vector.load %arg14[%swap3A_123, %swap3A_124, %swap3A_125] : memref<2x2760x128xi32, #tpu.memory_space<vmem>>, vector<1x2760x128xi32>
    %swap3A_127 = vector.shape_cast %swap3A_126 : vector<1x2760x128xi32> to vector<2760x128xi32>
    %swap3A_128 = vector.shape_cast %select_n3A : vector<2760x128xi32> to vector<1x2760x128xi32>
    tpu.vector_store %arg14[%swap3A_123, %swap3A_124, %swap3A_125], %swap3A_128 {strides = array<i32>} : memref<2x2760x128xi32, #tpu.memory_space<vmem>>, vector<1x2760x128xi32>,
    %ge3A = arith.constant 5000 : i32
    %ge3A_129 = vector.broadcast %ge3A : i32 to vector<2760x128xi32>
    %ge3A_130 = arith.cmpi sge, %get3A_98, %ge3A_129 : vector<2760x128xi32>
    %sub3A_131 = arith.constant 5000 : i32
    %sub3A_132 = vector.broadcast %sub3A_131 : i32 to vector<2760x128xi32>
    %sub3A_133 = arith.subi %get3A_98, %sub3A_132 : vector<2760x128xi32>
    %add3A_134 = arith.addi %mul3A_118, %sub3A_133 : vector<2760x128xi32>
    %jit3A_135 = arith.constant 15000 : i32
    %broadcast_in_dim3A_136 = vector.broadcast %jit3A_135 : i32 to vector<2760x128xi32>
    %select_n3A_137 = arith.select %ge3A_130, %add3A_134, %broadcast_in_dim3A_136 : vector<2760x128xi1>, vector<2760x128xi32>
    %swap3A_138 = arith.constant 1 : index
    %swap3A_139 = arith.constant 0 : index
    %swap3A_140 = arith.constant 0 : index
    %swap3A_141 = vector.load %arg14[%swap3A_138, %swap3A_139, %swap3A_140] : memref<2x2760x128xi32, #tpu.memory_space<vmem>>, vector<1x2760x128xi32>
    %swap3A_142 = vector.shape_cast %swap3A_141 : vector<1x2760x128xi32> to vector<2760x128xi32>
    %swap3A_143 = vector.shape_cast %select_n3A_137 : vector<2760x128xi32> to vector<1x2760x128xi32>
    tpu.vector_store %arg14[%swap3A_138, %swap3A_139, %swap3A_140], %swap3A_143 {strides = array<i32>} : memref<2x2760x128xi32, #tpu.memory_space<vmem>>, vector<1x2760x128xi32>,
    return
  }
}

module attributes {stable_mosaic.version = 14 : i64} {
  func.func @_comb_body(%arg0: memref<10000x128xf32, #tpu.memory_space<vmem>>, %arg1: memref<3x10000x128xf32, #tpu.memory_space<vmem>>, %arg2: memref<128x128xf32, #tpu.memory_space<vmem>>, %arg3: memref<1x128xf32, #tpu.memory_space<vmem>>, %arg4: memref<3x128xf32, #tpu.memory_space<vmem>>, %arg5: memref<10000x128xf32, #tpu.memory_space<vmem>>) attributes {dimension_semantics = [], scalar_prefetch = 0 : i64, scratch_operands = 0 : i64, tpu.core_type = #tpu.core_type<tc>} {
    %get3A = arith.constant 0 : index
    %get3A_0 = arith.constant 0 : index
    %get3A_1 = vector.load %arg0[%get3A, %get3A_0] : memref<10000x128xf32, #tpu.memory_space<vmem>>, vector<10000x128xf32>
    %get3A_2 = arith.constant 0 : index
    %get3A_3 = arith.constant 0 : index
    %get3A_4 = vector.load %arg2[%get3A_2, %get3A_3] : memref<128x128xf32, #tpu.memory_space<vmem>>, vector<128x128xf32>
    %dot_general3A = arith.constant dense<0.000000e+00> : vector<10000x128xf32>
    %dot_general3A_5 = tpu.matmul %get3A_1, %get3A_4, %dot_general3A {dimension_numbers = #tpu.dot_dimension_numbers<[1], [0], [0], [1], [0, 0, 1, 1], [], []>, transpose_lhs_hint = false} : vector<10000x128xf32>, vector<128x128xf32>, vector<10000x128xf32> -> vector<10000x128xf32>
    %get3A_6 = arith.constant 0 : index
    %get3A_7 = arith.constant 0 : index
    %get3A_8 = vector.load %arg3[%get3A_6, %get3A_7] : memref<1x128xf32, #tpu.memory_space<vmem>>, vector<1x128xf32>
    %get3A_9 = vector.shape_cast %get3A_8 : vector<1x128xf32> to vector<128xf32>
    %broadcast_in_dim3A = vector.shape_cast %get3A_9 : vector<128xf32> to vector<1x128xf32>
    %add3A = vector.broadcast %broadcast_in_dim3A : vector<1x128xf32> to vector<10000x128xf32>
    %add3A_10 = arith.addf %dot_general3A_5, %add3A : vector<10000x128xf32>
    %get3A_11 = arith.constant 0 : index
    %get3A_12 = arith.constant 0 : index
    %get3A_13 = arith.constant 0 : index
    %get3A_14 = vector.load %arg1[%get3A_11, %get3A_12, %get3A_13] : memref<3x10000x128xf32, #tpu.memory_space<vmem>>, vector<1x10000x128xf32>
    %get3A_15 = vector.shape_cast %get3A_14 : vector<1x10000x128xf32> to vector<10000x128xf32>
    %add3A_16 = arith.addf %add3A_10, %get3A_15 : vector<10000x128xf32>
    %get3A_17 = arith.constant 0 : index
    %get3A_18 = arith.constant 0 : index
    %get3A_19 = vector.load %arg4[%get3A_17, %get3A_18] : memref<3x128xf32, #tpu.memory_space<vmem>>, vector<1x128xf32>
    %get3A_20 = vector.shape_cast %get3A_19 : vector<1x128xf32> to vector<128xf32>
    %broadcast_in_dim3A_21 = vector.shape_cast %get3A_20 : vector<128xf32> to vector<1x128xf32>
    %add3A_22 = vector.broadcast %broadcast_in_dim3A_21 : vector<1x128xf32> to vector<10000x128xf32>
    %add3A_23 = arith.addf %add3A_16, %add3A_22 : vector<10000x128xf32>
    %get3A_24 = arith.constant 1 : index
    %get3A_25 = arith.constant 0 : index
    %get3A_26 = arith.constant 0 : index
    %get3A_27 = vector.load %arg1[%get3A_24, %get3A_25, %get3A_26] : memref<3x10000x128xf32, #tpu.memory_space<vmem>>, vector<1x10000x128xf32>
    %get3A_28 = vector.shape_cast %get3A_27 : vector<1x10000x128xf32> to vector<10000x128xf32>
    %add3A_29 = arith.addf %add3A_23, %get3A_28 : vector<10000x128xf32>
    %get3A_30 = arith.constant 1 : index
    %get3A_31 = arith.constant 0 : index
    %get3A_32 = vector.load %arg4[%get3A_30, %get3A_31] : memref<3x128xf32, #tpu.memory_space<vmem>>, vector<1x128xf32>
    %get3A_33 = vector.shape_cast %get3A_32 : vector<1x128xf32> to vector<128xf32>
    %broadcast_in_dim3A_34 = vector.shape_cast %get3A_33 : vector<128xf32> to vector<1x128xf32>
    %add3A_35 = vector.broadcast %broadcast_in_dim3A_34 : vector<1x128xf32> to vector<10000x128xf32>
    %add3A_36 = arith.addf %add3A_29, %add3A_35 : vector<10000x128xf32>
    %get3A_37 = arith.constant 2 : index
    %get3A_38 = arith.constant 0 : index
    %get3A_39 = arith.constant 0 : index
    %get3A_40 = vector.load %arg1[%get3A_37, %get3A_38, %get3A_39] : memref<3x10000x128xf32, #tpu.memory_space<vmem>>, vector<1x10000x128xf32>
    %get3A_41 = vector.shape_cast %get3A_40 : vector<1x10000x128xf32> to vector<10000x128xf32>
    %add3A_42 = arith.addf %add3A_36, %get3A_41 : vector<10000x128xf32>
    %get3A_43 = arith.constant 2 : index
    %get3A_44 = arith.constant 0 : index
    %get3A_45 = vector.load %arg4[%get3A_43, %get3A_44] : memref<3x128xf32, #tpu.memory_space<vmem>>, vector<1x128xf32>
    %get3A_46 = vector.shape_cast %get3A_45 : vector<1x128xf32> to vector<128xf32>
    %broadcast_in_dim3A_47 = vector.shape_cast %get3A_46 : vector<128xf32> to vector<1x128xf32>
    %add3A_48 = vector.broadcast %broadcast_in_dim3A_47 : vector<1x128xf32> to vector<10000x128xf32>
    %add3A_49 = arith.addf %add3A_42, %add3A_48 : vector<10000x128xf32>
    %swap3A = arith.constant 0 : index
    %swap3A_50 = arith.constant 0 : index
    %swap3A_51 = vector.load %arg5[%swap3A, %swap3A_50] : memref<10000x128xf32, #tpu.memory_space<vmem>>, vector<10000x128xf32>
    tpu.vector_store %arg5[%swap3A, %swap3A_50], %add3A_49 {strides = array<i32>} : memref<10000x128xf32, #tpu.memory_space<vmem>>, vector<10000x128xf32>,
    return
  }
}

module attributes {stable_mosaic.version = 14 : i64} {
  func.func @_bn_relu_tab_body(%arg0: memref<10000x128xf32, #tpu.memory_space<vmem>>, %arg1: memref<1x128xf32, #tpu.memory_space<vmem>>, %arg2: memref<1x128xf32, #tpu.memory_space<vmem>>, %arg3: memref<3x128x128xf32, #tpu.memory_space<vmem>>, %arg4: memref<10000x128xf32, #tpu.memory_space<vmem>>, %arg5: memref<3x10000x128xf32, #tpu.memory_space<vmem>>) attributes {dimension_semantics = [], scalar_prefetch = 0 : i64, scratch_operands = 0 : i64, tpu.core_type = #tpu.core_type<tc>} {
    %get3A = arith.constant 0 : index
    %get3A_0 = arith.constant 0 : index
    %get3A_1 = vector.load %arg0[%get3A, %get3A_0] : memref<10000x128xf32, #tpu.memory_space<vmem>>, vector<10000x128xf32>
    %reduce_sum3A = arith.constant dense<0.000000e+00> : vector<128xf32>
    %reduce_sum3A_2 = vector.multi_reduction <add>, %get3A_1, %reduce_sum3A [0] : vector<10000x128xf32> to vector<128xf32>
    %broadcast_in_dim3A = vector.shape_cast %reduce_sum3A_2 : vector<128xf32> to vector<1x128xf32>
    %div3A = arith.constant 1.000000e+04 : f32
    %div3A_3 = vector.broadcast %div3A : f32 to vector<1x128xf32>
    %div3A_4 = arith.divf %broadcast_in_dim3A, %div3A_3 : vector<1x128xf32>
    %sub3A = vector.broadcast %div3A_4 : vector<1x128xf32> to vector<10000x128xf32>
    %sub3A_5 = arith.subf %get3A_1, %sub3A : vector<10000x128xf32>
    %mul3A = arith.mulf %sub3A_5, %sub3A_5 : vector<10000x128xf32>
    %reduce_sum3A_6 = arith.constant dense<0.000000e+00> : vector<128xf32>
    %reduce_sum3A_7 = vector.multi_reduction <add>, %mul3A, %reduce_sum3A_6 [0] : vector<10000x128xf32> to vector<128xf32>
    %broadcast_in_dim3A_8 = vector.shape_cast %reduce_sum3A_7 : vector<128xf32> to vector<1x128xf32>
    %div3A_9 = arith.constant 1.000000e+04 : f32
    %div3A_10 = vector.broadcast %div3A_9 : f32 to vector<1x128xf32>
    %div3A_11 = arith.divf %broadcast_in_dim3A_8, %div3A_10 : vector<1x128xf32>
    %get3A_12 = arith.constant 0 : index
    %get3A_13 = arith.constant 0 : index
    %get3A_14 = vector.load %arg1[%get3A_12, %get3A_13] : memref<1x128xf32, #tpu.memory_space<vmem>>, vector<1x128xf32>
    %get3A_15 = vector.shape_cast %get3A_14 : vector<1x128xf32> to vector<128xf32>
    %broadcast_in_dim3A_16 = vector.shape_cast %get3A_15 : vector<128xf32> to vector<1x128xf32>
    %mul3A_17 = vector.broadcast %broadcast_in_dim3A_16 : vector<1x128xf32> to vector<10000x128xf32>
    %mul3A_18 = arith.mulf %mul3A_17, %sub3A_5 : vector<10000x128xf32>
    %add3A = arith.constant 9.99999974E-6 : f32
    %add3A_19 = vector.broadcast %add3A : f32 to vector<1x128xf32>
    %add3A_20 = arith.addf %div3A_11, %add3A_19 : vector<1x128xf32>
    %sqrt3A = math.sqrt %add3A_20 : vector<1x128xf32>
    %div3A_21 = vector.broadcast %sqrt3A : vector<1x128xf32> to vector<10000x128xf32>
    %div3A_22 = arith.divf %mul3A_18, %div3A_21 : vector<10000x128xf32>
    %get3A_23 = arith.constant 0 : index
    %get3A_24 = arith.constant 0 : index
    %get3A_25 = vector.load %arg2[%get3A_23, %get3A_24] : memref<1x128xf32, #tpu.memory_space<vmem>>, vector<1x128xf32>
    %get3A_26 = vector.shape_cast %get3A_25 : vector<1x128xf32> to vector<128xf32>
    %broadcast_in_dim3A_27 = vector.shape_cast %get3A_26 : vector<128xf32> to vector<1x128xf32>
    %add3A_28 = vector.broadcast %broadcast_in_dim3A_27 : vector<1x128xf32> to vector<10000x128xf32>
    %add3A_29 = arith.addf %div3A_22, %add3A_28 : vector<10000x128xf32>
    %max3A = arith.constant 0.000000e+00 : f32
    %max3A_30 = vector.broadcast %max3A : f32 to vector<10000x128xf32>
    %max3A_31 = arith.maximumf %add3A_29, %max3A_30 : vector<10000x128xf32>
    %swap3A = arith.constant 0 : index
    %swap3A_32 = arith.constant 0 : index
    %swap3A_33 = vector.load %arg4[%swap3A, %swap3A_32] : memref<10000x128xf32, #tpu.memory_space<vmem>>, vector<10000x128xf32>
    tpu.vector_store %arg4[%swap3A, %swap3A_32], %max3A_31 {strides = array<i32>} : memref<10000x128xf32, #tpu.memory_space<vmem>>, vector<10000x128xf32>,
    %get3A_34 = arith.constant 0 : index
    %get3A_35 = arith.constant 0 : index
    %get3A_36 = arith.constant 0 : index
    %get3A_37 = vector.load %arg3[%get3A_34, %get3A_35, %get3A_36] : memref<3x128x128xf32, #tpu.memory_space<vmem>>, vector<1x128x128xf32>
    %get3A_38 = vector.shape_cast %get3A_37 : vector<1x128x128xf32> to vector<128x128xf32>
    %dot_general3A = arith.constant dense<0.000000e+00> : vector<10000x128xf32>
    %dot_general3A_39 = tpu.matmul %max3A_31, %get3A_38, %dot_general3A {dimension_numbers = #tpu.dot_dimension_numbers<[1], [0], [0], [1], [0, 0, 1, 1], [], []>, transpose_lhs_hint = false} : vector<10000x128xf32>, vector<128x128xf32>, vector<10000x128xf32> -> vector<10000x128xf32>
    %swap3A_40 = arith.constant 0 : index
    %swap3A_41 = arith.constant 0 : index
    %swap3A_42 = arith.constant 0 : index
    %swap3A_43 = vector.load %arg5[%swap3A_40, %swap3A_41, %swap3A_42] : memref<3x10000x128xf32, #tpu.memory_space<vmem>>, vector<1x10000x128xf32>
    %swap3A_44 = vector.shape_cast %swap3A_43 : vector<1x10000x128xf32> to vector<10000x128xf32>
    %swap3A_45 = vector.shape_cast %dot_general3A_39 : vector<10000x128xf32> to vector<1x10000x128xf32>
    tpu.vector_store %arg5[%swap3A_40, %swap3A_41, %swap3A_42], %swap3A_45 {strides = array<i32>} : memref<3x10000x128xf32, #tpu.memory_space<vmem>>, vector<1x10000x128xf32>,
    %get3A_46 = arith.constant 1 : index
    %get3A_47 = arith.constant 0 : index
    %get3A_48 = arith.constant 0 : index
    %get3A_49 = vector.load %arg3[%get3A_46, %get3A_47, %get3A_48] : memref<3x128x128xf32, #tpu.memory_space<vmem>>, vector<1x128x128xf32>
    %get3A_50 = vector.shape_cast %get3A_49 : vector<1x128x128xf32> to vector<128x128xf32>
    %dot_general3A_51 = arith.constant dense<0.000000e+00> : vector<10000x128xf32>
    %dot_general3A_52 = tpu.matmul %max3A_31, %get3A_50, %dot_general3A_51 {dimension_numbers = #tpu.dot_dimension_numbers<[1], [0], [0], [1], [0, 0, 1, 1], [], []>, transpose_lhs_hint = false} : vector<10000x128xf32>, vector<128x128xf32>, vector<10000x128xf32> -> vector<10000x128xf32>
    %swap3A_53 = arith.constant 1 : index
    %swap3A_54 = arith.constant 0 : index
    %swap3A_55 = arith.constant 0 : index
    %swap3A_56 = vector.load %arg5[%swap3A_53, %swap3A_54, %swap3A_55] : memref<3x10000x128xf32, #tpu.memory_space<vmem>>, vector<1x10000x128xf32>
    %swap3A_57 = vector.shape_cast %swap3A_56 : vector<1x10000x128xf32> to vector<10000x128xf32>
    %swap3A_58 = vector.shape_cast %dot_general3A_52 : vector<10000x128xf32> to vector<1x10000x128xf32>
    tpu.vector_store %arg5[%swap3A_53, %swap3A_54, %swap3A_55], %swap3A_58 {strides = array<i32>} : memref<3x10000x128xf32, #tpu.memory_space<vmem>>, vector<1x10000x128xf32>,
    %get3A_59 = arith.constant 2 : index
    %get3A_60 = arith.constant 0 : index
    %get3A_61 = arith.constant 0 : index
    %get3A_62 = vector.load %arg3[%get3A_59, %get3A_60, %get3A_61] : memref<3x128x128xf32, #tpu.memory_space<vmem>>, vector<1x128x128xf32>
    %get3A_63 = vector.shape_cast %get3A_62 : vector<1x128x128xf32> to vector<128x128xf32>
    %dot_general3A_64 = arith.constant dense<0.000000e+00> : vector<10000x128xf32>
    %dot_general3A_65 = tpu.matmul %max3A_31, %get3A_63, %dot_general3A_64 {dimension_numbers = #tpu.dot_dimension_numbers<[1], [0], [0], [1], [0, 0, 1, 1], [], []>, transpose_lhs_hint = false} : vector<10000x128xf32>, vector<128x128xf32>, vector<10000x128xf32> -> vector<10000x128xf32>
    %swap3A_66 = arith.constant 2 : index
    %swap3A_67 = arith.constant 0 : index
    %swap3A_68 = arith.constant 0 : index
    %swap3A_69 = vector.load %arg5[%swap3A_66, %swap3A_67, %swap3A_68] : memref<3x10000x128xf32, #tpu.memory_space<vmem>>, vector<1x10000x128xf32>
    %swap3A_70 = vector.shape_cast %swap3A_69 : vector<1x10000x128xf32> to vector<10000x128xf32>
    %swap3A_71 = vector.shape_cast %dot_general3A_65 : vector<10000x128xf32> to vector<1x10000x128xf32>
    tpu.vector_store %arg5[%swap3A_66, %swap3A_67, %swap3A_68], %swap3A_71 {strides = array<i32>} : memref<3x10000x128xf32, #tpu.memory_space<vmem>>, vector<1x10000x128xf32>,
    return
  }
}

module attributes {stable_mosaic.version = 14 : i64} {
  func.func @_bn_relu_body(%arg0: memref<10000x128xf32, #tpu.memory_space<vmem>>, %arg1: memref<1x128xf32, #tpu.memory_space<vmem>>, %arg2: memref<1x128xf32, #tpu.memory_space<vmem>>, %arg3: memref<10000x128xf32, #tpu.memory_space<vmem>>) attributes {dimension_semantics = [], scalar_prefetch = 0 : i64, scratch_operands = 0 : i64, tpu.core_type = #tpu.core_type<tc>} {
    %get3A = arith.constant 0 : index
    %get3A_0 = arith.constant 0 : index
    %get3A_1 = vector.load %arg0[%get3A, %get3A_0] : memref<10000x128xf32, #tpu.memory_space<vmem>>, vector<10000x128xf32>
    %reduce_sum3A = arith.constant dense<0.000000e+00> : vector<128xf32>
    %reduce_sum3A_2 = vector.multi_reduction <add>, %get3A_1, %reduce_sum3A [0] : vector<10000x128xf32> to vector<128xf32>
    %broadcast_in_dim3A = vector.shape_cast %reduce_sum3A_2 : vector<128xf32> to vector<1x128xf32>
    %div3A = arith.constant 1.000000e+04 : f32
    %div3A_3 = vector.broadcast %div3A : f32 to vector<1x128xf32>
    %div3A_4 = arith.divf %broadcast_in_dim3A, %div3A_3 : vector<1x128xf32>
    %sub3A = vector.broadcast %div3A_4 : vector<1x128xf32> to vector<10000x128xf32>
    %sub3A_5 = arith.subf %get3A_1, %sub3A : vector<10000x128xf32>
    %mul3A = arith.mulf %sub3A_5, %sub3A_5 : vector<10000x128xf32>
    %reduce_sum3A_6 = arith.constant dense<0.000000e+00> : vector<128xf32>
    %reduce_sum3A_7 = vector.multi_reduction <add>, %mul3A, %reduce_sum3A_6 [0] : vector<10000x128xf32> to vector<128xf32>
    %broadcast_in_dim3A_8 = vector.shape_cast %reduce_sum3A_7 : vector<128xf32> to vector<1x128xf32>
    %div3A_9 = arith.constant 1.000000e+04 : f32
    %div3A_10 = vector.broadcast %div3A_9 : f32 to vector<1x128xf32>
    %div3A_11 = arith.divf %broadcast_in_dim3A_8, %div3A_10 : vector<1x128xf32>
    %get3A_12 = arith.constant 0 : index
    %get3A_13 = arith.constant 0 : index
    %get3A_14 = vector.load %arg1[%get3A_12, %get3A_13] : memref<1x128xf32, #tpu.memory_space<vmem>>, vector<1x128xf32>
    %get3A_15 = vector.shape_cast %get3A_14 : vector<1x128xf32> to vector<128xf32>
    %broadcast_in_dim3A_16 = vector.shape_cast %get3A_15 : vector<128xf32> to vector<1x128xf32>
    %mul3A_17 = vector.broadcast %broadcast_in_dim3A_16 : vector<1x128xf32> to vector<10000x128xf32>
    %mul3A_18 = arith.mulf %mul3A_17, %sub3A_5 : vector<10000x128xf32>
    %add3A = arith.constant 9.99999974E-6 : f32
    %add3A_19 = vector.broadcast %add3A : f32 to vector<1x128xf32>
    %add3A_20 = arith.addf %div3A_11, %add3A_19 : vector<1x128xf32>
    %sqrt3A = math.sqrt %add3A_20 : vector<1x128xf32>
    %div3A_21 = vector.broadcast %sqrt3A : vector<1x128xf32> to vector<10000x128xf32>
    %div3A_22 = arith.divf %mul3A_18, %div3A_21 : vector<10000x128xf32>
    %get3A_23 = arith.constant 0 : index
    %get3A_24 = arith.constant 0 : index
    %get3A_25 = vector.load %arg2[%get3A_23, %get3A_24] : memref<1x128xf32, #tpu.memory_space<vmem>>, vector<1x128xf32>
    %get3A_26 = vector.shape_cast %get3A_25 : vector<1x128xf32> to vector<128xf32>
    %broadcast_in_dim3A_27 = vector.shape_cast %get3A_26 : vector<128xf32> to vector<1x128xf32>
    %add3A_28 = vector.broadcast %broadcast_in_dim3A_27 : vector<1x128xf32> to vector<10000x128xf32>
    %add3A_29 = arith.addf %div3A_22, %add3A_28 : vector<10000x128xf32>
    %max3A = arith.constant 0.000000e+00 : f32
    %max3A_30 = vector.broadcast %max3A : f32 to vector<10000x128xf32>
    %max3A_31 = arith.maximumf %add3A_29, %max3A_30 : vector<10000x128xf32>
    %swap3A = arith.constant 0 : index
    %swap3A_32 = arith.constant 0 : index
    %swap3A_33 = vector.load %arg3[%swap3A, %swap3A_32] : memref<10000x128xf32, #tpu.memory_space<vmem>>, vector<10000x128xf32>
    tpu.vector_store %arg3[%swap3A, %swap3A_32], %max3A_31 {strides = array<i32>} : memref<10000x128xf32, #tpu.memory_space<vmem>>, vector<10000x128xf32>,
    return
  }
}

module attributes {stable_mosaic.version = 14 : i64} {
  func.func @_tc3_body(%arg0: memref<10000x128xf32, #tpu.memory_space<vmem>>, %arg1: memref<10000x1xi32, #tpu.memory_space<vmem>>, %arg2: memref<128x128xf32, #tpu.memory_space<vmem>>, %arg3: memref<1x128xf32, #tpu.memory_space<vmem>>, %arg4: memref<1x128xf32, #tpu.memory_space<vmem>>, %arg5: memref<1x128xf32, #tpu.memory_space<vmem>>, %arg6: memref<128x32xf32, #tpu.memory_space<vmem>>, %arg7: memref<1x32xf32, #tpu.memory_space<vmem>>, %arg8: memref<1x32xf32, #tpu.memory_space<vmem>>, %arg9: memref<1x32xf32, #tpu.memory_space<vmem>>, %arg10: memref<32x16xf32, #tpu.memory_space<vmem>>, %arg11: memref<1x16xf32, #tpu.memory_space<vmem>>, %arg12: memref<64x16xf32, #tpu.memory_space<vmem>>) attributes {dimension_semantics = [], scalar_prefetch = 0 : i64, scratch_operands = 0 : i64, tpu.core_type = #tpu.core_type<tc>} {
    %iota3A = tpu.iota {dimensions = array<i32: 1>} : vector<10000x64xi32>
    %get3A = arith.constant 0 : index
    %get3A_0 = arith.constant 0 : index
    %get3A_1 = vector.load %arg1[%get3A, %get3A_0] : memref<10000x1xi32, #tpu.memory_space<vmem>>, vector<10000x1xi32>
    %eq3A = vector.broadcast %get3A_1 : vector<10000x1xi32> to vector<10000x64xi32>
    %eq3A_2 = arith.cmpi eq, %eq3A, %iota3A : vector<10000x64xi32>
    %convert_element_type3A = arith.extui %eq3A_2 : vector<10000x64xi1> to vector<10000x64xi32>
    %convert_element_type3A_3 = arith.sitofp %convert_element_type3A : vector<10000x64xi32> to vector<10000x64xf32>
    %get3A_4 = arith.constant 0 : index
    %get3A_5 = arith.constant 0 : index
    %get3A_6 = vector.load %arg0[%get3A_4, %get3A_5] : memref<10000x128xf32, #tpu.memory_space<vmem>>, vector<10000x128xf32>
    %dot_general3A = arith.constant dense<0.000000e+00> : vector<64x128xf32>
    %dot_general3A_7 = tpu.matmul %convert_element_type3A_3, %get3A_6, %dot_general3A {dimension_numbers = #tpu.dot_dimension_numbers<[0], [0], [1], [1], [0, 1, 1, 1], [], []>, precision = #tpu.contract_precision<fp32>, transpose_lhs_hint = false} : vector<10000x64xf32>, vector<10000x128xf32>, vector<64x128xf32> -> vector<64x128xf32>
    %get3A_8 = arith.constant 0 : index
    %get3A_9 = arith.constant 0 : index
    %get3A_10 = vector.load %arg2[%get3A_8, %get3A_9] : memref<128x128xf32, #tpu.memory_space<vmem>>, vector<128x128xf32>
    %dot_general3A_11 = arith.constant dense<0.000000e+00> : vector<64x128xf32>
    %dot_general3A_12 = tpu.matmul %dot_general3A_7, %get3A_10, %dot_general3A_11 {dimension_numbers = #tpu.dot_dimension_numbers<[1], [0], [0], [1], [0, 0, 1, 1], [], []>, transpose_lhs_hint = false} : vector<64x128xf32>, vector<128x128xf32>, vector<64x128xf32> -> vector<64x128xf32>
    %get3A_13 = arith.constant 0 : index
    %get3A_14 = arith.constant 0 : index
    %get3A_15 = vector.load %arg3[%get3A_13, %get3A_14] : memref<1x128xf32, #tpu.memory_space<vmem>>, vector<1x128xf32>
    %get3A_16 = vector.shape_cast %get3A_15 : vector<1x128xf32> to vector<128xf32>
    %broadcast_in_dim3A = vector.shape_cast %get3A_16 : vector<128xf32> to vector<1x128xf32>
    %add3A = vector.broadcast %broadcast_in_dim3A : vector<1x128xf32> to vector<64x128xf32>
    %add3A_17 = arith.addf %dot_general3A_12, %add3A : vector<64x128xf32>
    %reduce_sum3A = arith.constant dense<0.000000e+00> : vector<128xf32>
    %reduce_sum3A_18 = vector.multi_reduction <add>, %add3A_17, %reduce_sum3A [0] : vector<64x128xf32> to vector<128xf32>
    %broadcast_in_dim3A_19 = vector.shape_cast %reduce_sum3A_18 : vector<128xf32> to vector<1x128xf32>
    %div3A = arith.constant 6.400000e+01 : f32
    %div3A_20 = vector.broadcast %div3A : f32 to vector<1x128xf32>
    %div3A_21 = arith.divf %broadcast_in_dim3A_19, %div3A_20 : vector<1x128xf32>
    %sub3A = vector.broadcast %div3A_21 : vector<1x128xf32> to vector<64x128xf32>
    %sub3A_22 = arith.subf %add3A_17, %sub3A : vector<64x128xf32>
    %mul3A = arith.mulf %sub3A_22, %sub3A_22 : vector<64x128xf32>
    %reduce_sum3A_23 = arith.constant dense<0.000000e+00> : vector<128xf32>
    %reduce_sum3A_24 = vector.multi_reduction <add>, %mul3A, %reduce_sum3A_23 [0] : vector<64x128xf32> to vector<128xf32>
    %broadcast_in_dim3A_25 = vector.shape_cast %reduce_sum3A_24 : vector<128xf32> to vector<1x128xf32>
    %div3A_26 = arith.constant 6.400000e+01 : f32
    %div3A_27 = vector.broadcast %div3A_26 : f32 to vector<1x128xf32>
    %div3A_28 = arith.divf %broadcast_in_dim3A_25, %div3A_27 : vector<1x128xf32>
    %get3A_29 = arith.constant 0 : index
    %get3A_30 = arith.constant 0 : index
    %get3A_31 = vector.load %arg4[%get3A_29, %get3A_30] : memref<1x128xf32, #tpu.memory_space<vmem>>, vector<1x128xf32>
    %get3A_32 = vector.shape_cast %get3A_31 : vector<1x128xf32> to vector<128xf32>
    %broadcast_in_dim3A_33 = vector.shape_cast %get3A_32 : vector<128xf32> to vector<1x128xf32>
    %mul3A_34 = vector.broadcast %broadcast_in_dim3A_33 : vector<1x128xf32> to vector<64x128xf32>
    %mul3A_35 = arith.mulf %mul3A_34, %sub3A_22 : vector<64x128xf32>
    %add3A_36 = arith.constant 9.99999974E-6 : f32
    %add3A_37 = vector.broadcast %add3A_36 : f32 to vector<1x128xf32>
    %add3A_38 = arith.addf %div3A_28, %add3A_37 : vector<1x128xf32>
    %sqrt3A = math.sqrt %add3A_38 : vector<1x128xf32>
    %div3A_39 = vector.broadcast %sqrt3A : vector<1x128xf32> to vector<64x128xf32>
    %div3A_40 = arith.divf %mul3A_35, %div3A_39 : vector<64x128xf32>
    %get3A_41 = arith.constant 0 : index
    %get3A_42 = arith.constant 0 : index
    %get3A_43 = vector.load %arg5[%get3A_41, %get3A_42] : memref<1x128xf32, #tpu.memory_space<vmem>>, vector<1x128xf32>
    %get3A_44 = vector.shape_cast %get3A_43 : vector<1x128xf32> to vector<128xf32>
    %broadcast_in_dim3A_45 = vector.shape_cast %get3A_44 : vector<128xf32> to vector<1x128xf32>
    %add3A_46 = vector.broadcast %broadcast_in_dim3A_45 : vector<1x128xf32> to vector<64x128xf32>
    %add3A_47 = arith.addf %div3A_40, %add3A_46 : vector<64x128xf32>
    %max3A = arith.constant 0.000000e+00 : f32
    %max3A_48 = vector.broadcast %max3A : f32 to vector<64x128xf32>
    %max3A_49 = arith.maximumf %add3A_47, %max3A_48 : vector<64x128xf32>
    %get3A_50 = arith.constant 0 : index
    %get3A_51 = arith.constant 0 : index
    %get3A_52 = vector.load %arg6[%get3A_50, %get3A_51] : memref<128x32xf32, #tpu.memory_space<vmem>>, vector<128x32xf32>
    %dot_general3A_53 = arith.constant dense<0.000000e+00> : vector<64x32xf32>
    %dot_general3A_54 = tpu.matmul %max3A_49, %get3A_52, %dot_general3A_53 {dimension_numbers = #tpu.dot_dimension_numbers<[1], [0], [0], [1], [0, 0, 1, 1], [], []>, transpose_lhs_hint = false} : vector<64x128xf32>, vector<128x32xf32>, vector<64x32xf32> -> vector<64x32xf32>
    %get3A_55 = arith.constant 0 : index
    %get3A_56 = arith.constant 0 : index
    %get3A_57 = vector.load %arg7[%get3A_55, %get3A_56] : memref<1x32xf32, #tpu.memory_space<vmem>>, vector<1x32xf32>
    %get3A_58 = vector.shape_cast %get3A_57 : vector<1x32xf32> to vector<32xf32>
    %broadcast_in_dim3A_59 = vector.shape_cast %get3A_58 : vector<32xf32> to vector<1x32xf32>
    %add3A_60 = vector.broadcast %broadcast_in_dim3A_59 : vector<1x32xf32> to vector<64x32xf32>
    %add3A_61 = arith.addf %dot_general3A_54, %add3A_60 : vector<64x32xf32>
    %reduce_sum3A_62 = arith.constant dense<0.000000e+00> : vector<32xf32>
    %reduce_sum3A_63 = vector.multi_reduction <add>, %add3A_61, %reduce_sum3A_62 [0] : vector<64x32xf32> to vector<32xf32>
    %broadcast_in_dim3A_64 = vector.shape_cast %reduce_sum3A_63 : vector<32xf32> to vector<1x32xf32>
    %div3A_65 = arith.constant 6.400000e+01 : f32
    %div3A_66 = vector.broadcast %div3A_65 : f32 to vector<1x32xf32>
    %div3A_67 = arith.divf %broadcast_in_dim3A_64, %div3A_66 : vector<1x32xf32>
    %sub3A_68 = vector.broadcast %div3A_67 : vector<1x32xf32> to vector<64x32xf32>
    %sub3A_69 = arith.subf %add3A_61, %sub3A_68 : vector<64x32xf32>
    %mul3A_70 = arith.mulf %sub3A_69, %sub3A_69 : vector<64x32xf32>
    %reduce_sum3A_71 = arith.constant dense<0.000000e+00> : vector<32xf32>
    %reduce_sum3A_72 = vector.multi_reduction <add>, %mul3A_70, %reduce_sum3A_71 [0] : vector<64x32xf32> to vector<32xf32>
    %broadcast_in_dim3A_73 = vector.shape_cast %reduce_sum3A_72 : vector<32xf32> to vector<1x32xf32>
    %div3A_74 = arith.constant 6.400000e+01 : f32
    %div3A_75 = vector.broadcast %div3A_74 : f32 to vector<1x32xf32>
    %div3A_76 = arith.divf %broadcast_in_dim3A_73, %div3A_75 : vector<1x32xf32>
    %get3A_77 = arith.constant 0 : index
    %get3A_78 = arith.constant 0 : index
    %get3A_79 = vector.load %arg8[%get3A_77, %get3A_78] : memref<1x32xf32, #tpu.memory_space<vmem>>, vector<1x32xf32>
    %get3A_80 = vector.shape_cast %get3A_79 : vector<1x32xf32> to vector<32xf32>
    %broadcast_in_dim3A_81 = vector.shape_cast %get3A_80 : vector<32xf32> to vector<1x32xf32>
    %mul3A_82 = vector.broadcast %broadcast_in_dim3A_81 : vector<1x32xf32> to vector<64x32xf32>
    %mul3A_83 = arith.mulf %mul3A_82, %sub3A_69 : vector<64x32xf32>
    %add3A_84 = arith.constant 9.99999974E-6 : f32
    %add3A_85 = vector.broadcast %add3A_84 : f32 to vector<1x32xf32>
    %add3A_86 = arith.addf %div3A_76, %add3A_85 : vector<1x32xf32>
    %sqrt3A_87 = math.sqrt %add3A_86 : vector<1x32xf32>
    %div3A_88 = vector.broadcast %sqrt3A_87 : vector<1x32xf32> to vector<64x32xf32>
    %div3A_89 = arith.divf %mul3A_83, %div3A_88 : vector<64x32xf32>
    %get3A_90 = arith.constant 0 : index
    %get3A_91 = arith.constant 0 : index
    %get3A_92 = vector.load %arg9[%get3A_90, %get3A_91] : memref<1x32xf32, #tpu.memory_space<vmem>>, vector<1x32xf32>
    %get3A_93 = vector.shape_cast %get3A_92 : vector<1x32xf32> to vector<32xf32>
    %broadcast_in_dim3A_94 = vector.shape_cast %get3A_93 : vector<32xf32> to vector<1x32xf32>
    %add3A_95 = vector.broadcast %broadcast_in_dim3A_94 : vector<1x32xf32> to vector<64x32xf32>
    %add3A_96 = arith.addf %div3A_89, %add3A_95 : vector<64x32xf32>
    %max3A_97 = arith.constant 0.000000e+00 : f32
    %max3A_98 = vector.broadcast %max3A_97 : f32 to vector<64x32xf32>
    %max3A_99 = arith.maximumf %add3A_96, %max3A_98 : vector<64x32xf32>
    %get3A_100 = arith.constant 0 : index
    %get3A_101 = arith.constant 0 : index
    %get3A_102 = vector.load %arg10[%get3A_100, %get3A_101] : memref<32x16xf32, #tpu.memory_space<vmem>>, vector<32x16xf32>
    %dot_general3A_103 = arith.constant dense<0.000000e+00> : vector<64x16xf32>
    %dot_general3A_104 = tpu.matmul %max3A_99, %get3A_102, %dot_general3A_103 {dimension_numbers = #tpu.dot_dimension_numbers<[1], [0], [0], [1], [0, 0, 1, 1], [], []>, transpose_lhs_hint = false} : vector<64x32xf32>, vector<32x16xf32>, vector<64x16xf32> -> vector<64x16xf32>
    %get3A_105 = arith.constant 0 : index
    %get3A_106 = arith.constant 0 : index
    %get3A_107 = vector.load %arg11[%get3A_105, %get3A_106] : memref<1x16xf32, #tpu.memory_space<vmem>>, vector<1x16xf32>
    %get3A_108 = vector.shape_cast %get3A_107 : vector<1x16xf32> to vector<16xf32>
    %broadcast_in_dim3A_109 = vector.shape_cast %get3A_108 : vector<16xf32> to vector<1x16xf32>
    %add3A_110 = vector.broadcast %broadcast_in_dim3A_109 : vector<1x16xf32> to vector<64x16xf32>
    %add3A_111 = arith.addf %dot_general3A_104, %add3A_110 : vector<64x16xf32>
    %swap3A = arith.constant 0 : index
    %swap3A_112 = arith.constant 0 : index
    %swap3A_113 = vector.load %arg12[%swap3A, %swap3A_112] : memref<64x16xf32, #tpu.memory_space<vmem>>, vector<64x16xf32>
    tpu.vector_store %arg12[%swap3A, %swap3A_112], %add3A_111 {strides = array<i32>} : memref<64x16xf32, #tpu.memory_space<vmem>>, vector<64x16xf32>,
    return
  }
}

</mosaic_0001>

<sc_bundles>
// kernel: kernel.12.cloned.1.call-start
scs
__scs_entry_jumppad:
0x0: {  	(pc) =	sbr.rel $0x88, $3  }
0x1: {  	(tag) =	ssettag $0x0;
	lr =	simm.s32 $0x1  }
0x2: {  	[smem:$0x3F88] =	sst lr;
	_ =	strace $0xD0000000  }
0x3: {  	_ = 	snop  }
0x4: {  	_ = 	snop  }
0x5: {  	_ = 	snop  }
0x6: {  	_ = 	snop  }
0x7: {  	_ = 	snop  }
__scs_overlays_trampoline_lowered:
0x8: {  	[smem:$0x3F97] =	sst s0  }
0x9: {  	[smem:$0x3F98] =	sst s1  }
0xa: {  	[smem:$0x3F99] =	sst s2  }
0xb: {  	[smem:$0x3F9A] =	sst s3  }
0xc: {  	[smem:$0x3F9B] =	sst s4  }
0xd: {  	[smem:$0x3F9C] =	sst s5  }
0xe: {  	[smem:$0x3F9D] =	sst s6  }
0xf: {  	[smem:$0x3F9E] =	sst s7  }
0x10: {  	[smem:$0x3F9F] =	sst s8  }
0x11: {  	[smem:$0x3FA0] =	sst s9;
	s0 =	simm.s32 @!p0 $0x0  }
0x12: {  	s1 =	sld [smem:$0x3F86];
	s0 =	simm.s32 @p0 $0x1  }
0x13: {  	[smem:$0x3FA1] =	sst s0;
	s0 =	simm.s32 @!p1 $0x0  }
0x14: {  	s2 =	sld [smem:$0x3F85];
	s0 =	simm.s32 @p1 $0x1  }
0x15: {  	[smem:$0x3FA2] =	sst s0;
	s0 =	simm.s32 @!p2 $0x0  }
0x16: {  	s3 =	sld [smem:$0x3FDB];
	s0 =	simm.s32 @p2 $0x1  }
0x17: {  	s4 =	simm.s32 $0x1BF5;
	[smem:$0x3FA4] =	sst s0  }
0x18: {  	s0 =	sld [smem:$0x3F87];
	_ =	swait.ge [sflag:s4], $0x0  }
0x19: {  	s7 =	sld [smem:$0x3F88]  }
0x1a: {  	s8 =	sadd.s32 $0xFFFFE003, lr  }
0x1b: {  	s9 =	sadd.s32 $0xFFFFFEF7, lr;
	s5 =	simm.s32 $0xFFFFFFFF;
	p2 =	slt.u32 s8, $0xFFFFF086  }
0x1c: {  	p1 =	slt.u32 s9, $0xF7A;
	s5 =	simm.s32 @!p2 $0x0  }
0x1d: {  	s5 =	simm.s32 @p1 $0x1;
	p0 =	seq.s32 s7, s2  }
0x1e: {  	s7 =	smul.u32 @!p0 $0xF7A, s2;
	p2 =	seq.s32 @!p0 s5, $0x0  }
0x1f: {  	s9 =	smul.u32 $0xF7A, s1;
	s8 =	simm.s32 @!p0 $0x1BF5;
	p2 =	por !p2, p0  }
0x20: {  	[sflag:s8] =	ssyncset.s32 @!p0 $0xFFFFF086;
	s6 =	sadd.s32 @!p0 s3, s7;
	s7 =	simm.s32 @!p0 $0x108  }
0x21: {  	s3 =	sadd.s32 s3, s9;
	s6 =	sadd.s32 @!p0 $0x88, s6;
	s7 =	simm.s32 @p2 $0x1082  }
0x22: {  	[simem:s7], [sflag:s8] =	dma.local @!p0 [hbm:s6], $0xF7A  }
0x23: {  	s9 =	sor.u32 $0xD0000000, s2;
	s6 =	simm.s32 $0x108;
	_ =	swait.ge @!p0 [sflag:s8], $0x0  }
0x24: {  	s3 =	sadd.s32 $0x88, s3;
	s6 =	simm.s32 @!p1 $0x1082;
	[sflag:s4] =	ssyncset.s32 $0xFFFFF086  }
0x25: {  	[simem:s6], [sflag:s4] =	dma.local [hbm:s3], $0xF7A  }
0x26: {  	[smem:$0x3F88] =	sst s1;
	(tag) =	ssettag s2;
	_ =	strace s9  }
0x27: {  	s1 =	sld [smem:$0x3F98]  }
0x28: {  	s2 =	sld [smem:$0x3F99]  }
0x29: {  	s4 =	sld [smem:$0x3F9B]  }
0x2a: {  	p0 =	seq.s32 s5, $0x0;
	s5 =	sld [smem:$0x3F9C]  }
0x2b: {  	s6 =	sld [smem:$0x3F9D]  }
0x2c: {  	s7 =	sld [smem:$0x3F9E]  }
0x2d: {  	s3 =	simm.s32 $0x108;
	s8 =	sld [smem:$0x3F9F]  }
0x2e: {  	s3 =	simm.s32 @!p0 $0x1082;
	s9 =	sld [smem:$0x3FA0]  }
0x2f: {  	lr =	sadd.s32 s0, s3;
	s0 =	sld [smem:$0x3F97]  }
0x30: {  	s3 =	sld [smem:$0x3F9A]  }
0x31: {  	[smem:$0x3FA3] =	sst s10  }
0x32: {  	s10 =	sld [smem:$0x3FA1];
	_ =	sdelay $0x3  }
0x33: {  	p0 =	seq.s32 s10, $0x1;
	s10 =	sld [smem:$0x3FA3];
	_ =	sdelay $0x3  }
0x34: {  	[smem:$0x3FA3] =	sst s10  }
0x35: {  	s10 =	sld [smem:$0x3FA2];
	_ =	sdelay $0x3  }
0x36: {  	p1 =	seq.s32 s10, $0x1;
	s10 =	sld [smem:$0x3FA3];
	_ =	sdelay $0x3  }
0x37: {  	[smem:$0x3FA3] =	sst s10  }
0x38: {  	s10 =	sld [smem:$0x3FA4]  }
0x39: {  	_ = 	snop;
	(pc) =	sbr.ind lr, $3  }
0x3a: {  	_ = 	snop  }
0x3b: {  	_ = 	snop  }
0x3c: {  	p2 =	seq.s32 s10, $0x1;
	s10 =	sld [smem:$0x3FA3]  }
0x3d: {  	_ =	shalt  }
0x3e: {  	_ =	shalt  }
0x3f: {  	_ =	shalt  }
0x40: {  	_ =	shalt  }
0x41: {  	_ =	shalt  }
0x42: {  	_ =	shalt  }
0x43: {  	_ =	shalt  }
0x44: {  	_ =	shalt  }
0x45: {  	_ =	shalt  }
0x46: {  	_ =	shalt  }
0x47: {  	_ =	shalt  }
0x48: {  	_ =	shalt  }
0x49: {  	_ =	shalt  }
0x4a: {  	_ =	shalt  }
0x4b: {  	_ =	shalt  }
0x4c: {  	_ =	shalt  }
0x4d: {  	_ =	shalt  }
0x4e: {  	_ =	shalt  }
0x4f: {  	_ =	shalt  }
0x50: {  	_ =	shalt  }
0x51: {  	_ =	shalt  }
0x52: {  	_ =	shalt  }
0x53: {  	_ =	shalt  }
0x54: {  	_ =	shalt  }
0x55: {  	_ =	shalt  }
0x56: {  	_ =	shalt  }
0x57: {  	_ =	shalt  }
0x58: {  	_ =	shalt  }
0x59: {  	_ =	shalt  }
0x5a: {  	_ =	shalt  }
0x5b: {  	_ =	shalt  }
0x5c: {  	_ =	shalt  }
0x5d: {  	_ =	shalt  }
0x5e: {  	_ =	shalt  }
0x5f: {  	_ =	shalt  }
0x60: {  	_ =	shalt  }
0x61: {  	_ =	shalt  }
0x62: {  	_ =	shalt  }
0x63: {  	_ =	shalt  }
0x64: {  	_ =	shalt  }
0x65: {  	_ =	shalt  }
0x66: {  	_ =	shalt  }
0x67: {  	_ =	shalt  }
0x68: {  	_ =	shalt  }
0x69: {  	_ =	shalt  }
0x6a: {  	_ =	shalt  }
0x6b: {  	_ =	shalt  }
0x6c: {  	_ =	shalt  }
0x6d: {  	_ =	shalt  }
0x6e: {  	_ =	shalt  }
0x6f: {  	_ =	shalt  }
0x70: {  	_ =	shalt  }
0x71: {  	_ =	shalt  }
0x72: {  	_ =	shalt  }
0x73: {  	_ =	shalt  }
0x74: {  	_ =	shalt  }
0x75: {  	_ =	shalt  }
0x76: {  	_ =	shalt  }
0x77: {  	_ =	shalt  }
0x78: {  	_ =	shalt  }
0x79: {  	_ =	shalt  }
0x7a: {  	_ =	shalt  }
0x7b: {  	_ =	shalt  }
0x7c: {  	_ =	shalt  }
0x7d: {  	_ =	shalt  }
0x7e: {  	_ =	shalt  }
0x7f: {  	_ =	shalt  }
0x80: {  	_ =	shalt  }
0x81: {  	_ =	shalt  }
0x82: {  	_ =	shalt  }
0x83: {  	_ =	shalt  }
0x84: {  	_ =	shalt  }
0x85: {  	_ =	shalt  }
0x86: {  	_ =	shalt  }
0x87: {  	_ =	shalt  }
.Lfunc_end0:
.L_simem_size_0:
called_computation_lowered:
.L_overlay_start_0:
0x88: {  	s2 =	sld [smem:$0x3FD9]  }
0x89: {  	s3 =	sld [smem:$0x3FFE];
	_ =	sdelay $0x1  }
0x8a: {  	s1 =	srdreg.scid  }
0x8b: {  	s0 =	sand.u32 $0x1, s1  }
0x8c: {  	s16 =	sshll.u32 s0, $0xA;
	s2 =	sadd.s32 s3, s2  }
0x8d: {  	s2 =	sadd.s32 s2, s16  }
0x8e: {  	[smem:$0x3FAF] =	sst s2  }
0x8f: {  	_ = 	snop  }
0x90: {  	(tm) =	ssettm $0x1  }
0x91: {  	s17 =	sld [smem:$0x3FFB];
	_ =	sdelay $0x3  }
0x92: {  	_ =	strace s17  }
0x93: {  	s2 =	sld [smem:$0x3FFC];
	_ =	sdelay $0x3  }
0x94: {  	_ =	strace s2  }
0x95: {  	s2 =	sld [smem:$0x3FFD];
	_ =	sdelay $0x3  }
0x96: {  	_ =	strace s2  }
0x97: {  	_ =	strace $0x8FFFFFFF  }
0x98: {  	s18 =	sld [smem:$0x3FDB];
	_ =	sdelay $0x1  }
0x99: {  	s19 =	simm.s32 $_scs_section_size  }
0x9a: {  	s4 =	simm.s32 $_size__tile_overlayer_lowered;
	s5 =	simm.s32 $_tile_overlayer_lowered  }
0x9b: {  	s22 =	simm.s32 $0x1BFF;
	s21 =	sshll.u32 s5, $0x1;
	s2 =	sadd.s32 s19, s18  }
0x9c: {  	s6 =	simm.s32 $0x0;
	s20 =	sshll.u32 s4, $0x1;
	s4 =	sadd.s32 s21, s2  }
0x9d: {  	[timem:s6], [sflag:s22] =	dma.local [hbm:s4], s20  }
0x9e: {  	_ =	swait.ge [sflag:s22], s20  }
0x9f: {  	s3 =	ssub.s32 $0x0, s20;
	[sflag:s22] =	ssyncset.done $0x0  }
0xa0: {  	[sflag:s22] =	ssyncadd.s32 s3;
	_ =	sdelay $0x1  }
0xa1: {  	s23 =	simm.s32 $0x1B8B  }
0xa2: {  	_ =	swait.ge [sflag:s23], $0x1  }
0xa3: {  	[sflag:s23] =	ssyncset.done $0x0  }
0xa4: {  	s25 =	simm.s32 $0x1B8E;
	s24 =	sld [smem:$0x3FFE];
	[sflag:s23] =	ssyncadd.s32 $0xFFFFFFFF  }
0xa5: {  	s26 =	simm.s32 $execute0_lowered;
	[smem:$0x3FD2] =	sst s25  }
0xa6: {  	s4 =	sshll.u32 s26, $0x1;
	_ =	strace $0x80000046;
	[dreg:$0x1] =	wrdreg $0xFFFFFFFF  }
0xa7: {  	s28 =	simm.s32 $_size_execute0_lowered;
	s2 =	sadd.s32 s2, s4;
	[dreg:$0x0] =	wrdreg $0x0  }
0xa8: {  	s4 =	sshll.u32 s28, $0x1;
	[dreg:$0x2] =	wrdreg s2  }
0xa9: {  	[dreg:$0x3] =	wrdreg s4  }
0xaa: {  	[dreg:$0x4] =	wrdreg $0xC0  }
0xab: {  	_ =	task [dreg:s6], $0x5FFFF  }
0xac: {  	[dreg:$0x1] =	wrdreg $0xFFFFFFFF  }
0xad: {  	[dreg:$0x0] =	wrdreg $0x60  }
0xae: {  	[dreg:$0x2] =	wrdreg s24  }
0xaf: {  	[dreg:$0x3] =	wrdreg $0x9  }
0xb0: {  	_ =	task.clear_ibuf [dreg:s6], $0x4FFFF;
	_ =	strace $0x90000046  }
0xb1: {  	s29 =	simm.s32 $0x9;
	_ =	strace $0x80000048  }
0xb2: {  	_ =	swait.ge [sflag:s29], $0x1  }
0xb3: {  	[sflag:s29] =	ssyncadd.s32 $0xFFFFFFFF  }
0xb4: {  	_ =	strace $0x90000048  }
0xb5: {  	_ =	sfence  }
0xb6: {  	s30 =	sld [smem:$0x0];
	_ =	sdelay $0x2  }
0xb7: {  	s31 =	sshll.u32 s1, $0xD;
	s1 =	sshrl.u32 s1, $0x2  }
0xb8: {  	s3 =	sand.u32 $0x4000, s31;
	s1 =	sadd.s32 s1, s30  }
0xb9: {  	s0 =	sor.u32 s3, s0;
	s1 =	sshll.u32 s1, $0x11  }
0xba: {  	s0 =	sor.u32 s1, s0  }
0xbb: {  	s0 =	sadd.s32 $0x8F2B, s0  }
0xbc: {  	[sflag:s0] =	ssyncadd.remote.s32 $0x1  }
0xbd: {  	_ =	sfence.sel $0xFFFF  }
0xbe: {  	[dreg:$0x0] =	wrdreg $0xFFFFFFFF;
	(pc) =	sbr.abs _section_cstart, $3  }
0xbf: {  	[dreg:$0x1] =	wrdreg $0xFFFFFFFF  }
0xc0: {  	_ =	task.clear_ibuf [dreg:s6], $0x2FFFF;
	_ =	strace $0x9FFFFFFF  }
0xc1: {  	(tm) =	ssettm $0x7FFFFFFF  }
tec
execute0_lowered:
.L_overlay_start_1:
0x0: {  	(tag) =	ssettag $0x1  }
0x1: {  	s0 =	srdreg.scid  }
0x2: {  	s4 =	rddreg [dreg:$0x0];
	s2 =	simm.s32 $0x0;
	s8 =	simm.s32 $0x1  }
0x3: {  	s9 =	simm.s32 $0x2B80;
	s10 =	simm.s32 $0x5700;
	s3 =	sand.u32 $0x1, s0  }
0x4: {  	s11 =	simm.s32 $0x8280;
	s0 =	stileid.u32;
	s1 =	sshll.u32 s3, $0x4  }
0x5: {  	s12 =	simm.s32 $0x80;
	s13 =	simm.s32 $0x400;
	s5 =	sor.u32 s0, s1  }
0x6: {  	s14 =	simm.s32 $0x0;
	[smem:$0x7FF] =	sst s2;
	s6 =	sshrl.u32 s5, $0x3  }
0x7: {  	s7 =	sshll.u32 s0, $0x7;
	s3 =	ssub.s32 $0x2, s3;
	s6 =	smul.u32 $0x3AC00, s6  }
0x8: {  	s1 =	rddreg [dreg:$0x1];
	s7 =	sand.u32 $0x380, s7;
	s5 =	smul.u32 $0x564, s5  }
0x9: {  	_ =	strace $0x80000047;
	s31 =	sshrl.u32 s3, $0x1;
	s6 =	sor.u32 s7, s6  }
0xa: {  	s5 =	sadd.s32 s5, s4;
	s7 =	ssub.s32 s3, s31;
	s6 =	sshrl.u32 s6, $0x3  }
0xb: {  	s3 =	sadd.s32 $0x5600, s5;
	s7 =	smax.u32 s7, $0x1;
	s6 =	sadd.s32 s6, s4  }
0xc: {  	v0 =	vimm.f32 $0.0e+00;
	s4 =	sadd.s32 $0x1B200, s5;
	s5 =	sadd.s32 $0x10400, s5;
	s6 =	sadd.s32 $0x26000, s6  }
.LBB2_1:
0xd: {  	[tilespmem:s2], [sflag:$0x1] =	stream.linear.gather [hbm4b:s3+s2], $0x2B20, $0x38;
	[tilespmem:$0xF800] =	vst v63  }
0xe: {  	_ =	swait.ge [sflag:s8], $0x2B20  }
0xf: {  	[sflag:s8] =	ssyncset.done $0x0  }
0x10: {  	[sflag:s8] =	ssyncadd.s32 $0xFFFFD4E0  }
0x11: {  	[tilespmem:s9], [sflag:$0x1] =	stream.linear.gather [hbm4b:s4+s2], $0x2B20, $0x38;
	[tilespmem:$0xF800] =	vst v63  }
0x12: {  	_ =	swait.ge [sflag:s8], $0x2B20  }
0x13: {  	[sflag:s8] =	ssyncset.done $0x0  }
0x14: {  	[sflag:s8] =	ssyncadd.s32 $0xFFFFD4E0  }
0x15: {  	[tilespmem:s10], [sflag:$0x1] =	stream.linear.gather [hbm4b:s5+s2], $0x2B20, $0x38;
	[tilespmem:$0xF800] =	vst v63  }
0x16: {  	_ =	swait.ge [sflag:s8], $0x2B20  }
0x17: {  	[sflag:s8] =	ssyncset.done $0x0  }
0x18: {  	s15 =	simm.s32 $0x0;
	[sflag:s8] =	ssyncadd.s32 $0xFFFFD4E0  }
.LBB2_2:
0x19: {  	p0 =	sne.s32 s15, $0x1D480  }
.Ltmp0:
0x1a: {  	_ = 	snop;
	(pc) =	sbr.rel @p0 .LBB2_2-.Ltmp0, $3  }
0x1b: {  	_ =	sdelay $0x1  }
0x1c: {  	s16 =	sshra.s32 s15, $0x2  }
0x1d: {  	s15 =	sadd.s32 $0x40, s15;
	[tilespmem:s16+$0x8280] =	vst v0  }
0x1e: {  	s16 =	simm.s32 $0x0;
	s15 =	simm.s32 $0x40  }
.LBB2_4:
0x1f: {  	p0 =	sne.s32 s15, $0xAC40;
	v1 =	vld [tilespmem:s16+$0x2B80];
	_ =	sdelay $0x1  }
0x20: {  	v2 =	vld [tilespmem:s16+$0x0];
	_ =	sdelay $0x2  }
0x21: {  	v1 =	vmul.u32 $0x2710, v1;
	_ =	sdelay $0x1  }
0x22: {  	v3 =	vld [tilespmem:s16+$0x5700];
	v1 =	vadd.s32 v2, v1  }
.Ltmp1:
0x23: {  	(pc) =	sbr.rel @p0 .LBB2_4-.Ltmp1, $2  }
0x24: {  	_ =	sdelay $0x2  }
0x25: {  	s16 =	sshra.s32 s15, $0x2;
	s15 =	sadd.s32 $0x40, s15;
	[tilespmem:v1+s11+$0x0] =	vst.idx.add.f32.msk $0xffff, v3  }
0x26: {  	v1 =	vld [tilespmem:s16+$0x2B80];
	_ =	sdelay $0x1  }
0x27: {  	v2 =	vld [tilespmem:s16+$0x0];
	_ =	sdelay $0x2  }
0x28: {  	v1 =	vmul.u32 $0x2710, v1;
	_ =	sdelay $0x1  }
0x29: {  	v3 =	vld [tilespmem:s16+$0x5700];
	v1 =	vadd.s32 v2, v1;
	_ =	sdelay $0x2  }
0x2a: {  	s14 =	sadd.s32 $0x1, s14  }
0x2b: {  	p0 =	sne.s32 s14, s7  }
.Ltmp2:
0x2c: {  	[tilespmem:v1+s11+$0x0] =	vst.idx.add.f32.msk $0xffff, v3;
	(pc) =	sbr.rel @p0 .LBB2_1-.Ltmp2, $4  }
0x2d: {  	[hbm4b:s6+s12] =	stream.strided.scatter [tilespmem:s11], [sflag:$0x1], $0x7580, s13, s12, $0x38;
	[tilespmem:$0xF800] =	vst v63  }
0x2e: {  	_ =	swait.ge [sflag:s8], $0x7580  }
0x2f: {  	[sflag:s8] =	ssyncset.done $0x0  }
0x30: {  	[sflag:s8] =	ssyncadd.s32 $0xFFFF8A80  }
0x31: {  	_ =	sfence.sel $0x180000  }
0x32: {  	[bflag:$0x0] =	sbarrier.arrive $0xFFFF  }
0x33: {  	p0 =	sne.s32 s0, $0x0;
	_ =	strace $0x90000047  }
0x34: {  	s0 =	sadd.s32 @!p0 $0x100000, s1;
	[bflag:$0x2] =	sbarrier.arrive $0xFFFF  }
0x35: {  	[sflag:s0] =	ssyncadd.tile.s32 @!p0 $0x1;
	_ =	shalt  }
.Lfunc_end2:
_tile_overlayer_lowered:
.L_overlay_start_2:
0x36: {  	(tag) =	ssettag $0x2  }
0x37: {  	s0 =	rddreg [dreg:$0x0];
	s2 =	stileid.u32  }
0x38: {  	s1 =	rddreg [dreg:$0x1];
	p0 =	sne.s32 s2, $0x0  }
0x39: {  	s3 =	rddreg [dreg:$0x2];
	[bflag:$0x3] =	sbarrier.arrive $0xFFFF;
	s2 =	simm.s32 @!p0 $0x1C01  }
0x3a: {  	[timem:s3], [sflag:s2] =	dma.local @!p0 [hbm:s0], s1  }
0x3b: {  	s0 =	simm.s32 @!p0 $0x1  }
0x3c: {  	_ =	swait.ge @!p0 [sflag:s0], s1  }
0x3d: {  	s1 =	ssub.s32 @!p0 $0x0, s1;
	[sflag:s0] =	ssyncset.done @!p0 $0x0  }
0x3e: {  	[sflag:s0] =	ssyncadd.s32 @!p0 s1  }
0x3f: {  	[bflag:$0x3] =	sbarrier.arrive $0xFFFF  }
0x40: {  	_ =	shalt  }

// kernel: kernel.15.cloned.1.call-start
scs
__scs_entry_jumppad:
0x0: {  	(pc) =	sbr.rel $0x88, $3  }
0x1: {  	(tag) =	ssettag $0x0;
	lr =	simm.s32 $0x1  }
0x2: {  	[smem:$0x3F88] =	sst lr;
	_ =	strace $0xD0000000  }
0x3: {  	_ = 	snop  }
0x4: {  	_ = 	snop  }
0x5: {  	_ = 	snop  }
0x6: {  	_ = 	snop  }
0x7: {  	_ = 	snop  }
__scs_overlays_trampoline_lowered:
0x8: {  	[smem:$0x3F97] =	sst s0  }
0x9: {  	[smem:$0x3F98] =	sst s1  }
0xa: {  	[smem:$0x3F99] =	sst s2  }
0xb: {  	[smem:$0x3F9A] =	sst s3  }
0xc: {  	[smem:$0x3F9B] =	sst s4  }
0xd: {  	[smem:$0x3F9C] =	sst s5  }
0xe: {  	[smem:$0x3F9D] =	sst s6  }
0xf: {  	[smem:$0x3F9E] =	sst s7  }
0x10: {  	[smem:$0x3F9F] =	sst s8  }
0x11: {  	[smem:$0x3FA0] =	sst s9;
	s0 =	simm.s32 @!p0 $0x0  }
0x12: {  	s1 =	sld [smem:$0x3F86];
	s0 =	simm.s32 @p0 $0x1  }
0x13: {  	[smem:$0x3FA1] =	sst s0;
	s0 =	simm.s32 @!p1 $0x0  }
0x14: {  	s2 =	sld [smem:$0x3F85];
	s0 =	simm.s32 @p1 $0x1  }
0x15: {  	[smem:$0x3FA2] =	sst s0;
	s0 =	simm.s32 @!p2 $0x0  }
0x16: {  	s3 =	sld [smem:$0x3FDB];
	s0 =	simm.s32 @p2 $0x1  }
0x17: {  	s4 =	simm.s32 $0x1BF5;
	[smem:$0x3FA4] =	sst s0  }
0x18: {  	s0 =	sld [smem:$0x3F87];
	_ =	swait.ge [sflag:s4], $0x0  }
0x19: {  	s7 =	sld [smem:$0x3F88]  }
0x1a: {  	s8 =	sadd.s32 $0xFFFFE003, lr  }
0x1b: {  	s9 =	sadd.s32 $0xFFFFFEF7, lr;
	s5 =	simm.s32 $0xFFFFFFFF;
	p2 =	slt.u32 s8, $0xFFFFF086  }
0x1c: {  	p1 =	slt.u32 s9, $0xF7A;
	s5 =	simm.s32 @!p2 $0x0  }
0x1d: {  	s5 =	simm.s32 @p1 $0x1;
	p0 =	seq.s32 s7, s2  }
0x1e: {  	s7 =	smul.u32 @!p0 $0xF7A, s2;
	p2 =	seq.s32 @!p0 s5, $0x0  }
0x1f: {  	s9 =	smul.u32 $0xF7A, s1;
	s8 =	simm.s32 @!p0 $0x1BF5;
	p2 =	por !p2, p0  }
0x20: {  	[sflag:s8] =	ssyncset.s32 @!p0 $0xFFFFF086;
	s6 =	sadd.s32 @!p0 s3, s7;
	s7 =	simm.s32 @!p0 $0x108  }
0x21: {  	s3 =	sadd.s32 s3, s9;
	s6 =	sadd.s32 @!p0 $0x88, s6;
	s7 =	simm.s32 @p2 $0x1082  }
0x22: {  	[simem:s7], [sflag:s8] =	dma.local @!p0 [hbm:s6], $0xF7A  }
0x23: {  	s9 =	sor.u32 $0xD0000000, s2;
	s6 =	simm.s32 $0x108;
	_ =	swait.ge @!p0 [sflag:s8], $0x0  }
0x24: {  	s3 =	sadd.s32 $0x88, s3;
	s6 =	simm.s32 @!p1 $0x1082;
	[sflag:s4] =	ssyncset.s32 $0xFFFFF086  }
0x25: {  	[simem:s6], [sflag:s4] =	dma.local [hbm:s3], $0xF7A  }
0x26: {  	[smem:$0x3F88] =	sst s1;
	(tag) =	ssettag s2;
	_ =	strace s9  }
0x27: {  	s1 =	sld [smem:$0x3F98]  }
0x28: {  	s2 =	sld [smem:$0x3F99]  }
0x29: {  	s4 =	sld [smem:$0x3F9B]  }
0x2a: {  	p0 =	seq.s32 s5, $0x0;
	s5 =	sld [smem:$0x3F9C]  }
0x2b: {  	s6 =	sld [smem:$0x3F9D]  }
0x2c: {  	s7 =	sld [smem:$0x3F9E]  }
0x2d: {  	s3 =	simm.s32 $0x108;
	s8 =	sld [smem:$0x3F9F]  }
0x2e: {  	s3 =	simm.s32 @!p0 $0x1082;
	s9 =	sld [smem:$0x3FA0]  }
0x2f: {  	lr =	sadd.s32 s0, s3;
	s0 =	sld [smem:$0x3F97]  }
0x30: {  	s3 =	sld [smem:$0x3F9A]  }
0x31: {  	[smem:$0x3FA3] =	sst s10  }
0x32: {  	s10 =	sld [smem:$0x3FA1];
	_ =	sdelay $0x3  }
0x33: {  	p0 =	seq.s32 s10, $0x1;
	s10 =	sld [smem:$0x3FA3];
	_ =	sdelay $0x3  }
0x34: {  	[smem:$0x3FA3] =	sst s10  }
0x35: {  	s10 =	sld [smem:$0x3FA2];
	_ =	sdelay $0x3  }
0x36: {  	p1 =	seq.s32 s10, $0x1;
	s10 =	sld [smem:$0x3FA3];
	_ =	sdelay $0x3  }
0x37: {  	[smem:$0x3FA3] =	sst s10  }
0x38: {  	s10 =	sld [smem:$0x3FA4]  }
0x39: {  	_ = 	snop;
	(pc) =	sbr.ind lr, $3  }
0x3a: {  	_ = 	snop  }
0x3b: {  	_ = 	snop  }
0x3c: {  	p2 =	seq.s32 s10, $0x1;
	s10 =	sld [smem:$0x3FA3]  }
0x3d: {  	_ =	shalt  }
0x3e: {  	_ =	shalt  }
0x3f: {  	_ =	shalt  }
0x40: {  	_ =	shalt  }
0x41: {  	_ =	shalt  }
0x42: {  	_ =	shalt  }
0x43: {  	_ =	shalt  }
0x44: {  	_ =	shalt  }
0x45: {  	_ =	shalt  }
0x46: {  	_ =	shalt  }
0x47: {  	_ =	shalt  }
0x48: {  	_ =	shalt  }
0x49: {  	_ =	shalt  }
0x4a: {  	_ =	shalt  }
0x4b: {  	_ =	shalt  }
0x4c: {  	_ =	shalt  }
0x4d: {  	_ =	shalt  }
0x4e: {  	_ =	shalt  }
0x4f: {  	_ =	shalt  }
0x50: {  	_ =	shalt  }
0x51: {  	_ =	shalt  }
0x52: {  	_ =	shalt  }
0x53: {  	_ =	shalt  }
0x54: {  	_ =	shalt  }
0x55: {  	_ =	shalt  }
0x56: {  	_ =	shalt  }
0x57: {  	_ =	shalt  }
0x58: {  	_ =	shalt  }
0x59: {  	_ =	shalt  }
0x5a: {  	_ =	shalt  }
0x5b: {  	_ =	shalt  }
0x5c: {  	_ =	shalt  }
0x5d: {  	_ =	shalt  }
0x5e: {  	_ =	shalt  }
0x5f: {  	_ =	shalt  }
0x60: {  	_ =	shalt  }
0x61: {  	_ =	shalt  }
0x62: {  	_ =	shalt  }
0x63: {  	_ =	shalt  }
0x64: {  	_ =	shalt  }
0x65: {  	_ =	shalt  }
0x66: {  	_ =	shalt  }
0x67: {  	_ =	shalt  }
0x68: {  	_ =	shalt  }
0x69: {  	_ =	shalt  }
0x6a: {  	_ =	shalt  }
0x6b: {  	_ =	shalt  }
0x6c: {  	_ =	shalt  }
0x6d: {  	_ =	shalt  }
0x6e: {  	_ =	shalt  }
0x6f: {  	_ =	shalt  }
0x70: {  	_ =	shalt  }
0x71: {  	_ =	shalt  }
0x72: {  	_ =	shalt  }
0x73: {  	_ =	shalt  }
0x74: {  	_ =	shalt  }
0x75: {  	_ =	shalt  }
0x76: {  	_ =	shalt  }
0x77: {  	_ =	shalt  }
0x78: {  	_ =	shalt  }
0x79: {  	_ =	shalt  }
0x7a: {  	_ =	shalt  }
0x7b: {  	_ =	shalt  }
0x7c: {  	_ =	shalt  }
0x7d: {  	_ =	shalt  }
0x7e: {  	_ =	shalt  }
0x7f: {  	_ =	shalt  }
0x80: {  	_ =	shalt  }
0x81: {  	_ =	shalt  }
0x82: {  	_ =	shalt  }
0x83: {  	_ =	shalt  }
0x84: {  	_ =	shalt  }
0x85: {  	_ =	shalt  }
0x86: {  	_ =	shalt  }
0x87: {  	_ =	shalt  }
.Lfunc_end0:
.L_simem_size_0:
called_computation.1_lowered:
.L_overlay_start_0:
0x88: {  	s2 =	sld [smem:$0x3FD9]  }
0x89: {  	s3 =	sld [smem:$0x3FFE];
	_ =	sdelay $0x1  }
0x8a: {  	s1 =	srdreg.scid  }
0x8b: {  	s0 =	sand.u32 $0x1, s1  }
0x8c: {  	s17 =	sshll.u32 s0, $0xA;
	s2 =	sadd.s32 s3, s2  }
0x8d: {  	s2 =	sadd.s32 s2, s17  }
0x8e: {  	[smem:$0x3FAF] =	sst s2  }
0x8f: {  	_ = 	snop  }
0x90: {  	s2 =	sld [smem:$0x3FD0];
	(tm) =	ssettm $0x1  }
0x91: {  	s18 =	sld [smem:$0x3FFB];
	_ =	sdelay $0x3  }
0x92: {  	_ =	strace s18  }
0x93: {  	s3 =	sld [smem:$0x3FFC];
	_ =	sdelay $0x3  }
0x94: {  	_ =	strace s3  }
0x95: {  	s3 =	sld [smem:$0x3FFD];
	_ =	sdelay $0x3  }
0x96: {  	_ =	strace s3  }
0x97: {  	_ =	strace $0x8FFFFFFF  }
0x98: {  	s19 =	sld [smem:$0x3FDB];
	_ =	sdelay $0x1  }
0x99: {  	s4 =	simm.s32 $_scs_section_size  }
0x9a: {  	s5 =	simm.s32 $_size__tile_overlayer_lowered;
	s6 =	simm.s32 $_tile_overlayer_lowered  }
0x9b: {  	s22 =	simm.s32 $0x1BFF;
	s21 =	sshll.u32 s6, $0x1;
	s3 =	sadd.s32 s4, s19  }
0x9c: {  	s7 =	simm.s32 $0x0;
	s20 =	sshll.u32 s5, $0x1;
	s5 =	sadd.s32 s21, s3  }
0x9d: {  	[timem:s7], [sflag:s22] =	dma.local [hbm:s5], s20  }
0x9e: {  	_ =	swait.ge [sflag:s22], s20  }
0x9f: {  	s4 =	ssub.s32 $0x0, s20;
	[sflag:s22] =	ssyncset.done $0x0  }
0xa0: {  	[sflag:s22] =	ssyncadd.s32 s4;
	_ =	sdelay $0x1  }
0xa1: {  	s23 =	simm.s32 $0x1B8B  }
0xa2: {  	_ =	swait.ge [sflag:s23], $0x1  }
0xa3: {  	[sflag:s23] =	ssyncset.done $0x0  }
0xa4: {  	s25 =	simm.s32 $0x1B8E;
	s24 =	sld [smem:$0x3FFE];
	[sflag:s23] =	ssyncadd.s32 $0xFFFFFFFF  }
0xa5: {  	s26 =	simm.s32 $execute0_lowered;
	[smem:$0x3FD2] =	sst s25  }
0xa6: {  	s5 =	sshll.u32 s26, $0x1;
	_ =	strace $0x80000049;
	[dreg:$0x1] =	wrdreg $0xFFFFFFFF  }
0xa7: {  	s28 =	simm.s32 $_size_execute0_lowered;
	s3 =	sadd.s32 s3, s5;
	[dreg:$0x0] =	wrdreg $0x0  }
0xa8: {  	s5 =	sshll.u32 s28, $0x1;
	[dreg:$0x2] =	wrdreg s3  }
0xa9: {  	[dreg:$0x3] =	wrdreg s5  }
0xaa: {  	[dreg:$0x4] =	wrdreg $0xC0  }
0xab: {  	_ =	task [dreg:s7], $0x5FFFF  }
0xac: {  	[dreg:$0x1] =	wrdreg $0xFFFFFFFF  }
0xad: {  	[dreg:$0x0] =	wrdreg $0x60  }
0xae: {  	[dreg:$0x2] =	wrdreg s24  }
0xaf: {  	[dreg:$0x3] =	wrdreg s2  }
0xb0: {  	[dreg:$0x4] =	wrdreg $0x9  }
0xb1: {  	_ =	task.clear_ibuf [dreg:s7], $0x5FFFF;
	_ =	strace $0x90000049  }
0xb2: {  	s29 =	simm.s32 $0x9;
	_ =	strace $0x8000004B  }
0xb3: {  	_ =	swait.ge [sflag:s29], $0x1  }
0xb4: {  	[sflag:s29] =	ssyncadd.s32 $0xFFFFFFFF  }
0xb5: {  	_ =	strace $0x9000004B  }
0xb6: {  	_ =	sfence  }
0xb7: {  	s30 =	sld [smem:$0x0];
	_ =	sdelay $0x2  }
0xb8: {  	s31 =	sshll.u32 s1, $0xD;
	s1 =	sshrl.u32 s1, $0x2  }
0xb9: {  	s3 =	sand.u32 $0x4000, s31;
	s1 =	sadd.s32 s1, s30  }
0xba: {  	s0 =	sor.u32 s3, s0;
	s1 =	sshll.u32 s1, $0x11  }
0xbb: {  	s0 =	sor.u32 s1, s0  }
0xbc: {  	s0 =	sadd.s32 $0x8F2B, s0  }
0xbd: {  	[sflag:s0] =	ssyncadd.remote.s32 $0x1  }
0xbe: {  	_ =	sfence.sel $0xFFFF  }
0xbf: {  	[dreg:$0x0] =	wrdreg $0xFFFFFFFF;
	(pc) =	sbr.abs _section_cstart, $3  }
0xc0: {  	[dreg:$0x1] =	wrdreg $0xFFFFFFFF  }
0xc1: {  	_ =	task.clear_ibuf [dreg:s7], $0x2FFFF;
	_ =	strace $0x9FFFFFFF  }
0xc2: {  	(tm) =	ssettm $0x7FFFFFFF  }
0xc3: {  	_ =	shalt  }
tec
execute0_lowered:
.L_overlay_start_1:
0x0: {  	(tag) =	ssettag $0x1  }
0x1: {  	s10 =	rddreg [dreg:$0x0]  }
0x2: {  	s11 =	rddreg [dreg:$0x1]  }
0x3: {  	s0 =	rddreg [dreg:$0x2]  }
0x4: {  	s2 =	simm.s32 $0x0;
	s3 =	srdreg.scid;
	s1 =	stileid.u32  }
0x5: {  	s16 =	simm.s32 $0x8B80;
	s17 =	simm.s32 $0xA180;
	s18 =	simm.s32 $0xB780  }
0x6: {  	s19 =	simm.s32 $0xCD80;
	s20 =	simm.s32 $0x12400;
	s21 =	simm.s32 $0x17A80  }
0x7: {  	s22 =	simm.s32 $0x0;
	s29 =	simm.s32 $0x0;
	[smem:$0x7FF] =	sst s2  }
0x8: {  	s12 =	sand.u32 $0x1, s3;
	s3 =	smul.u32 $0x5640, s1;
	s5 =	sadd.s32 $0xB0E00, s10  }
0x9: {  	s6 =	sadd.s32 $0x5600, s10;
	s7 =	sadd.s32 $0xA6000, s10;
	s4 =	smul.u32 $0x56400, s12  }
0xa: {  	s8 =	sadd.s32 $0x10400, s10;
	s9 =	sadd.s32 $0x90600, s10;
	s31 =	sshll.u32 s1, $0x1  }
0xb: {  	_ =	strace $0x8000004A;
	s14 =	ssub.s32 $0x2, s12;
	s13 =	sadd.s32 s3, s4  }
0xc: {  	s12 =	sshll.u32 s12, $0x5;
	s15 =	sshrl.u32 s14, $0x1;
	s13 =	sshrl.u32 s13, $0x3  }
0xd: {  	s14 =	ssub.s32 s14, s15;
	s15 =	sadd.s32 s11, s31;
	s13 =	sadd.s32 s13, s10  }
0xe: {  	s12 =	sadd.s32 s12, s15;
	s15 =	simm.s32 $0x7580;
	s10 =	sadd.s32 $0xB1E00, s13  }
0xf: {  	s11 =	sadd.s32 $0xC7800, s13;
	s13 =	smax.u32 s14, $0x1;
	s14 =	simm.s32 $0x1  }
.LBB2_1:
0x10: {  	[tilespmem:s2], [sflag:$0x1] =	stream.linear.gather [hbm4b:s5+s2], $0x7580, $0x38;
	[tilespmem:$0x17B00] =	vst v63  }
0x11: {  	_ =	swait.ge [sflag:s14], $0x7580  }
0x12: {  	[sflag:s14] =	ssyncset.done $0x0  }
0x13: {  	s24 =	simm.s32 $0x0;
	s23 =	simm.s32 $0x0;
	[sflag:s14] =	ssyncadd.s32 $0xFFFF8A80  }
.LBB2_2:
0x14: {  	s25 =	smul.u32 $0x1590, s23;
	_ =	sdelay $0x1  }
0x15: {  	s25 =	sadd.s32 s3, s25  }
0x16: {  	s26 =	sshrl.u32 s25, $0x3  }
0x17: {  	s28 =	sadd.s32 s6, s26  }
0x18: {  	[tilespmem:s15], [sflag:$0x1] =	stream.linear.gather [hbm4b:s28+s29], $0x1590, $0x38;
	[tilespmem:$0x17B00] =	vst v63  }
0x19: {  	_ =	swait.ge [sflag:s14], $0x1590  }
0x1a: {  	[sflag:s14] =	ssyncset.done $0x0  }
0x1b: {  	s31 =	sadd.s32 s7, s26;
	[sflag:s14] =	ssyncadd.s32 $0xFFFFEA70  }
0x1c: {  	[tilespmem:s16], [sflag:$0x1] =	stream.linear.gather [hbm4b:s31+s29], $0x1590, $0x38;
	[tilespmem:$0x17B00] =	vst v63  }
0x1d: {  	_ =	swait.ge [sflag:s14], $0x1590  }
0x1e: {  	[sflag:s14] =	ssyncset.done $0x0  }
0x1f: {  	s26 =	sadd.s32 s8, s26;
	[sflag:s14] =	ssyncadd.s32 $0xFFFFEA70  }
0x20: {  	[tilespmem:s17], [sflag:$0x1] =	stream.linear.gather [hbm4b:s26+s29], $0x1590, $0x38;
	[tilespmem:$0x17B00] =	vst v63  }
0x21: {  	s25 =	sadd.s32 s4, s25;
	_ =	swait.ge [sflag:s14], $0x1590  }
0x22: {  	s25 =	sshrl.u32 s25, $0x3;
	[sflag:s14] =	ssyncset.done $0x0  }
0x23: {  	s25 =	sadd.s32 s9, s25;
	[sflag:s14] =	ssyncadd.s32 $0xFFFFEA70  }
0x24: {  	[tilespmem:s18], [sflag:$0x1] =	stream.linear.gather [hbm4b:s25+s29], $0x1590, $0x38;
	[tilespmem:$0x17B00] =	vst v63  }
0x25: {  	_ =	swait.ge [sflag:s14], $0x1590  }
0x26: {  	[sflag:s14] =	ssyncset.done $0x0  }
0x27: {  	s30 =	simm.s32 $0x0;
	[sflag:s14] =	ssyncadd.s32 $0xFFFFEA70  }
0x28: {  	v0 =	vld [tilespmem:s30+$0x7580];
	_ =	sdelay $0x1  }
0x29: {  	v1 =	vld [tilespmem:s30+$0x8B80];
	_ =	sdelay $0x4  }
0x2a: {  	v3 =	vld [tilespmem:s30+$0xA180]  }
0x2b: {  	v2 =	vld.idx.msk [tilespmem:v0+s2+$0x0], $0xffff  }
0x2c: {  	v4 =	vld [tilespmem:s30+$0xB780]  }
0x2d: {  	v1 =	vld.idx.msk [tilespmem:v1+s2+$0x0], $0xffff;
	_ =	sdelay $0x2  }
0x2e: {  	v2 =	vmul.f32 v2, v3  }
0x2f: {  	vm0 =	vne.s32 v4, $0x3A98;
	v0 =	vshll.u32 v0, $0xE  }
0x30: {  	v0 =	vor.u32 v0, v4;
	v3 =	vmpcnt.ones.xlane vm0;
	v1 =	vmul.f32 v1, v2  }
0x31: {  	[tilespmem:s24+$0xCD80] =	vst.msk vm0, v0  }
0x32: {  	s31 =	simm.s32 $0x10;
	(v2sf) =	vpush v3, $0x0;
	[tilespmem:s24+$0x12400] =	vst.msk vm0, v1  }
0x33: {  	v0 =	vld [tilespmem:s31+$0x7580];
	_ =	sdelay $0x1  }
0x34: {  	v1 =	vld [tilespmem:s31+$0x8B80];
	_ =	sdelay $0x4  }
0x35: {  	v4 =	vld [tilespmem:s31+$0xA180]  }
0x36: {  	v2 =	vld.idx.msk [tilespmem:v0+s2+$0x0], $0xffff  }
0x37: {  	v3 =	vld [tilespmem:s31+$0xB780]  }
0x38: {  	v1 =	vld.idx.msk [tilespmem:v1+s2+$0x0], $0xffff  }
0x39: {  	s26 =	simm.s32 $0xC0;
	s25 =	simm.s32 $0x80  }
.LBB2_3:
0x3a: {  	p0 =	sne.s32 s26, $0x5600  }
0x3b: {  	v2 =	vmul.f32 v2, v4  }
0x3c: {  	v0 =	vshll.u32 v0, $0xE;
	s28 =	spop (v2sf)  }
0x3d: {  	v1 =	vmul.f32 v1, v2;
	v0 =	vor.u32 v0, v3;
	vm0 =	vne.s32 v3, $0x3A98;
	s24 =	sadd.s32 s24, s28  }
0x3e: {  	[tilespmem:s24+$0xCD80] =	vst.msk vm0, v0;
	v2 =	vmpcnt.ones.xlane vm0  }
0x3f: {  	s28 =	sshra.s32 s25, $0x2;
	s25 =	smov.u32 s26;
	[tilespmem:s24+$0x12400] =	vst.msk vm0, v1  }
0x40: {  	v0 =	vld [tilespmem:s28+$0x7580];
	(v2sf) =	vpush v2, $0x0;
	_ =	sdelay $0x1  }
0x41: {  	v1 =	vld [tilespmem:s28+$0x8B80];
	_ =	sdelay $0x5  }
.Ltmp0:
0x42: {  	v2 =	vld.idx.msk [tilespmem:v0+s2+$0x0], $0xffff;
	(pc) =	sbr.rel @p0 .LBB2_3-.Ltmp0, $4  }
0x43: {  	v4 =	vld [tilespmem:s28+$0xA180]  }
0x44: {  	v1 =	vld.idx.msk [tilespmem:v1+s2+$0x0], $0xffff  }
0x45: {  	v3 =	vld [tilespmem:s28+$0xB780]  }
0x46: {  	s26 =	sadd.s32 $0x40, s26  }
0x47: {  	_ = 	snop  }
0x48: {  	v2 =	vmul.f32 v2, v4  }
0x49: {  	v0 =	vshll.u32 v0, $0xE;
	s26 =	spop (v2sf)  }
0x4a: {  	v1 =	vmul.f32 v1, v2;
	v0 =	vor.u32 v0, v3;
	vm0 =	vne.s32 v3, $0x3A98;
	s24 =	sadd.s32 s24, s26  }
0x4b: {  	[tilespmem:s24+$0xCD80] =	vst.msk vm0, v0  }
0x4c: {  	s25 =	sshra.s32 s25, $0x2;
	[tilespmem:s24+$0x12400] =	vst.msk vm0, v1  }
0x4d: {  	v0 =	vld [tilespmem:s25+$0xB780];
	_ =	sdelay $0x3  }
0x4e: {  	v58 =	vmpcnt.ones.xlane vm0  }
0x4f: {  	vm15 =	vne.s32 v0, $0x3A98  }
0x50: {  	(v2sf) =	vpush v58, $0x0;
	v60 =	vmpcnt.ones.xlane vm15  }
0x51: {  	v59 =	vld [tilespmem:s25+$0x7580]  }
0x52: {  	(v2sf) =	vpush v60, $0x0  }
0x53: {  	v61 =	vld [tilespmem:s25+$0x8B80];
	_ =	sdelay $0x4  }
0x54: {  	v63 =	vld [tilespmem:s25+$0xA180]  }
0x55: {  	v62 =	vld.idx.msk [tilespmem:v59+s2+$0x0], $0xffff;
	_ =	sdelay $0x1  }
0x56: {  	v1 =	vld.idx.msk [tilespmem:v61+s2+$0x0], $0xffff  }
0x57: {  	s23 =	sadd.s32 $0x1, s23  }
0x58: {  	p0 =	sne.s32 s23, $0x4  }
.Ltmp1:
0x59: {  	v3 =	vmul.f32 v62, v63;
	(pc) =	sbr.rel @p0 .LBB2_2-.Ltmp1, $4  }
0x5a: {  	v2 =	vshll.u32 v59, $0xE;
	s30 =	spop (v2sf)  }
0x5b: {  	v0 =	vor.u32 v2, v0;
	v1 =	vmul.f32 v1, v3;
	s24 =	sadd.s32 s24, s30  }
0x5c: {  	[tilespmem:s24+$0xCD80] =	vst.msk vm15, v0;
	s31 =	spop (v2sf)  }
0x5d: {  	[tilespmem:s24+$0x12400] =	vst.msk vm15, v1;
	s24 =	sadd.s32 s24, s31  }
0x5e: {  	s23 =	ssub.s32 $0x0, s24  }
0x5f: {  	s23 =	sand.u32 $0x1F, s23  }
0x60: {  	p0 =	seq.s32 s23, $0x0  }
0x61: {  	v0 =	vimm.s32 @!p0 $0x3A98;
	p1 =	slt.u32 @!p0 s23, $0x11  }
0x62: {  	[tilespmem:s24+$0xCD80] =	vst @!p0 v0;
	v0 =	vimm.f32 @!p0 $0.0e+00;
	p1 =	por p1, p0  }
0x63: {  	[tilespmem:s24+$0x12400] =	vst @!p0 v0;
	v0 =	vimm.s32 @!p1 $0x3A98  }
0x64: {  	[tilespmem:s24+$0xCD90] =	vst @!p1 v0;
	v0 =	vimm.f32 @!p1 $0.0e+00  }
0x65: {  	v63 =	vmov s24;
	[tilespmem:s24+$0x12410] =	vst @!p1 v0  }
0x66: {  	[tilespmem:$0x17A80] =	vst v63  }
0x67: {  	[hbm4b:s10+s2] =	stream.linear.scatter [tilespmem:s19], [sflag:$0x1], $0x5640, $0x38;
	[tilespmem:$0x17B00] =	vst v63  }
0x68: {  	_ =	swait.ge [sflag:s14], $0x5640  }
0x69: {  	[sflag:s14] =	ssyncset.done $0x0  }
0x6a: {  	[sflag:s14] =	ssyncadd.s32 $0xFFFFA9C0  }
0x6b: {  	[hbm4b:s11+s2] =	stream.linear.scatter [tilespmem:s20], [sflag:$0x1], $0x5640, $0x38;
	[tilespmem:$0x17B00] =	vst v63  }
0x6c: {  	s22 =	sadd.s32 $0x1, s22;
	_ =	swait.ge [sflag:s14], $0x5640  }
0x6d: {  	p0 =	sne.s32 s22, s13;
	[sflag:s14] =	ssyncset.done $0x0  }
.Ltmp2:
0x6e: {  	[sflag:s14] =	ssyncadd.s32 $0xFFFFA9C0;
	(pc) =	sbr.rel @p0 .LBB2_1-.Ltmp2, $4  }
0x6f: {  	[hbm4b:s12+s2] =	stream.linear.scatter [tilespmem:s21], [sflag:$0x1], $0x10, $0x38;
	[tilespmem:$0x17B00] =	vst v63  }
0x70: {  	_ =	swait.ge [sflag:s14], $0x10  }
0x71: {  	[sflag:s14] =	ssyncset.done $0x0  }
0x72: {  	[sflag:s14] =	ssyncadd.s32 $0xFFFFFFF0  }
0x73: {  	_ =	sfence.sel $0x180000  }
0x74: {  	[bflag:$0x0] =	sbarrier.arrive $0xFFFF  }
0x75: {  	p0 =	sne.s32 s1, $0x0;
	_ =	strace $0x9000004A  }
0x76: {  	s0 =	sadd.s32 @!p0 $0x100000, s0;
	[bflag:$0x2] =	sbarrier.arrive $0xFFFF  }
0x77: {  	[sflag:s0] =	ssyncadd.tile.s32 @!p0 $0x1;
	_ =	shalt  }
.Lfunc_end2:
_tile_overlayer_lowered:
.L_overlay_start_2:
0x78: {  	(tag) =	ssettag $0x2  }
0x79: {  	s0 =	rddreg [dreg:$0x0];
	s2 =	stileid.u32  }
0x7a: {  	s1 =	rddreg [dreg:$0x1];
	p0 =	sne.s32 s2, $0x0  }
0x7b: {  	s3 =	rddreg [dreg:$0x2];
	[bflag:$0x3] =	sbarrier.arrive $0xFFFF;
	s2 =	simm.s32 @!p0 $0x1C01  }
0x7c: {  	[timem:s3], [sflag:s2] =	dma.local @!p0 [hbm:s0], s1  }
0x7d: {  	s0 =	simm.s32 @!p0 $0x1  }
0x7e: {  	_ =	swait.ge @!p0 [sflag:s0], s1  }
0x7f: {  	s1 =	ssub.s32 @!p0 $0x0, s1;
	[sflag:s0] =	ssyncset.done @!p0 $0x0  }
0x80: {  	[sflag:s0] =	ssyncadd.s32 @!p0 s1  }
0x81: {  	[bflag:$0x3] =	sbarrier.arrive $0xFFFF  }
0x82: {  	_ =	shalt  }

// kernel: kernel.18.cloned.1.call-start
scs
__scs_entry_jumppad:
0x0: {  	(pc) =	sbr.rel $0x88, $3  }
0x1: {  	(tag) =	ssettag $0x0;
	lr =	simm.s32 $0x1  }
0x2: {  	[smem:$0x3F88] =	sst lr;
	_ =	strace $0xD0000000  }
0x3: {  	_ = 	snop  }
0x4: {  	_ = 	snop  }
0x5: {  	_ = 	snop  }
0x6: {  	_ = 	snop  }
0x7: {  	_ = 	snop  }
__scs_overlays_trampoline_lowered:
0x8: {  	[smem:$0x3F97] =	sst s0  }
0x9: {  	[smem:$0x3F98] =	sst s1  }
0xa: {  	[smem:$0x3F99] =	sst s2  }
0xb: {  	[smem:$0x3F9A] =	sst s3  }
0xc: {  	[smem:$0x3F9B] =	sst s4  }
0xd: {  	[smem:$0x3F9C] =	sst s5  }
0xe: {  	[smem:$0x3F9D] =	sst s6  }
0xf: {  	[smem:$0x3F9E] =	sst s7  }
0x10: {  	[smem:$0x3F9F] =	sst s8  }
0x11: {  	[smem:$0x3FA0] =	sst s9;
	s0 =	simm.s32 @!p0 $0x0  }
0x12: {  	s1 =	sld [smem:$0x3F86];
	s0 =	simm.s32 @p0 $0x1  }
0x13: {  	[smem:$0x3FA1] =	sst s0;
	s0 =	simm.s32 @!p1 $0x0  }
0x14: {  	s2 =	sld [smem:$0x3F85];
	s0 =	simm.s32 @p1 $0x1  }
0x15: {  	[smem:$0x3FA2] =	sst s0;
	s0 =	simm.s32 @!p2 $0x0  }
0x16: {  	s3 =	sld [smem:$0x3FDB];
	s0 =	simm.s32 @p2 $0x1  }
0x17: {  	s4 =	simm.s32 $0x1BF5;
	[smem:$0x3FA4] =	sst s0  }
0x18: {  	s0 =	sld [smem:$0x3F87];
	_ =	swait.ge [sflag:s4], $0x0  }
0x19: {  	s7 =	sld [smem:$0x3F88]  }
0x1a: {  	s8 =	sadd.s32 $0xFFFFE003, lr  }
0x1b: {  	s9 =	sadd.s32 $0xFFFFFEF7, lr;
	s5 =	simm.s32 $0xFFFFFFFF;
	p2 =	slt.u32 s8, $0xFFFFF086  }
0x1c: {  	p1 =	slt.u32 s9, $0xF7A;
	s5 =	simm.s32 @!p2 $0x0  }
0x1d: {  	s5 =	simm.s32 @p1 $0x1;
	p0 =	seq.s32 s7, s2  }
0x1e: {  	s7 =	smul.u32 @!p0 $0xF7A, s2;
	p2 =	seq.s32 @!p0 s5, $0x0  }
0x1f: {  	s9 =	smul.u32 $0xF7A, s1;
	s8 =	simm.s32 @!p0 $0x1BF5;
	p2 =	por !p2, p0  }
0x20: {  	[sflag:s8] =	ssyncset.s32 @!p0 $0xFFFFF086;
	s6 =	sadd.s32 @!p0 s3, s7;
	s7 =	simm.s32 @!p0 $0x108  }
0x21: {  	s3 =	sadd.s32 s3, s9;
	s6 =	sadd.s32 @!p0 $0x88, s6;
	s7 =	simm.s32 @p2 $0x1082  }
0x22: {  	[simem:s7], [sflag:s8] =	dma.local @!p0 [hbm:s6], $0xF7A  }
0x23: {  	s9 =	sor.u32 $0xD0000000, s2;
	s6 =	simm.s32 $0x108;
	_ =	swait.ge @!p0 [sflag:s8], $0x0  }
0x24: {  	s3 =	sadd.s32 $0x88, s3;
	s6 =	simm.s32 @!p1 $0x1082;
	[sflag:s4] =	ssyncset.s32 $0xFFFFF086  }
0x25: {  	[simem:s6], [sflag:s4] =	dma.local [hbm:s3], $0xF7A  }
0x26: {  	[smem:$0x3F88] =	sst s1;
	(tag) =	ssettag s2;
	_ =	strace s9  }
0x27: {  	s1 =	sld [smem:$0x3F98]  }
0x28: {  	s2 =	sld [smem:$0x3F99]  }
0x29: {  	s4 =	sld [smem:$0x3F9B]  }
0x2a: {  	p0 =	seq.s32 s5, $0x0;
	s5 =	sld [smem:$0x3F9C]  }
0x2b: {  	s6 =	sld [smem:$0x3F9D]  }
0x2c: {  	s7 =	sld [smem:$0x3F9E]  }
0x2d: {  	s3 =	simm.s32 $0x108;
	s8 =	sld [smem:$0x3F9F]  }
0x2e: {  	s3 =	simm.s32 @!p0 $0x1082;
	s9 =	sld [smem:$0x3FA0]  }
0x2f: {  	lr =	sadd.s32 s0, s3;
	s0 =	sld [smem:$0x3F97]  }
0x30: {  	s3 =	sld [smem:$0x3F9A]  }
0x31: {  	[smem:$0x3FA3] =	sst s10  }
0x32: {  	s10 =	sld [smem:$0x3FA1];
	_ =	sdelay $0x3  }
0x33: {  	p0 =	seq.s32 s10, $0x1;
	s10 =	sld [smem:$0x3FA3];
	_ =	sdelay $0x3  }
0x34: {  	[smem:$0x3FA3] =	sst s10  }
0x35: {  	s10 =	sld [smem:$0x3FA2];
	_ =	sdelay $0x3  }
0x36: {  	p1 =	seq.s32 s10, $0x1;
	s10 =	sld [smem:$0x3FA3];
	_ =	sdelay $0x3  }
0x37: {  	[smem:$0x3FA3] =	sst s10  }
0x38: {  	s10 =	sld [smem:$0x3FA4]  }
0x39: {  	_ = 	snop;
	(pc) =	sbr.ind lr, $3  }
0x3a: {  	_ = 	snop  }
0x3b: {  	_ = 	snop  }
0x3c: {  	p2 =	seq.s32 s10, $0x1;
	s10 =	sld [smem:$0x3FA3]  }
0x3d: {  	_ =	shalt  }
0x3e: {  	_ =	shalt  }
0x3f: {  	_ =	shalt  }
0x40: {  	_ =	shalt  }
0x41: {  	_ =	shalt  }
0x42: {  	_ =	shalt  }
0x43: {  	_ =	shalt  }
0x44: {  	_ =	shalt  }
0x45: {  	_ =	shalt  }
0x46: {  	_ =	shalt  }
0x47: {  	_ =	shalt  }
0x48: {  	_ =	shalt  }
0x49: {  	_ =	shalt  }
0x4a: {  	_ =	shalt  }
0x4b: {  	_ =	shalt  }
0x4c: {  	_ =	shalt  }
0x4d: {  	_ =	shalt  }
0x4e: {  	_ =	shalt  }
0x4f: {  	_ =	shalt  }
0x50: {  	_ =	shalt  }
0x51: {  	_ =	shalt  }
0x52: {  	_ =	shalt  }
0x53: {  	_ =	shalt  }
0x54: {  	_ =	shalt  }
0x55: {  	_ =	shalt  }
0x56: {  	_ =	shalt  }
0x57: {  	_ =	shalt  }
0x58: {  	_ =	shalt  }
0x59: {  	_ =	shalt  }
0x5a: {  	_ =	shalt  }
0x5b: {  	_ =	shalt  }
0x5c: {  	_ =	shalt  }
0x5d: {  	_ =	shalt  }
0x5e: {  	_ =	shalt  }
0x5f: {  	_ =	shalt  }
0x60: {  	_ =	shalt  }
0x61: {  	_ =	shalt  }
0x62: {  	_ =	shalt  }
0x63: {  	_ =	shalt  }
0x64: {  	_ =	shalt  }
0x65: {  	_ =	shalt  }
0x66: {  	_ =	shalt  }
0x67: {  	_ =	shalt  }
0x68: {  	_ =	shalt  }
0x69: {  	_ =	shalt  }
0x6a: {  	_ =	shalt  }
0x6b: {  	_ =	shalt  }
0x6c: {  	_ =	shalt  }
0x6d: {  	_ =	shalt  }
0x6e: {  	_ =	shalt  }
0x6f: {  	_ =	shalt  }
0x70: {  	_ =	shalt  }
0x71: {  	_ =	shalt  }
0x72: {  	_ =	shalt  }
0x73: {  	_ =	shalt  }
0x74: {  	_ =	shalt  }
0x75: {  	_ =	shalt  }
0x76: {  	_ =	shalt  }
0x77: {  	_ =	shalt  }
0x78: {  	_ =	shalt  }
0x79: {  	_ =	shalt  }
0x7a: {  	_ =	shalt  }
0x7b: {  	_ =	shalt  }
0x7c: {  	_ =	shalt  }
0x7d: {  	_ =	shalt  }
0x7e: {  	_ =	shalt  }
0x7f: {  	_ =	shalt  }
0x80: {  	_ =	shalt  }
0x81: {  	_ =	shalt  }
0x82: {  	_ =	shalt  }
0x83: {  	_ =	shalt  }
0x84: {  	_ =	shalt  }
0x85: {  	_ =	shalt  }
0x86: {  	_ =	shalt  }
0x87: {  	_ =	shalt  }
.Lfunc_end0:
.L_simem_size_0:
called_computation.2_lowered:
.L_overlay_start_0:
0x88: {  	s2 =	sld [smem:$0x3FD9]  }
0x89: {  	s3 =	sld [smem:$0x3FFE];
	_ =	sdelay $0x1  }
0x8a: {  	s1 =	srdreg.scid  }
0x8b: {  	s0 =	sand.u32 $0x1, s1  }
0x8c: {  	s17 =	sshll.u32 s0, $0xA;
	s2 =	sadd.s32 s3, s2  }
0x8d: {  	s2 =	sadd.s32 s2, s17  }
0x8e: {  	[smem:$0x3FAF] =	sst s2  }
0x8f: {  	_ = 	snop  }
0x90: {  	s2 =	sld [smem:$0x3FD0];
	(tm) =	ssettm $0x1  }
0x91: {  	s18 =	sld [smem:$0x3FFB];
	_ =	sdelay $0x3  }
0x92: {  	_ =	strace s18  }
0x93: {  	s3 =	sld [smem:$0x3FFC];
	_ =	sdelay $0x3  }
0x94: {  	_ =	strace s3  }
0x95: {  	s3 =	sld [smem:$0x3FFD];
	_ =	sdelay $0x3  }
0x96: {  	_ =	strace s3  }
0x97: {  	_ =	strace $0x8FFFFFFF  }
0x98: {  	s19 =	sld [smem:$0x3FDB];
	_ =	sdelay $0x1  }
0x99: {  	s4 =	simm.s32 $_scs_section_size  }
0x9a: {  	s5 =	simm.s32 $_size__tile_overlayer_lowered;
	s6 =	simm.s32 $_tile_overlayer_lowered  }
0x9b: {  	s22 =	simm.s32 $0x1BFF;
	s21 =	sshll.u32 s6, $0x1;
	s3 =	sadd.s32 s4, s19  }
0x9c: {  	s7 =	simm.s32 $0x0;
	s20 =	sshll.u32 s5, $0x1;
	s5 =	sadd.s32 s21, s3  }
0x9d: {  	[timem:s7], [sflag:s22] =	dma.local [hbm:s5], s20  }
0x9e: {  	_ =	swait.ge [sflag:s22], s20  }
0x9f: {  	s4 =	ssub.s32 $0x0, s20;
	[sflag:s22] =	ssyncset.done $0x0  }
0xa0: {  	[sflag:s22] =	ssyncadd.s32 s4;
	_ =	sdelay $0x1  }
0xa1: {  	s23 =	simm.s32 $0x1B8B  }
0xa2: {  	_ =	swait.ge [sflag:s23], $0x1  }
0xa3: {  	[sflag:s23] =	ssyncset.done $0x0  }
0xa4: {  	s25 =	simm.s32 $0x1B8E;
	s24 =	sld [smem:$0x3FFE];
	[sflag:s23] =	ssyncadd.s32 $0xFFFFFFFF  }
0xa5: {  	s26 =	simm.s32 $execute0_lowered;
	[smem:$0x3FD2] =	sst s25  }
0xa6: {  	s5 =	sshll.u32 s26, $0x1;
	_ =	strace $0x8000004C;
	[dreg:$0x1] =	wrdreg $0xFFFFFFFF  }
0xa7: {  	s28 =	simm.s32 $_size_execute0_lowered;
	s3 =	sadd.s32 s3, s5;
	[dreg:$0x0] =	wrdreg $0x0  }
0xa8: {  	s5 =	sshll.u32 s28, $0x1;
	[dreg:$0x2] =	wrdreg s3  }
0xa9: {  	[dreg:$0x3] =	wrdreg s5  }
0xaa: {  	[dreg:$0x4] =	wrdreg $0xC0  }
0xab: {  	_ =	task [dreg:s7], $0x5FFFF  }
0xac: {  	[dreg:$0x1] =	wrdreg $0xFFFFFFFF  }
0xad: {  	[dreg:$0x0] =	wrdreg $0x60  }
0xae: {  	[dreg:$0x2] =	wrdreg s24  }
0xaf: {  	[dreg:$0x3] =	wrdreg s2  }
0xb0: {  	[dreg:$0x4] =	wrdreg $0x24000  }
0xb1: {  	[dreg:$0x5] =	wrdreg $0x9  }
0xb2: {  	_ =	task.clear_ibuf [dreg:s7], $0x6FFFF;
	_ =	strace $0x9000004C  }
0xb3: {  	s29 =	simm.s32 $0x9;
	_ =	strace $0x8000004E  }
0xb4: {  	_ =	swait.ge [sflag:s29], $0x1  }
0xb5: {  	[sflag:s29] =	ssyncadd.s32 $0xFFFFFFFF  }
0xb6: {  	_ =	strace $0x9000004E  }
0xb7: {  	_ =	sfence  }
0xb8: {  	s30 =	sld [smem:$0x0];
	_ =	sdelay $0x2  }
0xb9: {  	s31 =	sshll.u32 s1, $0xD;
	s1 =	sshrl.u32 s1, $0x2  }
0xba: {  	s3 =	sand.u32 $0x4000, s31;
	s1 =	sadd.s32 s1, s30  }
0xbb: {  	s0 =	sor.u32 s3, s0;
	s1 =	sshll.u32 s1, $0x11  }
0xbc: {  	s0 =	sor.u32 s1, s0  }
0xbd: {  	s0 =	sadd.s32 $0x8F2B, s0  }
0xbe: {  	[sflag:s0] =	ssyncadd.remote.s32 $0x1  }
0xbf: {  	_ =	sfence.sel $0xFFFF  }
0xc0: {  	[dreg:$0x0] =	wrdreg $0xFFFFFFFF;
	(pc) =	sbr.abs _section_cstart, $3  }
0xc1: {  	[dreg:$0x1] =	wrdreg $0xFFFFFFFF  }
0xc2: {  	_ =	task.clear_ibuf [dreg:s7], $0x2FFFF;
	_ =	strace $0x9FFFFFFF  }
0xc3: {  	(tm) =	ssettm $0x7FFFFFFF  }
tec
execute0_lowered:
.L_overlay_start_1:
0x0: {  	(tag) =	ssettag $0x1  }
0x1: {  	s0 =	rddreg [dreg:$0x0]  }
0x2: {  	s8 =	rddreg [dreg:$0x1]  }
0x3: {  	s1 =	rddreg [dreg:$0x2];
	s2 =	srdreg.scid;
	s3 =	simm.s32 $0x0  }
0x4: {  	s15 =	simm.s32 $0x400;
	s16 =	simm.s32 $0x6;
	s17 =	simm.s32 $0x380  }
0x5: {  	s18 =	simm.s32 $0x280;
	s19 =	simm.s32 $0x5;
	s9 =	sand.u32 $0x1, s2  }
0x6: {  	s20 =	simm.s32 $0x20;
	s2 =	stileid.u32;
	s6 =	smul.u32 $0x1D8000, s9  }
0x7: {  	s22 =	simm.s32 $0x0;
	s24 =	simm.s32 $0x0;
	s7 =	smul.u32 $0x1D800, s2  }
0x8: {  	[smem:$0x7FF] =	sst s3;
	s4 =	sadd.s32 $0x1B200, s0;
	s10 =	smul.u32 $0x76000, s2  }
0x9: {  	s5 =	sadd.s32 $0xB1E00, s0;
	_ =	strace $0x8000004D;
	s11 =	smul.u32 $0x56400, s9  }
0xa: {  	s28 =	ssub.s32 $0x2, s9;
	s13 =	smul.u32 $0x5640, s2;
	s29 =	sshll.u32 s2, $0x1  }
0xb: {  	s30 =	sshll.u32 s9, $0x5;
	s12 =	sshrl.u32 s28, $0x1;
	s7 =	sadd.s32 s7, s6  }
0xc: {  	s6 =	sadd.s32 $0xC7800, s0;
	s14 =	ssub.s32 s28, s12;
	s7 =	sshrl.u32 s7, $0x3  }
0xd: {  	s10 =	sshrl.u32 s10, $0x2;
	s14 =	smax.u32 s14, $0x1;
	s0 =	sadd.s32 s7, s0  }
0xe: {  	s7 =	sadd.s32 s10, s1;
	s10 =	sadd.s32 s8, s29;
	s8 =	sadd.s32 s13, s11  }
0xf: {  	s9 =	sadd.s32 $0x1D000, s7;
	s10 =	sadd.s32 s30, s10;
	s31 =	sshrl.u32 s8, $0x3  }
0x10: {  	v0 =	vimm.f32 $0.0e+00;
	s13 =	sadd.s32 $0xDD200, s0;
	s11 =	sadd.s32 s5, s31;
	s12 =	sadd.s32 s6, s31  }
.LBB2_1:
0x11: {  	s0 =	simm.s32 $0x0;
	s21 =	simm.s32 $0x200  }
.LBB2_2:
0x12: {  	p0 =	sne.s32 s21, $0x3E00;
	[tilespmem:s0+$0x470] =	vst v0  }
0x13: {  	[tilespmem:s0+$0x400] =	vst v0  }
0x14: {  	[tilespmem:s0+$0x410] =	vst v0  }
.Ltmp0:
0x15: {  	[tilespmem:s0+$0x420] =	vst v0;
	(pc) =	sbr.rel @p0 .LBB2_2-.Ltmp0, $4  }
0x16: {  	[tilespmem:s0+$0x430] =	vst v0  }
0x17: {  	[tilespmem:s0+$0x440] =	vst v0  }
0x18: {  	[tilespmem:s0+$0x450] =	vst v0  }
0x19: {  	[tilespmem:s0+$0x460] =	vst v0;
	s0 =	sshra.s32 s21, $0x2;
	s21 =	sadd.s32 $0x200, s21  }
0x1a: {  	[tilespmem:s0+$0x470] =	vst v0  }
0x1b: {  	[tilespmem:s0+$0x400] =	vst v0  }
0x1c: {  	[tilespmem:s0+$0x410] =	vst v0  }
0x1d: {  	[tilespmem:s0+$0x420] =	vst v0  }
0x1e: {  	[tilespmem:s0+$0x430] =	vst v0  }
0x1f: {  	[tilespmem:s0+$0x440] =	vst v0  }
0x20: {  	[tilespmem:s0+$0x450] =	vst v0  }
0x21: {  	[tilespmem:s0+$0x460] =	vst v0;
	s31 =	sadd.s32 $0x0, s7  }
0x22: {  	[spmem:s31] =	stream.linear.scatter [tilespmem:s15], [sflag:$0x6], $0x1000, $0x38;
	[tilespmem:$0x1FC00] =	vst v63  }
0x23: {  	s0 =	simm.s32 $0x4000;
	_ =	swait.ge [sflag:s16], $0x1000  }
.LBB2_4:
0x24: {  	s21 =	sshra.s32 s0, $0x2;
	[sflag:s16] =	ssyncset.done $0x0;
	p0 =	sne.s32 s0, $0x70000  }
.Ltmp1:
0x25: {  	s21 =	sadd.s32 s21, s7;
	[sflag:s16] =	ssyncadd.s32 $0xFFFFF000;
	(pc) =	sbr.rel @p0 .LBB2_4-.Ltmp1, $3  }
0x26: {  	[spmem:s21] =	stream.linear.scatter [tilespmem:s15], [sflag:$0x6], $0x1000, $0x38;
	[tilespmem:$0x1FC00] =	vst v63  }
0x27: {  	s0 =	sadd.s32 $0x4000, s0;
	_ =	sdelay $0x1  }
0x28: {  	_ =	swait.ge [sflag:s16], $0x1000  }
0x29: {  	[sflag:s16] =	ssyncset.done $0x0  }
0x2a: {  	[sflag:s16] =	ssyncadd.s32 $0xFFFFF000  }
0x2b: {  	[spmem:s9] =	stream.linear.scatter [tilespmem:s15], [sflag:$0x6], $0x800, $0x38;
	[tilespmem:$0x1FC00] =	vst v63  }
0x2c: {  	_ =	swait.ge [sflag:s16], $0x800  }
0x2d: {  	[sflag:s16] =	ssyncset.done $0x0  }
0x2e: {  	[sflag:s16] =	ssyncadd.s32 $0xFFFFF800  }
0x2f: {  	s0 =	simm.s32 $0x0;
	[bflag:$0x0] =	sbarrier.arrive $0xFFFF  }
0x30: {  	[tilespmem:s17], [sflag:$0x6] =	stream.linear.gather [hbm4b:s10+s0], $0x10, $0x38;
	[tilespmem:$0x1FC00] =	vst v63  }
0x31: {  	_ =	swait.ge [sflag:s16], $0x10  }
0x32: {  	[sflag:s16] =	ssyncset.done $0x0  }
0x33: {  	[sflag:s16] =	ssyncadd.s32 $0xFFFFFFF0  }
0x34: {  	v1 =	vld [tilespmem:$0x380];
	_ =	sdelay $0x4  }
0x35: {  	(v2sf) =	vpush v1, $0x0;
	_ =	sdelay $0xe  }
0x36: {  	s30 =	spop (v2sf)  }
0x37: {  	s0 =	sadd.s32 $0x1F, s30  }
0x38: {  	s21 =	sand.u32 $0x1F, s0  }
0x39: {  	s31 =	sshra.s32 s0, $0x1F;
	p1 =	slt.s32 s0, $0x1;
	p0 =	sne.s32 s21, $0x0  }
0x3a: {  	s21 =	sshrl.u32 s31, $0x1B;
	p0 =	por !p1, !p0  }
0x3b: {  	s0 =	sadd.s32 s21, s0;
	s21 =	simm.s32 $0x1;
	p0 =	por !p0, !p0  }
0x3c: {  	s0 =	sshra.s32 s0, $0x5;
	s21 =	simm.s32 @!p0 $0x0  }
0x3d: {  	s23 =	ssub.s32 s0, s21  }
0x3e: {  	p0 =	slt.s32 s23, $0x1  }
.Ltmp2:
0x3f: {  	_ = 	snop;
	(pc) =	sbr.rel @p0 .LBB2_10-.Ltmp2, $1  }
0x40: {  	_ =	sdelay $0x3  }
0x41: {  	[tilespmem:s24], [sflag:$0x5] =	stream.linear.gather [hbm4b:s11+s24], $0x20, $0x38;
	[tilespmem:$0x1FC00] =	vst v63  }
0x42: {  	_ = 	snop  }
0x43: {  	[tilespmem:s18], [sflag:$0x5] =	stream.linear.gather [hbm4b:s12+s24], $0x20, $0x38;
	[tilespmem:$0x1FC00] =	vst v63  }
0x44: {  	_ =	swait.ge [sflag:s19], $0x20  }
0x45: {  	[sflag:s19] =	ssyncset.done $0x0  }
0x46: {  	[sflag:s19] =	ssyncadd.s32 $0xFFFFFFE0  }
0x47: {  	_ =	swait.ge [sflag:s19], $0x20  }
0x48: {  	[sflag:s19] =	ssyncset.done $0x0  }
0x49: {  	[sflag:s19] =	ssyncadd.s32 $0xFFFFFFE0  }
0x4a: {  	v1 =	vld [tilespmem:$0x0];
	_ =	sdelay $0x1  }
0x4b: {  	v2 =	vld [tilespmem:$0x10];
	_ =	sdelay $0x2  }
0x4c: {  	v3 =	vshra.s32 v1, $0xE  }
0x4d: {  	v1 =	vand.u32 $0x3FFF, v1;
	[tilespmem:$0x80] =	vst v3  }
0x4e: {  	[tilespmem:$0x180] =	vst v1;
	v1 =	vshra.s32 v2, $0xE  }
0x4f: {  	[tilespmem:$0x90] =	vst v1;
	v1 =	vand.u32 $0x3FFF, v2  }
0x50: {  	s0 =	simm.s32 $0x80;
	p0 =	por $0x0, $0x0;
	s26 =	simm.s32 $0x0;
	[tilespmem:$0x190] =	vst v1  }
0x51: {  	[tilespmem:s15], [sflag:$0x1] =	stream.indirect.gather [hbm4b:s4+s20], $0x80, s0, s20, $0xb8;
	[tilespmem:$0x1FC00] =	vst v63  }
.LBB2_7:
0x52: {  	s25 =	sadd.s32 $0x1, s26  }
0x53: {  	p1 =	sge.s32 s25, s23  }
0x54: {  	s0 =	sshll.u32 @!p1 s25, $0x5  }
0x55: {  	s0 =	sadd.s32 @!p1 s8, s0  }
0x56: {  	s0 =	sshrl.u32 @!p1 s0, $0x3  }
0x57: {  	s28 =	sand.u32 $0x1, s26;
	s30 =	simm.s32 @!p1 $0x0;
	s21 =	sadd.s32 @!p1 s5, s0  }
0x58: {  	[tilespmem:s30], [sflag:$0x5] =	stream.linear.gather @!p1 [hbm4b:s21+s30], $0x20, $0x38;
	[tilespmem:$0x1FC00] =	vst v63  }
0x59: {  	s21 =	sshll.u32 @!p1 s28, $0x7  }
0x5a: {  	v2 =	vmov s24;
	s29 =	sshll.u32 s28, $0x7;
	s0 =	sadd.s32 @!p1 s6, s0;
	s21 =	ssub.s32 @!p1 $0x300, s21  }
0x5b: {  	v2 =	vand.u32 $0x7F, v2;
	v1 =	vmov s29;
	[tilespmem:s21], [sflag:$0x5] =	stream.linear.gather @!p1 [hbm4b:s0+s30], $0x20, $0x38;
	[tilespmem:$0x1FC00] =	vst v63  }
0x5c: {  	s3 =	sadd.s32 $0x1, s28;
	v2 =	vadd.s32 v1, v2;
	s0 =	simm.s32 $0x1  }
0x5d: {  	v2 =	vbroadcast v2, $0x0;
	s0 =	simm.s32 @!p0 $0x0;
	_ =	swait.ge [sflag:s3], $0x1000  }
0x5e: {  	s0 =	sshll.u32 s0, $0xC;
	[sflag:s3] =	ssyncset.done $0x0  }
0x5f: {  	s0 =	sor.u32 $0x440, s0;
	[sflag:s3] =	ssyncadd.s32 $0xFFFFF000  }
0x60: {  	v6 =	vld [tilespmem:s0+$0x30]  }
0x61: {  	v9 =	vld [tilespmem:s0+$0x10]  }
0x62: {  	v7 =	vld [tilespmem:s0+$0xFFFFFFC0]  }
0x63: {  	v3 =	vld.idx.msk [tilespmem:v2+s18+$0x0], $0xffff  }
0x64: {  	v12 =	vld [tilespmem:s0+$0xFFFFFFE0]  }
0x65: {  	v2 =	vld [tilespmem:s0+$0xFFFFFFF0]  }
0x66: {  	v4 =	vld [tilespmem:s0+$0x20]  }
0x67: {  	v5 =	vld [tilespmem:s0+$0xFFFFFFD0]  }
0x68: {  	v10 =	vmul.f32 v6, v3;
	v6 =	vld [tilespmem:s0+$0x0]  }
0x69: {  	s31 =	simm.s32 $0x1;
	s3 =	sshll.u32 s28, $0xC;
	v8 =	vmul.f32 v7, v3  }
0x6a: {  	v11 =	vmov s31;
	s21 =	simm.s32 $0x2;
	s30 =	sor.u32 $0x400, s3;
	s31 =	smov.u32 s0;
	v7 =	vmul.f32 v12, v3;
	v9 =	vmul.f32 v9, v3  }
.LBB2_8:
0x6b: {  	p2 =	sne.s32 s21, $0x1F  }
0x6c: {  	v11 =	vand.u32 $0x7F, v11;
	v5 =	vmul.f32 v5, v3;
	v4 =	vmul.f32 v4, v3;
	[tilespmem:s0+$0x30] =	vst v10;
	s31 =	sadd.s32 $0x80, s31;
	s3 =	smov.u32 s21;
	s21 =	sadd.s32 $0x1, s21  }
0x6d: {  	v10 =	vadd.s32 v1, v11;
	[tilespmem:s0+$0xFFFFFFC0] =	vst v8;
	v8 =	vmul.f32 v2, v3;
	v3 =	vmul.f32 v6, v3  }
0x6e: {  	v6 =	vbroadcast v10, $0x0;
	[tilespmem:s0+$0x10] =	vst v9  }
0x6f: {  	[tilespmem:s0+$0xFFFFFFE0] =	vst v7  }
0x70: {  	v2 =	vld [tilespmem:s31+$0xFFFFFFF0];
	[tilespmem:s0+$0xFFFFFFF0] =	vst v8  }
0x71: {  	v7 =	vld [tilespmem:s31+$0x30];
	[tilespmem:s0+$0x0] =	vst v3  }
0x72: {  	v9 =	vld [tilespmem:s31+$0x10];
	[tilespmem:s0+$0x20] =	vst v4  }
0x73: {  	v8 =	vld [tilespmem:s31+$0xFFFFFFC0];
	[tilespmem:s0+$0xFFFFFFD0] =	vst v5;
	s0 =	smov.u32 s31  }
0x74: {  	v3 =	vld.idx.msk [tilespmem:v6+s18+$0x0], $0xffff  }
0x75: {  	v12 =	vld [tilespmem:s31+$0xFFFFFFE0]  }
0x76: {  	v4 =	vld [tilespmem:s31+$0x20]  }
.Ltmp3:
0x77: {  	v5 =	vld [tilespmem:s31+$0xFFFFFFD0];
	(pc) =	sbr.rel @p2 .LBB2_8-.Ltmp3, $3  }
0x78: {  	v6 =	vld [tilespmem:s31+$0x0];
	_ =	sdelay $0x1  }
0x79: {  	v8 =	vmul.f32 v8, v3;
	v10 =	vmul.f32 v7, v3  }
0x7a: {  	v11 =	vmov s3;
	v9 =	vmul.f32 v9, v3;
	v7 =	vmul.f32 v12, v3  }
0x7b: {  	[tilespmem:s0+$0x30] =	vst v10;
	v58 =	vand.u32 $0x7F, v11  }
0x7c: {  	[tilespmem:s0+$0xFFFFFFC0] =	vst v8;
	v1 =	vadd.s32 v1, v58  }
0x7d: {  	v2 =	vmul.f32 v2, v3;
	[tilespmem:s0+$0x10] =	vst v9;
	v1 =	vbroadcast v1, $0x0  }
0x7e: {  	s3 =	sadd.s32 $0x80, s31;
	[tilespmem:s0+$0xFFFFFFE0] =	vst v7;
	v6 =	vmul.f32 v6, v3  }
0x7f: {  	v4 =	vmul.f32 v4, v3;
	v3 =	vmul.f32 v5, v3;
	v7 =	vld [tilespmem:s3+$0xFFFFFFF0];
	[tilespmem:s0+$0xFFFFFFF0] =	vst v2  }
0x80: {  	v2 =	vld [tilespmem:s3+$0x30];
	[tilespmem:s0+$0x0] =	vst v6  }
0x81: {  	v60 =	vld [tilespmem:s3+$0xFFFFFFC0];
	[tilespmem:s0+$0xFFFFFFD0] =	vst v3  }
0x82: {  	v59 =	vld [tilespmem:s3+$0x10];
	[tilespmem:s0+$0x20] =	vst v4  }
0x83: {  	v1 =	vld.idx.msk [tilespmem:v1+s18+$0x0], $0xffff;
	_ =	sdelay $0x2  }
0x84: {  	v6 =	vld [tilespmem:s3+$0x0]  }
0x85: {  	v3 =	vld [tilespmem:s3+$0xFFFFFFE0]  }
0x86: {  	v2 =	vmul.f32 v2, v1  }
0x87: {  	v61 =	vld [tilespmem:s3+$0x20];
	v4 =	vmul.f32 v60, v1  }
0x88: {  	v62 =	vld [tilespmem:s3+$0xFFFFFFD0];
	v5 =	vmul.f32 v59, v1;
	[tilespmem:s3+$0x30] =	vst v2  }
0x89: {  	v63 =	vmul.f32 v6, v1;
	[tilespmem:s3+$0xFFFFFFC0] =	vst v4  }
0x8a: {  	v2 =	vmul.f32 v3, v1;
	[tilespmem:s3+$0x10] =	vst v5  }
0x8b: {  	v3 =	vmul.f32 v7, v1;
	[tilespmem:s3+$0x0] =	vst v63  }
0x8c: {  	[tilespmem:s3+$0xFFFFFFE0] =	vst v2;
	v2 =	vmul.f32 v61, v1  }
0x8d: {  	[tilespmem:s3+$0xFFFFFFF0] =	vst v3;
	v1 =	vmul.f32 v62, v1  }
0x8e: {  	[tilespmem:s3+$0x20] =	vst v2  }
0x8f: {  	s29 =	sadd.s32 $0x180, s29;
	s31 =	sadd.s32 $0x3, s28;
	s0 =	simm.s32 @!p1 $0x5;
	[tilespmem:s3+$0xFFFFFFD0] =	vst v1  }
0x90: {  	[spmem:s1] =	stream.indirect.scatter.add.f32 [tilespmem:s30], [sflag:s31], $0x80, s29, s20, $0xb8;
	[tilespmem:$0x1FC00] =	vst v63  }
0x91: {  	_ =	swait.ge @!p1 [sflag:s0], $0x20  }
0x92: {  	[sflag:s0] =	ssyncset.done @!p1 $0x0  }
0x93: {  	[sflag:s0] =	ssyncadd.s32 @!p1 $0xFFFFFFE0  }
0x94: {  	p2 =	seq.s32 @!p1 s26, $0x0;
	_ =	swait.ge @!p1 [sflag:s0], $0x20  }
0x95: {  	p2 =	por p2, p1;
	s3 =	sxor.u32 @!p1 $0x1, s28;
	[sflag:s0] =	ssyncset.done @!p1 $0x0  }
0x96: {  	[sflag:s0] =	ssyncadd.s32 @!p1 $0xFFFFFFE0;
	s0 =	sadd.s32 @!p2 $0x3, s3  }
0x97: {  	_ =	swait.ge @!p2 [sflag:s0], $0x1000  }
0x98: {  	[sflag:s0] =	ssyncset.done @!p2 $0x0  }
0x99: {  	[sflag:s0] =	ssyncadd.s32 @!p2 $0xFFFFF000  }
0x9a: {  	v1 =	vld @!p1 [tilespmem:$0x0];
	_ =	sdelay $0x4  }
0x9b: {  	s0 =	sshll.u32 @!p1 s3, $0x7;
	v2 =	vshra.s32 @!p1 v1, $0xE  }
0x9c: {  	v1 =	vand.u32 @!p1 $0x3FFF, v1;
	[tilespmem:s0+$0x80] =	vst @!p1 v2  }
0x9d: {  	[tilespmem:s0+$0x180] =	vst @!p1 v1  }
0x9e: {  	v1 =	vld @!p1 [tilespmem:$0x10];
	_ =	sdelay $0x4  }
0x9f: {  	v2 =	vshra.s32 @!p1 v1, $0xE  }
0xa0: {  	s26 =	simm.s32 @!p1 $0x20;
	s21 =	sshll.u32 @!p1 s3, $0xC;
	v1 =	vand.u32 @!p1 $0x3FFF, v1;
	[tilespmem:s0+$0x90] =	vst @!p1 v2  }
0xa1: {  	s21 =	sor.u32 @!p1 $0x400, s21;
	s3 =	sadd.s32 @!p1 $0x1, s3;
	[tilespmem:s0+$0x190] =	vst @!p1 v1;
	s0 =	sadd.s32 @!p1 $0x80, s0  }
0xa2: {  	[tilespmem:s21], [sflag:s3] =	stream.indirect.gather @!p1 [hbm4b:s4+s26], $0x80, s0, s26, $0xb8;
	[tilespmem:$0x1FC00] =	vst v63  }
0xa3: {  	p1 =	sne.s32 s25, s23  }
.Ltmp4:
0xa4: {  	_ = 	snop;
	(pc) =	sbr.rel @p1 .LBB2_7-.Ltmp4, $2  }
0xa5: {  	_ =	sdelay $0x2  }
0xa6: {  	p0 =	por !p0, !p0;
	s26 =	smov.u32 s25  }
.LBB2_10:
0xa7: {  	s0 =	simm.s32 $0x0;
	p0 =	por $0x1, $0x1  }
.LBB2_11:
0xa8: {  	p1 =	sle.s32 s23, s0  }
0xa9: {  	s0 =	sxor.u32 @!p1 $0xFFFFFFFF, s0  }
0xaa: {  	s0 =	sadd.s32 @!p1 s0, s23  }
0xab: {  	s3 =	sshrl.u32 @!p1 s0, $0x1F  }
0xac: {  	s3 =	sadd.s32 @!p1 s3, s0  }
0xad: {  	p2 =	por p0, p0;
	s3 =	sand.u32 @!p1 $0xFFFFFFFE, s3  }
.Ltmp5:
0xae: {  	s0 =	ssub.s32 @!p1 s0, s3;
	(pc) =	sbr.rel @p2 .LBB2_11-.Ltmp5, $4  }
0xaf: {  	s0 =	sadd.s32 @!p1 $0x3, s0  }
0xb0: {  	_ =	swait.ge @!p1 [sflag:s0], $0x1000  }
0xb1: {  	[sflag:s0] =	ssyncset.done @!p1 $0x0  }
0xb2: {  	p0 =	por $0x0, $0x0;
	[sflag:s0] =	ssyncadd.s32 @!p1 $0xFFFFF000;
	s0 =	simm.s32 $0x1  }
0xb3: {  	s22 =	sadd.s32 $0x1, s22  }
0xb4: {  	s0 =	sshll.u32 s2, $0x6;
	[bflag:$0x0] =	sbarrier.arrive $0xFFFF;
	p0 =	sne.s32 s22, s14  }
.Ltmp6:
0xb5: {  	s3 =	sshrl.u32 s7, $0x3;
	s0 =	sor.u32 $0x1C06, s0;
	(pc) =	sbr.rel @p0 .LBB2_1-.Ltmp6, $4  }
0xb6: {  	[hbm:s13], [sflag:s0] =	dma.local [spmem:s3], $0x3B00  }
0xb7: {  	_ =	swait.ge [sflag:s16], $0x3B00  }
0xb8: {  	[sflag:s16] =	ssyncset.done $0x0  }
0xb9: {  	[sflag:s16] =	ssyncadd.s32 $0xFFFFC500  }
0xba: {  	_ =	sfence.sel $0x180000  }
0xbb: {  	[bflag:$0x0] =	sbarrier.arrive $0xFFFF  }
0xbc: {  	_ =	strace $0x9000004D  }
0xbd: {  	[bflag:$0x2] =	sbarrier.arrive $0xFFFF  }
0xbe: {  	p0 =	sne.s32 s2, $0x0;
	s0 =	rddreg [dreg:$0x3]  }
0xbf: {  	s0 =	sadd.s32 @!p0 $0x100000, s0  }
0xc0: {  	[sflag:s0] =	ssyncadd.tile.s32 @!p0 $0x1;
	_ =	shalt  }
.Lfunc_end2:
_tile_overlayer_lowered:
.L_overlay_start_2:
0xc1: {  	(tag) =	ssettag $0x2  }
0xc2: {  	s0 =	rddreg [dreg:$0x0];
	s2 =	stileid.u32  }
0xc3: {  	s1 =	rddreg [dreg:$0x1];
	p0 =	sne.s32 s2, $0x0  }
0xc4: {  	s3 =	rddreg [dreg:$0x2];
	[bflag:$0x3] =	sbarrier.arrive $0xFFFF;
	s2 =	simm.s32 @!p0 $0x1C06  }
0xc5: {  	[timem:s3], [sflag:s2] =	dma.local @!p0 [hbm:s0], s1  }
0xc6: {  	s0 =	simm.s32 @!p0 $0x6  }
0xc7: {  	_ =	swait.ge @!p0 [sflag:s0], s1  }
0xc8: {  	s1 =	ssub.s32 @!p0 $0x0, s1;
	[sflag:s0] =	ssyncset.done @!p0 $0x0  }
0xc9: {  	[sflag:s0] =	ssyncadd.s32 @!p0 s1  }
0xca: {  	[bflag:$0x3] =	sbarrier.arrive $0xFFFF  }
0xcb: {  	_ =	shalt  }

// kernel: kernel.21.cloned.1.call-start
scs
__scs_entry_jumppad:
0x0: {  	(pc) =	sbr.rel $0x88, $3  }
0x1: {  	(tag) =	ssettag $0x0;
	lr =	simm.s32 $0x1  }
0x2: {  	[smem:$0x3F88] =	sst lr;
	_ =	strace $0xD0000000  }
0x3: {  	_ = 	snop  }
0x4: {  	_ = 	snop  }
0x5: {  	_ = 	snop  }
0x6: {  	_ = 	snop  }
0x7: {  	_ = 	snop  }
__scs_overlays_trampoline_lowered:
0x8: {  	[smem:$0x3F97] =	sst s0  }
0x9: {  	[smem:$0x3F98] =	sst s1  }
0xa: {  	[smem:$0x3F99] =	sst s2  }
0xb: {  	[smem:$0x3F9A] =	sst s3  }
0xc: {  	[smem:$0x3F9B] =	sst s4  }
0xd: {  	[smem:$0x3F9C] =	sst s5  }
0xe: {  	[smem:$0x3F9D] =	sst s6  }
0xf: {  	[smem:$0x3F9E] =	sst s7  }
0x10: {  	[smem:$0x3F9F] =	sst s8  }
0x11: {  	[smem:$0x3FA0] =	sst s9;
	s0 =	simm.s32 @!p0 $0x0  }
0x12: {  	s1 =	sld [smem:$0x3F86];
	s0 =	simm.s32 @p0 $0x1  }
0x13: {  	[smem:$0x3FA1] =	sst s0;
	s0 =	simm.s32 @!p1 $0x0  }
0x14: {  	s2 =	sld [smem:$0x3F85];
	s0 =	simm.s32 @p1 $0x1  }
0x15: {  	[smem:$0x3FA2] =	sst s0;
	s0 =	simm.s32 @!p2 $0x0  }
0x16: {  	s3 =	sld [smem:$0x3FDB];
	s0 =	simm.s32 @p2 $0x1  }
0x17: {  	s4 =	simm.s32 $0x1BF5;
	[smem:$0x3FA4] =	sst s0  }
0x18: {  	s0 =	sld [smem:$0x3F87];
	_ =	swait.ge [sflag:s4], $0x0  }
0x19: {  	s7 =	sld [smem:$0x3F88]  }
0x1a: {  	s8 =	sadd.s32 $0xFFFFE003, lr  }
0x1b: {  	s9 =	sadd.s32 $0xFFFFFEF7, lr;
	s5 =	simm.s32 $0xFFFFFFFF;
	p2 =	slt.u32 s8, $0xFFFFF086  }
0x1c: {  	p1 =	slt.u32 s9, $0xF7A;
	s5 =	simm.s32 @!p2 $0x0  }
0x1d: {  	s5 =	simm.s32 @p1 $0x1;
	p0 =	seq.s32 s7, s2  }
0x1e: {  	s7 =	smul.u32 @!p0 $0xF7A, s2;
	p2 =	seq.s32 @!p0 s5, $0x0  }
0x1f: {  	s9 =	smul.u32 $0xF7A, s1;
	s8 =	simm.s32 @!p0 $0x1BF5;
	p2 =	por !p2, p0  }
0x20: {  	[sflag:s8] =	ssyncset.s32 @!p0 $0xFFFFF086;
	s6 =	sadd.s32 @!p0 s3, s7;
	s7 =	simm.s32 @!p0 $0x108  }
0x21: {  	s3 =	sadd.s32 s3, s9;
	s6 =	sadd.s32 @!p0 $0x88, s6;
	s7 =	simm.s32 @p2 $0x1082  }
0x22: {  	[simem:s7], [sflag:s8] =	dma.local @!p0 [hbm:s6], $0xF7A  }
0x23: {  	s9 =	sor.u32 $0xD0000000, s2;
	s6 =	simm.s32 $0x108;
	_ =	swait.ge @!p0 [sflag:s8], $0x0  }
0x24: {  	s3 =	sadd.s32 $0x88, s3;
	s6 =	simm.s32 @!p1 $0x1082;
	[sflag:s4] =	ssyncset.s32 $0xFFFFF086  }
0x25: {  	[simem:s6], [sflag:s4] =	dma.local [hbm:s3], $0xF7A  }
0x26: {  	[smem:$0x3F88] =	sst s1;
	(tag) =	ssettag s2;
	_ =	strace s9  }
0x27: {  	s1 =	sld [smem:$0x3F98]  }
0x28: {  	s2 =	sld [smem:$0x3F99]  }
0x29: {  	s4 =	sld [smem:$0x3F9B]  }
0x2a: {  	p0 =	seq.s32 s5, $0x0;
	s5 =	sld [smem:$0x3F9C]  }
0x2b: {  	s6 =	sld [smem:$0x3F9D]  }
0x2c: {  	s7 =	sld [smem:$0x3F9E]  }
0x2d: {  	s3 =	simm.s32 $0x108;
	s8 =	sld [smem:$0x3F9F]  }
0x2e: {  	s3 =	simm.s32 @!p0 $0x1082;
	s9 =	sld [smem:$0x3FA0]  }
0x2f: {  	lr =	sadd.s32 s0, s3;
	s0 =	sld [smem:$0x3F97]  }
0x30: {  	s3 =	sld [smem:$0x3F9A]  }
0x31: {  	[smem:$0x3FA3] =	sst s10  }
0x32: {  	s10 =	sld [smem:$0x3FA1];
	_ =	sdelay $0x3  }
0x33: {  	p0 =	seq.s32 s10, $0x1;
	s10 =	sld [smem:$0x3FA3];
	_ =	sdelay $0x3  }
0x34: {  	[smem:$0x3FA3] =	sst s10  }
0x35: {  	s10 =	sld [smem:$0x3FA2];
	_ =	sdelay $0x3  }
0x36: {  	p1 =	seq.s32 s10, $0x1;
	s10 =	sld [smem:$0x3FA3];
	_ =	sdelay $0x3  }
0x37: {  	[smem:$0x3FA3] =	sst s10  }
0x38: {  	s10 =	sld [smem:$0x3FA4]  }
0x39: {  	_ = 	snop;
	(pc) =	sbr.ind lr, $3  }
0x3a: {  	_ = 	snop  }
0x3b: {  	_ = 	snop  }
0x3c: {  	p2 =	seq.s32 s10, $0x1;
	s10 =	sld [smem:$0x3FA3]  }
0x3d: {  	_ =	shalt  }
0x3e: {  	_ =	shalt  }
0x3f: {  	_ =	shalt  }
0x40: {  	_ =	shalt  }
0x41: {  	_ =	shalt  }
0x42: {  	_ =	shalt  }
0x43: {  	_ =	shalt  }
0x44: {  	_ =	shalt  }
0x45: {  	_ =	shalt  }
0x46: {  	_ =	shalt  }
0x47: {  	_ =	shalt  }
0x48: {  	_ =	shalt  }
0x49: {  	_ =	shalt  }
0x4a: {  	_ =	shalt  }
0x4b: {  	_ =	shalt  }
0x4c: {  	_ =	shalt  }
0x4d: {  	_ =	shalt  }
0x4e: {  	_ =	shalt  }
0x4f: {  	_ =	shalt  }
0x50: {  	_ =	shalt  }
0x51: {  	_ =	shalt  }
0x52: {  	_ =	shalt  }
0x53: {  	_ =	shalt  }
0x54: {  	_ =	shalt  }
0x55: {  	_ =	shalt  }
0x56: {  	_ =	shalt  }
0x57: {  	_ =	shalt  }
0x58: {  	_ =	shalt  }
0x59: {  	_ =	shalt  }
0x5a: {  	_ =	shalt  }
0x5b: {  	_ =	shalt  }
0x5c: {  	_ =	shalt  }
0x5d: {  	_ =	shalt  }
0x5e: {  	_ =	shalt  }
0x5f: {  	_ =	shalt  }
0x60: {  	_ =	shalt  }
0x61: {  	_ =	shalt  }
0x62: {  	_ =	shalt  }
0x63: {  	_ =	shalt  }
0x64: {  	_ =	shalt  }
0x65: {  	_ =	shalt  }
0x66: {  	_ =	shalt  }
0x67: {  	_ =	shalt  }
0x68: {  	_ =	shalt  }
0x69: {  	_ =	shalt  }
0x6a: {  	_ =	shalt  }
0x6b: {  	_ =	shalt  }
0x6c: {  	_ =	shalt  }
0x6d: {  	_ =	shalt  }
0x6e: {  	_ =	shalt  }
0x6f: {  	_ =	shalt  }
0x70: {  	_ =	shalt  }
0x71: {  	_ =	shalt  }
0x72: {  	_ =	shalt  }
0x73: {  	_ =	shalt  }
0x74: {  	_ =	shalt  }
0x75: {  	_ =	shalt  }
0x76: {  	_ =	shalt  }
0x77: {  	_ =	shalt  }
0x78: {  	_ =	shalt  }
0x79: {  	_ =	shalt  }
0x7a: {  	_ =	shalt  }
0x7b: {  	_ =	shalt  }
0x7c: {  	_ =	shalt  }
0x7d: {  	_ =	shalt  }
0x7e: {  	_ =	shalt  }
0x7f: {  	_ =	shalt  }
0x80: {  	_ =	shalt  }
0x81: {  	_ =	shalt  }
0x82: {  	_ =	shalt  }
0x83: {  	_ =	shalt  }
0x84: {  	_ =	shalt  }
0x85: {  	_ =	shalt  }
0x86: {  	_ =	shalt  }
0x87: {  	_ =	shalt  }
.Lfunc_end0:
.L_simem_size_0:
called_computation.3_lowered:
.L_overlay_start_0:
0x88: {  	s2 =	sld [smem:$0x3FD9]  }
0x89: {  	s3 =	sld [smem:$0x3FFE];
	_ =	sdelay $0x1  }
0x8a: {  	s1 =	srdreg.scid  }
0x8b: {  	s0 =	sand.u32 $0x1, s1  }
0x8c: {  	s17 =	sshll.u32 s0, $0xA;
	s2 =	sadd.s32 s3, s2  }
0x8d: {  	s2 =	sadd.s32 s2, s17  }
0x8e: {  	[smem:$0x3FAF] =	sst s2  }
0x8f: {  	_ = 	snop  }
0x90: {  	s2 =	sld [smem:$0x3FD0];
	(tm) =	ssettm $0x1  }
0x91: {  	s18 =	sld [smem:$0x3FFB];
	_ =	sdelay $0x3  }
0x92: {  	_ =	strace s18  }
0x93: {  	s3 =	sld [smem:$0x3FFC];
	_ =	sdelay $0x3  }
0x94: {  	_ =	strace s3  }
0x95: {  	s3 =	sld [smem:$0x3FFD];
	_ =	sdelay $0x3  }
0x96: {  	_ =	strace s3  }
0x97: {  	_ =	strace $0x8FFFFFFF  }
0x98: {  	s19 =	sld [smem:$0x3FDB];
	_ =	sdelay $0x1  }
0x99: {  	s4 =	simm.s32 $_scs_section_size  }
0x9a: {  	s5 =	simm.s32 $_size__tile_overlayer_lowered;
	s6 =	simm.s32 $_tile_overlayer_lowered  }
0x9b: {  	s22 =	simm.s32 $0x1BFF;
	s21 =	sshll.u32 s6, $0x1;
	s3 =	sadd.s32 s4, s19  }
0x9c: {  	s7 =	simm.s32 $0x0;
	s20 =	sshll.u32 s5, $0x1;
	s5 =	sadd.s32 s21, s3  }
0x9d: {  	[timem:s7], [sflag:s22] =	dma.local [hbm:s5], s20  }
0x9e: {  	_ =	swait.ge [sflag:s22], s20  }
0x9f: {  	s4 =	ssub.s32 $0x0, s20;
	[sflag:s22] =	ssyncset.done $0x0  }
0xa0: {  	[sflag:s22] =	ssyncadd.s32 s4;
	_ =	sdelay $0x1  }
0xa1: {  	s23 =	simm.s32 $0x1B8B  }
0xa2: {  	_ =	swait.ge [sflag:s23], $0x1  }
0xa3: {  	[sflag:s23] =	ssyncset.done $0x0  }
0xa4: {  	s25 =	simm.s32 $0x1B8E;
	s24 =	sld [smem:$0x3FFE];
	[sflag:s23] =	ssyncadd.s32 $0xFFFFFFFF  }
0xa5: {  	s26 =	simm.s32 $execute0_lowered;
	[smem:$0x3FD2] =	sst s25  }
0xa6: {  	s5 =	sshll.u32 s26, $0x1;
	_ =	strace $0x8000004F;
	[dreg:$0x1] =	wrdreg $0xFFFFFFFF  }
0xa7: {  	s28 =	simm.s32 $_size_execute0_lowered;
	s3 =	sadd.s32 s3, s5;
	[dreg:$0x0] =	wrdreg $0x0  }
0xa8: {  	s5 =	sshll.u32 s28, $0x1;
	[dreg:$0x2] =	wrdreg s3  }
0xa9: {  	[dreg:$0x3] =	wrdreg s5  }
0xaa: {  	[dreg:$0x4] =	wrdreg $0xC0  }
0xab: {  	_ =	task [dreg:s7], $0x5FFFF  }
0xac: {  	[dreg:$0x1] =	wrdreg $0xFFFFFFFF  }
0xad: {  	[dreg:$0x0] =	wrdreg $0x60  }
0xae: {  	[dreg:$0x2] =	wrdreg s24  }
0xaf: {  	[dreg:$0x3] =	wrdreg s2  }
0xb0: {  	[dreg:$0x4] =	wrdreg $0x24000  }
0xb1: {  	[dreg:$0x5] =	wrdreg $0x9  }
0xb2: {  	_ =	task.clear_ibuf [dreg:s7], $0x6FFFF;
	_ =	strace $0x9000004F  }
0xb3: {  	s29 =	simm.s32 $0x9;
	_ =	strace $0x80000051  }
0xb4: {  	_ =	swait.ge [sflag:s29], $0x1  }
0xb5: {  	[sflag:s29] =	ssyncadd.s32 $0xFFFFFFFF  }
0xb6: {  	_ =	strace $0x90000051  }
0xb7: {  	_ =	sfence  }
0xb8: {  	s30 =	sld [smem:$0x0];
	_ =	sdelay $0x2  }
0xb9: {  	s31 =	sshll.u32 s1, $0xD;
	s1 =	sshrl.u32 s1, $0x2  }
0xba: {  	s3 =	sand.u32 $0x4000, s31;
	s1 =	sadd.s32 s1, s30  }
0xbb: {  	s0 =	sor.u32 s3, s0;
	s1 =	sshll.u32 s1, $0x11  }
0xbc: {  	s0 =	sor.u32 s1, s0  }
0xbd: {  	s0 =	sadd.s32 $0x8F2B, s0  }
0xbe: {  	[sflag:s0] =	ssyncadd.remote.s32 $0x1  }
0xbf: {  	_ =	sfence.sel $0xFFFF  }
0xc0: {  	[dreg:$0x0] =	wrdreg $0xFFFFFFFF;
	(pc) =	sbr.abs _section_cstart, $3  }
0xc1: {  	[dreg:$0x1] =	wrdreg $0xFFFFFFFF  }
0xc2: {  	_ =	task.clear_ibuf [dreg:s7], $0x2FFFF;
	_ =	strace $0x9FFFFFFF  }
0xc3: {  	(tm) =	ssettm $0x7FFFFFFF  }
tec
execute0_lowered:
.L_overlay_start_1:
0x0: {  	(tag) =	ssettag $0x1  }
0x1: {  	s0 =	rddreg [dreg:$0x0]  }
0x2: {  	s8 =	rddreg [dreg:$0x1]  }
0x3: {  	s1 =	rddreg [dreg:$0x2];
	s2 =	srdreg.scid;
	s3 =	simm.s32 $0x0  }
0x4: {  	s15 =	simm.s32 $0x400;
	s16 =	simm.s32 $0x6;
	s17 =	simm.s32 $0x380  }
0x5: {  	s18 =	simm.s32 $0x280;
	s19 =	simm.s32 $0x5;
	s9 =	sand.u32 $0x1, s2  }
0x6: {  	s20 =	simm.s32 $0x20;
	s2 =	stileid.u32;
	s6 =	smul.u32 $0x1D8000, s9  }
0x7: {  	s22 =	simm.s32 $0x0;
	s24 =	simm.s32 $0x0;
	s7 =	smul.u32 $0x1D800, s2  }
0x8: {  	[smem:$0x7FF] =	sst s3;
	s4 =	sadd.s32 $0x5600, s0;
	s10 =	smul.u32 $0x76000, s2  }
0x9: {  	s5 =	sadd.s32 $0xB1E00, s0;
	_ =	strace $0x80000050;
	s11 =	smul.u32 $0x56400, s9  }
0xa: {  	s28 =	ssub.s32 $0x2, s9;
	s13 =	smul.u32 $0x5640, s2;
	s29 =	sshll.u32 s2, $0x1  }
0xb: {  	s30 =	sshll.u32 s9, $0x5;
	s12 =	sshrl.u32 s28, $0x1;
	s7 =	sadd.s32 s7, s6  }
0xc: {  	s6 =	sadd.s32 $0xC7800, s0;
	s14 =	ssub.s32 s28, s12;
	s7 =	sshrl.u32 s7, $0x3  }
0xd: {  	s10 =	sshrl.u32 s10, $0x2;
	s14 =	smax.u32 s14, $0x1;
	s0 =	sadd.s32 s7, s0  }
0xe: {  	s7 =	sadd.s32 s10, s1;
	s10 =	sadd.s32 s8, s29;
	s8 =	sadd.s32 s13, s11  }
0xf: {  	s9 =	sadd.s32 $0x1D000, s7;
	s10 =	sadd.s32 s30, s10;
	s31 =	sshrl.u32 s8, $0x3  }
0x10: {  	v0 =	vimm.f32 $0.0e+00;
	s13 =	sadd.s32 $0xDD200, s0;
	s11 =	sadd.s32 s5, s31;
	s12 =	sadd.s32 s6, s31  }
.LBB2_1:
0x11: {  	s0 =	simm.s32 $0x0;
	s21 =	simm.s32 $0x200  }
.LBB2_2:
0x12: {  	p0 =	sne.s32 s21, $0x3E00;
	[tilespmem:s0+$0x470] =	vst v0  }
0x13: {  	[tilespmem:s0+$0x400] =	vst v0  }
0x14: {  	[tilespmem:s0+$0x410] =	vst v0  }
.Ltmp0:
0x15: {  	[tilespmem:s0+$0x420] =	vst v0;
	(pc) =	sbr.rel @p0 .LBB2_2-.Ltmp0, $4  }
0x16: {  	[tilespmem:s0+$0x430] =	vst v0  }
0x17: {  	[tilespmem:s0+$0x440] =	vst v0  }
0x18: {  	[tilespmem:s0+$0x450] =	vst v0  }
0x19: {  	[tilespmem:s0+$0x460] =	vst v0;
	s0 =	sshra.s32 s21, $0x2;
	s21 =	sadd.s32 $0x200, s21  }
0x1a: {  	[tilespmem:s0+$0x470] =	vst v0  }
0x1b: {  	[tilespmem:s0+$0x400] =	vst v0  }
0x1c: {  	[tilespmem:s0+$0x410] =	vst v0  }
0x1d: {  	[tilespmem:s0+$0x420] =	vst v0  }
0x1e: {  	[tilespmem:s0+$0x430] =	vst v0  }
0x1f: {  	[tilespmem:s0+$0x440] =	vst v0  }
0x20: {  	[tilespmem:s0+$0x450] =	vst v0  }
0x21: {  	[tilespmem:s0+$0x460] =	vst v0;
	s31 =	sadd.s32 $0x0, s7  }
0x22: {  	[spmem:s31] =	stream.linear.scatter [tilespmem:s15], [sflag:$0x6], $0x1000, $0x38;
	[tilespmem:$0x1FC00] =	vst v63  }
0x23: {  	s0 =	simm.s32 $0x4000;
	_ =	swait.ge [sflag:s16], $0x1000  }
.LBB2_4:
0x24: {  	s21 =	sshra.s32 s0, $0x2;
	[sflag:s16] =	ssyncset.done $0x0;
	p0 =	sne.s32 s0, $0x70000  }
.Ltmp1:
0x25: {  	s21 =	sadd.s32 s21, s7;
	[sflag:s16] =	ssyncadd.s32 $0xFFFFF000;
	(pc) =	sbr.rel @p0 .LBB2_4-.Ltmp1, $3  }
0x26: {  	[spmem:s21] =	stream.linear.scatter [tilespmem:s15], [sflag:$0x6], $0x1000, $0x38;
	[tilespmem:$0x1FC00] =	vst v63  }
0x27: {  	s0 =	sadd.s32 $0x4000, s0;
	_ =	sdelay $0x1  }
0x28: {  	_ =	swait.ge [sflag:s16], $0x1000  }
0x29: {  	[sflag:s16] =	ssyncset.done $0x0  }
0x2a: {  	[sflag:s16] =	ssyncadd.s32 $0xFFFFF000  }
0x2b: {  	[spmem:s9] =	stream.linear.scatter [tilespmem:s15], [sflag:$0x6], $0x800, $0x38;
	[tilespmem:$0x1FC00] =	vst v63  }
0x2c: {  	_ =	swait.ge [sflag:s16], $0x800  }
0x2d: {  	[sflag:s16] =	ssyncset.done $0x0  }
0x2e: {  	[sflag:s16] =	ssyncadd.s32 $0xFFFFF800  }
0x2f: {  	s0 =	simm.s32 $0x0;
	[bflag:$0x0] =	sbarrier.arrive $0xFFFF  }
0x30: {  	[tilespmem:s17], [sflag:$0x6] =	stream.linear.gather [hbm4b:s10+s0], $0x10, $0x38;
	[tilespmem:$0x1FC00] =	vst v63  }
0x31: {  	_ =	swait.ge [sflag:s16], $0x10  }
0x32: {  	[sflag:s16] =	ssyncset.done $0x0  }
0x33: {  	[sflag:s16] =	ssyncadd.s32 $0xFFFFFFF0  }
0x34: {  	v1 =	vld [tilespmem:$0x380];
	_ =	sdelay $0x4  }
0x35: {  	(v2sf) =	vpush v1, $0x0;
	_ =	sdelay $0xe  }
0x36: {  	s30 =	spop (v2sf)  }
0x37: {  	s0 =	sadd.s32 $0x1F, s30  }
0x38: {  	s21 =	sand.u32 $0x1F, s0  }
0x39: {  	s31 =	sshra.s32 s0, $0x1F;
	p1 =	slt.s32 s0, $0x1;
	p0 =	sne.s32 s21, $0x0  }
0x3a: {  	s21 =	sshrl.u32 s31, $0x1B;
	p0 =	por !p1, !p0  }
0x3b: {  	s0 =	sadd.s32 s21, s0;
	s21 =	simm.s32 $0x1;
	p0 =	por !p0, !p0  }
0x3c: {  	s0 =	sshra.s32 s0, $0x5;
	s21 =	simm.s32 @!p0 $0x0  }
0x3d: {  	s23 =	ssub.s32 s0, s21  }
0x3e: {  	p0 =	slt.s32 s23, $0x1  }
.Ltmp2:
0x3f: {  	_ = 	snop;
	(pc) =	sbr.rel @p0 .LBB2_10-.Ltmp2, $1  }
0x40: {  	_ =	sdelay $0x3  }
0x41: {  	[tilespmem:s24], [sflag:$0x5] =	stream.linear.gather [hbm4b:s11+s24], $0x20, $0x38;
	[tilespmem:$0x1FC00] =	vst v63  }
0x42: {  	_ = 	snop  }
0x43: {  	[tilespmem:s18], [sflag:$0x5] =	stream.linear.gather [hbm4b:s12+s24], $0x20, $0x38;
	[tilespmem:$0x1FC00] =	vst v63  }
0x44: {  	_ =	swait.ge [sflag:s19], $0x20  }
0x45: {  	[sflag:s19] =	ssyncset.done $0x0  }
0x46: {  	[sflag:s19] =	ssyncadd.s32 $0xFFFFFFE0  }
0x47: {  	_ =	swait.ge [sflag:s19], $0x20  }
0x48: {  	[sflag:s19] =	ssyncset.done $0x0  }
0x49: {  	[sflag:s19] =	ssyncadd.s32 $0xFFFFFFE0  }
0x4a: {  	v1 =	vld [tilespmem:$0x0];
	_ =	sdelay $0x1  }
0x4b: {  	v2 =	vld [tilespmem:$0x10];
	_ =	sdelay $0x2  }
0x4c: {  	v3 =	vshra.s32 v1, $0xE  }
0x4d: {  	v1 =	vand.u32 $0x3FFF, v1;
	[tilespmem:$0x80] =	vst v3  }
0x4e: {  	[tilespmem:$0x180] =	vst v1;
	v1 =	vshra.s32 v2, $0xE  }
0x4f: {  	[tilespmem:$0x90] =	vst v1;
	v1 =	vand.u32 $0x3FFF, v2  }
0x50: {  	s0 =	simm.s32 $0x80;
	p0 =	por $0x0, $0x0;
	s26 =	simm.s32 $0x0;
	[tilespmem:$0x190] =	vst v1  }
0x51: {  	[tilespmem:s15], [sflag:$0x1] =	stream.indirect.gather [hbm4b:s4+s20], $0x80, s0, s20, $0xb8;
	[tilespmem:$0x1FC00] =	vst v63  }
.LBB2_7:
0x52: {  	s25 =	sadd.s32 $0x1, s26  }
0x53: {  	p1 =	sge.s32 s25, s23  }
0x54: {  	s0 =	sshll.u32 @!p1 s25, $0x5  }
0x55: {  	s0 =	sadd.s32 @!p1 s8, s0  }
0x56: {  	s0 =	sshrl.u32 @!p1 s0, $0x3  }
0x57: {  	s28 =	sand.u32 $0x1, s26;
	s30 =	simm.s32 @!p1 $0x0;
	s21 =	sadd.s32 @!p1 s5, s0  }
0x58: {  	[tilespmem:s30], [sflag:$0x5] =	stream.linear.gather @!p1 [hbm4b:s21+s30], $0x20, $0x38;
	[tilespmem:$0x1FC00] =	vst v63  }
0x59: {  	s21 =	sshll.u32 @!p1 s28, $0x7  }
0x5a: {  	v2 =	vmov s24;
	s29 =	sshll.u32 s28, $0x7;
	s0 =	sadd.s32 @!p1 s6, s0;
	s21 =	ssub.s32 @!p1 $0x300, s21  }
0x5b: {  	v2 =	vand.u32 $0x7F, v2;
	v1 =	vmov s29;
	[tilespmem:s21], [sflag:$0x5] =	stream.linear.gather @!p1 [hbm4b:s0+s30], $0x20, $0x38;
	[tilespmem:$0x1FC00] =	vst v63  }
0x5c: {  	s3 =	sadd.s32 $0x1, s28;
	v2 =	vadd.s32 v1, v2;
	s0 =	simm.s32 $0x1  }
0x5d: {  	v2 =	vbroadcast v2, $0x0;
	s0 =	simm.s32 @!p0 $0x0;
	_ =	swait.ge [sflag:s3], $0x1000  }
0x5e: {  	s0 =	sshll.u32 s0, $0xC;
	[sflag:s3] =	ssyncset.done $0x0  }
0x5f: {  	s0 =	sor.u32 $0x440, s0;
	[sflag:s3] =	ssyncadd.s32 $0xFFFFF000  }
0x60: {  	v6 =	vld [tilespmem:s0+$0x30]  }
0x61: {  	v9 =	vld [tilespmem:s0+$0x10]  }
0x62: {  	v7 =	vld [tilespmem:s0+$0xFFFFFFC0]  }
0x63: {  	v3 =	vld.idx.msk [tilespmem:v2+s18+$0x0], $0xffff  }
0x64: {  	v12 =	vld [tilespmem:s0+$0xFFFFFFE0]  }
0x65: {  	v2 =	vld [tilespmem:s0+$0xFFFFFFF0]  }
0x66: {  	v4 =	vld [tilespmem:s0+$0x20]  }
0x67: {  	v5 =	vld [tilespmem:s0+$0xFFFFFFD0]  }
0x68: {  	v10 =	vmul.f32 v6, v3;
	v6 =	vld [tilespmem:s0+$0x0]  }
0x69: {  	s31 =	simm.s32 $0x1;
	s3 =	sshll.u32 s28, $0xC;
	v8 =	vmul.f32 v7, v3  }
0x6a: {  	v11 =	vmov s31;
	s21 =	simm.s32 $0x2;
	s30 =	sor.u32 $0x400, s3;
	s31 =	smov.u32 s0;
	v7 =	vmul.f32 v12, v3;
	v9 =	vmul.f32 v9, v3  }
.LBB2_8:
0x6b: {  	p2 =	sne.s32 s21, $0x1F  }
0x6c: {  	v11 =	vand.u32 $0x7F, v11;
	v5 =	vmul.f32 v5, v3;
	v4 =	vmul.f32 v4, v3;
	[tilespmem:s0+$0x30] =	vst v10;
	s31 =	sadd.s32 $0x80, s31;
	s3 =	smov.u32 s21;
	s21 =	sadd.s32 $0x1, s21  }
0x6d: {  	v10 =	vadd.s32 v1, v11;
	[tilespmem:s0+$0xFFFFFFC0] =	vst v8;
	v8 =	vmul.f32 v2, v3;
	v3 =	vmul.f32 v6, v3  }
0x6e: {  	v6 =	vbroadcast v10, $0x0;
	[tilespmem:s0+$0x10] =	vst v9  }
0x6f: {  	[tilespmem:s0+$0xFFFFFFE0] =	vst v7  }
0x70: {  	v2 =	vld [tilespmem:s31+$0xFFFFFFF0];
	[tilespmem:s0+$0xFFFFFFF0] =	vst v8  }
0x71: {  	v7 =	vld [tilespmem:s31+$0x30];
	[tilespmem:s0+$0x0] =	vst v3  }
0x72: {  	v9 =	vld [tilespmem:s31+$0x10];
	[tilespmem:s0+$0x20] =	vst v4  }
0x73: {  	v8 =	vld [tilespmem:s31+$0xFFFFFFC0];
	[tilespmem:s0+$0xFFFFFFD0] =	vst v5;
	s0 =	smov.u32 s31  }
0x74: {  	v3 =	vld.idx.msk [tilespmem:v6+s18+$0x0], $0xffff  }
0x75: {  	v12 =	vld [tilespmem:s31+$0xFFFFFFE0]  }
0x76: {  	v4 =	vld [tilespmem:s31+$0x20]  }
.Ltmp3:
0x77: {  	v5 =	vld [tilespmem:s31+$0xFFFFFFD0];
	(pc) =	sbr.rel @p2 .LBB2_8-.Ltmp3, $3  }
0x78: {  	v6 =	vld [tilespmem:s31+$0x0];
	_ =	sdelay $0x1  }
0x79: {  	v8 =	vmul.f32 v8, v3;
	v10 =	vmul.f32 v7, v3  }
0x7a: {  	v11 =	vmov s3;
	v9 =	vmul.f32 v9, v3;
	v7 =	vmul.f32 v12, v3  }
0x7b: {  	[tilespmem:s0+$0x30] =	vst v10;
	v58 =	vand.u32 $0x7F, v11  }
0x7c: {  	[tilespmem:s0+$0xFFFFFFC0] =	vst v8;
	v1 =	vadd.s32 v1, v58  }
0x7d: {  	v2 =	vmul.f32 v2, v3;
	[tilespmem:s0+$0x10] =	vst v9;
	v1 =	vbroadcast v1, $0x0  }
0x7e: {  	s3 =	sadd.s32 $0x80, s31;
	[tilespmem:s0+$0xFFFFFFE0] =	vst v7;
	v6 =	vmul.f32 v6, v3  }
0x7f: {  	v4 =	vmul.f32 v4, v3;
	v3 =	vmul.f32 v5, v3;
	v7 =	vld [tilespmem:s3+$0xFFFFFFF0];
	[tilespmem:s0+$0xFFFFFFF0] =	vst v2  }
0x80: {  	v2 =	vld [tilespmem:s3+$0x30];
	[tilespmem:s0+$0x0] =	vst v6  }
0x81: {  	v60 =	vld [tilespmem:s3+$0xFFFFFFC0];
	[tilespmem:s0+$0xFFFFFFD0] =	vst v3  }
0x82: {  	v59 =	vld [tilespmem:s3+$0x10];
	[tilespmem:s0+$0x20] =	vst v4  }
0x83: {  	v1 =	vld.idx.msk [tilespmem:v1+s18+$0x0], $0xffff;
	_ =	sdelay $0x2  }
0x84: {  	v6 =	vld [tilespmem:s3+$0x0]  }
0x85: {  	v3 =	vld [tilespmem:s3+$0xFFFFFFE0]  }
0x86: {  	v2 =	vmul.f32 v2, v1  }
0x87: {  	v61 =	vld [tilespmem:s3+$0x20];
	v4 =	vmul.f32 v60, v1  }
0x88: {  	v62 =	vld [tilespmem:s3+$0xFFFFFFD0];
	v5 =	vmul.f32 v59, v1;
	[tilespmem:s3+$0x30] =	vst v2  }
0x89: {  	v63 =	vmul.f32 v6, v1;
	[tilespmem:s3+$0xFFFFFFC0] =	vst v4  }
0x8a: {  	v2 =	vmul.f32 v3, v1;
	[tilespmem:s3+$0x10] =	vst v5  }
0x8b: {  	v3 =	vmul.f32 v7, v1;
	[tilespmem:s3+$0x0] =	vst v63  }
0x8c: {  	[tilespmem:s3+$0xFFFFFFE0] =	vst v2;
	v2 =	vmul.f32 v61, v1  }
0x8d: {  	[tilespmem:s3+$0xFFFFFFF0] =	vst v3;
	v1 =	vmul.f32 v62, v1  }
0x8e: {  	[tilespmem:s3+$0x20] =	vst v2  }
0x8f: {  	s29 =	sadd.s32 $0x180, s29;
	s31 =	sadd.s32 $0x3, s28;
	s0 =	simm.s32 @!p1 $0x5;
	[tilespmem:s3+$0xFFFFFFD0] =	vst v1  }
0x90: {  	[spmem:s1] =	stream.indirect.scatter.add.f32 [tilespmem:s30], [sflag:s31], $0x80, s29, s20, $0xb8;
	[tilespmem:$0x1FC00] =	vst v63  }
0x91: {  	_ =	swait.ge @!p1 [sflag:s0], $0x20  }
0x92: {  	[sflag:s0] =	ssyncset.done @!p1 $0x0  }
0x93: {  	[sflag:s0] =	ssyncadd.s32 @!p1 $0xFFFFFFE0  }
0x94: {  	p2 =	seq.s32 @!p1 s26, $0x0;
	_ =	swait.ge @!p1 [sflag:s0], $0x20  }
0x95: {  	p2 =	por p2, p1;
	s3 =	sxor.u32 @!p1 $0x1, s28;
	[sflag:s0] =	ssyncset.done @!p1 $0x0  }
0x96: {  	[sflag:s0] =	ssyncadd.s32 @!p1 $0xFFFFFFE0;
	s0 =	sadd.s32 @!p2 $0x3, s3  }
0x97: {  	_ =	swait.ge @!p2 [sflag:s0], $0x1000  }
0x98: {  	[sflag:s0] =	ssyncset.done @!p2 $0x0  }
0x99: {  	[sflag:s0] =	ssyncadd.s32 @!p2 $0xFFFFF000  }
0x9a: {  	v1 =	vld @!p1 [tilespmem:$0x0];
	_ =	sdelay $0x4  }
0x9b: {  	s0 =	sshll.u32 @!p1 s3, $0x7;
	v2 =	vshra.s32 @!p1 v1, $0xE  }
0x9c: {  	v1 =	vand.u32 @!p1 $0x3FFF, v1;
	[tilespmem:s0+$0x80] =	vst @!p1 v2  }
0x9d: {  	[tilespmem:s0+$0x180] =	vst @!p1 v1  }
0x9e: {  	v1 =	vld @!p1 [tilespmem:$0x10];
	_ =	sdelay $0x4  }
0x9f: {  	v2 =	vshra.s32 @!p1 v1, $0xE  }
0xa0: {  	s26 =	simm.s32 @!p1 $0x20;
	s21 =	sshll.u32 @!p1 s3, $0xC;
	v1 =	vand.u32 @!p1 $0x3FFF, v1;
	[tilespmem:s0+$0x90] =	vst @!p1 v2  }
0xa1: {  	s21 =	sor.u32 @!p1 $0x400, s21;
	s3 =	sadd.s32 @!p1 $0x1, s3;
	[tilespmem:s0+$0x190] =	vst @!p1 v1;
	s0 =	sadd.s32 @!p1 $0x80, s0  }
0xa2: {  	[tilespmem:s21], [sflag:s3] =	stream.indirect.gather @!p1 [hbm4b:s4+s26], $0x80, s0, s26, $0xb8;
	[tilespmem:$0x1FC00] =	vst v63  }
0xa3: {  	p1 =	sne.s32 s25, s23  }
.Ltmp4:
0xa4: {  	_ = 	snop;
	(pc) =	sbr.rel @p1 .LBB2_7-.Ltmp4, $2  }
0xa5: {  	_ =	sdelay $0x2  }
0xa6: {  	p0 =	por !p0, !p0;
	s26 =	smov.u32 s25  }
.LBB2_10:
0xa7: {  	s0 =	simm.s32 $0x0;
	p0 =	por $0x1, $0x1  }
.LBB2_11:
0xa8: {  	p1 =	sle.s32 s23, s0  }
0xa9: {  	s0 =	sxor.u32 @!p1 $0xFFFFFFFF, s0  }
0xaa: {  	s0 =	sadd.s32 @!p1 s0, s23  }
0xab: {  	s3 =	sshrl.u32 @!p1 s0, $0x1F  }
0xac: {  	s3 =	sadd.s32 @!p1 s3, s0  }
0xad: {  	p2 =	por p0, p0;
	s3 =	sand.u32 @!p1 $0xFFFFFFFE, s3  }
.Ltmp5:
0xae: {  	s0 =	ssub.s32 @!p1 s0, s3;
	(pc) =	sbr.rel @p2 .LBB2_11-.Ltmp5, $4  }
0xaf: {  	s0 =	sadd.s32 @!p1 $0x3, s0  }
0xb0: {  	_ =	swait.ge @!p1 [sflag:s0], $0x1000  }
0xb1: {  	[sflag:s0] =	ssyncset.done @!p1 $0x0  }
0xb2: {  	p0 =	por $0x0, $0x0;
	[sflag:s0] =	ssyncadd.s32 @!p1 $0xFFFFF000;
	s0 =	simm.s32 $0x1  }
0xb3: {  	s22 =	sadd.s32 $0x1, s22  }
0xb4: {  	s0 =	sshll.u32 s2, $0x6;
	[bflag:$0x0] =	sbarrier.arrive $0xFFFF;
	p0 =	sne.s32 s22, s14  }
.Ltmp6:
0xb5: {  	s3 =	sshrl.u32 s7, $0x3;
	s0 =	sor.u32 $0x1C06, s0;
	(pc) =	sbr.rel @p0 .LBB2_1-.Ltmp6, $4  }
0xb6: {  	[hbm:s13], [sflag:s0] =	dma.local [spmem:s3], $0x3B00  }
0xb7: {  	_ =	swait.ge [sflag:s16], $0x3B00  }
0xb8: {  	[sflag:s16] =	ssyncset.done $0x0  }
0xb9: {  	[sflag:s16] =	ssyncadd.s32 $0xFFFFC500  }
0xba: {  	_ =	sfence.sel $0x180000  }
0xbb: {  	[bflag:$0x0] =	sbarrier.arrive $0xFFFF  }
0xbc: {  	_ =	strace $0x90000050  }
0xbd: {  	[bflag:$0x2] =	sbarrier.arrive $0xFFFF  }
0xbe: {  	p0 =	sne.s32 s2, $0x0;
	s0 =	rddreg [dreg:$0x3]  }
0xbf: {  	s0 =	sadd.s32 @!p0 $0x100000, s0  }
0xc0: {  	[sflag:s0] =	ssyncadd.tile.s32 @!p0 $0x1;
	_ =	shalt  }
.Lfunc_end2:
_tile_overlayer_lowered:
.L_overlay_start_2:
0xc1: {  	(tag) =	ssettag $0x2  }
0xc2: {  	s0 =	rddreg [dreg:$0x0];
	s2 =	stileid.u32  }
0xc3: {  	s1 =	rddreg [dreg:$0x1];
	p0 =	sne.s32 s2, $0x0  }
0xc4: {  	s3 =	rddreg [dreg:$0x2];
	[bflag:$0x3] =	sbarrier.arrive $0xFFFF;
	s2 =	simm.s32 @!p0 $0x1C06  }
0xc5: {  	[timem:s3], [sflag:s2] =	dma.local @!p0 [hbm:s0], s1  }
0xc6: {  	s0 =	simm.s32 @!p0 $0x6  }
0xc7: {  	_ =	swait.ge @!p0 [sflag:s0], s1  }
0xc8: {  	s1 =	ssub.s32 @!p0 $0x0, s1;
	[sflag:s0] =	ssyncset.done @!p0 $0x0  }
0xc9: {  	[sflag:s0] =	ssyncadd.s32 @!p0 s1  }
0xca: {  	[bflag:$0x3] =	sbarrier.arrive $0xFFFF  }
0xcb: {  	_ =	shalt  }

</sc_bundles>
